<compile_context>
chip_gen: v7x
topology: tpu7x:2x2x1
jax: 0.10.2.dev20260603
libtpu: 0.0.44.dev20260713+nightly
codegen_flags: <defaults>
</compile_context>

<pallas_src>
import jax
import jax.numpy as jnp
from jax import lax
from jax.experimental import pallas as pl
from jax.experimental.pallas import tpu as pltpu
from jax.experimental.pallas import tpu_sc as plsc

_N = 32768
_B = 16
_DN = 256
_DM = 256
_NC = 2
_NS = 16
_NW = _NC * _NS
_ROWS = _N // _NW
_CH = 128
_NCHUNK = _ROWS // _CH
_G = _CH // 16


def _tree_sum(xs):
    while len(xs) > 1:
        xs = [a + b for a, b in zip(xs[::2], xs[1::2])]
    return xs[0]


def _sc_body(x_hbm, mr_hbm, wb_hbm, idx_hbm, out_hbm,
             xb0, xb1, w_v, mr_v, ms_v, idx_v, out_v, rot_v, pacc_v,
             sem0, sem1, sem_s):
    wid = lax.axis_index("s") * _NC + lax.axis_index("c")
    row0 = wid * _ROWS
    lanes = lax.iota(jnp.int32, 16)

    cp_w = pltpu.async_copy(wb_hbm, w_v, sem_s)
    cp_mr = pltpu.async_copy(mr_hbm, mr_v, sem_s)
    cp_idx = pltpu.async_copy(idx_hbm.at[pl.ds(row0, _ROWS)], idx_v, sem_s)
    bufs = [xb0, xb1]
    sems = [sem0, sem1]
    pltpu.async_copy(x_hbm.at[pl.ds(row0, _CH)], xb0, sem0)
    cp_w.wait()
    cp_mr.wait()
    cp_idx.wait()

    for j in range(16):
        rot_v[pl.ds(j * 16, 16)] = lanes * 16 + ((lanes + j) & 15)

    def diag_reduce(base):
        terms = []
        for j in range(16):
            rot = rot_v[pl.ds(j * 16, 16)]
            terms.append(plsc.load_gather(pacc_v, [base + rot]))
        return _tree_sum(terms)

    def row_partials(ref, r, wregs):
        prods = [ref[r, pl.ds(k * 16, 16)] * wregs[k] for k in range(16)]
        return _tree_sum(prods)

    w2 = [w_v[pl.ds(_DN + k * 16, 16)] for k in range(16)]
    for m in range(_B):
        pacc_v[pl.ds(m * 16, 16)] = row_partials(mr_v, m, w2)
    ms_v[...] = diag_reduce(0) + w_v[pl.ds(_DN + _DM, 16)]

    w1 = [w_v[pl.ds(k * 16, 16)] for k in range(16)]

    def do_chunk(ch, buf):
        def trbody(tr):
            for s in range(8):
                pacc_v[pl.ds(tr * 128 + s * 16, 16)] = row_partials(
                    buf, tr * 8 + s, w1)

        plsc.parallel_loop(0, _CH // 8, unroll=2)(trbody)

        def ebody(g):
            a = diag_reduce(g * 256)
            base = ch * _CH + g * 16
            seg = idx_v[pl.ds(base, 16)]
            logit = a + plsc.load_gather(ms_v, [seg])
            out_v[pl.ds(base, 16)] = 1.0 / (1.0 + jnp.exp(-logit))

        plsc.parallel_loop(0, _G)(ebody)

    def pair_body(p, _):
        for half in range(2):
            ch = p * 2 + half
            pltpu.make_async_copy(
                x_hbm.at[pl.ds(row0, _CH)], bufs[half],
                sems[half]).wait()
            do_chunk(ch, bufs[half])
            nxt = ch + 2

            @pl.when(nxt < _NCHUNK)
            def _():
                pltpu.async_copy(
                    x_hbm.at[pl.ds(row0 + nxt * _CH, _CH)],
                    bufs[half], sems[half])

        return 0

    pltpu.async_copy(x_hbm.at[pl.ds(row0 + _CH, _CH)], xb1, sem1)
    lax.fori_loop(0, _NCHUNK // 2, pair_body, 0)

    pltpu.sync_copy(out_v, out_hbm.at[pl.ds(row0, _ROWS)])


@jax.jit
def kernel(node_hiddens, next_motif_mreprs, W, b, batch_indices):
    wb = jnp.concatenate([W[:, 0], jnp.full((16,), b[0], jnp.float32)])
    mesh = plsc.VectorSubcoreMesh(core_axis_name="c", subcore_axis_name="s")
    run = pl.kernel(
        _sc_body,
        out_type=jax.ShapeDtypeStruct((_N,), jnp.float32),
        mesh=mesh,
        scratch_types=[
            pltpu.VMEM((_CH, _DN), jnp.float32),
            pltpu.VMEM((_CH, _DN), jnp.float32),
            pltpu.VMEM((_DN + _DM + 16,), jnp.float32),
            pltpu.VMEM((_B, _DM), jnp.float32),
            pltpu.VMEM((_B,), jnp.float32),
            pltpu.VMEM((_ROWS,), jnp.int32),
            pltpu.VMEM((_ROWS,), jnp.float32),
            pltpu.VMEM((16 * 16,), jnp.int32),
            pltpu.VMEM((_CH * 16,), jnp.float32),
            pltpu.SemaphoreType.DMA,
            pltpu.SemaphoreType.DMA,
            pltpu.SemaphoreType.DMA,
        ],
        compiler_params=pltpu.CompilerParams(
            use_tc_tiling_on_sc=True, needs_layout_passes=False),
    )
    return run(node_hiddens, next_motif_mreprs, wb, batch_indices)

# --- scband reference (transcript-rebuilt; emitter-appended) ---
"""Pipeline reference for scband-select-attachment-clusters-82489141887283 (READ-ONLY COPY).

The authoritative reference and input builder live on the scoring server;
editing this copy changes nothing except your own understanding.
"""

import jax, jax.numpy as jnp
import numpy as np

N = 32768   # total packed nodes (RAGGED: batch=16, max_seqlen=4096 -> 16*4096/2)
B = 16      # batch size (number of partial-molecule graphs)
DN = 256    # mgraph_node_hidden_dim
DM = 256    # motif_mrepr_dim


def setup_inputs(seed: int = 0) -> dict:
    key = jax.random.key(seed)
    k1, k2, k3, k4 = jax.random.split(key, 4)
    node_hiddens = jax.random.normal(k1, (N, DN), dtype=jnp.float32)
    # batch_indices: tightly packed batch => sorted segment ids in [0, B)
    batch_indices = jnp.sort(jax.random.randint(k2, (N,), 0, B, dtype=jnp.int32))
    next_motif_mreprs = jax.random.normal(k3, (B, DM), dtype=jnp.float32)
    # create_mlp(DN+DM, 1, hidden_layers=[]) -> single Linear(DN+DM, 1), then Sigmoid appended
    W = jax.random.normal(k4, (DN + DM, 1), dtype=jnp.float32) / np.sqrt(DN + DM)
    b = jnp.zeros((1,), dtype=jnp.float32)
    return {
        "node_hiddens": node_hiddens,
        "next_motif_mreprs": next_motif_mreprs,
        "W": W,
        "b": b,
        "batch_indices": batch_indices,
    }


def reference(node_hiddens, next_motif_mreprs, W, b, batch_indices):
    # torch.index_select(next_motif_mreprs, 0, batch_indices)
    gathered = jnp.take(next_motif_mreprs, batch_indices, axis=0)
    mlp_input = jnp.concatenate([node_hiddens, gathered], axis=1)
    mlp_output = jax.nn.sigmoid(mlp_input @ W + b)
    return jnp.squeeze(mlp_output, axis=-1)


if False:  # reference __main__ guard neutralized (emitter)
    out = reference(**setup_inputs())
    print(out.shape, out.dtype)

if __name__ == "__main__":
    import jax
    _d = setup_inputs()
    print(jax.jit(kernel)(*tuple(_d.values())))

</pallas_src>

<mosaic_0001>
#map = affine_map<(d0, d1) -> (0, 0)>
#map1 = affine_map<(d0, d1) -> (0)>
module attributes {stable_mosaic.version = 14 : i64} {
  func.func @_sc_body(%arg0: i32, %arg1: i32, %arg2: memref<32768x256xf32, #tpu.memory_space<hbm>>, %arg3: memref<16x256xf32, #tpu.memory_space<hbm>>, %arg4: memref<528xf32, #tpu.memory_space<hbm>>, %arg5: memref<32768xi32, #tpu.memory_space<hbm>>, %arg6: memref<32768xf32, #tpu.memory_space<hbm>>, %arg7: memref<128x256xf32, #tpu.memory_space<vmem>>, %arg8: memref<128x256xf32, #tpu.memory_space<vmem>>, %arg9: memref<528xf32, #tpu.memory_space<vmem>>, %arg10: memref<16x256xf32, #tpu.memory_space<vmem>>, %arg11: memref<16xf32, #tpu.memory_space<vmem>>, %arg12: memref<1024xi32, #tpu.memory_space<vmem>>, %arg13: memref<1024xf32, #tpu.memory_space<vmem>>, %arg14: memref<256xi32, #tpu.memory_space<vmem>>, %arg15: memref<2048xf32, #tpu.memory_space<vmem>>, %arg16: memref<!tpu.dma_semaphore, #tpu.memory_space<semaphore_mem>>, %arg17: memref<!tpu.dma_semaphore, #tpu.memory_space<semaphore_mem>>, %arg18: memref<!tpu.dma_semaphore, #tpu.memory_space<semaphore_mem>>) attributes {dimension_semantics = [#tpu.dimension_semantics<core_parallel>, #tpu.dimension_semantics<subcore_parallel>], iteration_bounds = array<i64: 2, 16>, scalar_prefetch = 0 : i64, scratch_operands = 12 : i64, tpu.core_type = #tpu.core_type<sc_vector_subcore>, window_params = [{transform_indices = #map}, {transform_indices = #map}, {transform_indices = #map1}, {transform_indices = #map1}, {transform_indices = #map1}]} {
    %mul3A = arith.constant 2 : i32
    %mul3A_0 = arith.muli %arg1, %mul3A : i32
    %add3A = arith.addi %mul3A_0, %arg0 : i32
    %mul3A_1 = arith.constant 1024 : i32
    %mul3A_2 = arith.muli %add3A, %mul3A_1 : i32
    %iota3A = tpu.iota {dimensions = array<i32: 0>} : vector<16xi32>
    tpu.enqueue_dma source(%arg4 : memref<528xf32, #tpu.memory_space<hbm>>) target(%arg9 : memref<528xf32, #tpu.memory_space<vmem>>) target_semaphore(%arg18 : memref<!tpu.dma_semaphore, #tpu.memory_space<semaphore_mem>>)
    tpu.enqueue_dma source(%arg3 : memref<16x256xf32, #tpu.memory_space<hbm>>) target(%arg10 : memref<16x256xf32, #tpu.memory_space<vmem>>) target_semaphore(%arg18 : memref<!tpu.dma_semaphore, #tpu.memory_space<semaphore_mem>>)
    %dma_start3A = tpu.memref_slice %arg5[%mul3A_2] : memref<32768xi32, #tpu.memory_space<hbm>> -> memref<1024xi32, #tpu.memory_space<hbm>>
    %dma_start3A_3 = tpu.memref_slice %arg5[%mul3A_2] : memref<32768xi32, #tpu.memory_space<hbm>> -> memref<1024xi32, #tpu.memory_space<hbm>>
    tpu.enqueue_dma source(%dma_start3A_3 : memref<1024xi32, #tpu.memory_space<hbm>>) target(%arg12 : memref<1024xi32, #tpu.memory_space<vmem>>) target_semaphore(%arg18 : memref<!tpu.dma_semaphore, #tpu.memory_space<semaphore_mem>>)
    %dma_start3A_4 = arith.constant 0 : i32
    %dma_start3A_5 = tpu.memref_slice %arg2[%mul3A_2, %dma_start3A_4] : memref<32768x256xf32, #tpu.memory_space<hbm>> -> memref<128x256xf32, #tpu.memory_space<hbm>>
    %dma_start3A_6 = arith.constant 0 : i32
    %dma_start3A_7 = tpu.memref_slice %arg2[%mul3A_2, %dma_start3A_6] : memref<32768x256xf32, #tpu.memory_space<hbm>> -> memref<128x256xf32, #tpu.memory_space<hbm>>
    tpu.enqueue_dma source(%dma_start3A_7 : memref<128x256xf32, #tpu.memory_space<hbm>>) target(%arg7 : memref<128x256xf32, #tpu.memory_space<vmem>>) target_semaphore(%arg16 : memref<!tpu.dma_semaphore, #tpu.memory_space<semaphore_mem>>)
    tpu.wait_dma2 semaphore(%arg18 : memref<!tpu.dma_semaphore, #tpu.memory_space<semaphore_mem>>) src(%arg4 : memref<528xf32, #tpu.memory_space<hbm>>) dst(%arg9 : memref<528xf32, #tpu.memory_space<vmem>>)
    tpu.wait_dma2 semaphore(%arg18 : memref<!tpu.dma_semaphore, #tpu.memory_space<semaphore_mem>>) src(%arg3 : memref<16x256xf32, #tpu.memory_space<hbm>>) dst(%arg10 : memref<16x256xf32, #tpu.memory_space<vmem>>)
    %dma_wait3A = tpu.memref_slice %arg5[%mul3A_2] : memref<32768xi32, #tpu.memory_space<hbm>> -> memref<1024xi32, #tpu.memory_space<hbm>>
    %dma_wait3A_8 = tpu.memref_slice %arg5[%mul3A_2] : memref<32768xi32, #tpu.memory_space<hbm>> -> memref<1024xi32, #tpu.memory_space<hbm>>
    tpu.wait_dma2 semaphore(%arg18 : memref<!tpu.dma_semaphore, #tpu.memory_space<semaphore_mem>>) src(%dma_wait3A_8 : memref<1024xi32, #tpu.memory_space<hbm>>) dst(%arg12 : memref<1024xi32, #tpu.memory_space<vmem>>)
    %mul3A_9 = arith.constant 16 : i32
    %mul3A_10 = vector.broadcast %mul3A_9 : i32 to vector<16xi32>
    %mul3A_11 = arith.muli %iota3A, %mul3A_10 : vector<16xi32>
    %add3A_12 = arith.constant 0 : i32
    %add3A_13 = vector.broadcast %add3A_12 : i32 to vector<16xi32>
    %add3A_14 = arith.addi %iota3A, %add3A_13 : vector<16xi32>
    %and3A = arith.constant 15 : i32
    %and3A_15 = vector.broadcast %and3A : i32 to vector<16xi32>
    %and3A_16 = arith.andi %add3A_14, %and3A_15 : vector<16xi32>
    %add3A_17 = arith.addi %mul3A_11, %and3A_16 : vector<16xi32>
    %swap3A = arith.constant 0 : index
    %swap3A_18 = tpu.vector_load %arg14[%swap3A] {strides = array<i32>} : memref<256xi32, #tpu.memory_space<vmem>>, vector<16xi32>,
    tpu.vector_store %arg14[%swap3A], %add3A_17 {strides = array<i32>} : memref<256xi32, #tpu.memory_space<vmem>>, vector<16xi32>,
    %mul3A_19 = arith.constant 16 : i32
    %mul3A_20 = vector.broadcast %mul3A_19 : i32 to vector<16xi32>
    %mul3A_21 = arith.muli %iota3A, %mul3A_20 : vector<16xi32>
    %add3A_22 = arith.constant 1 : i32
    %add3A_23 = vector.broadcast %add3A_22 : i32 to vector<16xi32>
    %add3A_24 = arith.addi %iota3A, %add3A_23 : vector<16xi32>
    %and3A_25 = arith.constant 15 : i32
    %and3A_26 = vector.broadcast %and3A_25 : i32 to vector<16xi32>
    %and3A_27 = arith.andi %add3A_24, %and3A_26 : vector<16xi32>
    %add3A_28 = arith.addi %mul3A_21, %and3A_27 : vector<16xi32>
    %swap3A_29 = arith.constant 16 : index
    %swap3A_30 = tpu.vector_load %arg14[%swap3A_29] {strides = array<i32>} : memref<256xi32, #tpu.memory_space<vmem>>, vector<16xi32>,
    tpu.vector_store %arg14[%swap3A_29], %add3A_28 {strides = array<i32>} : memref<256xi32, #tpu.memory_space<vmem>>, vector<16xi32>,
    %mul3A_31 = arith.constant 16 : i32
    %mul3A_32 = vector.broadcast %mul3A_31 : i32 to vector<16xi32>
    %mul3A_33 = arith.muli %iota3A, %mul3A_32 : vector<16xi32>
    %add3A_34 = arith.constant 2 : i32
    %add3A_35 = vector.broadcast %add3A_34 : i32 to vector<16xi32>
    %add3A_36 = arith.addi %iota3A, %add3A_35 : vector<16xi32>
    %and3A_37 = arith.constant 15 : i32
    %and3A_38 = vector.broadcast %and3A_37 : i32 to vector<16xi32>
    %and3A_39 = arith.andi %add3A_36, %and3A_38 : vector<16xi32>
    %add3A_40 = arith.addi %mul3A_33, %and3A_39 : vector<16xi32>
    %swap3A_41 = arith.constant 32 : index
    %swap3A_42 = tpu.vector_load %arg14[%swap3A_41] {strides = array<i32>} : memref<256xi32, #tpu.memory_space<vmem>>, vector<16xi32>,
    tpu.vector_store %arg14[%swap3A_41], %add3A_40 {strides = array<i32>} : memref<256xi32, #tpu.memory_space<vmem>>, vector<16xi32>,
    %mul3A_43 = arith.constant 16 : i32
    %mul3A_44 = vector.broadcast %mul3A_43 : i32 to vector<16xi32>
    %mul3A_45 = arith.muli %iota3A, %mul3A_44 : vector<16xi32>
    %add3A_46 = arith.constant 3 : i32
    %add3A_47 = vector.broadcast %add3A_46 : i32 to vector<16xi32>
    %add3A_48 = arith.addi %iota3A, %add3A_47 : vector<16xi32>
    %and3A_49 = arith.constant 15 : i32
    %and3A_50 = vector.broadcast %and3A_49 : i32 to vector<16xi32>
    %and3A_51 = arith.andi %add3A_48, %and3A_50 : vector<16xi32>
    %add3A_52 = arith.addi %mul3A_45, %and3A_51 : vector<16xi32>
    %swap3A_53 = arith.constant 48 : index
    %swap3A_54 = tpu.vector_load %arg14[%swap3A_53] {strides = array<i32>} : memref<256xi32, #tpu.memory_space<vmem>>, vector<16xi32>,
    tpu.vector_store %arg14[%swap3A_53], %add3A_52 {strides = array<i32>} : memref<256xi32, #tpu.memory_space<vmem>>, vector<16xi32>,
    %mul3A_55 = arith.constant 16 : i32
    %mul3A_56 = vector.broadcast %mul3A_55 : i32 to vector<16xi32>
    %mul3A_57 = arith.muli %iota3A, %mul3A_56 : vector<16xi32>
    %add3A_58 = arith.constant 4 : i32
    %add3A_59 = vector.broadcast %add3A_58 : i32 to vector<16xi32>
    %add3A_60 = arith.addi %iota3A, %add3A_59 : vector<16xi32>
    %and3A_61 = arith.constant 15 : i32
    %and3A_62 = vector.broadcast %and3A_61 : i32 to vector<16xi32>
    %and3A_63 = arith.andi %add3A_60, %and3A_62 : vector<16xi32>
    %add3A_64 = arith.addi %mul3A_57, %and3A_63 : vector<16xi32>
    %swap3A_65 = arith.constant 64 : index
    %swap3A_66 = tpu.vector_load %arg14[%swap3A_65] {strides = array<i32>} : memref<256xi32, #tpu.memory_space<vmem>>, vector<16xi32>,
    tpu.vector_store %arg14[%swap3A_65], %add3A_64 {strides = array<i32>} : memref<256xi32, #tpu.memory_space<vmem>>, vector<16xi32>,
    %mul3A_67 = arith.constant 16 : i32
    %mul3A_68 = vector.broadcast %mul3A_67 : i32 to vector<16xi32>
    %mul3A_69 = arith.muli %iota3A, %mul3A_68 : vector<16xi32>
    %add3A_70 = arith.constant 5 : i32
    %add3A_71 = vector.broadcast %add3A_70 : i32 to vector<16xi32>
    %add3A_72 = arith.addi %iota3A, %add3A_71 : vector<16xi32>
    %and3A_73 = arith.constant 15 : i32
    %and3A_74 = vector.broadcast %and3A_73 : i32 to vector<16xi32>
    %and3A_75 = arith.andi %add3A_72, %and3A_74 : vector<16xi32>
    %add3A_76 = arith.addi %mul3A_69, %and3A_75 : vector<16xi32>
    %swap3A_77 = arith.constant 80 : index
    %swap3A_78 = tpu.vector_load %arg14[%swap3A_77] {strides = array<i32>} : memref<256xi32, #tpu.memory_space<vmem>>, vector<16xi32>,
    tpu.vector_store %arg14[%swap3A_77], %add3A_76 {strides = array<i32>} : memref<256xi32, #tpu.memory_space<vmem>>, vector<16xi32>,
    %mul3A_79 = arith.constant 16 : i32
    %mul3A_80 = vector.broadcast %mul3A_79 : i32 to vector<16xi32>
    %mul3A_81 = arith.muli %iota3A, %mul3A_80 : vector<16xi32>
    %add3A_82 = arith.constant 6 : i32
    %add3A_83 = vector.broadcast %add3A_82 : i32 to vector<16xi32>
    %add3A_84 = arith.addi %iota3A, %add3A_83 : vector<16xi32>
    %and3A_85 = arith.constant 15 : i32
    %and3A_86 = vector.broadcast %and3A_85 : i32 to vector<16xi32>
    %and3A_87 = arith.andi %add3A_84, %and3A_86 : vector<16xi32>
    %add3A_88 = arith.addi %mul3A_81, %and3A_87 : vector<16xi32>
    %swap3A_89 = arith.constant 96 : index
    %swap3A_90 = tpu.vector_load %arg14[%swap3A_89] {strides = array<i32>} : memref<256xi32, #tpu.memory_space<vmem>>, vector<16xi32>,
    tpu.vector_store %arg14[%swap3A_89], %add3A_88 {strides = array<i32>} : memref<256xi32, #tpu.memory_space<vmem>>, vector<16xi32>,
    %mul3A_91 = arith.constant 16 : i32
    %mul3A_92 = vector.broadcast %mul3A_91 : i32 to vector<16xi32>
    %mul3A_93 = arith.muli %iota3A, %mul3A_92 : vector<16xi32>
    %add3A_94 = arith.constant 7 : i32
    %add3A_95 = vector.broadcast %add3A_94 : i32 to vector<16xi32>
    %add3A_96 = arith.addi %iota3A, %add3A_95 : vector<16xi32>
    %and3A_97 = arith.constant 15 : i32
    %and3A_98 = vector.broadcast %and3A_97 : i32 to vector<16xi32>
    %and3A_99 = arith.andi %add3A_96, %and3A_98 : vector<16xi32>
    %add3A_100 = arith.addi %mul3A_93, %and3A_99 : vector<16xi32>
    %swap3A_101 = arith.constant 112 : index
    %swap3A_102 = tpu.vector_load %arg14[%swap3A_101] {strides = array<i32>} : memref<256xi32, #tpu.memory_space<vmem>>, vector<16xi32>,
    tpu.vector_store %arg14[%swap3A_101], %add3A_100 {strides = array<i32>} : memref<256xi32, #tpu.memory_space<vmem>>, vector<16xi32>,
    %mul3A_103 = arith.constant 16 : i32
    %mul3A_104 = vector.broadcast %mul3A_103 : i32 to vector<16xi32>
    %mul3A_105 = arith.muli %iota3A, %mul3A_104 : vector<16xi32>
    %add3A_106 = arith.constant 8 : i32
    %add3A_107 = vector.broadcast %add3A_106 : i32 to vector<16xi32>
    %add3A_108 = arith.addi %iota3A, %add3A_107 : vector<16xi32>
    %and3A_109 = arith.constant 15 : i32
    %and3A_110 = vector.broadcast %and3A_109 : i32 to vector<16xi32>
    %and3A_111 = arith.andi %add3A_108, %and3A_110 : vector<16xi32>
    %add3A_112 = arith.addi %mul3A_105, %and3A_111 : vector<16xi32>
    %swap3A_113 = arith.constant 128 : index
    %swap3A_114 = tpu.vector_load %arg14[%swap3A_113] {strides = array<i32>} : memref<256xi32, #tpu.memory_space<vmem>>, vector<16xi32>,
    tpu.vector_store %arg14[%swap3A_113], %add3A_112 {strides = array<i32>} : memref<256xi32, #tpu.memory_space<vmem>>, vector<16xi32>,
    %mul3A_115 = arith.constant 16 : i32
    %mul3A_116 = vector.broadcast %mul3A_115 : i32 to vector<16xi32>
    %mul3A_117 = arith.muli %iota3A, %mul3A_116 : vector<16xi32>
    %add3A_118 = arith.constant 9 : i32
    %add3A_119 = vector.broadcast %add3A_118 : i32 to vector<16xi32>
    %add3A_120 = arith.addi %iota3A, %add3A_119 : vector<16xi32>
    %and3A_121 = arith.constant 15 : i32
    %and3A_122 = vector.broadcast %and3A_121 : i32 to vector<16xi32>
    %and3A_123 = arith.andi %add3A_120, %and3A_122 : vector<16xi32>
    %add3A_124 = arith.addi %mul3A_117, %and3A_123 : vector<16xi32>
    %swap3A_125 = arith.constant 144 : index
    %swap3A_126 = tpu.vector_load %arg14[%swap3A_125] {strides = array<i32>} : memref<256xi32, #tpu.memory_space<vmem>>, vector<16xi32>,
    tpu.vector_store %arg14[%swap3A_125], %add3A_124 {strides = array<i32>} : memref<256xi32, #tpu.memory_space<vmem>>, vector<16xi32>,
    %mul3A_127 = arith.constant 16 : i32
    %mul3A_128 = vector.broadcast %mul3A_127 : i32 to vector<16xi32>
    %mul3A_129 = arith.muli %iota3A, %mul3A_128 : vector<16xi32>
    %add3A_130 = arith.constant 10 : i32
    %add3A_131 = vector.broadcast %add3A_130 : i32 to vector<16xi32>
    %add3A_132 = arith.addi %iota3A, %add3A_131 : vector<16xi32>
    %and3A_133 = arith.constant 15 : i32
    %and3A_134 = vector.broadcast %and3A_133 : i32 to vector<16xi32>
    %and3A_135 = arith.andi %add3A_132, %and3A_134 : vector<16xi32>
    %add3A_136 = arith.addi %mul3A_129, %and3A_135 : vector<16xi32>
    %swap3A_137 = arith.constant 160 : index
    %swap3A_138 = tpu.vector_load %arg14[%swap3A_137] {strides = array<i32>} : memref<256xi32, #tpu.memory_space<vmem>>, vector<16xi32>,
    tpu.vector_store %arg14[%swap3A_137], %add3A_136 {strides = array<i32>} : memref<256xi32, #tpu.memory_space<vmem>>, vector<16xi32>,
    %mul3A_139 = arith.constant 16 : i32
    %mul3A_140 = vector.broadcast %mul3A_139 : i32 to vector<16xi32>
    %mul3A_141 = arith.muli %iota3A, %mul3A_140 : vector<16xi32>
    %add3A_142 = arith.constant 11 : i32
    %add3A_143 = vector.broadcast %add3A_142 : i32 to vector<16xi32>
    %add3A_144 = arith.addi %iota3A, %add3A_143 : vector<16xi32>
    %and3A_145 = arith.constant 15 : i32
    %and3A_146 = vector.broadcast %and3A_145 : i32 to vector<16xi32>
    %and3A_147 = arith.andi %add3A_144, %and3A_146 : vector<16xi32>
    %add3A_148 = arith.addi %mul3A_141, %and3A_147 : vector<16xi32>
    %swap3A_149 = arith.constant 176 : index
    %swap3A_150 = tpu.vector_load %arg14[%swap3A_149] {strides = array<i32>} : memref<256xi32, #tpu.memory_space<vmem>>, vector<16xi32>,
    tpu.vector_store %arg14[%swap3A_149], %add3A_148 {strides = array<i32>} : memref<256xi32, #tpu.memory_space<vmem>>, vector<16xi32>,
    %mul3A_151 = arith.constant 16 : i32
    %mul3A_152 = vector.broadcast %mul3A_151 : i32 to vector<16xi32>
    %mul3A_153 = arith.muli %iota3A, %mul3A_152 : vector<16xi32>
    %add3A_154 = arith.constant 12 : i32
    %add3A_155 = vector.broadcast %add3A_154 : i32 to vector<16xi32>
    %add3A_156 = arith.addi %iota3A, %add3A_155 : vector<16xi32>
    %and3A_157 = arith.constant 15 : i32
    %and3A_158 = vector.broadcast %and3A_157 : i32 to vector<16xi32>
    %and3A_159 = arith.andi %add3A_156, %and3A_158 : vector<16xi32>
    %add3A_160 = arith.addi %mul3A_153, %and3A_159 : vector<16xi32>
    %swap3A_161 = arith.constant 192 : index
    %swap3A_162 = tpu.vector_load %arg14[%swap3A_161] {strides = array<i32>} : memref<256xi32, #tpu.memory_space<vmem>>, vector<16xi32>,
    tpu.vector_store %arg14[%swap3A_161], %add3A_160 {strides = array<i32>} : memref<256xi32, #tpu.memory_space<vmem>>, vector<16xi32>,
    %mul3A_163 = arith.constant 16 : i32
    %mul3A_164 = vector.broadcast %mul3A_163 : i32 to vector<16xi32>
    %mul3A_165 = arith.muli %iota3A, %mul3A_164 : vector<16xi32>
    %add3A_166 = arith.constant 13 : i32
    %add3A_167 = vector.broadcast %add3A_166 : i32 to vector<16xi32>
    %add3A_168 = arith.addi %iota3A, %add3A_167 : vector<16xi32>
    %and3A_169 = arith.constant 15 : i32
    %and3A_170 = vector.broadcast %and3A_169 : i32 to vector<16xi32>
    %and3A_171 = arith.andi %add3A_168, %and3A_170 : vector<16xi32>
    %add3A_172 = arith.addi %mul3A_165, %and3A_171 : vector<16xi32>
    %swap3A_173 = arith.constant 208 : index
    %swap3A_174 = tpu.vector_load %arg14[%swap3A_173] {strides = array<i32>} : memref<256xi32, #tpu.memory_space<vmem>>, vector<16xi32>,
    tpu.vector_store %arg14[%swap3A_173], %add3A_172 {strides = array<i32>} : memref<256xi32, #tpu.memory_space<vmem>>, vector<16xi32>,
    %mul3A_175 = arith.constant 16 : i32
    %mul3A_176 = vector.broadcast %mul3A_175 : i32 to vector<16xi32>
    %mul3A_177 = arith.muli %iota3A, %mul3A_176 : vector<16xi32>
    %add3A_178 = arith.constant 14 : i32
    %add3A_179 = vector.broadcast %add3A_178 : i32 to vector<16xi32>
    %add3A_180 = arith.addi %iota3A, %add3A_179 : vector<16xi32>
    %and3A_181 = arith.constant 15 : i32
    %and3A_182 = vector.broadcast %and3A_181 : i32 to vector<16xi32>
    %and3A_183 = arith.andi %add3A_180, %and3A_182 : vector<16xi32>
    %add3A_184 = arith.addi %mul3A_177, %and3A_183 : vector<16xi32>
    %swap3A_185 = arith.constant 224 : index
    %swap3A_186 = tpu.vector_load %arg14[%swap3A_185] {strides = array<i32>} : memref<256xi32, #tpu.memory_space<vmem>>, vector<16xi32>,
    tpu.vector_store %arg14[%swap3A_185], %add3A_184 {strides = array<i32>} : memref<256xi32, #tpu.memory_space<vmem>>, vector<16xi32>,
    %mul3A_187 = arith.constant 16 : i32
    %mul3A_188 = vector.broadcast %mul3A_187 : i32 to vector<16xi32>
    %mul3A_189 = arith.muli %iota3A, %mul3A_188 : vector<16xi32>
    %add3A_190 = arith.constant 15 : i32
    %add3A_191 = vector.broadcast %add3A_190 : i32 to vector<16xi32>
    %add3A_192 = arith.addi %iota3A, %add3A_191 : vector<16xi32>
    %and3A_193 = arith.constant 15 : i32
    %and3A_194 = vector.broadcast %and3A_193 : i32 to vector<16xi32>
    %and3A_195 = arith.andi %add3A_192, %and3A_194 : vector<16xi32>
    %add3A_196 = arith.addi %mul3A_189, %and3A_195 : vector<16xi32>
    %swap3A_197 = arith.constant 240 : index
    %swap3A_198 = tpu.vector_load %arg14[%swap3A_197] {strides = array<i32>} : memref<256xi32, #tpu.memory_space<vmem>>, vector<16xi32>,
    tpu.vector_store %arg14[%swap3A_197], %add3A_196 {strides = array<i32>} : memref<256xi32, #tpu.memory_space<vmem>>, vector<16xi32>,
    %get3A = arith.constant 256 : index
    %get3A_199 = tpu.vector_load %arg9[%get3A] {strides = array<i32>} : memref<528xf32, #tpu.memory_space<vmem>>, vector<16xf32>,
    %get3A_200 = arith.constant 272 : index
    %get3A_201 = tpu.vector_load %arg9[%get3A_200] {strides = array<i32>} : memref<528xf32, #tpu.memory_space<vmem>>, vector<16xf32>,
    %get3A_202 = arith.constant 288 : index
    %get3A_203 = tpu.vector_load %arg9[%get3A_202] {strides = array<i32>} : memref<528xf32, #tpu.memory_space<vmem>>, vector<16xf32>,
    %get3A_204 = arith.constant 304 : index
    %get3A_205 = tpu.vector_load %arg9[%get3A_204] {strides = array<i32>} : memref<528xf32, #tpu.memory_space<vmem>>, vector<16xf32>,
    %get3A_206 = arith.constant 320 : index
    %get3A_207 = tpu.vector_load %arg9[%get3A_206] {strides = array<i32>} : memref<528xf32, #tpu.memory_space<vmem>>, vector<16xf32>,
    %get3A_208 = arith.constant 336 : index
    %get3A_209 = tpu.vector_load %arg9[%get3A_208] {strides = array<i32>} : memref<528xf32, #tpu.memory_space<vmem>>, vector<16xf32>,
    %get3A_210 = arith.constant 352 : index
    %get3A_211 = tpu.vector_load %arg9[%get3A_210] {strides = array<i32>} : memref<528xf32, #tpu.memory_space<vmem>>, vector<16xf32>,
    %get3A_212 = arith.constant 368 : index
    %get3A_213 = tpu.vector_load %arg9[%get3A_212] {strides = array<i32>} : memref<528xf32, #tpu.memory_space<vmem>>, vector<16xf32>,
    %get3A_214 = arith.constant 384 : index
    %get3A_215 = tpu.vector_load %arg9[%get3A_214] {strides = array<i32>} : memref<528xf32, #tpu.memory_space<vmem>>, vector<16xf32>,
    %get3A_216 = arith.constant 400 : index
    %get3A_217 = tpu.vector_load %arg9[%get3A_216] {strides = array<i32>} : memref<528xf32, #tpu.memory_space<vmem>>, vector<16xf32>,
    %get3A_218 = arith.constant 416 : index
    %get3A_219 = tpu.vector_load %arg9[%get3A_218] {strides = array<i32>} : memref<528xf32, #tpu.memory_space<vmem>>, vector<16xf32>,
    %get3A_220 = arith.constant 432 : index
    %get3A_221 = tpu.vector_load %arg9[%get3A_220] {strides = array<i32>} : memref<528xf32, #tpu.memory_space<vmem>>, vector<16xf32>,
    %get3A_222 = arith.constant 448 : index
    %get3A_223 = tpu.vector_load %arg9[%get3A_222] {strides = array<i32>} : memref<528xf32, #tpu.memory_space<vmem>>, vector<16xf32>,
    %get3A_224 = arith.constant 464 : index
    %get3A_225 = tpu.vector_load %arg9[%get3A_224] {strides = array<i32>} : memref<528xf32, #tpu.memory_space<vmem>>, vector<16xf32>,
    %get3A_226 = arith.constant 480 : index
    %get3A_227 = tpu.vector_load %arg9[%get3A_226] {strides = array<i32>} : memref<528xf32, #tpu.memory_space<vmem>>, vector<16xf32>,
    %get3A_228 = arith.constant 496 : index
    %get3A_229 = tpu.vector_load %arg9[%get3A_228] {strides = array<i32>} : memref<528xf32, #tpu.memory_space<vmem>>, vector<16xf32>,
    %get3A_230 = arith.constant 0 : i32
    %get3A_231 = arith.index_cast %get3A_230 : i32 to index
    %get3A_232 = arith.constant 0 : index
    %get3A_233 = tpu.vector_load %arg10[%get3A_231, %get3A_232] {strides = array<i32>} : memref<16x256xf32, #tpu.memory_space<vmem>>, vector<16xf32>,
    %mul3A_234 = arith.mulf %get3A_233, %get3A_199 : vector<16xf32>
    %get3A_235 = arith.constant 0 : i32
    %get3A_236 = arith.index_cast %get3A_235 : i32 to index
    %get3A_237 = arith.constant 16 : index
    %get3A_238 = tpu.vector_load %arg10[%get3A_236, %get3A_237] {strides = array<i32>} : memref<16x256xf32, #tpu.memory_space<vmem>>, vector<16xf32>,
    %mul3A_239 = arith.mulf %get3A_238, %get3A_201 : vector<16xf32>
    %get3A_240 = arith.constant 0 : i32
    %get3A_241 = arith.index_cast %get3A_240 : i32 to index
    %get3A_242 = arith.constant 32 : index
    %get3A_243 = tpu.vector_load %arg10[%get3A_241, %get3A_242] {strides = array<i32>} : memref<16x256xf32, #tpu.memory_space<vmem>>, vector<16xf32>,
    %mul3A_244 = arith.mulf %get3A_243, %get3A_203 : vector<16xf32>
    %get3A_245 = arith.constant 0 : i32
    %get3A_246 = arith.index_cast %get3A_245 : i32 to index
    %get3A_247 = arith.constant 48 : index
    %get3A_248 = tpu.vector_load %arg10[%get3A_246, %get3A_247] {strides = array<i32>} : memref<16x256xf32, #tpu.memory_space<vmem>>, vector<16xf32>,
    %mul3A_249 = arith.mulf %get3A_248, %get3A_205 : vector<16xf32>
    %get3A_250 = arith.constant 0 : i32
    %get3A_251 = arith.index_cast %get3A_250 : i32 to index
    %get3A_252 = arith.constant 64 : index
    %get3A_253 = tpu.vector_load %arg10[%get3A_251, %get3A_252] {strides = array<i32>} : memref<16x256xf32, #tpu.memory_space<vmem>>, vector<16xf32>,
    %mul3A_254 = arith.mulf %get3A_253, %get3A_207 : vector<16xf32>
    %get3A_255 = arith.constant 0 : i32
    %get3A_256 = arith.index_cast %get3A_255 : i32 to index
    %get3A_257 = arith.constant 80 : index
    %get3A_258 = tpu.vector_load %arg10[%get3A_256, %get3A_257] {strides = array<i32>} : memref<16x256xf32, #tpu.memory_space<vmem>>, vector<16xf32>,
    %mul3A_259 = arith.mulf %get3A_258, %get3A_209 : vector<16xf32>
    %get3A_260 = arith.constant 0 : i32
    %get3A_261 = arith.index_cast %get3A_260 : i32 to index
    %get3A_262 = arith.constant 96 : index
    %get3A_263 = tpu.vector_load %arg10[%get3A_261, %get3A_262] {strides = array<i32>} : memref<16x256xf32, #tpu.memory_space<vmem>>, vector<16xf32>,
    %mul3A_264 = arith.mulf %get3A_263, %get3A_211 : vector<16xf32>
    %get3A_265 = arith.constant 0 : i32
    %get3A_266 = arith.index_cast %get3A_265 : i32 to index
    %get3A_267 = arith.constant 112 : index
    %get3A_268 = tpu.vector_load %arg10[%get3A_266, %get3A_267] {strides = array<i32>} : memref<16x256xf32, #tpu.memory_space<vmem>>, vector<16xf32>,
    %mul3A_269 = arith.mulf %get3A_268, %get3A_213 : vector<16xf32>
    %get3A_270 = arith.constant 0 : i32
    %get3A_271 = arith.index_cast %get3A_270 : i32 to index
    %get3A_272 = arith.constant 128 : index
    %get3A_273 = tpu.vector_load %arg10[%get3A_271, %get3A_272] {strides = array<i32>} : memref<16x256xf32, #tpu.memory_space<vmem>>, vector<16xf32>,
    %mul3A_274 = arith.mulf %get3A_273, %get3A_215 : vector<16xf32>
    %get3A_275 = arith.constant 0 : i32
    %get3A_276 = arith.index_cast %get3A_275 : i32 to index
    %get3A_277 = arith.constant 144 : index
    %get3A_278 = tpu.vector_load %arg10[%get3A_276, %get3A_277] {strides = array<i32>} : memref<16x256xf32, #tpu.memory_space<vmem>>, vector<16xf32>,
    %mul3A_279 = arith.mulf %get3A_278, %get3A_217 : vector<16xf32>
    %get3A_280 = arith.constant 0 : i32
    %get3A_281 = arith.index_cast %get3A_280 : i32 to index
    %get3A_282 = arith.constant 160 : index
    %get3A_283 = tpu.vector_load %arg10[%get3A_281, %get3A_282] {strides = array<i32>} : memref<16x256xf32, #tpu.memory_space<vmem>>, vector<16xf32>,
    %mul3A_284 = arith.mulf %get3A_283, %get3A_219 : vector<16xf32>
    %get3A_285 = arith.constant 0 : i32
    %get3A_286 = arith.index_cast %get3A_285 : i32 to index
    %get3A_287 = arith.constant 176 : index
    %get3A_288 = tpu.vector_load %arg10[%get3A_286, %get3A_287] {strides = array<i32>} : memref<16x256xf32, #tpu.memory_space<vmem>>, vector<16xf32>,
    %mul3A_289 = arith.mulf %get3A_288, %get3A_221 : vector<16xf32>
    %get3A_290 = arith.constant 0 : i32
    %get3A_291 = arith.index_cast %get3A_290 : i32 to index
    %get3A_292 = arith.constant 192 : index
    %get3A_293 = tpu.vector_load %arg10[%get3A_291, %get3A_292] {strides = array<i32>} : memref<16x256xf32, #tpu.memory_space<vmem>>, vector<16xf32>,
    %mul3A_294 = arith.mulf %get3A_293, %get3A_223 : vector<16xf32>
    %get3A_295 = arith.constant 0 : i32
    %get3A_296 = arith.index_cast %get3A_295 : i32 to index
    %get3A_297 = arith.constant 208 : index
    %get3A_298 = tpu.vector_load %arg10[%get3A_296, %get3A_297] {strides = array<i32>} : memref<16x256xf32, #tpu.memory_space<vmem>>, vector<16xf32>,
    %mul3A_299 = arith.mulf %get3A_298, %get3A_225 : vector<16xf32>
    %get3A_300 = arith.constant 0 : i32
    %get3A_301 = arith.index_cast %get3A_300 : i32 to index
    %get3A_302 = arith.constant 224 : index
    %get3A_303 = tpu.vector_load %arg10[%get3A_301, %get3A_302] {strides = array<i32>} : memref<16x256xf32, #tpu.memory_space<vmem>>, vector<16xf32>,
    %mul3A_304 = arith.mulf %get3A_303, %get3A_227 : vector<16xf32>
    %get3A_305 = arith.constant 0 : i32
    %get3A_306 = arith.index_cast %get3A_305 : i32 to index
    %get3A_307 = arith.constant 240 : index
    %get3A_308 = tpu.vector_load %arg10[%get3A_306, %get3A_307] {strides = array<i32>} : memref<16x256xf32, #tpu.memory_space<vmem>>, vector<16xf32>,
    %mul3A_309 = arith.mulf %get3A_308, %get3A_229 : vector<16xf32>
    %add3A_310 = arith.addf %mul3A_234, %mul3A_239 : vector<16xf32>
    %add3A_311 = arith.addf %mul3A_244, %mul3A_249 : vector<16xf32>
    %add3A_312 = arith.addf %mul3A_254, %mul3A_259 : vector<16xf32>
    %add3A_313 = arith.addf %mul3A_264, %mul3A_269 : vector<16xf32>
    %add3A_314 = arith.addf %mul3A_274, %mul3A_279 : vector<16xf32>
    %add3A_315 = arith.addf %mul3A_284, %mul3A_289 : vector<16xf32>
    %add3A_316 = arith.addf %mul3A_294, %mul3A_299 : vector<16xf32>
    %add3A_317 = arith.addf %mul3A_304, %mul3A_309 : vector<16xf32>
    %add3A_318 = arith.addf %add3A_310, %add3A_311 : vector<16xf32>
    %add3A_319 = arith.addf %add3A_312, %add3A_313 : vector<16xf32>
    %add3A_320 = arith.addf %add3A_314, %add3A_315 : vector<16xf32>
    %add3A_321 = arith.addf %add3A_316, %add3A_317 : vector<16xf32>
    %add3A_322 = arith.addf %add3A_318, %add3A_319 : vector<16xf32>
    %add3A_323 = arith.addf %add3A_320, %add3A_321 : vector<16xf32>
    %add3A_324 = arith.addf %add3A_322, %add3A_323 : vector<16xf32>
    %swap3A_325 = arith.constant 0 : index
    %swap3A_326 = tpu.vector_load %arg15[%swap3A_325] {strides = array<i32>} : memref<2048xf32, #tpu.memory_space<vmem>>, vector<16xf32>,
    tpu.vector_store %arg15[%swap3A_325], %add3A_324 {strides = array<i32>} : memref<2048xf32, #tpu.memory_space<vmem>>, vector<16xf32>,
    %get3A_327 = arith.constant 1 : i32
    %get3A_328 = arith.index_cast %get3A_327 : i32 to index
    %get3A_329 = arith.constant 0 : index
    %get3A_330 = tpu.vector_load %arg10[%get3A_328, %get3A_329] {strides = array<i32>} : memref<16x256xf32, #tpu.memory_space<vmem>>, vector<16xf32>,
    %mul3A_331 = arith.mulf %get3A_330, %get3A_199 : vector<16xf32>
    %get3A_332 = arith.constant 1 : i32
    %get3A_333 = arith.index_cast %get3A_332 : i32 to index
    %get3A_334 = arith.constant 16 : index
    %get3A_335 = tpu.vector_load %arg10[%get3A_333, %get3A_334] {strides = array<i32>} : memref<16x256xf32, #tpu.memory_space<vmem>>, vector<16xf32>,
    %mul3A_336 = arith.mulf %get3A_335, %get3A_201 : vector<16xf32>
    %get3A_337 = arith.constant 1 : i32
    %get3A_338 = arith.index_cast %get3A_337 : i32 to index
    %get3A_339 = arith.constant 32 : index
    %get3A_340 = tpu.vector_load %arg10[%get3A_338, %get3A_339] {strides = array<i32>} : memref<16x256xf32, #tpu.memory_space<vmem>>, vector<16xf32>,
    %mul3A_341 = arith.mulf %get3A_340, %get3A_203 : vector<16xf32>
    %get3A_342 = arith.constant 1 : i32
    %get3A_343 = arith.index_cast %get3A_342 : i32 to index
    %get3A_344 = arith.constant 48 : index
    %get3A_345 = tpu.vector_load %arg10[%get3A_343, %get3A_344] {strides = array<i32>} : memref<16x256xf32, #tpu.memory_space<vmem>>, vector<16xf32>,
    %mul3A_346 = arith.mulf %get3A_345, %get3A_205 : vector<16xf32>
    %get3A_347 = arith.constant 1 : i32
    %get3A_348 = arith.index_cast %get3A_347 : i32 to index
    %get3A_349 = arith.constant 64 : index
    %get3A_350 = tpu.vector_load %arg10[%get3A_348, %get3A_349] {strides = array<i32>} : memref<16x256xf32, #tpu.memory_space<vmem>>, vector<16xf32>,
    %mul3A_351 = arith.mulf %get3A_350, %get3A_207 : vector<16xf32>
    %get3A_352 = arith.constant 1 : i32
    %get3A_353 = arith.index_cast %get3A_352 : i32 to index
    %get3A_354 = arith.constant 80 : index
    %get3A_355 = tpu.vector_load %arg10[%get3A_353, %get3A_354] {strides = array<i32>} : memref<16x256xf32, #tpu.memory_space<vmem>>, vector<16xf32>,
    %mul3A_356 = arith.mulf %get3A_355, %get3A_209 : vector<16xf32>
    %get3A_357 = arith.constant 1 : i32
    %get3A_358 = arith.index_cast %get3A_357 : i32 to index
    %get3A_359 = arith.constant 96 : index
    %get3A_360 = tpu.vector_load %arg10[%get3A_358, %get3A_359] {strides = array<i32>} : memref<16x256xf32, #tpu.memory_space<vmem>>, vector<16xf32>,
    %mul3A_361 = arith.mulf %get3A_360, %get3A_211 : vector<16xf32>
    %get3A_362 = arith.constant 1 : i32
    %get3A_363 = arith.index_cast %get3A_362 : i32 to index
    %get3A_364 = arith.constant 112 : index
    %get3A_365 = tpu.vector_load %arg10[%get3A_363, %get3A_364] {strides = array<i32>} : memref<16x256xf32, #tpu.memory_space<vmem>>, vector<16xf32>,
    %mul3A_366 = arith.mulf %get3A_365, %get3A_213 : vector<16xf32>
    %get3A_367 = arith.constant 1 : i32
    %get3A_368 = arith.index_cast %get3A_367 : i32 to index
    %get3A_369 = arith.constant 128 : index
    %get3A_370 = tpu.vector_load %arg10[%get3A_368, %get3A_369] {strides = array<i32>} : memref<16x256xf32, #tpu.memory_space<vmem>>, vector<16xf32>,
    %mul3A_371 = arith.mulf %get3A_370, %get3A_215 : vector<16xf32>
    %get3A_372 = arith.constant 1 : i32
    %get3A_373 = arith.index_cast %get3A_372 : i32 to index
    %get3A_374 = arith.constant 144 : index
    %get3A_375 = tpu.vector_load %arg10[%get3A_373, %get3A_374] {strides = array<i32>} : memref<16x256xf32, #tpu.memory_space<vmem>>, vector<16xf32>,
    %mul3A_376 = arith.mulf %get3A_375, %get3A_217 : vector<16xf32>
    %get3A_377 = arith.constant 1 : i32
    %get3A_378 = arith.index_cast %get3A_377 : i32 to index
    %get3A_379 = arith.constant 160 : index
    %get3A_380 = tpu.vector_load %arg10[%get3A_378, %get3A_379] {strides = array<i32>} : memref<16x256xf32, #tpu.memory_space<vmem>>, vector<16xf32>,
    %mul3A_381 = arith.mulf %get3A_380, %get3A_219 : vector<16xf32>
    %get3A_382 = arith.constant 1 : i32
    %get3A_383 = arith.index_cast %get3A_382 : i32 to index
    %get3A_384 = arith.constant 176 : index
    %get3A_385 = tpu.vector_load %arg10[%get3A_383, %get3A_384] {strides = array<i32>} : memref<16x256xf32, #tpu.memory_space<vmem>>, vector<16xf32>,
    %mul3A_386 = arith.mulf %get3A_385, %get3A_221 : vector<16xf32>
    %get3A_387 = arith.constant 1 : i32
    %get3A_388 = arith.index_cast %get3A_387 : i32 to index
    %get3A_389 = arith.constant 192 : index
    %get3A_390 = tpu.vector_load %arg10[%get3A_388, %get3A_389] {strides = array<i32>} : memref<16x256xf32, #tpu.memory_space<vmem>>, vector<16xf32>,
    %mul3A_391 = arith.mulf %get3A_390, %get3A_223 : vector<16xf32>
    %get3A_392 = arith.constant 1 : i32
    %get3A_393 = arith.index_cast %get3A_392 : i32 to index
    %get3A_394 = arith.constant 208 : index
    %get3A_395 = tpu.vector_load %arg10[%get3A_393, %get3A_394] {strides = array<i32>} : memref<16x256xf32, #tpu.memory_space<vmem>>, vector<16xf32>,
    %mul3A_396 = arith.mulf %get3A_395, %get3A_225 : vector<16xf32>
    %get3A_397 = arith.constant 1 : i32
    %get3A_398 = arith.index_cast %get3A_397 : i32 to index
    %get3A_399 = arith.constant 224 : index
    %get3A_400 = tpu.vector_load %arg10[%get3A_398, %get3A_399] {strides = array<i32>} : memref<16x256xf32, #tpu.memory_space<vmem>>, vector<16xf32>,
    %mul3A_401 = arith.mulf %get3A_400, %get3A_227 : vector<16xf32>
    %get3A_402 = arith.constant 1 : i32
    %get3A_403 = arith.index_cast %get3A_402 : i32 to index
    %get3A_404 = arith.constant 240 : index
    %get3A_405 = tpu.vector_load %arg10[%get3A_403, %get3A_404] {strides = array<i32>} : memref<16x256xf32, #tpu.memory_space<vmem>>, vector<16xf32>,
    %mul3A_406 = arith.mulf %get3A_405, %get3A_229 : vector<16xf32>
    %add3A_407 = arith.addf %mul3A_331, %mul3A_336 : vector<16xf32>
    %add3A_408 = arith.addf %mul3A_341, %mul3A_346 : vector<16xf32>
    %add3A_409 = arith.addf %mul3A_351, %mul3A_356 : vector<16xf32>
    %add3A_410 = arith.addf %mul3A_361, %mul3A_366 : vector<16xf32>
    %add3A_411 = arith.addf %mul3A_371, %mul3A_376 : vector<16xf32>
    %add3A_412 = arith.addf %mul3A_381, %mul3A_386 : vector<16xf32>
    %add3A_413 = arith.addf %mul3A_391, %mul3A_396 : vector<16xf32>
    %add3A_414 = arith.addf %mul3A_401, %mul3A_406 : vector<16xf32>
    %add3A_415 = arith.addf %add3A_407, %add3A_408 : vector<16xf32>
    %add3A_416 = arith.addf %add3A_409, %add3A_410 : vector<16xf32>
    %add3A_417 = arith.addf %add3A_411, %add3A_412 : vector<16xf32>
    %add3A_418 = arith.addf %add3A_413, %add3A_414 : vector<16xf32>
    %add3A_419 = arith.addf %add3A_415, %add3A_416 : vector<16xf32>
    %add3A_420 = arith.addf %add3A_417, %add3A_418 : vector<16xf32>
    %add3A_421 = arith.addf %add3A_419, %add3A_420 : vector<16xf32>
    %swap3A_422 = arith.constant 16 : index
    %swap3A_423 = tpu.vector_load %arg15[%swap3A_422] {strides = array<i32>} : memref<2048xf32, #tpu.memory_space<vmem>>, vector<16xf32>,
    tpu.vector_store %arg15[%swap3A_422], %add3A_421 {strides = array<i32>} : memref<2048xf32, #tpu.memory_space<vmem>>, vector<16xf32>,
    %get3A_424 = arith.constant 2 : i32
    %get3A_425 = arith.index_cast %get3A_424 : i32 to index
    %get3A_426 = arith.constant 0 : index
    %get3A_427 = tpu.vector_load %arg10[%get3A_425, %get3A_426] {strides = array<i32>} : memref<16x256xf32, #tpu.memory_space<vmem>>, vector<16xf32>,
    %mul3A_428 = arith.mulf %get3A_427, %get3A_199 : vector<16xf32>
    %get3A_429 = arith.constant 2 : i32
    %get3A_430 = arith.index_cast %get3A_429 : i32 to index
    %get3A_431 = arith.constant 16 : index
    %get3A_432 = tpu.vector_load %arg10[%get3A_430, %get3A_431] {strides = array<i32>} : memref<16x256xf32, #tpu.memory_space<vmem>>, vector<16xf32>,
    %mul3A_433 = arith.mulf %get3A_432, %get3A_201 : vector<16xf32>
    %get3A_434 = arith.constant 2 : i32
    %get3A_435 = arith.index_cast %get3A_434 : i32 to index
    %get3A_436 = arith.constant 32 : index
    %get3A_437 = tpu.vector_load %arg10[%get3A_435, %get3A_436] {strides = array<i32>} : memref<16x256xf32, #tpu.memory_space<vmem>>, vector<16xf32>,
    %mul3A_438 = arith.mulf %get3A_437, %get3A_203 : vector<16xf32>
    %get3A_439 = arith.constant 2 : i32
    %get3A_440 = arith.index_cast %get3A_439 : i32 to index
    %get3A_441 = arith.constant 48 : index
    %get3A_442 = tpu.vector_load %arg10[%get3A_440, %get3A_441] {strides = array<i32>} : memref<16x256xf32, #tpu.memory_space<vmem>>, vector<16xf32>,
    %mul3A_443 = arith.mulf %get3A_442, %get3A_205 : vector<16xf32>
    %get3A_444 = arith.constant 2 : i32
    %get3A_445 = arith.index_cast %get3A_444 : i32 to index
    %get3A_446 = arith.constant 64 : index
    %get3A_447 = tpu.vector_load %arg10[%get3A_445, %get3A_446] {strides = array<i32>} : memref<16x256xf32, #tpu.memory_space<vmem>>, vector<16xf32>,
    %mul3A_448 = arith.mulf %get3A_447, %get3A_207 : vector<16xf32>
    %get3A_449 = arith.constant 2 : i32
    %get3A_450 = arith.index_cast %get3A_449 : i32 to index
    %get3A_451 = arith.constant 80 : index
    %get3A_452 = tpu.vector_load %arg10[%get3A_450, %get3A_451] {strides = array<i32>} : memref<16x256xf32, #tpu.memory_space<vmem>>, vector<16xf32>,
    %mul3A_453 = arith.mulf %get3A_452, %get3A_209 : vector<16xf32>
    %get3A_454 = arith.constant 2 : i32
    %get3A_455 = arith.index_cast %get3A_454 : i32 to index
    %get3A_456 = arith.constant 96 : index
    %get3A_457 = tpu.vector_load %arg10[%get3A_455, %get3A_456] {strides = array<i32>} : memref<16x256xf32, #tpu.memory_space<vmem>>, vector<16xf32>,
    %mul3A_458 = arith.mulf %get3A_457, %get3A_211 : vector<16xf32>
    %get3A_459 = arith.constant 2 : i32
    %get3A_460 = arith.index_cast %get3A_459 : i32 to index
    %get3A_461 = arith.constant 112 : index
    %get3A_462 = tpu.vector_load %arg10[%get3A_460, %get3A_461] {strides = array<i32>} : memref<16x256xf32, #tpu.memory_space<vmem>>, vector<16xf32>,
    %mul3A_463 = arith.mulf %get3A_462, %get3A_213 : vector<16xf32>
    %get3A_464 = arith.constant 2 : i32
    %get3A_465 = arith.index_cast %get3A_464 : i32 to index
    %get3A_466 = arith.constant 128 : index
    %get3A_467 = tpu.vector_load %arg10[%get3A_465, %get3A_466] {strides = array<i32>} : memref<16x256xf32, #tpu.memory_space<vmem>>, vector<16xf32>,
    %mul3A_468 = arith.mulf %get3A_467, %get3A_215 : vector<16xf32>
    %get3A_469 = arith.constant 2 : i32
    %get3A_470 = arith.index_cast %get3A_469 : i32 to index
    %get3A_471 = arith.constant 144 : index
    %get3A_472 = tpu.vector_load %arg10[%get3A_470, %get3A_471] {strides = array<i32>} : memref<16x256xf32, #tpu.memory_space<vmem>>, vector<16xf32>,
    %mul3A_473 = arith.mulf %get3A_472, %get3A_217 : vector<16xf32>
    %get3A_474 = arith.constant 2 : i32
    %get3A_475 = arith.index_cast %get3A_474 : i32 to index
    %get3A_476 = arith.constant 160 : index
    %get3A_477 = tpu.vector_load %arg10[%get3A_475, %get3A_476] {strides = array<i32>} : memref<16x256xf32, #tpu.memory_space<vmem>>, vector<16xf32>,
    %mul3A_478 = arith.mulf %get3A_477, %get3A_219 : vector<16xf32>
    %get3A_479 = arith.constant 2 : i32
    %get3A_480 = arith.index_cast %get3A_479 : i32 to index
    %get3A_481 = arith.constant 176 : index
    %get3A_482 = tpu.vector_load %arg10[%get3A_480, %get3A_481] {strides = array<i32>} : memref<16x256xf32, #tpu.memory_space<vmem>>, vector<16xf32>,
    %mul3A_483 = arith.mulf %get3A_482, %get3A_221 : vector<16xf32>
    %get3A_484 = arith.constant 2 : i32
    %get3A_485 = arith.index_cast %get3A_484 : i32 to index
    %get3A_486 = arith.constant 192 : index
    %get3A_487 = tpu.vector_load %arg10[%get3A_485, %get3A_486] {strides = array<i32>} : memref<16x256xf32, #tpu.memory_space<vmem>>, vector<16xf32>,
    %mul3A_488 = arith.mulf %get3A_487, %get3A_223 : vector<16xf32>
    %get3A_489 = arith.constant 2 : i32
    %get3A_490 = arith.index_cast %get3A_489 : i32 to index
    %get3A_491 = arith.constant 208 : index
    %get3A_492 = tpu.vector_load %arg10[%get3A_490, %get3A_491] {strides = array<i32>} : memref<16x256xf32, #tpu.memory_space<vmem>>, vector<16xf32>,
    %mul3A_493 = arith.mulf %get3A_492, %get3A_225 : vector<16xf32>
    %get3A_494 = arith.constant 2 : i32
    %get3A_495 = arith.index_cast %get3A_494 : i32 to index
    %get3A_496 = arith.constant 224 : index
    %get3A_497 = tpu.vector_load %arg10[%get3A_495, %get3A_496] {strides = array<i32>} : memref<16x256xf32, #tpu.memory_space<vmem>>, vector<16xf32>,
    %mul3A_498 = arith.mulf %get3A_497, %get3A_227 : vector<16xf32>
    %get3A_499 = arith.constant 2 : i32
    %get3A_500 = arith.index_cast %get3A_499 : i32 to index
    %get3A_501 = arith.constant 240 : index
    %get3A_502 = tpu.vector_load %arg10[%get3A_500, %get3A_501] {strides = array<i32>} : memref<16x256xf32, #tpu.memory_space<vmem>>, vector<16xf32>,
    %mul3A_503 = arith.mulf %get3A_502, %get3A_229 : vector<16xf32>
    %add3A_504 = arith.addf %mul3A_428, %mul3A_433 : vector<16xf32>
    %add3A_505 = arith.addf %mul3A_438, %mul3A_443 : vector<16xf32>
    %add3A_506 = arith.addf %mul3A_448, %mul3A_453 : vector<16xf32>
    %add3A_507 = arith.addf %mul3A_458, %mul3A_463 : vector<16xf32>
    %add3A_508 = arith.addf %mul3A_468, %mul3A_473 : vector<16xf32>
    %add3A_509 = arith.addf %mul3A_478, %mul3A_483 : vector<16xf32>
    %add3A_510 = arith.addf %mul3A_488, %mul3A_493 : vector<16xf32>
    %add3A_511 = arith.addf %mul3A_498, %mul3A_503 : vector<16xf32>
    %add3A_512 = arith.addf %add3A_504, %add3A_505 : vector<16xf32>
    %add3A_513 = arith.addf %add3A_506, %add3A_507 : vector<16xf32>
    %add3A_514 = arith.addf %add3A_508, %add3A_509 : vector<16xf32>
    %add3A_515 = arith.addf %add3A_510, %add3A_511 : vector<16xf32>
    %add3A_516 = arith.addf %add3A_512, %add3A_513 : vector<16xf32>
    %add3A_517 = arith.addf %add3A_514, %add3A_515 : vector<16xf32>
    %add3A_518 = arith.addf %add3A_516, %add3A_517 : vector<16xf32>
    %swap3A_519 = arith.constant 32 : index
    %swap3A_520 = tpu.vector_load %arg15[%swap3A_519] {strides = array<i32>} : memref<2048xf32, #tpu.memory_space<vmem>>, vector<16xf32>,
    tpu.vector_store %arg15[%swap3A_519], %add3A_518 {strides = array<i32>} : memref<2048xf32, #tpu.memory_space<vmem>>, vector<16xf32>,
    %get3A_521 = arith.constant 3 : i32
    %get3A_522 = arith.index_cast %get3A_521 : i32 to index
    %get3A_523 = arith.constant 0 : index
    %get3A_524 = tpu.vector_load %arg10[%get3A_522, %get3A_523] {strides = array<i32>} : memref<16x256xf32, #tpu.memory_space<vmem>>, vector<16xf32>,
    %mul3A_525 = arith.mulf %get3A_524, %get3A_199 : vector<16xf32>
    %get3A_526 = arith.constant 3 : i32
    %get3A_527 = arith.index_cast %get3A_526 : i32 to index
    %get3A_528 = arith.constant 16 : index
    %get3A_529 = tpu.vector_load %arg10[%get3A_527, %get3A_528] {strides = array<i32>} : memref<16x256xf32, #tpu.memory_space<vmem>>, vector<16xf32>,
    %mul3A_530 = arith.mulf %get3A_529, %get3A_201 : vector<16xf32>
    %get3A_531 = arith.constant 3 : i32
    %get3A_532 = arith.index_cast %get3A_531 : i32 to index
    %get3A_533 = arith.constant 32 : index
    %get3A_534 = tpu.vector_load %arg10[%get3A_532, %get3A_533] {strides = array<i32>} : memref<16x256xf32, #tpu.memory_space<vmem>>, vector<16xf32>,
    %mul3A_535 = arith.mulf %get3A_534, %get3A_203 : vector<16xf32>
    %get3A_536 = arith.constant 3 : i32
    %get3A_537 = arith.index_cast %get3A_536 : i32 to index
    %get3A_538 = arith.constant 48 : index
    %get3A_539 = tpu.vector_load %arg10[%get3A_537, %get3A_538] {strides = array<i32>} : memref<16x256xf32, #tpu.memory_space<vmem>>, vector<16xf32>,
    %mul3A_540 = arith.mulf %get3A_539, %get3A_205 : vector<16xf32>
    %get3A_541 = arith.constant 3 : i32
    %get3A_542 = arith.index_cast %get3A_541 : i32 to index
    %get3A_543 = arith.constant 64 : index
    %get3A_544 = tpu.vector_load %arg10[%get3A_542, %get3A_543] {strides = array<i32>} : memref<16x256xf32, #tpu.memory_space<vmem>>, vector<16xf32>,
    %mul3A_545 = arith.mulf %get3A_544, %get3A_207 : vector<16xf32>
    %get3A_546 = arith.constant 3 : i32
    %get3A_547 = arith.index_cast %get3A_546 : i32 to index
    %get3A_548 = arith.constant 80 : index
    %get3A_549 = tpu.vector_load %arg10[%get3A_547, %get3A_548] {strides = array<i32>} : memref<16x256xf32, #tpu.memory_space<vmem>>, vector<16xf32>,
    %mul3A_550 = arith.mulf %get3A_549, %get3A_209 : vector<16xf32>
    %get3A_551 = arith.constant 3 : i32
    %get3A_552 = arith.index_cast %get3A_551 : i32 to index
    %get3A_553 = arith.constant 96 : index
    %get3A_554 = tpu.vector_load %arg10[%get3A_552, %get3A_553] {strides = array<i32>} : memref<16x256xf32, #tpu.memory_space<vmem>>, vector<16xf32>,
    %mul3A_555 = arith.mulf %get3A_554, %get3A_211 : vector<16xf32>
    %get3A_556 = arith.constant 3 : i32
    %get3A_557 = arith.index_cast %get3A_556 : i32 to index
    %get3A_558 = arith.constant 112 : index
    %get3A_559 = tpu.vector_load %arg10[%get3A_557, %get3A_558] {strides = array<i32>} : memref<16x256xf32, #tpu.memory_space<vmem>>, vector<16xf32>,
    %mul3A_560 = arith.mulf %get3A_559, %get3A_213 : vector<16xf32>
    %get3A_561 = arith.constant 3 : i32
    %get3A_562 = arith.index_cast %get3A_561 : i32 to index
    %get3A_563 = arith.constant 128 : index
    %get3A_564 = tpu.vector_load %arg10[%get3A_562, %get3A_563] {strides = array<i32>} : memref<16x256xf32, #tpu.memory_space<vmem>>, vector<16xf32>,
    %mul3A_565 = arith.mulf %get3A_564, %get3A_215 : vector<16xf32>
    %get3A_566 = arith.constant 3 : i32
    %get3A_567 = arith.index_cast %get3A_566 : i32 to index
    %get3A_568 = arith.constant 144 : index
    %get3A_569 = tpu.vector_load %arg10[%get3A_567, %get3A_568] {strides = array<i32>} : memref<16x256xf32, #tpu.memory_space<vmem>>, vector<16xf32>,
    %mul3A_570 = arith.mulf %get3A_569, %get3A_217 : vector<16xf32>
    %get3A_571 = arith.constant 3 : i32
    %get3A_572 = arith.index_cast %get3A_571 : i32 to index
    %get3A_573 = arith.constant 160 : index
    %get3A_574 = tpu.vector_load %arg10[%get3A_572, %get3A_573] {strides = array<i32>} : memref<16x256xf32, #tpu.memory_space<vmem>>, vector<16xf32>,
    %mul3A_575 = arith.mulf %get3A_574, %get3A_219 : vector<16xf32>
    %get3A_576 = arith.constant 3 : i32
    %get3A_577 = arith.index_cast %get3A_576 : i32 to index
    %get3A_578 = arith.constant 176 : index
    %get3A_579 = tpu.vector_load %arg10[%get3A_577, %get3A_578] {strides = array<i32>} : memref<16x256xf32, #tpu.memory_space<vmem>>, vector<16xf32>,
    %mul3A_580 = arith.mulf %get3A_579, %get3A_221 : vector<16xf32>
    %get3A_581 = arith.constant 3 : i32
    %get3A_582 = arith.index_cast %get3A_581 : i32 to index
    %get3A_583 = arith.constant 192 : index
    %get3A_584 = tpu.vector_load %arg10[%get3A_582, %get3A_583] {strides = array<i32>} : memref<16x256xf32, #tpu.memory_space<vmem>>, vector<16xf32>,
    %mul3A_585 = arith.mulf %get3A_584, %get3A_223 : vector<16xf32>
    %get3A_586 = arith.constant 3 : i32
    %get3A_587 = arith.index_cast %get3A_586 : i32 to index
    %get3A_588 = arith.constant 208 : index
    %get3A_589 = tpu.vector_load %arg10[%get3A_587, %get3A_588] {strides = array<i32>} : memref<16x256xf32, #tpu.memory_space<vmem>>, vector<16xf32>,
    %mul3A_590 = arith.mulf %get3A_589, %get3A_225 : vector<16xf32>
    %get3A_591 = arith.constant 3 : i32
    %get3A_592 = arith.index_cast %get3A_591 : i32 to index
    %get3A_593 = arith.constant 224 : index
    %get3A_594 = tpu.vector_load %arg10[%get3A_592, %get3A_593] {strides = array<i32>} : memref<16x256xf32, #tpu.memory_space<vmem>>, vector<16xf32>,
    %mul3A_595 = arith.mulf %get3A_594, %get3A_227 : vector<16xf32>
    %get3A_596 = arith.constant 3 : i32
    %get3A_597 = arith.index_cast %get3A_596 : i32 to index
    %get3A_598 = arith.constant 240 : index
    %get3A_599 = tpu.vector_load %arg10[%get3A_597, %get3A_598] {strides = array<i32>} : memref<16x256xf32, #tpu.memory_space<vmem>>, vector<16xf32>,
    %mul3A_600 = arith.mulf %get3A_599, %get3A_229 : vector<16xf32>
    %add3A_601 = arith.addf %mul3A_525, %mul3A_530 : vector<16xf32>
    %add3A_602 = arith.addf %mul3A_535, %mul3A_540 : vector<16xf32>
    %add3A_603 = arith.addf %mul3A_545, %mul3A_550 : vector<16xf32>
    %add3A_604 = arith.addf %mul3A_555, %mul3A_560 : vector<16xf32>
    %add3A_605 = arith.addf %mul3A_565, %mul3A_570 : vector<16xf32>
    %add3A_606 = arith.addf %mul3A_575, %mul3A_580 : vector<16xf32>
    %add3A_607 = arith.addf %mul3A_585, %mul3A_590 : vector<16xf32>
    %add3A_608 = arith.addf %mul3A_595, %mul3A_600 : vector<16xf32>
    %add3A_609 = arith.addf %add3A_601, %add3A_602 : vector<16xf32>
    %add3A_610 = arith.addf %add3A_603, %add3A_604 : vector<16xf32>
    %add3A_611 = arith.addf %add3A_605, %add3A_606 : vector<16xf32>
    %add3A_612 = arith.addf %add3A_607, %add3A_608 : vector<16xf32>
    %add3A_613 = arith.addf %add3A_609, %add3A_610 : vector<16xf32>
    %add3A_614 = arith.addf %add3A_611, %add3A_612 : vector<16xf32>
    %add3A_615 = arith.addf %add3A_613, %add3A_614 : vector<16xf32>
    %swap3A_616 = arith.constant 48 : index
    %swap3A_617 = tpu.vector_load %arg15[%swap3A_616] {strides = array<i32>} : memref<2048xf32, #tpu.memory_space<vmem>>, vector<16xf32>,
    tpu.vector_store %arg15[%swap3A_616], %add3A_615 {strides = array<i32>} : memref<2048xf32, #tpu.memory_space<vmem>>, vector<16xf32>,
    %get3A_618 = arith.constant 4 : i32
    %get3A_619 = arith.index_cast %get3A_618 : i32 to index
    %get3A_620 = arith.constant 0 : index
    %get3A_621 = tpu.vector_load %arg10[%get3A_619, %get3A_620] {strides = array<i32>} : memref<16x256xf32, #tpu.memory_space<vmem>>, vector<16xf32>,
    %mul3A_622 = arith.mulf %get3A_621, %get3A_199 : vector<16xf32>
    %get3A_623 = arith.constant 4 : i32
    %get3A_624 = arith.index_cast %get3A_623 : i32 to index
    %get3A_625 = arith.constant 16 : index
    %get3A_626 = tpu.vector_load %arg10[%get3A_624, %get3A_625] {strides = array<i32>} : memref<16x256xf32, #tpu.memory_space<vmem>>, vector<16xf32>,
    %mul3A_627 = arith.mulf %get3A_626, %get3A_201 : vector<16xf32>
    %get3A_628 = arith.constant 4 : i32
    %get3A_629 = arith.index_cast %get3A_628 : i32 to index
    %get3A_630 = arith.constant 32 : index
    %get3A_631 = tpu.vector_load %arg10[%get3A_629, %get3A_630] {strides = array<i32>} : memref<16x256xf32, #tpu.memory_space<vmem>>, vector<16xf32>,
    %mul3A_632 = arith.mulf %get3A_631, %get3A_203 : vector<16xf32>
    %get3A_633 = arith.constant 4 : i32
    %get3A_634 = arith.index_cast %get3A_633 : i32 to index
    %get3A_635 = arith.constant 48 : index
    %get3A_636 = tpu.vector_load %arg10[%get3A_634, %get3A_635] {strides = array<i32>} : memref<16x256xf32, #tpu.memory_space<vmem>>, vector<16xf32>,
    %mul3A_637 = arith.mulf %get3A_636, %get3A_205 : vector<16xf32>
    %get3A_638 = arith.constant 4 : i32
    %get3A_639 = arith.index_cast %get3A_638 : i32 to index
    %get3A_640 = arith.constant 64 : index
    %get3A_641 = tpu.vector_load %arg10[%get3A_639, %get3A_640] {strides = array<i32>} : memref<16x256xf32, #tpu.memory_space<vmem>>, vector<16xf32>,
    %mul3A_642 = arith.mulf %get3A_641, %get3A_207 : vector<16xf32>
    %get3A_643 = arith.constant 4 : i32
    %get3A_644 = arith.index_cast %get3A_643 : i32 to index
    %get3A_645 = arith.constant 80 : index
    %get3A_646 = tpu.vector_load %arg10[%get3A_644, %get3A_645] {strides = array<i32>} : memref<16x256xf32, #tpu.memory_space<vmem>>, vector<16xf32>,
    %mul3A_647 = arith.mulf %get3A_646, %get3A_209 : vector<16xf32>
    %get3A_648 = arith.constant 4 : i32
    %get3A_649 = arith.index_cast %get3A_648 : i32 to index
    %get3A_650 = arith.constant 96 : index
    %get3A_651 = tpu.vector_load %arg10[%get3A_649, %get3A_650] {strides = array<i32>} : memref<16x256xf32, #tpu.memory_space<vmem>>, vector<16xf32>,
    %mul3A_652 = arith.mulf %get3A_651, %get3A_211 : vector<16xf32>
    %get3A_653 = arith.constant 4 : i32
    %get3A_654 = arith.index_cast %get3A_653 : i32 to index
    %get3A_655 = arith.constant 112 : index
    %get3A_656 = tpu.vector_load %arg10[%get3A_654, %get3A_655] {strides = array<i32>} : memref<16x256xf32, #tpu.memory_space<vmem>>, vector<16xf32>,
    %mul3A_657 = arith.mulf %get3A_656, %get3A_213 : vector<16xf32>
    %get3A_658 = arith.constant 4 : i32
    %get3A_659 = arith.index_cast %get3A_658 : i32 to index
    %get3A_660 = arith.constant 128 : index
    %get3A_661 = tpu.vector_load %arg10[%get3A_659, %get3A_660] {strides = array<i32>} : memref<16x256xf32, #tpu.memory_space<vmem>>, vector<16xf32>,
    %mul3A_662 = arith.mulf %get3A_661, %get3A_215 : vector<16xf32>
    %get3A_663 = arith.constant 4 : i32
    %get3A_664 = arith.index_cast %get3A_663 : i32 to index
    %get3A_665 = arith.constant 144 : index
    %get3A_666 = tpu.vector_load %arg10[%get3A_664, %get3A_665] {strides = array<i32>} : memref<16x256xf32, #tpu.memory_space<vmem>>, vector<16xf32>,
    %mul3A_667 = arith.mulf %get3A_666, %get3A_217 : vector<16xf32>
    %get3A_668 = arith.constant 4 : i32
    %get3A_669 = arith.index_cast %get3A_668 : i32 to index
    %get3A_670 = arith.constant 160 : index
    %get3A_671 = tpu.vector_load %arg10[%get3A_669, %get3A_670] {strides = array<i32>} : memref<16x256xf32, #tpu.memory_space<vmem>>, vector<16xf32>,
    %mul3A_672 = arith.mulf %get3A_671, %get3A_219 : vector<16xf32>
    %get3A_673 = arith.constant 4 : i32
    %get3A_674 = arith.index_cast %get3A_673 : i32 to index
    %get3A_675 = arith.constant 176 : index
    %get3A_676 = tpu.vector_load %arg10[%get3A_674, %get3A_675] {strides = array<i32>} : memref<16x256xf32, #tpu.memory_space<vmem>>, vector<16xf32>,
    %mul3A_677 = arith.mulf %get3A_676, %get3A_221 : vector<16xf32>
    %get3A_678 = arith.constant 4 : i32
    %get3A_679 = arith.index_cast %get3A_678 : i32 to index
    %get3A_680 = arith.constant 192 : index
    %get3A_681 = tpu.vector_load %arg10[%get3A_679, %get3A_680] {strides = array<i32>} : memref<16x256xf32, #tpu.memory_space<vmem>>, vector<16xf32>,
    %mul3A_682 = arith.mulf %get3A_681, %get3A_223 : vector<16xf32>
    %get3A_683 = arith.constant 4 : i32
    %get3A_684 = arith.index_cast %get3A_683 : i32 to index
    %get3A_685 = arith.constant 208 : index
    %get3A_686 = tpu.vector_load %arg10[%get3A_684, %get3A_685] {strides = array<i32>} : memref<16x256xf32, #tpu.memory_space<vmem>>, vector<16xf32>,
    %mul3A_687 = arith.mulf %get3A_686, %get3A_225 : vector<16xf32>
    %get3A_688 = arith.constant 4 : i32
    %get3A_689 = arith.index_cast %get3A_688 : i32 to index
    %get3A_690 = arith.constant 224 : index
    %get3A_691 = tpu.vector_load %arg10[%get3A_689, %get3A_690] {strides = array<i32>} : memref<16x256xf32, #tpu.memory_space<vmem>>, vector<16xf32>,
    %mul3A_692 = arith.mulf %get3A_691, %get3A_227 : vector<16xf32>
    %get3A_693 = arith.constant 4 : i32
    %get3A_694 = arith.index_cast %get3A_693 : i32 to index
    %get3A_695 = arith.constant 240 : index
    %get3A_696 = tpu.vector_load %arg10[%get3A_694, %get3A_695] {strides = array<i32>} : memref<16x256xf32, #tpu.memory_space<vmem>>, vector<16xf32>,
    %mul3A_697 = arith.mulf %get3A_696, %get3A_229 : vector<16xf32>
    %add3A_698 = arith.addf %mul3A_622, %mul3A_627 : vector<16xf32>
    %add3A_699 = arith.addf %mul3A_632, %mul3A_637 : vector<16xf32>
    %add3A_700 = arith.addf %mul3A_642, %mul3A_647 : vector<16xf32>
    %add3A_701 = arith.addf %mul3A_652, %mul3A_657 : vector<16xf32>
    %add3A_702 = arith.addf %mul3A_662, %mul3A_667 : vector<16xf32>
    %add3A_703 = arith.addf %mul3A_672, %mul3A_677 : vector<16xf32>
    %add3A_704 = arith.addf %mul3A_682, %mul3A_687 : vector<16xf32>
    %add3A_705 = arith.addf %mul3A_692, %mul3A_697 : vector<16xf32>
    %add3A_706 = arith.addf %add3A_698, %add3A_699 : vector<16xf32>
    %add3A_707 = arith.addf %add3A_700, %add3A_701 : vector<16xf32>
    %add3A_708 = arith.addf %add3A_702, %add3A_703 : vector<16xf32>
    %add3A_709 = arith.addf %add3A_704, %add3A_705 : vector<16xf32>
    %add3A_710 = arith.addf %add3A_706, %add3A_707 : vector<16xf32>
    %add3A_711 = arith.addf %add3A_708, %add3A_709 : vector<16xf32>
    %add3A_712 = arith.addf %add3A_710, %add3A_711 : vector<16xf32>
    %swap3A_713 = arith.constant 64 : index
    %swap3A_714 = tpu.vector_load %arg15[%swap3A_713] {strides = array<i32>} : memref<2048xf32, #tpu.memory_space<vmem>>, vector<16xf32>,
    tpu.vector_store %arg15[%swap3A_713], %add3A_712 {strides = array<i32>} : memref<2048xf32, #tpu.memory_space<vmem>>, vector<16xf32>,
    %get3A_715 = arith.constant 5 : i32
    %get3A_716 = arith.index_cast %get3A_715 : i32 to index
    %get3A_717 = arith.constant 0 : index
    %get3A_718 = tpu.vector_load %arg10[%get3A_716, %get3A_717] {strides = array<i32>} : memref<16x256xf32, #tpu.memory_space<vmem>>, vector<16xf32>,
    %mul3A_719 = arith.mulf %get3A_718, %get3A_199 : vector<16xf32>
    %get3A_720 = arith.constant 5 : i32
    %get3A_721 = arith.index_cast %get3A_720 : i32 to index
    %get3A_722 = arith.constant 16 : index
    %get3A_723 = tpu.vector_load %arg10[%get3A_721, %get3A_722] {strides = array<i32>} : memref<16x256xf32, #tpu.memory_space<vmem>>, vector<16xf32>,
    %mul3A_724 = arith.mulf %get3A_723, %get3A_201 : vector<16xf32>
    %get3A_725 = arith.constant 5 : i32
    %get3A_726 = arith.index_cast %get3A_725 : i32 to index
    %get3A_727 = arith.constant 32 : index
    %get3A_728 = tpu.vector_load %arg10[%get3A_726, %get3A_727] {strides = array<i32>} : memref<16x256xf32, #tpu.memory_space<vmem>>, vector<16xf32>,
    %mul3A_729 = arith.mulf %get3A_728, %get3A_203 : vector<16xf32>
    %get3A_730 = arith.constant 5 : i32
    %get3A_731 = arith.index_cast %get3A_730 : i32 to index
    %get3A_732 = arith.constant 48 : index
    %get3A_733 = tpu.vector_load %arg10[%get3A_731, %get3A_732] {strides = array<i32>} : memref<16x256xf32, #tpu.memory_space<vmem>>, vector<16xf32>,
    %mul3A_734 = arith.mulf %get3A_733, %get3A_205 : vector<16xf32>
    %get3A_735 = arith.constant 5 : i32
    %get3A_736 = arith.index_cast %get3A_735 : i32 to index
    %get3A_737 = arith.constant 64 : index
    %get3A_738 = tpu.vector_load %arg10[%get3A_736, %get3A_737] {strides = array<i32>} : memref<16x256xf32, #tpu.memory_space<vmem>>, vector<16xf32>,
    %mul3A_739 = arith.mulf %get3A_738, %get3A_207 : vector<16xf32>
    %get3A_740 = arith.constant 5 : i32
    %get3A_741 = arith.index_cast %get3A_740 : i32 to index
    %get3A_742 = arith.constant 80 : index
    %get3A_743 = tpu.vector_load %arg10[%get3A_741, %get3A_742] {strides = array<i32>} : memref<16x256xf32, #tpu.memory_space<vmem>>, vector<16xf32>,
    %mul3A_744 = arith.mulf %get3A_743, %get3A_209 : vector<16xf32>
    %get3A_745 = arith.constant 5 : i32
    %get3A_746 = arith.index_cast %get3A_745 : i32 to index
    %get3A_747 = arith.constant 96 : index
    %get3A_748 = tpu.vector_load %arg10[%get3A_746, %get3A_747] {strides = array<i32>} : memref<16x256xf32, #tpu.memory_space<vmem>>, vector<16xf32>,
    %mul3A_749 = arith.mulf %get3A_748, %get3A_211 : vector<16xf32>
    %get3A_750 = arith.constant 5 : i32
    %get3A_751 = arith.index_cast %get3A_750 : i32 to index
    %get3A_752 = arith.constant 112 : index
    %get3A_753 = tpu.vector_load %arg10[%get3A_751, %get3A_752] {strides = array<i32>} : memref<16x256xf32, #tpu.memory_space<vmem>>, vector<16xf32>,
    %mul3A_754 = arith.mulf %get3A_753, %get3A_213 : vector<16xf32>
    %get3A_755 = arith.constant 5 : i32
    %get3A_756 = arith.index_cast %get3A_755 : i32 to index
    %get3A_757 = arith.constant 128 : index
    %get3A_758 = tpu.vector_load %arg10[%get3A_756, %get3A_757] {strides = array<i32>} : memref<16x256xf32, #tpu.memory_space<vmem>>, vector<16xf32>,
    %mul3A_759 = arith.mulf %get3A_758, %get3A_215 : vector<16xf32>
    %get3A_760 = arith.constant 5 : i32
    %get3A_761 = arith.index_cast %get3A_760 : i32 to index
    %get3A_762 = arith.constant 144 : index
    %get3A_763 = tpu.vector_load %arg10[%get3A_761, %get3A_762] {strides = array<i32>} : memref<16x256xf32, #tpu.memory_space<vmem>>, vector<16xf32>,
    %mul3A_764 = arith.mulf %get3A_763, %get3A_217 : vector<16xf32>
    %get3A_765 = arith.constant 5 : i32
    %get3A_766 = arith.index_cast %get3A_765 : i32 to index
    %get3A_767 = arith.constant 160 : index
    %get3A_768 = tpu.vector_load %arg10[%get3A_766, %get3A_767] {strides = array<i32>} : memref<16x256xf32, #tpu.memory_space<vmem>>, vector<16xf32>,
    %mul3A_769 = arith.mulf %get3A_768, %get3A_219 : vector<16xf32>
    %get3A_770 = arith.constant 5 : i32
    %get3A_771 = arith.index_cast %get3A_770 : i32 to index
    %get3A_772 = arith.constant 176 : index
    %get3A_773 = tpu.vector_load %arg10[%get3A_771, %get3A_772] {strides = array<i32>} : memref<16x256xf32, #tpu.memory_space<vmem>>, vector<16xf32>,
    %mul3A_774 = arith.mulf %get3A_773, %get3A_221 : vector<16xf32>
    %get3A_775 = arith.constant 5 : i32
    %get3A_776 = arith.index_cast %get3A_775 : i32 to index
    %get3A_777 = arith.constant 192 : index
    %get3A_778 = tpu.vector_load %arg10[%get3A_776, %get3A_777] {strides = array<i32>} : memref<16x256xf32, #tpu.memory_space<vmem>>, vector<16xf32>,
    %mul3A_779 = arith.mulf %get3A_778, %get3A_223 : vector<16xf32>
    %get3A_780 = arith.constant 5 : i32
    %get3A_781 = arith.index_cast %get3A_780 : i32 to index
    %get3A_782 = arith.constant 208 : index
    %get3A_783 = tpu.vector_load %arg10[%get3A_781, %get3A_782] {strides = array<i32>} : memref<16x256xf32, #tpu.memory_space<vmem>>, vector<16xf32>,
    %mul3A_784 = arith.mulf %get3A_783, %get3A_225 : vector<16xf32>
    %get3A_785 = arith.constant 5 : i32
    %get3A_786 = arith.index_cast %get3A_785 : i32 to index
    %get3A_787 = arith.constant 224 : index
    %get3A_788 = tpu.vector_load %arg10[%get3A_786, %get3A_787] {strides = array<i32>} : memref<16x256xf32, #tpu.memory_space<vmem>>, vector<16xf32>,
    %mul3A_789 = arith.mulf %get3A_788, %get3A_227 : vector<16xf32>
    %get3A_790 = arith.constant 5 : i32
    %get3A_791 = arith.index_cast %get3A_790 : i32 to index
    %get3A_792 = arith.constant 240 : index
    %get3A_793 = tpu.vector_load %arg10[%get3A_791, %get3A_792] {strides = array<i32>} : memref<16x256xf32, #tpu.memory_space<vmem>>, vector<16xf32>,
    %mul3A_794 = arith.mulf %get3A_793, %get3A_229 : vector<16xf32>
    %add3A_795 = arith.addf %mul3A_719, %mul3A_724 : vector<16xf32>
    %add3A_796 = arith.addf %mul3A_729, %mul3A_734 : vector<16xf32>
    %add3A_797 = arith.addf %mul3A_739, %mul3A_744 : vector<16xf32>
    %add3A_798 = arith.addf %mul3A_749, %mul3A_754 : vector<16xf32>
    %add3A_799 = arith.addf %mul3A_759, %mul3A_764 : vector<16xf32>
    %add3A_800 = arith.addf %mul3A_769, %mul3A_774 : vector<16xf32>
    %add3A_801 = arith.addf %mul3A_779, %mul3A_784 : vector<16xf32>
    %add3A_802 = arith.addf %mul3A_789, %mul3A_794 : vector<16xf32>
    %add3A_803 = arith.addf %add3A_795, %add3A_796 : vector<16xf32>
    %add3A_804 = arith.addf %add3A_797, %add3A_798 : vector<16xf32>
    %add3A_805 = arith.addf %add3A_799, %add3A_800 : vector<16xf32>
    %add3A_806 = arith.addf %add3A_801, %add3A_802 : vector<16xf32>
    %add3A_807 = arith.addf %add3A_803, %add3A_804 : vector<16xf32>
    %add3A_808 = arith.addf %add3A_805, %add3A_806 : vector<16xf32>
    %add3A_809 = arith.addf %add3A_807, %add3A_808 : vector<16xf32>
    %swap3A_810 = arith.constant 80 : index
    %swap3A_811 = tpu.vector_load %arg15[%swap3A_810] {strides = array<i32>} : memref<2048xf32, #tpu.memory_space<vmem>>, vector<16xf32>,
    tpu.vector_store %arg15[%swap3A_810], %add3A_809 {strides = array<i32>} : memref<2048xf32, #tpu.memory_space<vmem>>, vector<16xf32>,
    %get3A_812 = arith.constant 6 : i32
    %get3A_813 = arith.index_cast %get3A_812 : i32 to index
    %get3A_814 = arith.constant 0 : index
    %get3A_815 = tpu.vector_load %arg10[%get3A_813, %get3A_814] {strides = array<i32>} : memref<16x256xf32, #tpu.memory_space<vmem>>, vector<16xf32>,
    %mul3A_816 = arith.mulf %get3A_815, %get3A_199 : vector<16xf32>
    %get3A_817 = arith.constant 6 : i32
    %get3A_818 = arith.index_cast %get3A_817 : i32 to index
    %get3A_819 = arith.constant 16 : index
    %get3A_820 = tpu.vector_load %arg10[%get3A_818, %get3A_819] {strides = array<i32>} : memref<16x256xf32, #tpu.memory_space<vmem>>, vector<16xf32>,
    %mul3A_821 = arith.mulf %get3A_820, %get3A_201 : vector<16xf32>
    %get3A_822 = arith.constant 6 : i32
    %get3A_823 = arith.index_cast %get3A_822 : i32 to index
    %get3A_824 = arith.constant 32 : index
    %get3A_825 = tpu.vector_load %arg10[%get3A_823, %get3A_824] {strides = array<i32>} : memref<16x256xf32, #tpu.memory_space<vmem>>, vector<16xf32>,
    %mul3A_826 = arith.mulf %get3A_825, %get3A_203 : vector<16xf32>
    %get3A_827 = arith.constant 6 : i32
    %get3A_828 = arith.index_cast %get3A_827 : i32 to index
    %get3A_829 = arith.constant 48 : index
    %get3A_830 = tpu.vector_load %arg10[%get3A_828, %get3A_829] {strides = array<i32>} : memref<16x256xf32, #tpu.memory_space<vmem>>, vector<16xf32>,
    %mul3A_831 = arith.mulf %get3A_830, %get3A_205 : vector<16xf32>
    %get3A_832 = arith.constant 6 : i32
    %get3A_833 = arith.index_cast %get3A_832 : i32 to index
    %get3A_834 = arith.constant 64 : index
    %get3A_835 = tpu.vector_load %arg10[%get3A_833, %get3A_834] {strides = array<i32>} : memref<16x256xf32, #tpu.memory_space<vmem>>, vector<16xf32>,
    %mul3A_836 = arith.mulf %get3A_835, %get3A_207 : vector<16xf32>
    %get3A_837 = arith.constant 6 : i32
    %get3A_838 = arith.index_cast %get3A_837 : i32 to index
    %get3A_839 = arith.constant 80 : index
    %get3A_840 = tpu.vector_load %arg10[%get3A_838, %get3A_839] {strides = array<i32>} : memref<16x256xf32, #tpu.memory_space<vmem>>, vector<16xf32>,
    %mul3A_841 = arith.mulf %get3A_840, %get3A_209 : vector<16xf32>
    %get3A_842 = arith.constant 6 : i32
    %get3A_843 = arith.index_cast %get3A_842 : i32 to index
    %get3A_844 = arith.constant 96 : index
    %get3A_845 = tpu.vector_load %arg10[%get3A_843, %get3A_844] {strides = array<i32>} : memref<16x256xf32, #tpu.memory_space<vmem>>, vector<16xf32>,
    %mul3A_846 = arith.mulf %get3A_845, %get3A_211 : vector<16xf32>
    %get3A_847 = arith.constant 6 : i32
    %get3A_848 = arith.index_cast %get3A_847 : i32 to index
    %get3A_849 = arith.constant 112 : index
    %get3A_850 = tpu.vector_load %arg10[%get3A_848, %get3A_849] {strides = array<i32>} : memref<16x256xf32, #tpu.memory_space<vmem>>, vector<16xf32>,
    %mul3A_851 = arith.mulf %get3A_850, %get3A_213 : vector<16xf32>
    %get3A_852 = arith.constant 6 : i32
    %get3A_853 = arith.index_cast %get3A_852 : i32 to index
    %get3A_854 = arith.constant 128 : index
    %get3A_855 = tpu.vector_load %arg10[%get3A_853, %get3A_854] {strides = array<i32>} : memref<16x256xf32, #tpu.memory_space<vmem>>, vector<16xf32>,
    %mul3A_856 = arith.mulf %get3A_855, %get3A_215 : vector<16xf32>
    %get3A_857 = arith.constant 6 : i32
    %get3A_858 = arith.index_cast %get3A_857 : i32 to index
    %get3A_859 = arith.constant 144 : index
    %get3A_860 = tpu.vector_load %arg10[%get3A_858, %get3A_859] {strides = array<i32>} : memref<16x256xf32, #tpu.memory_space<vmem>>, vector<16xf32>,
    %mul3A_861 = arith.mulf %get3A_860, %get3A_217 : vector<16xf32>
    %get3A_862 = arith.constant 6 : i32
    %get3A_863 = arith.index_cast %get3A_862 : i32 to index
    %get3A_864 = arith.constant 160 : index
    %get3A_865 = tpu.vector_load %arg10[%get3A_863, %get3A_864] {strides = array<i32>} : memref<16x256xf32, #tpu.memory_space<vmem>>, vector<16xf32>,
    %mul3A_866 = arith.mulf %get3A_865, %get3A_219 : vector<16xf32>
    %get3A_867 = arith.constant 6 : i32
    %get3A_868 = arith.index_cast %get3A_867 : i32 to index
    %get3A_869 = arith.constant 176 : index
    %get3A_870 = tpu.vector_load %arg10[%get3A_868, %get3A_869] {strides = array<i32>} : memref<16x256xf32, #tpu.memory_space<vmem>>, vector<16xf32>,
    %mul3A_871 = arith.mulf %get3A_870, %get3A_221 : vector<16xf32>
    %get3A_872 = arith.constant 6 : i32
    %get3A_873 = arith.index_cast %get3A_872 : i32 to index
    %get3A_874 = arith.constant 192 : index
    %get3A_875 = tpu.vector_load %arg10[%get3A_873, %get3A_874] {strides = array<i32>} : memref<16x256xf32, #tpu.memory_space<vmem>>, vector<16xf32>,
    %mul3A_876 = arith.mulf %get3A_875, %get3A_223 : vector<16xf32>
    %get3A_877 = arith.constant 6 : i32
    %get3A_878 = arith.index_cast %get3A_877 : i32 to index
    %get3A_879 = arith.constant 208 : index
    %get3A_880 = tpu.vector_load %arg10[%get3A_878, %get3A_879] {strides = array<i32>} : memref<16x256xf32, #tpu.memory_space<vmem>>, vector<16xf32>,
    %mul3A_881 = arith.mulf %get3A_880, %get3A_225 : vector<16xf32>
    %get3A_882 = arith.constant 6 : i32
    %get3A_883 = arith.index_cast %get3A_882 : i32 to index
    %get3A_884 = arith.constant 224 : index
    %get3A_885 = tpu.vector_load %arg10[%get3A_883, %get3A_884] {strides = array<i32>} : memref<16x256xf32, #tpu.memory_space<vmem>>, vector<16xf32>,
    %mul3A_886 = arith.mulf %get3A_885, %get3A_227 : vector<16xf32>
    %get3A_887 = arith.constant 6 : i32
    %get3A_888 = arith.index_cast %get3A_887 : i32 to index
    %get3A_889 = arith.constant 240 : index
    %get3A_890 = tpu.vector_load %arg10[%get3A_888, %get3A_889] {strides = array<i32>} : memref<16x256xf32, #tpu.memory_space<vmem>>, vector<16xf32>,
    %mul3A_891 = arith.mulf %get3A_890, %get3A_229 : vector<16xf32>
    %add3A_892 = arith.addf %mul3A_816, %mul3A_821 : vector<16xf32>
    %add3A_893 = arith.addf %mul3A_826, %mul3A_831 : vector<16xf32>
    %add3A_894 = arith.addf %mul3A_836, %mul3A_841 : vector<16xf32>
    %add3A_895 = arith.addf %mul3A_846, %mul3A_851 : vector<16xf32>
    %add3A_896 = arith.addf %mul3A_856, %mul3A_861 : vector<16xf32>
    %add3A_897 = arith.addf %mul3A_866, %mul3A_871 : vector<16xf32>
    %add3A_898 = arith.addf %mul3A_876, %mul3A_881 : vector<16xf32>
    %add3A_899 = arith.addf %mul3A_886, %mul3A_891 : vector<16xf32>
    %add3A_900 = arith.addf %add3A_892, %add3A_893 : vector<16xf32>
    %add3A_901 = arith.addf %add3A_894, %add3A_895 : vector<16xf32>
    %add3A_902 = arith.addf %add3A_896, %add3A_897 : vector<16xf32>
    %add3A_903 = arith.addf %add3A_898, %add3A_899 : vector<16xf32>
    %add3A_904 = arith.addf %add3A_900, %add3A_901 : vector<16xf32>
    %add3A_905 = arith.addf %add3A_902, %add3A_903 : vector<16xf32>
    %add3A_906 = arith.addf %add3A_904, %add3A_905 : vector<16xf32>
    %swap3A_907 = arith.constant 96 : index
    %swap3A_908 = tpu.vector_load %arg15[%swap3A_907] {strides = array<i32>} : memref<2048xf32, #tpu.memory_space<vmem>>, vector<16xf32>,
    tpu.vector_store %arg15[%swap3A_907], %add3A_906 {strides = array<i32>} : memref<2048xf32, #tpu.memory_space<vmem>>, vector<16xf32>,
    %get3A_909 = arith.constant 7 : i32
    %get3A_910 = arith.index_cast %get3A_909 : i32 to index
    %get3A_911 = arith.constant 0 : index
    %get3A_912 = tpu.vector_load %arg10[%get3A_910, %get3A_911] {strides = array<i32>} : memref<16x256xf32, #tpu.memory_space<vmem>>, vector<16xf32>,
    %mul3A_913 = arith.mulf %get3A_912, %get3A_199 : vector<16xf32>
    %get3A_914 = arith.constant 7 : i32
    %get3A_915 = arith.index_cast %get3A_914 : i32 to index
    %get3A_916 = arith.constant 16 : index
    %get3A_917 = tpu.vector_load %arg10[%get3A_915, %get3A_916] {strides = array<i32>} : memref<16x256xf32, #tpu.memory_space<vmem>>, vector<16xf32>,
    %mul3A_918 = arith.mulf %get3A_917, %get3A_201 : vector<16xf32>
    %get3A_919 = arith.constant 7 : i32
    %get3A_920 = arith.index_cast %get3A_919 : i32 to index
    %get3A_921 = arith.constant 32 : index
    %get3A_922 = tpu.vector_load %arg10[%get3A_920, %get3A_921] {strides = array<i32>} : memref<16x256xf32, #tpu.memory_space<vmem>>, vector<16xf32>,
    %mul3A_923 = arith.mulf %get3A_922, %get3A_203 : vector<16xf32>
    %get3A_924 = arith.constant 7 : i32
    %get3A_925 = arith.index_cast %get3A_924 : i32 to index
    %get3A_926 = arith.constant 48 : index
    %get3A_927 = tpu.vector_load %arg10[%get3A_925, %get3A_926] {strides = array<i32>} : memref<16x256xf32, #tpu.memory_space<vmem>>, vector<16xf32>,
    %mul3A_928 = arith.mulf %get3A_927, %get3A_205 : vector<16xf32>
    %get3A_929 = arith.constant 7 : i32
    %get3A_930 = arith.index_cast %get3A_929 : i32 to index
    %get3A_931 = arith.constant 64 : index
    %get3A_932 = tpu.vector_load %arg10[%get3A_930, %get3A_931] {strides = array<i32>} : memref<16x256xf32, #tpu.memory_space<vmem>>, vector<16xf32>,
    %mul3A_933 = arith.mulf %get3A_932, %get3A_207 : vector<16xf32>
    %get3A_934 = arith.constant 7 : i32
    %get3A_935 = arith.index_cast %get3A_934 : i32 to index
    %get3A_936 = arith.constant 80 : index
    %get3A_937 = tpu.vector_load %arg10[%get3A_935, %get3A_936] {strides = array<i32>} : memref<16x256xf32, #tpu.memory_space<vmem>>, vector<16xf32>,
    %mul3A_938 = arith.mulf %get3A_937, %get3A_209 : vector<16xf32>
    %get3A_939 = arith.constant 7 : i32
    %get3A_940 = arith.index_cast %get3A_939 : i32 to index
    %get3A_941 = arith.constant 96 : index
    %get3A_942 = tpu.vector_load %arg10[%get3A_940, %get3A_941] {strides = array<i32>} : memref<16x256xf32, #tpu.memory_space<vmem>>, vector<16xf32>,
    %mul3A_943 = arith.mulf %get3A_942, %get3A_211 : vector<16xf32>
    %get3A_944 = arith.constant 7 : i32
    %get3A_945 = arith.index_cast %get3A_944 : i32 to index
    %get3A_946 = arith.constant 112 : index
    %get3A_947 = tpu.vector_load %arg10[%get3A_945, %get3A_946] {strides = array<i32>} : memref<16x256xf32, #tpu.memory_space<vmem>>, vector<16xf32>,
    %mul3A_948 = arith.mulf %get3A_947, %get3A_213 : vector<16xf32>
    %get3A_949 = arith.constant 7 : i32
    %get3A_950 = arith.index_cast %get3A_949 : i32 to index
    %get3A_951 = arith.constant 128 : index
    %get3A_952 = tpu.vector_load %arg10[%get3A_950, %get3A_951] {strides = array<i32>} : memref<16x256xf32, #tpu.memory_space<vmem>>, vector<16xf32>,
    %mul3A_953 = arith.mulf %get3A_952, %get3A_215 : vector<16xf32>
    %get3A_954 = arith.constant 7 : i32
    %get3A_955 = arith.index_cast %get3A_954 : i32 to index
    %get3A_956 = arith.constant 144 : index
    %get3A_957 = tpu.vector_load %arg10[%get3A_955, %get3A_956] {strides = array<i32>} : memref<16x256xf32, #tpu.memory_space<vmem>>, vector<16xf32>,
    %mul3A_958 = arith.mulf %get3A_957, %get3A_217 : vector<16xf32>
    %get3A_959 = arith.constant 7 : i32
    %get3A_960 = arith.index_cast %get3A_959 : i32 to index
    %get3A_961 = arith.constant 160 : index
    %get3A_962 = tpu.vector_load %arg10[%get3A_960, %get3A_961] {strides = array<i32>} : memref<16x256xf32, #tpu.memory_space<vmem>>, vector<16xf32>,
    %mul3A_963 = arith.mulf %get3A_962, %get3A_219 : vector<16xf32>
    %get3A_964 = arith.constant 7 : i32
    %get3A_965 = arith.index_cast %get3A_964 : i32 to index
    %get3A_966 = arith.constant 176 : index
    %get3A_967 = tpu.vector_load %arg10[%get3A_965, %get3A_966] {strides = array<i32>} : memref<16x256xf32, #tpu.memory_space<vmem>>, vector<16xf32>,
    %mul3A_968 = arith.mulf %get3A_967, %get3A_221 : vector<16xf32>
    %get3A_969 = arith.constant 7 : i32
    %get3A_970 = arith.index_cast %get3A_969 : i32 to index
    %get3A_971 = arith.constant 192 : index
    %get3A_972 = tpu.vector_load %arg10[%get3A_970, %get3A_971] {strides = array<i32>} : memref<16x256xf32, #tpu.memory_space<vmem>>, vector<16xf32>,
    %mul3A_973 = arith.mulf %get3A_972, %get3A_223 : vector<16xf32>
    %get3A_974 = arith.constant 7 : i32
    %get3A_975 = arith.index_cast %get3A_974 : i32 to index
    %get3A_976 = arith.constant 208 : index
    %get3A_977 = tpu.vector_load %arg10[%get3A_975, %get3A_976] {strides = array<i32>} : memref<16x256xf32, #tpu.memory_space<vmem>>, vector<16xf32>,
    %mul3A_978 = arith.mulf %get3A_977, %get3A_225 : vector<16xf32>
    %get3A_979 = arith.constant 7 : i32
    %get3A_980 = arith.index_cast %get3A_979 : i32 to index
    %get3A_981 = arith.constant 224 : index
    %get3A_982 = tpu.vector_load %arg10[%get3A_980, %get3A_981] {strides = array<i32>} : memref<16x256xf32, #tpu.memory_space<vmem>>, vector<16xf32>,
    %mul3A_983 = arith.mulf %get3A_982, %get3A_227 : vector<16xf32>
    %get3A_984 = arith.constant 7 : i32
    %get3A_985 = arith.index_cast %get3A_984 : i32 to index
    %get3A_986 = arith.constant 240 : index
    %get3A_987 = tpu.vector_load %arg10[%get3A_985, %get3A_986] {strides = array<i32>} : memref<16x256xf32, #tpu.memory_space<vmem>>, vector<16xf32>,
    %mul3A_988 = arith.mulf %get3A_987, %get3A_229 : vector<16xf32>
    %add3A_989 = arith.addf %mul3A_913, %mul3A_918 : vector<16xf32>
    %add3A_990 = arith.addf %mul3A_923, %mul3A_928 : vector<16xf32>
    %add3A_991 = arith.addf %mul3A_933, %mul3A_938 : vector<16xf32>
    %add3A_992 = arith.addf %mul3A_943, %mul3A_948 : vector<16xf32>
    %add3A_993 = arith.addf %mul3A_953, %mul3A_958 : vector<16xf32>
    %add3A_994 = arith.addf %mul3A_963, %mul3A_968 : vector<16xf32>
    %add3A_995 = arith.addf %mul3A_973, %mul3A_978 : vector<16xf32>
    %add3A_996 = arith.addf %mul3A_983, %mul3A_988 : vector<16xf32>
    %add3A_997 = arith.addf %add3A_989, %add3A_990 : vector<16xf32>
    %add3A_998 = arith.addf %add3A_991, %add3A_992 : vector<16xf32>
    %add3A_999 = arith.addf %add3A_993, %add3A_994 : vector<16xf32>
    %add3A_1000 = arith.addf %add3A_995, %add3A_996 : vector<16xf32>
    %add3A_1001 = arith.addf %add3A_997, %add3A_998 : vector<16xf32>
    %add3A_1002 = arith.addf %add3A_999, %add3A_1000 : vector<16xf32>
    %add3A_1003 = arith.addf %add3A_1001, %add3A_1002 : vector<16xf32>
    %swap3A_1004 = arith.constant 112 : index
    %swap3A_1005 = tpu.vector_load %arg15[%swap3A_1004] {strides = array<i32>} : memref<2048xf32, #tpu.memory_space<vmem>>, vector<16xf32>,
    tpu.vector_store %arg15[%swap3A_1004], %add3A_1003 {strides = array<i32>} : memref<2048xf32, #tpu.memory_space<vmem>>, vector<16xf32>,
    %get3A_1006 = arith.constant 8 : i32
    %get3A_1007 = arith.index_cast %get3A_1006 : i32 to index
    %get3A_1008 = arith.constant 0 : index
    %get3A_1009 = tpu.vector_load %arg10[%get3A_1007, %get3A_1008] {strides = array<i32>} : memref<16x256xf32, #tpu.memory_space<vmem>>, vector<16xf32>,
    %mul3A_1010 = arith.mulf %get3A_1009, %get3A_199 : vector<16xf32>
    %get3A_1011 = arith.constant 8 : i32
    %get3A_1012 = arith.index_cast %get3A_1011 : i32 to index
    %get3A_1013 = arith.constant 16 : index
    %get3A_1014 = tpu.vector_load %arg10[%get3A_1012, %get3A_1013] {strides = array<i32>} : memref<16x256xf32, #tpu.memory_space<vmem>>, vector<16xf32>,
    %mul3A_1015 = arith.mulf %get3A_1014, %get3A_201 : vector<16xf32>
    %get3A_1016 = arith.constant 8 : i32
    %get3A_1017 = arith.index_cast %get3A_1016 : i32 to index
    %get3A_1018 = arith.constant 32 : index
    %get3A_1019 = tpu.vector_load %arg10[%get3A_1017, %get3A_1018] {strides = array<i32>} : memref<16x256xf32, #tpu.memory_space<vmem>>, vector<16xf32>,
    %mul3A_1020 = arith.mulf %get3A_1019, %get3A_203 : vector<16xf32>
    %get3A_1021 = arith.constant 8 : i32
    %get3A_1022 = arith.index_cast %get3A_1021 : i32 to index
    %get3A_1023 = arith.constant 48 : index
    %get3A_1024 = tpu.vector_load %arg10[%get3A_1022, %get3A_1023] {strides = array<i32>} : memref<16x256xf32, #tpu.memory_space<vmem>>, vector<16xf32>,
    %mul3A_1025 = arith.mulf %get3A_1024, %get3A_205 : vector<16xf32>
    %get3A_1026 = arith.constant 8 : i32
    %get3A_1027 = arith.index_cast %get3A_1026 : i32 to index
    %get3A_1028 = arith.constant 64 : index
    %get3A_1029 = tpu.vector_load %arg10[%get3A_1027, %get3A_1028] {strides = array<i32>} : memref<16x256xf32, #tpu.memory_space<vmem>>, vector<16xf32>,
    %mul3A_1030 = arith.mulf %get3A_1029, %get3A_207 : vector<16xf32>
    %get3A_1031 = arith.constant 8 : i32
    %get3A_1032 = arith.index_cast %get3A_1031 : i32 to index
    %get3A_1033 = arith.constant 80 : index
    %get3A_1034 = tpu.vector_load %arg10[%get3A_1032, %get3A_1033] {strides = array<i32>} : memref<16x256xf32, #tpu.memory_space<vmem>>, vector<16xf32>,
    %mul3A_1035 = arith.mulf %get3A_1034, %get3A_209 : vector<16xf32>
    %get3A_1036 = arith.constant 8 : i32
    %get3A_1037 = arith.index_cast %get3A_1036 : i32 to index
    %get3A_1038 = arith.constant 96 : index
    %get3A_1039 = tpu.vector_load %arg10[%get3A_1037, %get3A_1038] {strides = array<i32>} : memref<16x256xf32, #tpu.memory_space<vmem>>, vector<16xf32>,
    %mul3A_1040 = arith.mulf %get3A_1039, %get3A_211 : vector<16xf32>
    %get3A_1041 = arith.constant 8 : i32
    %get3A_1042 = arith.index_cast %get3A_1041 : i32 to index
    %get3A_1043 = arith.constant 112 : index
    %get3A_1044 = tpu.vector_load %arg10[%get3A_1042, %get3A_1043] {strides = array<i32>} : memref<16x256xf32, #tpu.memory_space<vmem>>, vector<16xf32>,
    %mul3A_1045 = arith.mulf %get3A_1044, %get3A_213 : vector<16xf32>
    %get3A_1046 = arith.constant 8 : i32
    %get3A_1047 = arith.index_cast %get3A_1046 : i32 to index
    %get3A_1048 = arith.constant 128 : index
    %get3A_1049 = tpu.vector_load %arg10[%get3A_1047, %get3A_1048] {strides = array<i32>} : memref<16x256xf32, #tpu.memory_space<vmem>>, vector<16xf32>,
    %mul3A_1050 = arith.mulf %get3A_1049, %get3A_215 : vector<16xf32>
    %get3A_1051 = arith.constant 8 : i32
    %get3A_1052 = arith.index_cast %get3A_1051 : i32 to index
    %get3A_1053 = arith.constant 144 : index
    %get3A_1054 = tpu.vector_load %arg10[%get3A_1052, %get3A_1053] {strides = array<i32>} : memref<16x256xf32, #tpu.memory_space<vmem>>, vector<16xf32>,
    %mul3A_1055 = arith.mulf %get3A_1054, %get3A_217 : vector<16xf32>
    %get3A_1056 = arith.constant 8 : i32
    %get3A_1057 = arith.index_cast %get3A_1056 : i32 to index
    %get3A_1058 = arith.constant 160 : index
    %get3A_1059 = tpu.vector_load %arg10[%get3A_1057, %get3A_1058] {strides = array<i32>} : memref<16x256xf32, #tpu.memory_space<vmem>>, vector<16xf32>,
    %mul3A_1060 = arith.mulf %get3A_1059, %get3A_219 : vector<16xf32>
    %get3A_1061 = arith.constant 8 : i32
    %get3A_1062 = arith.index_cast %get3A_1061 : i32 to index
    %get3A_1063 = arith.constant 176 : index
    %get3A_1064 = tpu.vector_load %arg10[%get3A_1062, %get3A_1063] {strides = array<i32>} : memref<16x256xf32, #tpu.memory_space<vmem>>, vector<16xf32>,
    %mul3A_1065 = arith.mulf %get3A_1064, %get3A_221 : vector<16xf32>
    %get3A_1066 = arith.constant 8 : i32
    %get3A_1067 = arith.index_cast %get3A_1066 : i32 to index
    %get3A_1068 = arith.constant 192 : index
    %get3A_1069 = tpu.vector_load %arg10[%get3A_1067, %get3A_1068] {strides = array<i32>} : memref<16x256xf32, #tpu.memory_space<vmem>>, vector<16xf32>,
    %mul3A_1070 = arith.mulf %get3A_1069, %get3A_223 : vector<16xf32>
    %get3A_1071 = arith.constant 8 : i32
    %get3A_1072 = arith.index_cast %get3A_1071 : i32 to index
    %get3A_1073 = arith.constant 208 : index
    %get3A_1074 = tpu.vector_load %arg10[%get3A_1072, %get3A_1073] {strides = array<i32>} : memref<16x256xf32, #tpu.memory_space<vmem>>, vector<16xf32>,
    %mul3A_1075 = arith.mulf %get3A_1074, %get3A_225 : vector<16xf32>
    %get3A_1076 = arith.constant 8 : i32
    %get3A_1077 = arith.index_cast %get3A_1076 : i32 to index
    %get3A_1078 = arith.constant 224 : index
    %get3A_1079 = tpu.vector_load %arg10[%get3A_1077, %get3A_1078] {strides = array<i32>} : memref<16x256xf32, #tpu.memory_space<vmem>>, vector<16xf32>,
    %mul3A_1080 = arith.mulf %get3A_1079, %get3A_227 : vector<16xf32>
    %get3A_1081 = arith.constant 8 : i32
    %get3A_1082 = arith.index_cast %get3A_1081 : i32 to index
    %get3A_1083 = arith.constant 240 : index
    %get3A_1084 = tpu.vector_load %arg10[%get3A_1082, %get3A_1083] {strides = array<i32>} : memref<16x256xf32, #tpu.memory_space<vmem>>, vector<16xf32>,
    %mul3A_1085 = arith.mulf %get3A_1084, %get3A_229 : vector<16xf32>
    %add3A_1086 = arith.addf %mul3A_1010, %mul3A_1015 : vector<16xf32>
    %add3A_1087 = arith.addf %mul3A_1020, %mul3A_1025 : vector<16xf32>
    %add3A_1088 = arith.addf %mul3A_1030, %mul3A_1035 : vector<16xf32>
    %add3A_1089 = arith.addf %mul3A_1040, %mul3A_1045 : vector<16xf32>
    %add3A_1090 = arith.addf %mul3A_1050, %mul3A_1055 : vector<16xf32>
    %add3A_1091 = arith.addf %mul3A_1060, %mul3A_1065 : vector<16xf32>
    %add3A_1092 = arith.addf %mul3A_1070, %mul3A_1075 : vector<16xf32>
    %add3A_1093 = arith.addf %mul3A_1080, %mul3A_1085 : vector<16xf32>
    %add3A_1094 = arith.addf %add3A_1086, %add3A_1087 : vector<16xf32>
    %add3A_1095 = arith.addf %add3A_1088, %add3A_1089 : vector<16xf32>
    %add3A_1096 = arith.addf %add3A_1090, %add3A_1091 : vector<16xf32>
    %add3A_1097 = arith.addf %add3A_1092, %add3A_1093 : vector<16xf32>
    %add3A_1098 = arith.addf %add3A_1094, %add3A_1095 : vector<16xf32>
    %add3A_1099 = arith.addf %add3A_1096, %add3A_1097 : vector<16xf32>
    %add3A_1100 = arith.addf %add3A_1098, %add3A_1099 : vector<16xf32>
    %swap3A_1101 = arith.constant 128 : index
    %swap3A_1102 = tpu.vector_load %arg15[%swap3A_1101] {strides = array<i32>} : memref<2048xf32, #tpu.memory_space<vmem>>, vector<16xf32>,
    tpu.vector_store %arg15[%swap3A_1101], %add3A_1100 {strides = array<i32>} : memref<2048xf32, #tpu.memory_space<vmem>>, vector<16xf32>,
    %get3A_1103 = arith.constant 9 : i32
    %get3A_1104 = arith.index_cast %get3A_1103 : i32 to index
    %get3A_1105 = arith.constant 0 : index
    %get3A_1106 = tpu.vector_load %arg10[%get3A_1104, %get3A_1105] {strides = array<i32>} : memref<16x256xf32, #tpu.memory_space<vmem>>, vector<16xf32>,
    %mul3A_1107 = arith.mulf %get3A_1106, %get3A_199 : vector<16xf32>
    %get3A_1108 = arith.constant 9 : i32
    %get3A_1109 = arith.index_cast %get3A_1108 : i32 to index
    %get3A_1110 = arith.constant 16 : index
    %get3A_1111 = tpu.vector_load %arg10[%get3A_1109, %get3A_1110] {strides = array<i32>} : memref<16x256xf32, #tpu.memory_space<vmem>>, vector<16xf32>,
    %mul3A_1112 = arith.mulf %get3A_1111, %get3A_201 : vector<16xf32>
    %get3A_1113 = arith.constant 9 : i32
    %get3A_1114 = arith.index_cast %get3A_1113 : i32 to index
    %get3A_1115 = arith.constant 32 : index
    %get3A_1116 = tpu.vector_load %arg10[%get3A_1114, %get3A_1115] {strides = array<i32>} : memref<16x256xf32, #tpu.memory_space<vmem>>, vector<16xf32>,
    %mul3A_1117 = arith.mulf %get3A_1116, %get3A_203 : vector<16xf32>
    %get3A_1118 = arith.constant 9 : i32
    %get3A_1119 = arith.index_cast %get3A_1118 : i32 to index
    %get3A_1120 = arith.constant 48 : index
    %get3A_1121 = tpu.vector_load %arg10[%get3A_1119, %get3A_1120] {strides = array<i32>} : memref<16x256xf32, #tpu.memory_space<vmem>>, vector<16xf32>,
    %mul3A_1122 = arith.mulf %get3A_1121, %get3A_205 : vector<16xf32>
    %get3A_1123 = arith.constant 9 : i32
    %get3A_1124 = arith.index_cast %get3A_1123 : i32 to index
    %get3A_1125 = arith.constant 64 : index
    %get3A_1126 = tpu.vector_load %arg10[%get3A_1124, %get3A_1125] {strides = array<i32>} : memref<16x256xf32, #tpu.memory_space<vmem>>, vector<16xf32>,
    %mul3A_1127 = arith.mulf %get3A_1126, %get3A_207 : vector<16xf32>
    %get3A_1128 = arith.constant 9 : i32
    %get3A_1129 = arith.index_cast %get3A_1128 : i32 to index
    %get3A_1130 = arith.constant 80 : index
    %get3A_1131 = tpu.vector_load %arg10[%get3A_1129, %get3A_1130] {strides = array<i32>} : memref<16x256xf32, #tpu.memory_space<vmem>>, vector<16xf32>,
    %mul3A_1132 = arith.mulf %get3A_1131, %get3A_209 : vector<16xf32>
    %get3A_1133 = arith.constant 9 : i32
    %get3A_1134 = arith.index_cast %get3A_1133 : i32 to index
    %get3A_1135 = arith.constant 96 : index
    %get3A_1136 = tpu.vector_load %arg10[%get3A_1134, %get3A_1135] {strides = array<i32>} : memref<16x256xf32, #tpu.memory_space<vmem>>, vector<16xf32>,
    %mul3A_1137 = arith.mulf %get3A_1136, %get3A_211 : vector<16xf32>
    %get3A_1138 = arith.constant 9 : i32
    %get3A_1139 = arith.index_cast %get3A_1138 : i32 to index
    %get3A_1140 = arith.constant 112 : index
    %get3A_1141 = tpu.vector_load %arg10[%get3A_1139, %get3A_1140] {strides = array<i32>} : memref<16x256xf32, #tpu.memory_space<vmem>>, vector<16xf32>,
    %mul3A_1142 = arith.mulf %get3A_1141, %get3A_213 : vector<16xf32>
    %get3A_1143 = arith.constant 9 : i32
    %get3A_1144 = arith.index_cast %get3A_1143 : i32 to index
    %get3A_1145 = arith.constant 128 : index
    %get3A_1146 = tpu.vector_load %arg10[%get3A_1144, %get3A_1145] {strides = array<i32>} : memref<16x256xf32, #tpu.memory_space<vmem>>, vector<16xf32>,
    %mul3A_1147 = arith.mulf %get3A_1146, %get3A_215 : vector<16xf32>
    %get3A_1148 = arith.constant 9 : i32
    %get3A_1149 = arith.index_cast %get3A_1148 : i32 to index
    %get3A_1150 = arith.constant 144 : index
    %get3A_1151 = tpu.vector_load %arg10[%get3A_1149, %get3A_1150] {strides = array<i32>} : memref<16x256xf32, #tpu.memory_space<vmem>>, vector<16xf32>,
    %mul3A_1152 = arith.mulf %get3A_1151, %get3A_217 : vector<16xf32>
    %get3A_1153 = arith.constant 9 : i32
    %get3A_1154 = arith.index_cast %get3A_1153 : i32 to index
    %get3A_1155 = arith.constant 160 : index
    %get3A_1156 = tpu.vector_load %arg10[%get3A_1154, %get3A_1155] {strides = array<i32>} : memref<16x256xf32, #tpu.memory_space<vmem>>, vector<16xf32>,
    %mul3A_1157 = arith.mulf %get3A_1156, %get3A_219 : vector<16xf32>
    %get3A_1158 = arith.constant 9 : i32
    %get3A_1159 = arith.index_cast %get3A_1158 : i32 to index
    %get3A_1160 = arith.constant 176 : index
    %get3A_1161 = tpu.vector_load %arg10[%get3A_1159, %get3A_1160] {strides = array<i32>} : memref<16x256xf32, #tpu.memory_space<vmem>>, vector<16xf32>,
    %mul3A_1162 = arith.mulf %get3A_1161, %get3A_221 : vector<16xf32>
    %get3A_1163 = arith.constant 9 : i32
    %get3A_1164 = arith.index_cast %get3A_1163 : i32 to index
    %get3A_1165 = arith.constant 192 : index
    %get3A_1166 = tpu.vector_load %arg10[%get3A_1164, %get3A_1165] {strides = array<i32>} : memref<16x256xf32, #tpu.memory_space<vmem>>, vector<16xf32>,
    %mul3A_1167 = arith.mulf %get3A_1166, %get3A_223 : vector<16xf32>
    %get3A_1168 = arith.constant 9 : i32
    %get3A_1169 = arith.index_cast %get3A_1168 : i32 to index
    %get3A_1170 = arith.constant 208 : index
    %get3A_1171 = tpu.vector_load %arg10[%get3A_1169, %get3A_1170] {strides = array<i32>} : memref<16x256xf32, #tpu.memory_space<vmem>>, vector<16xf32>,
    %mul3A_1172 = arith.mulf %get3A_1171, %get3A_225 : vector<16xf32>
    %get3A_1173 = arith.constant 9 : i32
    %get3A_1174 = arith.index_cast %get3A_1173 : i32 to index
    %get3A_1175 = arith.constant 224 : index
    %get3A_1176 = tpu.vector_load %arg10[%get3A_1174, %get3A_1175] {strides = array<i32>} : memref<16x256xf32, #tpu.memory_space<vmem>>, vector<16xf32>,
    %mul3A_1177 = arith.mulf %get3A_1176, %get3A_227 : vector<16xf32>
    %get3A_1178 = arith.constant 9 : i32
    %get3A_1179 = arith.index_cast %get3A_1178 : i32 to index
    %get3A_1180 = arith.constant 240 : index
    %get3A_1181 = tpu.vector_load %arg10[%get3A_1179, %get3A_1180] {strides = array<i32>} : memref<16x256xf32, #tpu.memory_space<vmem>>, vector<16xf32>,
    %mul3A_1182 = arith.mulf %get3A_1181, %get3A_229 : vector<16xf32>
    %add3A_1183 = arith.addf %mul3A_1107, %mul3A_1112 : vector<16xf32>
    %add3A_1184 = arith.addf %mul3A_1117, %mul3A_1122 : vector<16xf32>
    %add3A_1185 = arith.addf %mul3A_1127, %mul3A_1132 : vector<16xf32>
    %add3A_1186 = arith.addf %mul3A_1137, %mul3A_1142 : vector<16xf32>
    %add3A_1187 = arith.addf %mul3A_1147, %mul3A_1152 : vector<16xf32>
    %add3A_1188 = arith.addf %mul3A_1157, %mul3A_1162 : vector<16xf32>
    %add3A_1189 = arith.addf %mul3A_1167, %mul3A_1172 : vector<16xf32>
    %add3A_1190 = arith.addf %mul3A_1177, %mul3A_1182 : vector<16xf32>
    %add3A_1191 = arith.addf %add3A_1183, %add3A_1184 : vector<16xf32>
    %add3A_1192 = arith.addf %add3A_1185, %add3A_1186 : vector<16xf32>
    %add3A_1193 = arith.addf %add3A_1187, %add3A_1188 : vector<16xf32>
    %add3A_1194 = arith.addf %add3A_1189, %add3A_1190 : vector<16xf32>
    %add3A_1195 = arith.addf %add3A_1191, %add3A_1192 : vector<16xf32>
    %add3A_1196 = arith.addf %add3A_1193, %add3A_1194 : vector<16xf32>
    %add3A_1197 = arith.addf %add3A_1195, %add3A_1196 : vector<16xf32>
    %swap3A_1198 = arith.constant 144 : index
    %swap3A_1199 = tpu.vector_load %arg15[%swap3A_1198] {strides = array<i32>} : memref<2048xf32, #tpu.memory_space<vmem>>, vector<16xf32>,
    tpu.vector_store %arg15[%swap3A_1198], %add3A_1197 {strides = array<i32>} : memref<2048xf32, #tpu.memory_space<vmem>>, vector<16xf32>,
    %get3A_1200 = arith.constant 10 : i32
    %get3A_1201 = arith.index_cast %get3A_1200 : i32 to index
    %get3A_1202 = arith.constant 0 : index
    %get3A_1203 = tpu.vector_load %arg10[%get3A_1201, %get3A_1202] {strides = array<i32>} : memref<16x256xf32, #tpu.memory_space<vmem>>, vector<16xf32>,
    %mul3A_1204 = arith.mulf %get3A_1203, %get3A_199 : vector<16xf32>
    %get3A_1205 = arith.constant 10 : i32
    %get3A_1206 = arith.index_cast %get3A_1205 : i32 to index
    %get3A_1207 = arith.constant 16 : index
    %get3A_1208 = tpu.vector_load %arg10[%get3A_1206, %get3A_1207] {strides = array<i32>} : memref<16x256xf32, #tpu.memory_space<vmem>>, vector<16xf32>,
    %mul3A_1209 = arith.mulf %get3A_1208, %get3A_201 : vector<16xf32>
    %get3A_1210 = arith.constant 10 : i32
    %get3A_1211 = arith.index_cast %get3A_1210 : i32 to index
    %get3A_1212 = arith.constant 32 : index
    %get3A_1213 = tpu.vector_load %arg10[%get3A_1211, %get3A_1212] {strides = array<i32>} : memref<16x256xf32, #tpu.memory_space<vmem>>, vector<16xf32>,
    %mul3A_1214 = arith.mulf %get3A_1213, %get3A_203 : vector<16xf32>
    %get3A_1215 = arith.constant 10 : i32
    %get3A_1216 = arith.index_cast %get3A_1215 : i32 to index
    %get3A_1217 = arith.constant 48 : index
    %get3A_1218 = tpu.vector_load %arg10[%get3A_1216, %get3A_1217] {strides = array<i32>} : memref<16x256xf32, #tpu.memory_space<vmem>>, vector<16xf32>,
    %mul3A_1219 = arith.mulf %get3A_1218, %get3A_205 : vector<16xf32>
    %get3A_1220 = arith.constant 10 : i32
    %get3A_1221 = arith.index_cast %get3A_1220 : i32 to index
    %get3A_1222 = arith.constant 64 : index
    %get3A_1223 = tpu.vector_load %arg10[%get3A_1221, %get3A_1222] {strides = array<i32>} : memref<16x256xf32, #tpu.memory_space<vmem>>, vector<16xf32>,
    %mul3A_1224 = arith.mulf %get3A_1223, %get3A_207 : vector<16xf32>
    %get3A_1225 = arith.constant 10 : i32
    %get3A_1226 = arith.index_cast %get3A_1225 : i32 to index
    %get3A_1227 = arith.constant 80 : index
    %get3A_1228 = tpu.vector_load %arg10[%get3A_1226, %get3A_1227] {strides = array<i32>} : memref<16x256xf32, #tpu.memory_space<vmem>>, vector<16xf32>,
    %mul3A_1229 = arith.mulf %get3A_1228, %get3A_209 : vector<16xf32>
    %get3A_1230 = arith.constant 10 : i32
    %get3A_1231 = arith.index_cast %get3A_1230 : i32 to index
    %get3A_1232 = arith.constant 96 : index
    %get3A_1233 = tpu.vector_load %arg10[%get3A_1231, %get3A_1232] {strides = array<i32>} : memref<16x256xf32, #tpu.memory_space<vmem>>, vector<16xf32>,
    %mul3A_1234 = arith.mulf %get3A_1233, %get3A_211 : vector<16xf32>
    %get3A_1235 = arith.constant 10 : i32
    %get3A_1236 = arith.index_cast %get3A_1235 : i32 to index
    %get3A_1237 = arith.constant 112 : index
    %get3A_1238 = tpu.vector_load %arg10[%get3A_1236, %get3A_1237] {strides = array<i32>} : memref<16x256xf32, #tpu.memory_space<vmem>>, vector<16xf32>,
    %mul3A_1239 = arith.mulf %get3A_1238, %get3A_213 : vector<16xf32>
    %get3A_1240 = arith.constant 10 : i32
    %get3A_1241 = arith.index_cast %get3A_1240 : i32 to index
    %get3A_1242 = arith.constant 128 : index
    %get3A_1243 = tpu.vector_load %arg10[%get3A_1241, %get3A_1242] {strides = array<i32>} : memref<16x256xf32, #tpu.memory_space<vmem>>, vector<16xf32>,
    %mul3A_1244 = arith.mulf %get3A_1243, %get3A_215 : vector<16xf32>
    %get3A_1245 = arith.constant 10 : i32
    %get3A_1246 = arith.index_cast %get3A_1245 : i32 to index
    %get3A_1247 = arith.constant 144 : index
    %get3A_1248 = tpu.vector_load %arg10[%get3A_1246, %get3A_1247] {strides = array<i32>} : memref<16x256xf32, #tpu.memory_space<vmem>>, vector<16xf32>,
    %mul3A_1249 = arith.mulf %get3A_1248, %get3A_217 : vector<16xf32>
    %get3A_1250 = arith.constant 10 : i32
    %get3A_1251 = arith.index_cast %get3A_1250 : i32 to index
    %get3A_1252 = arith.constant 160 : index
    %get3A_1253 = tpu.vector_load %arg10[%get3A_1251, %get3A_1252] {strides = array<i32>} : memref<16x256xf32, #tpu.memory_space<vmem>>, vector<16xf32>,
    %mul3A_1254 = arith.mulf %get3A_1253, %get3A_219 : vector<16xf32>
    %get3A_1255 = arith.constant 10 : i32
    %get3A_1256 = arith.index_cast %get3A_1255 : i32 to index
    %get3A_1257 = arith.constant 176 : index
    %get3A_1258 = tpu.vector_load %arg10[%get3A_1256, %get3A_1257] {strides = array<i32>} : memref<16x256xf32, #tpu.memory_space<vmem>>, vector<16xf32>,
    %mul3A_1259 = arith.mulf %get3A_1258, %get3A_221 : vector<16xf32>
    %get3A_1260 = arith.constant 10 : i32
    %get3A_1261 = arith.index_cast %get3A_1260 : i32 to index
    %get3A_1262 = arith.constant 192 : index
    %get3A_1263 = tpu.vector_load %arg10[%get3A_1261, %get3A_1262] {strides = array<i32>} : memref<16x256xf32, #tpu.memory_space<vmem>>, vector<16xf32>,
    %mul3A_1264 = arith.mulf %get3A_1263, %get3A_223 : vector<16xf32>
    %get3A_1265 = arith.constant 10 : i32
    %get3A_1266 = arith.index_cast %get3A_1265 : i32 to index
    %get3A_1267 = arith.constant 208 : index
    %get3A_1268 = tpu.vector_load %arg10[%get3A_1266, %get3A_1267] {strides = array<i32>} : memref<16x256xf32, #tpu.memory_space<vmem>>, vector<16xf32>,
    %mul3A_1269 = arith.mulf %get3A_1268, %get3A_225 : vector<16xf32>
    %get3A_1270 = arith.constant 10 : i32
    %get3A_1271 = arith.index_cast %get3A_1270 : i32 to index
    %get3A_1272 = arith.constant 224 : index
    %get3A_1273 = tpu.vector_load %arg10[%get3A_1271, %get3A_1272] {strides = array<i32>} : memref<16x256xf32, #tpu.memory_space<vmem>>, vector<16xf32>,
    %mul3A_1274 = arith.mulf %get3A_1273, %get3A_227 : vector<16xf32>
    %get3A_1275 = arith.constant 10 : i32
    %get3A_1276 = arith.index_cast %get3A_1275 : i32 to index
    %get3A_1277 = arith.constant 240 : index
    %get3A_1278 = tpu.vector_load %arg10[%get3A_1276, %get3A_1277] {strides = array<i32>} : memref<16x256xf32, #tpu.memory_space<vmem>>, vector<16xf32>,
    %mul3A_1279 = arith.mulf %get3A_1278, %get3A_229 : vector<16xf32>
    %add3A_1280 = arith.addf %mul3A_1204, %mul3A_1209 : vector<16xf32>
    %add3A_1281 = arith.addf %mul3A_1214, %mul3A_1219 : vector<16xf32>
    %add3A_1282 = arith.addf %mul3A_1224, %mul3A_1229 : vector<16xf32>
    %add3A_1283 = arith.addf %mul3A_1234, %mul3A_1239 : vector<16xf32>
    %add3A_1284 = arith.addf %mul3A_1244, %mul3A_1249 : vector<16xf32>
    %add3A_1285 = arith.addf %mul3A_1254, %mul3A_1259 : vector<16xf32>
    %add3A_1286 = arith.addf %mul3A_1264, %mul3A_1269 : vector<16xf32>
    %add3A_1287 = arith.addf %mul3A_1274, %mul3A_1279 : vector<16xf32>
    %add3A_1288 = arith.addf %add3A_1280, %add3A_1281 : vector<16xf32>
    %add3A_1289 = arith.addf %add3A_1282, %add3A_1283 : vector<16xf32>
    %add3A_1290 = arith.addf %add3A_1284, %add3A_1285 : vector<16xf32>
    %add3A_1291 = arith.addf %add3A_1286, %add3A_1287 : vector<16xf32>
    %add3A_1292 = arith.addf %add3A_1288, %add3A_1289 : vector<16xf32>
    %add3A_1293 = arith.addf %add3A_1290, %add3A_1291 : vector<16xf32>
    %add3A_1294 = arith.addf %add3A_1292, %add3A_1293 : vector<16xf32>
    %swap3A_1295 = arith.constant 160 : index
    %swap3A_1296 = tpu.vector_load %arg15[%swap3A_1295] {strides = array<i32>} : memref<2048xf32, #tpu.memory_space<vmem>>, vector<16xf32>,
    tpu.vector_store %arg15[%swap3A_1295], %add3A_1294 {strides = array<i32>} : memref<2048xf32, #tpu.memory_space<vmem>>, vector<16xf32>,
    %get3A_1297 = arith.constant 11 : i32
    %get3A_1298 = arith.index_cast %get3A_1297 : i32 to index
    %get3A_1299 = arith.constant 0 : index
    %get3A_1300 = tpu.vector_load %arg10[%get3A_1298, %get3A_1299] {strides = array<i32>} : memref<16x256xf32, #tpu.memory_space<vmem>>, vector<16xf32>,
    %mul3A_1301 = arith.mulf %get3A_1300, %get3A_199 : vector<16xf32>
    %get3A_1302 = arith.constant 11 : i32
    %get3A_1303 = arith.index_cast %get3A_1302 : i32 to index
    %get3A_1304 = arith.constant 16 : index
    %get3A_1305 = tpu.vector_load %arg10[%get3A_1303, %get3A_1304] {strides = array<i32>} : memref<16x256xf32, #tpu.memory_space<vmem>>, vector<16xf32>,
    %mul3A_1306 = arith.mulf %get3A_1305, %get3A_201 : vector<16xf32>
    %get3A_1307 = arith.constant 11 : i32
    %get3A_1308 = arith.index_cast %get3A_1307 : i32 to index
    %get3A_1309 = arith.constant 32 : index
    %get3A_1310 = tpu.vector_load %arg10[%get3A_1308, %get3A_1309] {strides = array<i32>} : memref<16x256xf32, #tpu.memory_space<vmem>>, vector<16xf32>,
    %mul3A_1311 = arith.mulf %get3A_1310, %get3A_203 : vector<16xf32>
    %get3A_1312 = arith.constant 11 : i32
    %get3A_1313 = arith.index_cast %get3A_1312 : i32 to index
    %get3A_1314 = arith.constant 48 : index
    %get3A_1315 = tpu.vector_load %arg10[%get3A_1313, %get3A_1314] {strides = array<i32>} : memref<16x256xf32, #tpu.memory_space<vmem>>, vector<16xf32>,
    %mul3A_1316 = arith.mulf %get3A_1315, %get3A_205 : vector<16xf32>
    %get3A_1317 = arith.constant 11 : i32
    %get3A_1318 = arith.index_cast %get3A_1317 : i32 to index
    %get3A_1319 = arith.constant 64 : index
    %get3A_1320 = tpu.vector_load %arg10[%get3A_1318, %get3A_1319] {strides = array<i32>} : memref<16x256xf32, #tpu.memory_space<vmem>>, vector<16xf32>,
    %mul3A_1321 = arith.mulf %get3A_1320, %get3A_207 : vector<16xf32>
    %get3A_1322 = arith.constant 11 : i32
    %get3A_1323 = arith.index_cast %get3A_1322 : i32 to index
    %get3A_1324 = arith.constant 80 : index
    %get3A_1325 = tpu.vector_load %arg10[%get3A_1323, %get3A_1324] {strides = array<i32>} : memref<16x256xf32, #tpu.memory_space<vmem>>, vector<16xf32>,
    %mul3A_1326 = arith.mulf %get3A_1325, %get3A_209 : vector<16xf32>
    %get3A_1327 = arith.constant 11 : i32
    %get3A_1328 = arith.index_cast %get3A_1327 : i32 to index
    %get3A_1329 = arith.constant 96 : index
    %get3A_1330 = tpu.vector_load %arg10[%get3A_1328, %get3A_1329] {strides = array<i32>} : memref<16x256xf32, #tpu.memory_space<vmem>>, vector<16xf32>,
    %mul3A_1331 = arith.mulf %get3A_1330, %get3A_211 : vector<16xf32>
    %get3A_1332 = arith.constant 11 : i32
    %get3A_1333 = arith.index_cast %get3A_1332 : i32 to index
    %get3A_1334 = arith.constant 112 : index
    %get3A_1335 = tpu.vector_load %arg10[%get3A_1333, %get3A_1334] {strides = array<i32>} : memref<16x256xf32, #tpu.memory_space<vmem>>, vector<16xf32>,
    %mul3A_1336 = arith.mulf %get3A_1335, %get3A_213 : vector<16xf32>
    %get3A_1337 = arith.constant 11 : i32
    %get3A_1338 = arith.index_cast %get3A_1337 : i32 to index
    %get3A_1339 = arith.constant 128 : index
    %get3A_1340 = tpu.vector_load %arg10[%get3A_1338, %get3A_1339] {strides = array<i32>} : memref<16x256xf32, #tpu.memory_space<vmem>>, vector<16xf32>,
    %mul3A_1341 = arith.mulf %get3A_1340, %get3A_215 : vector<16xf32>
    %get3A_1342 = arith.constant 11 : i32
    %get3A_1343 = arith.index_cast %get3A_1342 : i32 to index
    %get3A_1344 = arith.constant 144 : index
    %get3A_1345 = tpu.vector_load %arg10[%get3A_1343, %get3A_1344] {strides = array<i32>} : memref<16x256xf32, #tpu.memory_space<vmem>>, vector<16xf32>,
    %mul3A_1346 = arith.mulf %get3A_1345, %get3A_217 : vector<16xf32>
    %get3A_1347 = arith.constant 11 : i32
    %get3A_1348 = arith.index_cast %get3A_1347 : i32 to index
    %get3A_1349 = arith.constant 160 : index
    %get3A_1350 = tpu.vector_load %arg10[%get3A_1348, %get3A_1349] {strides = array<i32>} : memref<16x256xf32, #tpu.memory_space<vmem>>, vector<16xf32>,
    %mul3A_1351 = arith.mulf %get3A_1350, %get3A_219 : vector<16xf32>
    %get3A_1352 = arith.constant 11 : i32
    %get3A_1353 = arith.index_cast %get3A_1352 : i32 to index
    %get3A_1354 = arith.constant 176 : index
    %get3A_1355 = tpu.vector_load %arg10[%get3A_1353, %get3A_1354] {strides = array<i32>} : memref<16x256xf32, #tpu.memory_space<vmem>>, vector<16xf32>,
    %mul3A_1356 = arith.mulf %get3A_1355, %get3A_221 : vector<16xf32>
    %get3A_1357 = arith.constant 11 : i32
    %get3A_1358 = arith.index_cast %get3A_1357 : i32 to index
    %get3A_1359 = arith.constant 192 : index
    %get3A_1360 = tpu.vector_load %arg10[%get3A_1358, %get3A_1359] {strides = array<i32>} : memref<16x256xf32, #tpu.memory_space<vmem>>, vector<16xf32>,
    %mul3A_1361 = arith.mulf %get3A_1360, %get3A_223 : vector<16xf32>
    %get3A_1362 = arith.constant 11 : i32
    %get3A_1363 = arith.index_cast %get3A_1362 : i32 to index
    %get3A_1364 = arith.constant 208 : index
    %get3A_1365 = tpu.vector_load %arg10[%get3A_1363, %get3A_1364] {strides = array<i32>} : memref<16x256xf32, #tpu.memory_space<vmem>>, vector<16xf32>,
    %mul3A_1366 = arith.mulf %get3A_1365, %get3A_225 : vector<16xf32>
    %get3A_1367 = arith.constant 11 : i32
    %get3A_1368 = arith.index_cast %get3A_1367 : i32 to index
    %get3A_1369 = arith.constant 224 : index
    %get3A_1370 = tpu.vector_load %arg10[%get3A_1368, %get3A_1369] {strides = array<i32>} : memref<16x256xf32, #tpu.memory_space<vmem>>, vector<16xf32>,
    %mul3A_1371 = arith.mulf %get3A_1370, %get3A_227 : vector<16xf32>
    %get3A_1372 = arith.constant 11 : i32
    %get3A_1373 = arith.index_cast %get3A_1372 : i32 to index
    %get3A_1374 = arith.constant 240 : index
    %get3A_1375 = tpu.vector_load %arg10[%get3A_1373, %get3A_1374] {strides = array<i32>} : memref<16x256xf32, #tpu.memory_space<vmem>>, vector<16xf32>,
    %mul3A_1376 = arith.mulf %get3A_1375, %get3A_229 : vector<16xf32>
    %add3A_1377 = arith.addf %mul3A_1301, %mul3A_1306 : vector<16xf32>
    %add3A_1378 = arith.addf %mul3A_1311, %mul3A_1316 : vector<16xf32>
    %add3A_1379 = arith.addf %mul3A_1321, %mul3A_1326 : vector<16xf32>
    %add3A_1380 = arith.addf %mul3A_1331, %mul3A_1336 : vector<16xf32>
    %add3A_1381 = arith.addf %mul3A_1341, %mul3A_1346 : vector<16xf32>
    %add3A_1382 = arith.addf %mul3A_1351, %mul3A_1356 : vector<16xf32>
    %add3A_1383 = arith.addf %mul3A_1361, %mul3A_1366 : vector<16xf32>
    %add3A_1384 = arith.addf %mul3A_1371, %mul3A_1376 : vector<16xf32>
    %add3A_1385 = arith.addf %add3A_1377, %add3A_1378 : vector<16xf32>
    %add3A_1386 = arith.addf %add3A_1379, %add3A_1380 : vector<16xf32>
    %add3A_1387 = arith.addf %add3A_1381, %add3A_1382 : vector<16xf32>
    %add3A_1388 = arith.addf %add3A_1383, %add3A_1384 : vector<16xf32>
    %add3A_1389 = arith.addf %add3A_1385, %add3A_1386 : vector<16xf32>
    %add3A_1390 = arith.addf %add3A_1387, %add3A_1388 : vector<16xf32>
    %add3A_1391 = arith.addf %add3A_1389, %add3A_1390 : vector<16xf32>
    %swap3A_1392 = arith.constant 176 : index
    %swap3A_1393 = tpu.vector_load %arg15[%swap3A_1392] {strides = array<i32>} : memref<2048xf32, #tpu.memory_space<vmem>>, vector<16xf32>,
    tpu.vector_store %arg15[%swap3A_1392], %add3A_1391 {strides = array<i32>} : memref<2048xf32, #tpu.memory_space<vmem>>, vector<16xf32>,
    %get3A_1394 = arith.constant 12 : i32
    %get3A_1395 = arith.index_cast %get3A_1394 : i32 to index
    %get3A_1396 = arith.constant 0 : index
    %get3A_1397 = tpu.vector_load %arg10[%get3A_1395, %get3A_1396] {strides = array<i32>} : memref<16x256xf32, #tpu.memory_space<vmem>>, vector<16xf32>,
    %mul3A_1398 = arith.mulf %get3A_1397, %get3A_199 : vector<16xf32>
    %get3A_1399 = arith.constant 12 : i32
    %get3A_1400 = arith.index_cast %get3A_1399 : i32 to index
    %get3A_1401 = arith.constant 16 : index
    %get3A_1402 = tpu.vector_load %arg10[%get3A_1400, %get3A_1401] {strides = array<i32>} : memref<16x256xf32, #tpu.memory_space<vmem>>, vector<16xf32>,
    %mul3A_1403 = arith.mulf %get3A_1402, %get3A_201 : vector<16xf32>
    %get3A_1404 = arith.constant 12 : i32
    %get3A_1405 = arith.index_cast %get3A_1404 : i32 to index
    %get3A_1406 = arith.constant 32 : index
    %get3A_1407 = tpu.vector_load %arg10[%get3A_1405, %get3A_1406] {strides = array<i32>} : memref<16x256xf32, #tpu.memory_space<vmem>>, vector<16xf32>,
    %mul3A_1408 = arith.mulf %get3A_1407, %get3A_203 : vector<16xf32>
    %get3A_1409 = arith.constant 12 : i32
    %get3A_1410 = arith.index_cast %get3A_1409 : i32 to index
    %get3A_1411 = arith.constant 48 : index
    %get3A_1412 = tpu.vector_load %arg10[%get3A_1410, %get3A_1411] {strides = array<i32>} : memref<16x256xf32, #tpu.memory_space<vmem>>, vector<16xf32>,
    %mul3A_1413 = arith.mulf %get3A_1412, %get3A_205 : vector<16xf32>
    %get3A_1414 = arith.constant 12 : i32
    %get3A_1415 = arith.index_cast %get3A_1414 : i32 to index
    %get3A_1416 = arith.constant 64 : index
    %get3A_1417 = tpu.vector_load %arg10[%get3A_1415, %get3A_1416] {strides = array<i32>} : memref<16x256xf32, #tpu.memory_space<vmem>>, vector<16xf32>,
    %mul3A_1418 = arith.mulf %get3A_1417, %get3A_207 : vector<16xf32>
    %get3A_1419 = arith.constant 12 : i32
    %get3A_1420 = arith.index_cast %get3A_1419 : i32 to index
    %get3A_1421 = arith.constant 80 : index
    %get3A_1422 = tpu.vector_load %arg10[%get3A_1420, %get3A_1421] {strides = array<i32>} : memref<16x256xf32, #tpu.memory_space<vmem>>, vector<16xf32>,
    %mul3A_1423 = arith.mulf %get3A_1422, %get3A_209 : vector<16xf32>
    %get3A_1424 = arith.constant 12 : i32
    %get3A_1425 = arith.index_cast %get3A_1424 : i32 to index
    %get3A_1426 = arith.constant 96 : index
    %get3A_1427 = tpu.vector_load %arg10[%get3A_1425, %get3A_1426] {strides = array<i32>} : memref<16x256xf32, #tpu.memory_space<vmem>>, vector<16xf32>,
    %mul3A_1428 = arith.mulf %get3A_1427, %get3A_211 : vector<16xf32>
    %get3A_1429 = arith.constant 12 : i32
    %get3A_1430 = arith.index_cast %get3A_1429 : i32 to index
    %get3A_1431 = arith.constant 112 : index
    %get3A_1432 = tpu.vector_load %arg10[%get3A_1430, %get3A_1431] {strides = array<i32>} : memref<16x256xf32, #tpu.memory_space<vmem>>, vector<16xf32>,
    %mul3A_1433 = arith.mulf %get3A_1432, %get3A_213 : vector<16xf32>
    %get3A_1434 = arith.constant 12 : i32
    %get3A_1435 = arith.index_cast %get3A_1434 : i32 to index
    %get3A_1436 = arith.constant 128 : index
    %get3A_1437 = tpu.vector_load %arg10[%get3A_1435, %get3A_1436] {strides = array<i32>} : memref<16x256xf32, #tpu.memory_space<vmem>>, vector<16xf32>,
    %mul3A_1438 = arith.mulf %get3A_1437, %get3A_215 : vector<16xf32>
    %get3A_1439 = arith.constant 12 : i32
    %get3A_1440 = arith.index_cast %get3A_1439 : i32 to index
    %get3A_1441 = arith.constant 144 : index
    %get3A_1442 = tpu.vector_load %arg10[%get3A_1440, %get3A_1441] {strides = array<i32>} : memref<16x256xf32, #tpu.memory_space<vmem>>, vector<16xf32>,
    %mul3A_1443 = arith.mulf %get3A_1442, %get3A_217 : vector<16xf32>
    %get3A_1444 = arith.constant 12 : i32
    %get3A_1445 = arith.index_cast %get3A_1444 : i32 to index
    %get3A_1446 = arith.constant 160 : index
    %get3A_1447 = tpu.vector_load %arg10[%get3A_1445, %get3A_1446] {strides = array<i32>} : memref<16x256xf32, #tpu.memory_space<vmem>>, vector<16xf32>,
    %mul3A_1448 = arith.mulf %get3A_1447, %get3A_219 : vector<16xf32>
    %get3A_1449 = arith.constant 12 : i32
    %get3A_1450 = arith.index_cast %get3A_1449 : i32 to index
    %get3A_1451 = arith.constant 176 : index
    %get3A_1452 = tpu.vector_load %arg10[%get3A_1450, %get3A_1451] {strides = array<i32>} : memref<16x256xf32, #tpu.memory_space<vmem>>, vector<16xf32>,
    %mul3A_1453 = arith.mulf %get3A_1452, %get3A_221 : vector<16xf32>
    %get3A_1454 = arith.constant 12 : i32
    %get3A_1455 = arith.index_cast %get3A_1454 : i32 to index
    %get3A_1456 = arith.constant 192 : index
    %get3A_1457 = tpu.vector_load %arg10[%get3A_1455, %get3A_1456] {strides = array<i32>} : memref<16x256xf32, #tpu.memory_space<vmem>>, vector<16xf32>,
    %mul3A_1458 = arith.mulf %get3A_1457, %get3A_223 : vector<16xf32>
    %get3A_1459 = arith.constant 12 : i32
    %get3A_1460 = arith.index_cast %get3A_1459 : i32 to index
    %get3A_1461 = arith.constant 208 : index
    %get3A_1462 = tpu.vector_load %arg10[%get3A_1460, %get3A_1461] {strides = array<i32>} : memref<16x256xf32, #tpu.memory_space<vmem>>, vector<16xf32>,
    %mul3A_1463 = arith.mulf %get3A_1462, %get3A_225 : vector<16xf32>
    %get3A_1464 = arith.constant 12 : i32
    %get3A_1465 = arith.index_cast %get3A_1464 : i32 to index
    %get3A_1466 = arith.constant 224 : index
    %get3A_1467 = tpu.vector_load %arg10[%get3A_1465, %get3A_1466] {strides = array<i32>} : memref<16x256xf32, #tpu.memory_space<vmem>>, vector<16xf32>,
    %mul3A_1468 = arith.mulf %get3A_1467, %get3A_227 : vector<16xf32>
    %get3A_1469 = arith.constant 12 : i32
    %get3A_1470 = arith.index_cast %get3A_1469 : i32 to index
    %get3A_1471 = arith.constant 240 : index
    %get3A_1472 = tpu.vector_load %arg10[%get3A_1470, %get3A_1471] {strides = array<i32>} : memref<16x256xf32, #tpu.memory_space<vmem>>, vector<16xf32>,
    %mul3A_1473 = arith.mulf %get3A_1472, %get3A_229 : vector<16xf32>
    %add3A_1474 = arith.addf %mul3A_1398, %mul3A_1403 : vector<16xf32>
    %add3A_1475 = arith.addf %mul3A_1408, %mul3A_1413 : vector<16xf32>
    %add3A_1476 = arith.addf %mul3A_1418, %mul3A_1423 : vector<16xf32>
    %add3A_1477 = arith.addf %mul3A_1428, %mul3A_1433 : vector<16xf32>
    %add3A_1478 = arith.addf %mul3A_1438, %mul3A_1443 : vector<16xf32>
    %add3A_1479 = arith.addf %mul3A_1448, %mul3A_1453 : vector<16xf32>
    %add3A_1480 = arith.addf %mul3A_1458, %mul3A_1463 : vector<16xf32>
    %add3A_1481 = arith.addf %mul3A_1468, %mul3A_1473 : vector<16xf32>
    %add3A_1482 = arith.addf %add3A_1474, %add3A_1475 : vector<16xf32>
    %add3A_1483 = arith.addf %add3A_1476, %add3A_1477 : vector<16xf32>
    %add3A_1484 = arith.addf %add3A_1478, %add3A_1479 : vector<16xf32>
    %add3A_1485 = arith.addf %add3A_1480, %add3A_1481 : vector<16xf32>
    %add3A_1486 = arith.addf %add3A_1482, %add3A_1483 : vector<16xf32>
    %add3A_1487 = arith.addf %add3A_1484, %add3A_1485 : vector<16xf32>
    %add3A_1488 = arith.addf %add3A_1486, %add3A_1487 : vector<16xf32>
    %swap3A_1489 = arith.constant 192 : index
    %swap3A_1490 = tpu.vector_load %arg15[%swap3A_1489] {strides = array<i32>} : memref<2048xf32, #tpu.memory_space<vmem>>, vector<16xf32>,
    tpu.vector_store %arg15[%swap3A_1489], %add3A_1488 {strides = array<i32>} : memref<2048xf32, #tpu.memory_space<vmem>>, vector<16xf32>,
    %get3A_1491 = arith.constant 13 : i32
    %get3A_1492 = arith.index_cast %get3A_1491 : i32 to index
    %get3A_1493 = arith.constant 0 : index
    %get3A_1494 = tpu.vector_load %arg10[%get3A_1492, %get3A_1493] {strides = array<i32>} : memref<16x256xf32, #tpu.memory_space<vmem>>, vector<16xf32>,
    %mul3A_1495 = arith.mulf %get3A_1494, %get3A_199 : vector<16xf32>
    %get3A_1496 = arith.constant 13 : i32
    %get3A_1497 = arith.index_cast %get3A_1496 : i32 to index
    %get3A_1498 = arith.constant 16 : index
    %get3A_1499 = tpu.vector_load %arg10[%get3A_1497, %get3A_1498] {strides = array<i32>} : memref<16x256xf32, #tpu.memory_space<vmem>>, vector<16xf32>,
    %mul3A_1500 = arith.mulf %get3A_1499, %get3A_201 : vector<16xf32>
    %get3A_1501 = arith.constant 13 : i32
    %get3A_1502 = arith.index_cast %get3A_1501 : i32 to index
    %get3A_1503 = arith.constant 32 : index
    %get3A_1504 = tpu.vector_load %arg10[%get3A_1502, %get3A_1503] {strides = array<i32>} : memref<16x256xf32, #tpu.memory_space<vmem>>, vector<16xf32>,
    %mul3A_1505 = arith.mulf %get3A_1504, %get3A_203 : vector<16xf32>
    %get3A_1506 = arith.constant 13 : i32
    %get3A_1507 = arith.index_cast %get3A_1506 : i32 to index
    %get3A_1508 = arith.constant 48 : index
    %get3A_1509 = tpu.vector_load %arg10[%get3A_1507, %get3A_1508] {strides = array<i32>} : memref<16x256xf32, #tpu.memory_space<vmem>>, vector<16xf32>,
    %mul3A_1510 = arith.mulf %get3A_1509, %get3A_205 : vector<16xf32>
    %get3A_1511 = arith.constant 13 : i32
    %get3A_1512 = arith.index_cast %get3A_1511 : i32 to index
    %get3A_1513 = arith.constant 64 : index
    %get3A_1514 = tpu.vector_load %arg10[%get3A_1512, %get3A_1513] {strides = array<i32>} : memref<16x256xf32, #tpu.memory_space<vmem>>, vector<16xf32>,
    %mul3A_1515 = arith.mulf %get3A_1514, %get3A_207 : vector<16xf32>
    %get3A_1516 = arith.constant 13 : i32
    %get3A_1517 = arith.index_cast %get3A_1516 : i32 to index
    %get3A_1518 = arith.constant 80 : index
    %get3A_1519 = tpu.vector_load %arg10[%get3A_1517, %get3A_1518] {strides = array<i32>} : memref<16x256xf32, #tpu.memory_space<vmem>>, vector<16xf32>,
    %mul3A_1520 = arith.mulf %get3A_1519, %get3A_209 : vector<16xf32>
    %get3A_1521 = arith.constant 13 : i32
    %get3A_1522 = arith.index_cast %get3A_1521 : i32 to index
    %get3A_1523 = arith.constant 96 : index
    %get3A_1524 = tpu.vector_load %arg10[%get3A_1522, %get3A_1523] {strides = array<i32>} : memref<16x256xf32, #tpu.memory_space<vmem>>, vector<16xf32>,
    %mul3A_1525 = arith.mulf %get3A_1524, %get3A_211 : vector<16xf32>
    %get3A_1526 = arith.constant 13 : i32
    %get3A_1527 = arith.index_cast %get3A_1526 : i32 to index
    %get3A_1528 = arith.constant 112 : index
    %get3A_1529 = tpu.vector_load %arg10[%get3A_1527, %get3A_1528] {strides = array<i32>} : memref<16x256xf32, #tpu.memory_space<vmem>>, vector<16xf32>,
    %mul3A_1530 = arith.mulf %get3A_1529, %get3A_213 : vector<16xf32>
    %get3A_1531 = arith.constant 13 : i32
    %get3A_1532 = arith.index_cast %get3A_1531 : i32 to index
    %get3A_1533 = arith.constant 128 : index
    %get3A_1534 = tpu.vector_load %arg10[%get3A_1532, %get3A_1533] {strides = array<i32>} : memref<16x256xf32, #tpu.memory_space<vmem>>, vector<16xf32>,
    %mul3A_1535 = arith.mulf %get3A_1534, %get3A_215 : vector<16xf32>
    %get3A_1536 = arith.constant 13 : i32
    %get3A_1537 = arith.index_cast %get3A_1536 : i32 to index
    %get3A_1538 = arith.constant 144 : index
    %get3A_1539 = tpu.vector_load %arg10[%get3A_1537, %get3A_1538] {strides = array<i32>} : memref<16x256xf32, #tpu.memory_space<vmem>>, vector<16xf32>,
    %mul3A_1540 = arith.mulf %get3A_1539, %get3A_217 : vector<16xf32>
    %get3A_1541 = arith.constant 13 : i32
    %get3A_1542 = arith.index_cast %get3A_1541 : i32 to index
    %get3A_1543 = arith.constant 160 : index
    %get3A_1544 = tpu.vector_load %arg10[%get3A_1542, %get3A_1543] {strides = array<i32>} : memref<16x256xf32, #tpu.memory_space<vmem>>, vector<16xf32>,
    %mul3A_1545 = arith.mulf %get3A_1544, %get3A_219 : vector<16xf32>
    %get3A_1546 = arith.constant 13 : i32
    %get3A_1547 = arith.index_cast %get3A_1546 : i32 to index
    %get3A_1548 = arith.constant 176 : index
    %get3A_1549 = tpu.vector_load %arg10[%get3A_1547, %get3A_1548] {strides = array<i32>} : memref<16x256xf32, #tpu.memory_space<vmem>>, vector<16xf32>,
    %mul3A_1550 = arith.mulf %get3A_1549, %get3A_221 : vector<16xf32>
    %get3A_1551 = arith.constant 13 : i32
    %get3A_1552 = arith.index_cast %get3A_1551 : i32 to index
    %get3A_1553 = arith.constant 192 : index
    %get3A_1554 = tpu.vector_load %arg10[%get3A_1552, %get3A_1553] {strides = array<i32>} : memref<16x256xf32, #tpu.memory_space<vmem>>, vector<16xf32>,
    %mul3A_1555 = arith.mulf %get3A_1554, %get3A_223 : vector<16xf32>
    %get3A_1556 = arith.constant 13 : i32
    %get3A_1557 = arith.index_cast %get3A_1556 : i32 to index
    %get3A_1558 = arith.constant 208 : index
    %get3A_1559 = tpu.vector_load %arg10[%get3A_1557, %get3A_1558] {strides = array<i32>} : memref<16x256xf32, #tpu.memory_space<vmem>>, vector<16xf32>,
    %mul3A_1560 = arith.mulf %get3A_1559, %get3A_225 : vector<16xf32>
    %get3A_1561 = arith.constant 13 : i32
    %get3A_1562 = arith.index_cast %get3A_1561 : i32 to index
    %get3A_1563 = arith.constant 224 : index
    %get3A_1564 = tpu.vector_load %arg10[%get3A_1562, %get3A_1563] {strides = array<i32>} : memref<16x256xf32, #tpu.memory_space<vmem>>, vector<16xf32>,
    %mul3A_1565 = arith.mulf %get3A_1564, %get3A_227 : vector<16xf32>
    %get3A_1566 = arith.constant 13 : i32
    %get3A_1567 = arith.index_cast %get3A_1566 : i32 to index
    %get3A_1568 = arith.constant 240 : index
    %get3A_1569 = tpu.vector_load %arg10[%get3A_1567, %get3A_1568] {strides = array<i32>} : memref<16x256xf32, #tpu.memory_space<vmem>>, vector<16xf32>,
    %mul3A_1570 = arith.mulf %get3A_1569, %get3A_229 : vector<16xf32>
    %add3A_1571 = arith.addf %mul3A_1495, %mul3A_1500 : vector<16xf32>
    %add3A_1572 = arith.addf %mul3A_1505, %mul3A_1510 : vector<16xf32>
    %add3A_1573 = arith.addf %mul3A_1515, %mul3A_1520 : vector<16xf32>
    %add3A_1574 = arith.addf %mul3A_1525, %mul3A_1530 : vector<16xf32>
    %add3A_1575 = arith.addf %mul3A_1535, %mul3A_1540 : vector<16xf32>
    %add3A_1576 = arith.addf %mul3A_1545, %mul3A_1550 : vector<16xf32>
    %add3A_1577 = arith.addf %mul3A_1555, %mul3A_1560 : vector<16xf32>
    %add3A_1578 = arith.addf %mul3A_1565, %mul3A_1570 : vector<16xf32>
    %add3A_1579 = arith.addf %add3A_1571, %add3A_1572 : vector<16xf32>
    %add3A_1580 = arith.addf %add3A_1573, %add3A_1574 : vector<16xf32>
    %add3A_1581 = arith.addf %add3A_1575, %add3A_1576 : vector<16xf32>
    %add3A_1582 = arith.addf %add3A_1577, %add3A_1578 : vector<16xf32>
    %add3A_1583 = arith.addf %add3A_1579, %add3A_1580 : vector<16xf32>
    %add3A_1584 = arith.addf %add3A_1581, %add3A_1582 : vector<16xf32>
    %add3A_1585 = arith.addf %add3A_1583, %add3A_1584 : vector<16xf32>
    %swap3A_1586 = arith.constant 208 : index
    %swap3A_1587 = tpu.vector_load %arg15[%swap3A_1586] {strides = array<i32>} : memref<2048xf32, #tpu.memory_space<vmem>>, vector<16xf32>,
    tpu.vector_store %arg15[%swap3A_1586], %add3A_1585 {strides = array<i32>} : memref<2048xf32, #tpu.memory_space<vmem>>, vector<16xf32>,
    %get3A_1588 = arith.constant 14 : i32
    %get3A_1589 = arith.index_cast %get3A_1588 : i32 to index
    %get3A_1590 = arith.constant 0 : index
    %get3A_1591 = tpu.vector_load %arg10[%get3A_1589, %get3A_1590] {strides = array<i32>} : memref<16x256xf32, #tpu.memory_space<vmem>>, vector<16xf32>,
    %mul3A_1592 = arith.mulf %get3A_1591, %get3A_199 : vector<16xf32>
    %get3A_1593 = arith.constant 14 : i32
    %get3A_1594 = arith.index_cast %get3A_1593 : i32 to index
    %get3A_1595 = arith.constant 16 : index
    %get3A_1596 = tpu.vector_load %arg10[%get3A_1594, %get3A_1595] {strides = array<i32>} : memref<16x256xf32, #tpu.memory_space<vmem>>, vector<16xf32>,
    %mul3A_1597 = arith.mulf %get3A_1596, %get3A_201 : vector<16xf32>
    %get3A_1598 = arith.constant 14 : i32
    %get3A_1599 = arith.index_cast %get3A_1598 : i32 to index
    %get3A_1600 = arith.constant 32 : index
    %get3A_1601 = tpu.vector_load %arg10[%get3A_1599, %get3A_1600] {strides = array<i32>} : memref<16x256xf32, #tpu.memory_space<vmem>>, vector<16xf32>,
    %mul3A_1602 = arith.mulf %get3A_1601, %get3A_203 : vector<16xf32>
    %get3A_1603 = arith.constant 14 : i32
    %get3A_1604 = arith.index_cast %get3A_1603 : i32 to index
    %get3A_1605 = arith.constant 48 : index
    %get3A_1606 = tpu.vector_load %arg10[%get3A_1604, %get3A_1605] {strides = array<i32>} : memref<16x256xf32, #tpu.memory_space<vmem>>, vector<16xf32>,
    %mul3A_1607 = arith.mulf %get3A_1606, %get3A_205 : vector<16xf32>
    %get3A_1608 = arith.constant 14 : i32
    %get3A_1609 = arith.index_cast %get3A_1608 : i32 to index
    %get3A_1610 = arith.constant 64 : index
    %get3A_1611 = tpu.vector_load %arg10[%get3A_1609, %get3A_1610] {strides = array<i32>} : memref<16x256xf32, #tpu.memory_space<vmem>>, vector<16xf32>,
    %mul3A_1612 = arith.mulf %get3A_1611, %get3A_207 : vector<16xf32>
    %get3A_1613 = arith.constant 14 : i32
    %get3A_1614 = arith.index_cast %get3A_1613 : i32 to index
    %get3A_1615 = arith.constant 80 : index
    %get3A_1616 = tpu.vector_load %arg10[%get3A_1614, %get3A_1615] {strides = array<i32>} : memref<16x256xf32, #tpu.memory_space<vmem>>, vector<16xf32>,
    %mul3A_1617 = arith.mulf %get3A_1616, %get3A_209 : vector<16xf32>
    %get3A_1618 = arith.constant 14 : i32
    %get3A_1619 = arith.index_cast %get3A_1618 : i32 to index
    %get3A_1620 = arith.constant 96 : index
    %get3A_1621 = tpu.vector_load %arg10[%get3A_1619, %get3A_1620] {strides = array<i32>} : memref<16x256xf32, #tpu.memory_space<vmem>>, vector<16xf32>,
    %mul3A_1622 = arith.mulf %get3A_1621, %get3A_211 : vector<16xf32>
    %get3A_1623 = arith.constant 14 : i32
    %get3A_1624 = arith.index_cast %get3A_1623 : i32 to index
    %get3A_1625 = arith.constant 112 : index
    %get3A_1626 = tpu.vector_load %arg10[%get3A_1624, %get3A_1625] {strides = array<i32>} : memref<16x256xf32, #tpu.memory_space<vmem>>, vector<16xf32>,
    %mul3A_1627 = arith.mulf %get3A_1626, %get3A_213 : vector<16xf32>
    %get3A_1628 = arith.constant 14 : i32
    %get3A_1629 = arith.index_cast %get3A_1628 : i32 to index
    %get3A_1630 = arith.constant 128 : index
    %get3A_1631 = tpu.vector_load %arg10[%get3A_1629, %get3A_1630] {strides = array<i32>} : memref<16x256xf32, #tpu.memory_space<vmem>>, vector<16xf32>,
    %mul3A_1632 = arith.mulf %get3A_1631, %get3A_215 : vector<16xf32>
    %get3A_1633 = arith.constant 14 : i32
    %get3A_1634 = arith.index_cast %get3A_1633 : i32 to index
    %get3A_1635 = arith.constant 144 : index
    %get3A_1636 = tpu.vector_load %arg10[%get3A_1634, %get3A_1635] {strides = array<i32>} : memref<16x256xf32, #tpu.memory_space<vmem>>, vector<16xf32>,
    %mul3A_1637 = arith.mulf %get3A_1636, %get3A_217 : vector<16xf32>
    %get3A_1638 = arith.constant 14 : i32
    %get3A_1639 = arith.index_cast %get3A_1638 : i32 to index
    %get3A_1640 = arith.constant 160 : index
    %get3A_1641 = tpu.vector_load %arg10[%get3A_1639, %get3A_1640] {strides = array<i32>} : memref<16x256xf32, #tpu.memory_space<vmem>>, vector<16xf32>,
    %mul3A_1642 = arith.mulf %get3A_1641, %get3A_219 : vector<16xf32>
    %get3A_1643 = arith.constant 14 : i32
    %get3A_1644 = arith.index_cast %get3A_1643 : i32 to index
    %get3A_1645 = arith.constant 176 : index
    %get3A_1646 = tpu.vector_load %arg10[%get3A_1644, %get3A_1645] {strides = array<i32>} : memref<16x256xf32, #tpu.memory_space<vmem>>, vector<16xf32>,
    %mul3A_1647 = arith.mulf %get3A_1646, %get3A_221 : vector<16xf32>
    %get3A_1648 = arith.constant 14 : i32
    %get3A_1649 = arith.index_cast %get3A_1648 : i32 to index
    %get3A_1650 = arith.constant 192 : index
    %get3A_1651 = tpu.vector_load %arg10[%get3A_1649, %get3A_1650] {strides = array<i32>} : memref<16x256xf32, #tpu.memory_space<vmem>>, vector<16xf32>,
    %mul3A_1652 = arith.mulf %get3A_1651, %get3A_223 : vector<16xf32>
    %get3A_1653 = arith.constant 14 : i32
    %get3A_1654 = arith.index_cast %get3A_1653 : i32 to index
    %get3A_1655 = arith.constant 208 : index
    %get3A_1656 = tpu.vector_load %arg10[%get3A_1654, %get3A_1655] {strides = array<i32>} : memref<16x256xf32, #tpu.memory_space<vmem>>, vector<16xf32>,
    %mul3A_1657 = arith.mulf %get3A_1656, %get3A_225 : vector<16xf32>
    %get3A_1658 = arith.constant 14 : i32
    %get3A_1659 = arith.index_cast %get3A_1658 : i32 to index
    %get3A_1660 = arith.constant 224 : index
    %get3A_1661 = tpu.vector_load %arg10[%get3A_1659, %get3A_1660] {strides = array<i32>} : memref<16x256xf32, #tpu.memory_space<vmem>>, vector<16xf32>,
    %mul3A_1662 = arith.mulf %get3A_1661, %get3A_227 : vector<16xf32>
    %get3A_1663 = arith.constant 14 : i32
    %get3A_1664 = arith.index_cast %get3A_1663 : i32 to index
    %get3A_1665 = arith.constant 240 : index
    %get3A_1666 = tpu.vector_load %arg10[%get3A_1664, %get3A_1665] {strides = array<i32>} : memref<16x256xf32, #tpu.memory_space<vmem>>, vector<16xf32>,
    %mul3A_1667 = arith.mulf %get3A_1666, %get3A_229 : vector<16xf32>
    %add3A_1668 = arith.addf %mul3A_1592, %mul3A_1597 : vector<16xf32>
    %add3A_1669 = arith.addf %mul3A_1602, %mul3A_1607 : vector<16xf32>
    %add3A_1670 = arith.addf %mul3A_1612, %mul3A_1617 : vector<16xf32>
    %add3A_1671 = arith.addf %mul3A_1622, %mul3A_1627 : vector<16xf32>
    %add3A_1672 = arith.addf %mul3A_1632, %mul3A_1637 : vector<16xf32>
    %add3A_1673 = arith.addf %mul3A_1642, %mul3A_1647 : vector<16xf32>
    %add3A_1674 = arith.addf %mul3A_1652, %mul3A_1657 : vector<16xf32>
    %add3A_1675 = arith.addf %mul3A_1662, %mul3A_1667 : vector<16xf32>
    %add3A_1676 = arith.addf %add3A_1668, %add3A_1669 : vector<16xf32>
    %add3A_1677 = arith.addf %add3A_1670, %add3A_1671 : vector<16xf32>
    %add3A_1678 = arith.addf %add3A_1672, %add3A_1673 : vector<16xf32>
    %add3A_1679 = arith.addf %add3A_1674, %add3A_1675 : vector<16xf32>
    %add3A_1680 = arith.addf %add3A_1676, %add3A_1677 : vector<16xf32>
    %add3A_1681 = arith.addf %add3A_1678, %add3A_1679 : vector<16xf32>
    %add3A_1682 = arith.addf %add3A_1680, %add3A_1681 : vector<16xf32>
    %swap3A_1683 = arith.constant 224 : index
    %swap3A_1684 = tpu.vector_load %arg15[%swap3A_1683] {strides = array<i32>} : memref<2048xf32, #tpu.memory_space<vmem>>, vector<16xf32>,
    tpu.vector_store %arg15[%swap3A_1683], %add3A_1682 {strides = array<i32>} : memref<2048xf32, #tpu.memory_space<vmem>>, vector<16xf32>,
    %get3A_1685 = arith.constant 15 : i32
    %get3A_1686 = arith.index_cast %get3A_1685 : i32 to index
    %get3A_1687 = arith.constant 0 : index
    %get3A_1688 = tpu.vector_load %arg10[%get3A_1686, %get3A_1687] {strides = array<i32>} : memref<16x256xf32, #tpu.memory_space<vmem>>, vector<16xf32>,
    %mul3A_1689 = arith.mulf %get3A_1688, %get3A_199 : vector<16xf32>
    %get3A_1690 = arith.constant 15 : i32
    %get3A_1691 = arith.index_cast %get3A_1690 : i32 to index
    %get3A_1692 = arith.constant 16 : index
    %get3A_1693 = tpu.vector_load %arg10[%get3A_1691, %get3A_1692] {strides = array<i32>} : memref<16x256xf32, #tpu.memory_space<vmem>>, vector<16xf32>,
    %mul3A_1694 = arith.mulf %get3A_1693, %get3A_201 : vector<16xf32>
    %get3A_1695 = arith.constant 15 : i32
    %get3A_1696 = arith.index_cast %get3A_1695 : i32 to index
    %get3A_1697 = arith.constant 32 : index
    %get3A_1698 = tpu.vector_load %arg10[%get3A_1696, %get3A_1697] {strides = array<i32>} : memref<16x256xf32, #tpu.memory_space<vmem>>, vector<16xf32>,
    %mul3A_1699 = arith.mulf %get3A_1698, %get3A_203 : vector<16xf32>
    %get3A_1700 = arith.constant 15 : i32
    %get3A_1701 = arith.index_cast %get3A_1700 : i32 to index
    %get3A_1702 = arith.constant 48 : index
    %get3A_1703 = tpu.vector_load %arg10[%get3A_1701, %get3A_1702] {strides = array<i32>} : memref<16x256xf32, #tpu.memory_space<vmem>>, vector<16xf32>,
    %mul3A_1704 = arith.mulf %get3A_1703, %get3A_205 : vector<16xf32>
    %get3A_1705 = arith.constant 15 : i32
    %get3A_1706 = arith.index_cast %get3A_1705 : i32 to index
    %get3A_1707 = arith.constant 64 : index
    %get3A_1708 = tpu.vector_load %arg10[%get3A_1706, %get3A_1707] {strides = array<i32>} : memref<16x256xf32, #tpu.memory_space<vmem>>, vector<16xf32>,
    %mul3A_1709 = arith.mulf %get3A_1708, %get3A_207 : vector<16xf32>
    %get3A_1710 = arith.constant 15 : i32
    %get3A_1711 = arith.index_cast %get3A_1710 : i32 to index
    %get3A_1712 = arith.constant 80 : index
    %get3A_1713 = tpu.vector_load %arg10[%get3A_1711, %get3A_1712] {strides = array<i32>} : memref<16x256xf32, #tpu.memory_space<vmem>>, vector<16xf32>,
    %mul3A_1714 = arith.mulf %get3A_1713, %get3A_209 : vector<16xf32>
    %get3A_1715 = arith.constant 15 : i32
    %get3A_1716 = arith.index_cast %get3A_1715 : i32 to index
    %get3A_1717 = arith.constant 96 : index
    %get3A_1718 = tpu.vector_load %arg10[%get3A_1716, %get3A_1717] {strides = array<i32>} : memref<16x256xf32, #tpu.memory_space<vmem>>, vector<16xf32>,
    %mul3A_1719 = arith.mulf %get3A_1718, %get3A_211 : vector<16xf32>
    %get3A_1720 = arith.constant 15 : i32
    %get3A_1721 = arith.index_cast %get3A_1720 : i32 to index
    %get3A_1722 = arith.constant 112 : index
    %get3A_1723 = tpu.vector_load %arg10[%get3A_1721, %get3A_1722] {strides = array<i32>} : memref<16x256xf32, #tpu.memory_space<vmem>>, vector<16xf32>,
    %mul3A_1724 = arith.mulf %get3A_1723, %get3A_213 : vector<16xf32>
    %get3A_1725 = arith.constant 15 : i32
    %get3A_1726 = arith.index_cast %get3A_1725 : i32 to index
    %get3A_1727 = arith.constant 128 : index
    %get3A_1728 = tpu.vector_load %arg10[%get3A_1726, %get3A_1727] {strides = array<i32>} : memref<16x256xf32, #tpu.memory_space<vmem>>, vector<16xf32>,
    %mul3A_1729 = arith.mulf %get3A_1728, %get3A_215 : vector<16xf32>
    %get3A_1730 = arith.constant 15 : i32
    %get3A_1731 = arith.index_cast %get3A_1730 : i32 to index
    %get3A_1732 = arith.constant 144 : index
    %get3A_1733 = tpu.vector_load %arg10[%get3A_1731, %get3A_1732] {strides = array<i32>} : memref<16x256xf32, #tpu.memory_space<vmem>>, vector<16xf32>,
    %mul3A_1734 = arith.mulf %get3A_1733, %get3A_217 : vector<16xf32>
    %get3A_1735 = arith.constant 15 : i32
    %get3A_1736 = arith.index_cast %get3A_1735 : i32 to index
    %get3A_1737 = arith.constant 160 : index
    %get3A_1738 = tpu.vector_load %arg10[%get3A_1736, %get3A_1737] {strides = array<i32>} : memref<16x256xf32, #tpu.memory_space<vmem>>, vector<16xf32>,
    %mul3A_1739 = arith.mulf %get3A_1738, %get3A_219 : vector<16xf32>
    %get3A_1740 = arith.constant 15 : i32
    %get3A_1741 = arith.index_cast %get3A_1740 : i32 to index
    %get3A_1742 = arith.constant 176 : index
    %get3A_1743 = tpu.vector_load %arg10[%get3A_1741, %get3A_1742] {strides = array<i32>} : memref<16x256xf32, #tpu.memory_space<vmem>>, vector<16xf32>,
    %mul3A_1744 = arith.mulf %get3A_1743, %get3A_221 : vector<16xf32>
    %get3A_1745 = arith.constant 15 : i32
    %get3A_1746 = arith.index_cast %get3A_1745 : i32 to index
    %get3A_1747 = arith.constant 192 : index
    %get3A_1748 = tpu.vector_load %arg10[%get3A_1746, %get3A_1747] {strides = array<i32>} : memref<16x256xf32, #tpu.memory_space<vmem>>, vector<16xf32>,
    %mul3A_1749 = arith.mulf %get3A_1748, %get3A_223 : vector<16xf32>
    %get3A_1750 = arith.constant 15 : i32
    %get3A_1751 = arith.index_cast %get3A_1750 : i32 to index
    %get3A_1752 = arith.constant 208 : index
    %get3A_1753 = tpu.vector_load %arg10[%get3A_1751, %get3A_1752] {strides = array<i32>} : memref<16x256xf32, #tpu.memory_space<vmem>>, vector<16xf32>,
    %mul3A_1754 = arith.mulf %get3A_1753, %get3A_225 : vector<16xf32>
    %get3A_1755 = arith.constant 15 : i32
    %get3A_1756 = arith.index_cast %get3A_1755 : i32 to index
    %get3A_1757 = arith.constant 224 : index
    %get3A_1758 = tpu.vector_load %arg10[%get3A_1756, %get3A_1757] {strides = array<i32>} : memref<16x256xf32, #tpu.memory_space<vmem>>, vector<16xf32>,
    %mul3A_1759 = arith.mulf %get3A_1758, %get3A_227 : vector<16xf32>
    %get3A_1760 = arith.constant 15 : i32
    %get3A_1761 = arith.index_cast %get3A_1760 : i32 to index
    %get3A_1762 = arith.constant 240 : index
    %get3A_1763 = tpu.vector_load %arg10[%get3A_1761, %get3A_1762] {strides = array<i32>} : memref<16x256xf32, #tpu.memory_space<vmem>>, vector<16xf32>,
    %mul3A_1764 = arith.mulf %get3A_1763, %get3A_229 : vector<16xf32>
    %add3A_1765 = arith.addf %mul3A_1689, %mul3A_1694 : vector<16xf32>
    %add3A_1766 = arith.addf %mul3A_1699, %mul3A_1704 : vector<16xf32>
    %add3A_1767 = arith.addf %mul3A_1709, %mul3A_1714 : vector<16xf32>
    %add3A_1768 = arith.addf %mul3A_1719, %mul3A_1724 : vector<16xf32>
    %add3A_1769 = arith.addf %mul3A_1729, %mul3A_1734 : vector<16xf32>
    %add3A_1770 = arith.addf %mul3A_1739, %mul3A_1744 : vector<16xf32>
    %add3A_1771 = arith.addf %mul3A_1749, %mul3A_1754 : vector<16xf32>
    %add3A_1772 = arith.addf %mul3A_1759, %mul3A_1764 : vector<16xf32>
    %add3A_1773 = arith.addf %add3A_1765, %add3A_1766 : vector<16xf32>
    %add3A_1774 = arith.addf %add3A_1767, %add3A_1768 : vector<16xf32>
    %add3A_1775 = arith.addf %add3A_1769, %add3A_1770 : vector<16xf32>
    %add3A_1776 = arith.addf %add3A_1771, %add3A_1772 : vector<16xf32>
    %add3A_1777 = arith.addf %add3A_1773, %add3A_1774 : vector<16xf32>
    %add3A_1778 = arith.addf %add3A_1775, %add3A_1776 : vector<16xf32>
    %add3A_1779 = arith.addf %add3A_1777, %add3A_1778 : vector<16xf32>
    %swap3A_1780 = arith.constant 240 : index
    %swap3A_1781 = tpu.vector_load %arg15[%swap3A_1780] {strides = array<i32>} : memref<2048xf32, #tpu.memory_space<vmem>>, vector<16xf32>,
    tpu.vector_store %arg15[%swap3A_1780], %add3A_1779 {strides = array<i32>} : memref<2048xf32, #tpu.memory_space<vmem>>, vector<16xf32>,
    %get3A_1782 = arith.constant 0 : index
    %get3A_1783 = tpu.vector_load %arg14[%get3A_1782] {strides = array<i32>} : memref<256xi32, #tpu.memory_space<vmem>>, vector<16xi32>,
    %add3A_1784 = arith.constant 0 : i32
    %add3A_1785 = vector.broadcast %add3A_1784 : i32 to vector<16xi32>
    %add3A_1786 = arith.addi %add3A_1785, %get3A_1783 : vector<16xi32>
    %gather3A = tpu.vector_load_idx %arg15[%add3A_1786] : memref<2048xf32, #tpu.memory_space<vmem>>[vector<16xi32>], vector<16xf32>,
    %get3A_1787 = arith.constant 16 : index
    %get3A_1788 = tpu.vector_load %arg14[%get3A_1787] {strides = array<i32>} : memref<256xi32, #tpu.memory_space<vmem>>, vector<16xi32>,
    %add3A_1789 = arith.constant 0 : i32
    %add3A_1790 = vector.broadcast %add3A_1789 : i32 to vector<16xi32>
    %add3A_1791 = arith.addi %add3A_1790, %get3A_1788 : vector<16xi32>
    %gather3A_1792 = tpu.vector_load_idx %arg15[%add3A_1791] : memref<2048xf32, #tpu.memory_space<vmem>>[vector<16xi32>], vector<16xf32>,
    %get3A_1793 = arith.constant 32 : index
    %get3A_1794 = tpu.vector_load %arg14[%get3A_1793] {strides = array<i32>} : memref<256xi32, #tpu.memory_space<vmem>>, vector<16xi32>,
    %add3A_1795 = arith.constant 0 : i32
    %add3A_1796 = vector.broadcast %add3A_1795 : i32 to vector<16xi32>
    %add3A_1797 = arith.addi %add3A_1796, %get3A_1794 : vector<16xi32>
    %gather3A_1798 = tpu.vector_load_idx %arg15[%add3A_1797] : memref<2048xf32, #tpu.memory_space<vmem>>[vector<16xi32>], vector<16xf32>,
    %get3A_1799 = arith.constant 48 : index
    %get3A_1800 = tpu.vector_load %arg14[%get3A_1799] {strides = array<i32>} : memref<256xi32, #tpu.memory_space<vmem>>, vector<16xi32>,
    %add3A_1801 = arith.constant 0 : i32
    %add3A_1802 = vector.broadcast %add3A_1801 : i32 to vector<16xi32>
    %add3A_1803 = arith.addi %add3A_1802, %get3A_1800 : vector<16xi32>
    %gather3A_1804 = tpu.vector_load_idx %arg15[%add3A_1803] : memref<2048xf32, #tpu.memory_space<vmem>>[vector<16xi32>], vector<16xf32>,
    %get3A_1805 = arith.constant 64 : index
    %get3A_1806 = tpu.vector_load %arg14[%get3A_1805] {strides = array<i32>} : memref<256xi32, #tpu.memory_space<vmem>>, vector<16xi32>,
    %add3A_1807 = arith.constant 0 : i32
    %add3A_1808 = vector.broadcast %add3A_1807 : i32 to vector<16xi32>
    %add3A_1809 = arith.addi %add3A_1808, %get3A_1806 : vector<16xi32>
    %gather3A_1810 = tpu.vector_load_idx %arg15[%add3A_1809] : memref<2048xf32, #tpu.memory_space<vmem>>[vector<16xi32>], vector<16xf32>,
    %get3A_1811 = arith.constant 80 : index
    %get3A_1812 = tpu.vector_load %arg14[%get3A_1811] {strides = array<i32>} : memref<256xi32, #tpu.memory_space<vmem>>, vector<16xi32>,
    %add3A_1813 = arith.constant 0 : i32
    %add3A_1814 = vector.broadcast %add3A_1813 : i32 to vector<16xi32>
    %add3A_1815 = arith.addi %add3A_1814, %get3A_1812 : vector<16xi32>
    %gather3A_1816 = tpu.vector_load_idx %arg15[%add3A_1815] : memref<2048xf32, #tpu.memory_space<vmem>>[vector<16xi32>], vector<16xf32>,
    %get3A_1817 = arith.constant 96 : index
    %get3A_1818 = tpu.vector_load %arg14[%get3A_1817] {strides = array<i32>} : memref<256xi32, #tpu.memory_space<vmem>>, vector<16xi32>,
    %add3A_1819 = arith.constant 0 : i32
    %add3A_1820 = vector.broadcast %add3A_1819 : i32 to vector<16xi32>
    %add3A_1821 = arith.addi %add3A_1820, %get3A_1818 : vector<16xi32>
    %gather3A_1822 = tpu.vector_load_idx %arg15[%add3A_1821] : memref<2048xf32, #tpu.memory_space<vmem>>[vector<16xi32>], vector<16xf32>,
    %get3A_1823 = arith.constant 112 : index
    %get3A_1824 = tpu.vector_load %arg14[%get3A_1823] {strides = array<i32>} : memref<256xi32, #tpu.memory_space<vmem>>, vector<16xi32>,
    %add3A_1825 = arith.constant 0 : i32
    %add3A_1826 = vector.broadcast %add3A_1825 : i32 to vector<16xi32>
    %add3A_1827 = arith.addi %add3A_1826, %get3A_1824 : vector<16xi32>
    %gather3A_1828 = tpu.vector_load_idx %arg15[%add3A_1827] : memref<2048xf32, #tpu.memory_space<vmem>>[vector<16xi32>], vector<16xf32>,
    %get3A_1829 = arith.constant 128 : index
    %get3A_1830 = tpu.vector_load %arg14[%get3A_1829] {strides = array<i32>} : memref<256xi32, #tpu.memory_space<vmem>>, vector<16xi32>,
    %add3A_1831 = arith.constant 0 : i32
    %add3A_1832 = vector.broadcast %add3A_1831 : i32 to vector<16xi32>
    %add3A_1833 = arith.addi %add3A_1832, %get3A_1830 : vector<16xi32>
    %gather3A_1834 = tpu.vector_load_idx %arg15[%add3A_1833] : memref<2048xf32, #tpu.memory_space<vmem>>[vector<16xi32>], vector<16xf32>,
    %get3A_1835 = arith.constant 144 : index
    %get3A_1836 = tpu.vector_load %arg14[%get3A_1835] {strides = array<i32>} : memref<256xi32, #tpu.memory_space<vmem>>, vector<16xi32>,
    %add3A_1837 = arith.constant 0 : i32
    %add3A_1838 = vector.broadcast %add3A_1837 : i32 to vector<16xi32>
    %add3A_1839 = arith.addi %add3A_1838, %get3A_1836 : vector<16xi32>
    %gather3A_1840 = tpu.vector_load_idx %arg15[%add3A_1839] : memref<2048xf32, #tpu.memory_space<vmem>>[vector<16xi32>], vector<16xf32>,
    %get3A_1841 = arith.constant 160 : index
    %get3A_1842 = tpu.vector_load %arg14[%get3A_1841] {strides = array<i32>} : memref<256xi32, #tpu.memory_space<vmem>>, vector<16xi32>,
    %add3A_1843 = arith.constant 0 : i32
    %add3A_1844 = vector.broadcast %add3A_1843 : i32 to vector<16xi32>
    %add3A_1845 = arith.addi %add3A_1844, %get3A_1842 : vector<16xi32>
    %gather3A_1846 = tpu.vector_load_idx %arg15[%add3A_1845] : memref<2048xf32, #tpu.memory_space<vmem>>[vector<16xi32>], vector<16xf32>,
    %get3A_1847 = arith.constant 176 : index
    %get3A_1848 = tpu.vector_load %arg14[%get3A_1847] {strides = array<i32>} : memref<256xi32, #tpu.memory_space<vmem>>, vector<16xi32>,
    %add3A_1849 = arith.constant 0 : i32
    %add3A_1850 = vector.broadcast %add3A_1849 : i32 to vector<16xi32>
    %add3A_1851 = arith.addi %add3A_1850, %get3A_1848 : vector<16xi32>
    %gather3A_1852 = tpu.vector_load_idx %arg15[%add3A_1851] : memref<2048xf32, #tpu.memory_space<vmem>>[vector<16xi32>], vector<16xf32>,
    %get3A_1853 = arith.constant 192 : index
    %get3A_1854 = tpu.vector_load %arg14[%get3A_1853] {strides = array<i32>} : memref<256xi32, #tpu.memory_space<vmem>>, vector<16xi32>,
    %add3A_1855 = arith.constant 0 : i32
    %add3A_1856 = vector.broadcast %add3A_1855 : i32 to vector<16xi32>
    %add3A_1857 = arith.addi %add3A_1856, %get3A_1854 : vector<16xi32>
    %gather3A_1858 = tpu.vector_load_idx %arg15[%add3A_1857] : memref<2048xf32, #tpu.memory_space<vmem>>[vector<16xi32>], vector<16xf32>,
    %get3A_1859 = arith.constant 208 : index
    %get3A_1860 = tpu.vector_load %arg14[%get3A_1859] {strides = array<i32>} : memref<256xi32, #tpu.memory_space<vmem>>, vector<16xi32>,
    %add3A_1861 = arith.constant 0 : i32
    %add3A_1862 = vector.broadcast %add3A_1861 : i32 to vector<16xi32>
    %add3A_1863 = arith.addi %add3A_1862, %get3A_1860 : vector<16xi32>
    %gather3A_1864 = tpu.vector_load_idx %arg15[%add3A_1863] : memref<2048xf32, #tpu.memory_space<vmem>>[vector<16xi32>], vector<16xf32>,
    %get3A_1865 = arith.constant 224 : index
    %get3A_1866 = tpu.vector_load %arg14[%get3A_1865] {strides = array<i32>} : memref<256xi32, #tpu.memory_space<vmem>>, vector<16xi32>,
    %add3A_1867 = arith.constant 0 : i32
    %add3A_1868 = vector.broadcast %add3A_1867 : i32 to vector<16xi32>
    %add3A_1869 = arith.addi %add3A_1868, %get3A_1866 : vector<16xi32>
    %gather3A_1870 = tpu.vector_load_idx %arg15[%add3A_1869] : memref<2048xf32, #tpu.memory_space<vmem>>[vector<16xi32>], vector<16xf32>,
    %get3A_1871 = arith.constant 240 : index
    %get3A_1872 = tpu.vector_load %arg14[%get3A_1871] {strides = array<i32>} : memref<256xi32, #tpu.memory_space<vmem>>, vector<16xi32>,
    %add3A_1873 = arith.constant 0 : i32
    %add3A_1874 = vector.broadcast %add3A_1873 : i32 to vector<16xi32>
    %add3A_1875 = arith.addi %add3A_1874, %get3A_1872 : vector<16xi32>
    %gather3A_1876 = tpu.vector_load_idx %arg15[%add3A_1875] : memref<2048xf32, #tpu.memory_space<vmem>>[vector<16xi32>], vector<16xf32>,
    %add3A_1877 = arith.addf %gather3A, %gather3A_1792 : vector<16xf32>
    %add3A_1878 = arith.addf %gather3A_1798, %gather3A_1804 : vector<16xf32>
    %add3A_1879 = arith.addf %gather3A_1810, %gather3A_1816 : vector<16xf32>
    %add3A_1880 = arith.addf %gather3A_1822, %gather3A_1828 : vector<16xf32>
    %add3A_1881 = arith.addf %gather3A_1834, %gather3A_1840 : vector<16xf32>
    %add3A_1882 = arith.addf %gather3A_1846, %gather3A_1852 : vector<16xf32>
    %add3A_1883 = arith.addf %gather3A_1858, %gather3A_1864 : vector<16xf32>
    %add3A_1884 = arith.addf %gather3A_1870, %gather3A_1876 : vector<16xf32>
    %add3A_1885 = arith.addf %add3A_1877, %add3A_1878 : vector<16xf32>
    %add3A_1886 = arith.addf %add3A_1879, %add3A_1880 : vector<16xf32>
    %add3A_1887 = arith.addf %add3A_1881, %add3A_1882 : vector<16xf32>
    %add3A_1888 = arith.addf %add3A_1883, %add3A_1884 : vector<16xf32>
    %add3A_1889 = arith.addf %add3A_1885, %add3A_1886 : vector<16xf32>
    %add3A_1890 = arith.addf %add3A_1887, %add3A_1888 : vector<16xf32>
    %add3A_1891 = arith.addf %add3A_1889, %add3A_1890 : vector<16xf32>
    %get3A_1892 = arith.constant 512 : index
    %get3A_1893 = tpu.vector_load %arg9[%get3A_1892] {strides = array<i32>} : memref<528xf32, #tpu.memory_space<vmem>>, vector<16xf32>,
    %add3A_1894 = arith.addf %add3A_1891, %get3A_1893 : vector<16xf32>
    %swap3A_1895 = arith.constant 0 : index
    %swap3A_1896 = tpu.vector_load %arg11[%swap3A_1895] {strides = array<i32>} : memref<16xf32, #tpu.memory_space<vmem>>, vector<16xf32>,
    tpu.vector_store %arg11[%swap3A_1895], %add3A_1894 {strides = array<i32>} : memref<16xf32, #tpu.memory_space<vmem>>, vector<16xf32>,
    %get3A_1897 = arith.constant 0 : index
    %get3A_1898 = tpu.vector_load %arg9[%get3A_1897] {strides = array<i32>} : memref<528xf32, #tpu.memory_space<vmem>>, vector<16xf32>,
    %get3A_1899 = arith.constant 16 : index
    %get3A_1900 = tpu.vector_load %arg9[%get3A_1899] {strides = array<i32>} : memref<528xf32, #tpu.memory_space<vmem>>, vector<16xf32>,
    %get3A_1901 = arith.constant 32 : index
    %get3A_1902 = tpu.vector_load %arg9[%get3A_1901] {strides = array<i32>} : memref<528xf32, #tpu.memory_space<vmem>>, vector<16xf32>,
    %get3A_1903 = arith.constant 48 : index
    %get3A_1904 = tpu.vector_load %arg9[%get3A_1903] {strides = array<i32>} : memref<528xf32, #tpu.memory_space<vmem>>, vector<16xf32>,
    %get3A_1905 = arith.constant 64 : index
    %get3A_1906 = tpu.vector_load %arg9[%get3A_1905] {strides = array<i32>} : memref<528xf32, #tpu.memory_space<vmem>>, vector<16xf32>,
    %get3A_1907 = arith.constant 80 : index
    %get3A_1908 = tpu.vector_load %arg9[%get3A_1907] {strides = array<i32>} : memref<528xf32, #tpu.memory_space<vmem>>, vector<16xf32>,
    %get3A_1909 = arith.constant 96 : index
    %get3A_1910 = tpu.vector_load %arg9[%get3A_1909] {strides = array<i32>} : memref<528xf32, #tpu.memory_space<vmem>>, vector<16xf32>,
    %get3A_1911 = arith.constant 112 : index
    %get3A_1912 = tpu.vector_load %arg9[%get3A_1911] {strides = array<i32>} : memref<528xf32, #tpu.memory_space<vmem>>, vector<16xf32>,
    %get3A_1913 = arith.constant 128 : index
    %get3A_1914 = tpu.vector_load %arg9[%get3A_1913] {strides = array<i32>} : memref<528xf32, #tpu.memory_space<vmem>>, vector<16xf32>,
    %get3A_1915 = arith.constant 144 : index
    %get3A_1916 = tpu.vector_load %arg9[%get3A_1915] {strides = array<i32>} : memref<528xf32, #tpu.memory_space<vmem>>, vector<16xf32>,
    %get3A_1917 = arith.constant 160 : index
    %get3A_1918 = tpu.vector_load %arg9[%get3A_1917] {strides = array<i32>} : memref<528xf32, #tpu.memory_space<vmem>>, vector<16xf32>,
    %get3A_1919 = arith.constant 176 : index
    %get3A_1920 = tpu.vector_load %arg9[%get3A_1919] {strides = array<i32>} : memref<528xf32, #tpu.memory_space<vmem>>, vector<16xf32>,
    %get3A_1921 = arith.constant 192 : index
    %get3A_1922 = tpu.vector_load %arg9[%get3A_1921] {strides = array<i32>} : memref<528xf32, #tpu.memory_space<vmem>>, vector<16xf32>,
    %get3A_1923 = arith.constant 208 : index
    %get3A_1924 = tpu.vector_load %arg9[%get3A_1923] {strides = array<i32>} : memref<528xf32, #tpu.memory_space<vmem>>, vector<16xf32>,
    %get3A_1925 = arith.constant 224 : index
    %get3A_1926 = tpu.vector_load %arg9[%get3A_1925] {strides = array<i32>} : memref<528xf32, #tpu.memory_space<vmem>>, vector<16xf32>,
    %get3A_1927 = arith.constant 240 : index
    %get3A_1928 = tpu.vector_load %arg9[%get3A_1927] {strides = array<i32>} : memref<528xf32, #tpu.memory_space<vmem>>, vector<16xf32>,
    %add3A_1929 = arith.constant 128 : i32
    %add3A_1930 = arith.addi %mul3A_2, %add3A_1929 : i32
    %dma_start3A_1931 = arith.constant 0 : i32
    %dma_start3A_1932 = tpu.memref_slice %arg2[%add3A_1930, %dma_start3A_1931] : memref<32768x256xf32, #tpu.memory_space<hbm>> -> memref<128x256xf32, #tpu.memory_space<hbm>>
    %dma_start3A_1933 = arith.constant 0 : i32
    %dma_start3A_1934 = tpu.memref_slice %arg2[%add3A_1930, %dma_start3A_1933] : memref<32768x256xf32, #tpu.memory_space<hbm>> -> memref<128x256xf32, #tpu.memory_space<hbm>>
    tpu.enqueue_dma source(%dma_start3A_1934 : memref<128x256xf32, #tpu.memory_space<hbm>>) target(%arg8 : memref<128x256xf32, #tpu.memory_space<vmem>>) target_semaphore(%arg17 : memref<!tpu.dma_semaphore, #tpu.memory_space<semaphore_mem>>)
    %scan3A = arith.constant 0 : i32
    %scan3A_1935 = arith.constant 0 : i32
    %scan3A_1936 = arith.constant 4 : i32
    %scan3A_1937 = arith.addi %scan3A_1935, %scan3A_1936 : i32
    %scan3A_1938 = arith.constant 1 : i32
    %scan3A_1939 = scf.for %scan3A_1941 = %scan3A_1935 to %scan3A_1937 step %scan3A_1938 iter_args(%scan3A_1942 = %scan3A) -> (i32)  : i32 {
      %mul3A_1943 = arith.constant 2 : i32
      %mul3A_1944 = arith.muli %scan3A_1941, %mul3A_1943 : i32
      %add3A_1945 = arith.constant 0 : i32
      %add3A_1946 = arith.addi %mul3A_1944, %add3A_1945 : i32
      %dma_wait3A_1947 = arith.constant 0 : i32
      %dma_wait3A_1948 = tpu.memref_slice %arg2[%mul3A_2, %dma_wait3A_1947] : memref<32768x256xf32, #tpu.memory_space<hbm>> -> memref<128x256xf32, #tpu.memory_space<hbm>>
      %dma_wait3A_1949 = arith.constant 0 : i32
      %dma_wait3A_1950 = tpu.memref_slice %arg2[%mul3A_2, %dma_wait3A_1949] : memref<32768x256xf32, #tpu.memory_space<hbm>> -> memref<128x256xf32, #tpu.memory_space<hbm>>
      tpu.wait_dma2 semaphore(%arg16 : memref<!tpu.dma_semaphore, #tpu.memory_space<semaphore_mem>>) src(%dma_wait3A_1950 : memref<128x256xf32, #tpu.memory_space<hbm>>) dst(%arg7 : memref<128x256xf32, #tpu.memory_space<vmem>>)
      %parallel_loop3A = arith.constant 0 : i32
      %parallel_loop3A_1951 = arith.constant 16 : i32
      %parallel_loop3A_1952 = arith.constant 1 : i32
      scf.for %parallel_loop3A_1982 = %parallel_loop3A to %parallel_loop3A_1951 step %parallel_loop3A_1952  : i32 {
        %parallel_loop3A_1983 = arith.constant 8 : i32
        %parallel_loop3A_1984 = arith.muli %parallel_loop3A_1982, %parallel_loop3A_1983 : i32
        %parallel_loop3A_1985 = arith.constant 0 : i32
        %parallel_loop3A_1986 = arith.addi %parallel_loop3A_1984, %parallel_loop3A_1985 : i32
        %parallel_loop3A_1987 = arith.index_cast %parallel_loop3A_1986 : i32 to index
        %parallel_loop3A_1988 = arith.constant 0 : index
        %parallel_loop3A_1989 = tpu.vector_load %arg7[%parallel_loop3A_1987, %parallel_loop3A_1988] {strides = array<i32>} : memref<128x256xf32, #tpu.memory_space<vmem>>, vector<16xf32>,
        %parallel_loop3A_1990 = arith.mulf %parallel_loop3A_1989, %get3A_1898 : vector<16xf32>
        %parallel_loop3A_1991 = arith.index_cast %parallel_loop3A_1986 : i32 to index
        %parallel_loop3A_1992 = arith.constant 16 : index
        %parallel_loop3A_1993 = tpu.vector_load %arg7[%parallel_loop3A_1991, %parallel_loop3A_1992] {strides = array<i32>} : memref<128x256xf32, #tpu.memory_space<vmem>>, vector<16xf32>,
        %parallel_loop3A_1994 = arith.mulf %parallel_loop3A_1993, %get3A_1900 : vector<16xf32>
        %parallel_loop3A_1995 = arith.index_cast %parallel_loop3A_1986 : i32 to index
        %parallel_loop3A_1996 = arith.constant 32 : index
        %parallel_loop3A_1997 = tpu.vector_load %arg7[%parallel_loop3A_1995, %parallel_loop3A_1996] {strides = array<i32>} : memref<128x256xf32, #tpu.memory_space<vmem>>, vector<16xf32>,
        %parallel_loop3A_1998 = arith.mulf %parallel_loop3A_1997, %get3A_1902 : vector<16xf32>
        %parallel_loop3A_1999 = arith.index_cast %parallel_loop3A_1986 : i32 to index
        %parallel_loop3A_2000 = arith.constant 48 : index
        %parallel_loop3A_2001 = tpu.vector_load %arg7[%parallel_loop3A_1999, %parallel_loop3A_2000] {strides = array<i32>} : memref<128x256xf32, #tpu.memory_space<vmem>>, vector<16xf32>,
        %parallel_loop3A_2002 = arith.mulf %parallel_loop3A_2001, %get3A_1904 : vector<16xf32>
        %parallel_loop3A_2003 = arith.index_cast %parallel_loop3A_1986 : i32 to index
        %parallel_loop3A_2004 = arith.constant 64 : index
        %parallel_loop3A_2005 = tpu.vector_load %arg7[%parallel_loop3A_2003, %parallel_loop3A_2004] {strides = array<i32>} : memref<128x256xf32, #tpu.memory_space<vmem>>, vector<16xf32>,
        %parallel_loop3A_2006 = arith.mulf %parallel_loop3A_2005, %get3A_1906 : vector<16xf32>
        %parallel_loop3A_2007 = arith.index_cast %parallel_loop3A_1986 : i32 to index
        %parallel_loop3A_2008 = arith.constant 80 : index
        %parallel_loop3A_2009 = tpu.vector_load %arg7[%parallel_loop3A_2007, %parallel_loop3A_2008] {strides = array<i32>} : memref<128x256xf32, #tpu.memory_space<vmem>>, vector<16xf32>,
        %parallel_loop3A_2010 = arith.mulf %parallel_loop3A_2009, %get3A_1908 : vector<16xf32>
        %parallel_loop3A_2011 = arith.index_cast %parallel_loop3A_1986 : i32 to index
        %parallel_loop3A_2012 = arith.constant 96 : index
        %parallel_loop3A_2013 = tpu.vector_load %arg7[%parallel_loop3A_2011, %parallel_loop3A_2012] {strides = array<i32>} : memref<128x256xf32, #tpu.memory_space<vmem>>, vector<16xf32>,
        %parallel_loop3A_2014 = arith.mulf %parallel_loop3A_2013, %get3A_1910 : vector<16xf32>
        %parallel_loop3A_2015 = arith.index_cast %parallel_loop3A_1986 : i32 to index
        %parallel_loop3A_2016 = arith.constant 112 : index
        %parallel_loop3A_2017 = tpu.vector_load %arg7[%parallel_loop3A_2015, %parallel_loop3A_2016] {strides = array<i32>} : memref<128x256xf32, #tpu.memory_space<vmem>>, vector<16xf32>,
        %parallel_loop3A_2018 = arith.mulf %parallel_loop3A_2017, %get3A_1912 : vector<16xf32>
        %parallel_loop3A_2019 = arith.index_cast %parallel_loop3A_1986 : i32 to index
        %parallel_loop3A_2020 = arith.constant 128 : index
        %parallel_loop3A_2021 = tpu.vector_load %arg7[%parallel_loop3A_2019, %parallel_loop3A_2020] {strides = array<i32>} : memref<128x256xf32, #tpu.memory_space<vmem>>, vector<16xf32>,
        %parallel_loop3A_2022 = arith.mulf %parallel_loop3A_2021, %get3A_1914 : vector<16xf32>
        %parallel_loop3A_2023 = arith.index_cast %parallel_loop3A_1986 : i32 to index
        %parallel_loop3A_2024 = arith.constant 144 : index
        %parallel_loop3A_2025 = tpu.vector_load %arg7[%parallel_loop3A_2023, %parallel_loop3A_2024] {strides = array<i32>} : memref<128x256xf32, #tpu.memory_space<vmem>>, vector<16xf32>,
        %parallel_loop3A_2026 = arith.mulf %parallel_loop3A_2025, %get3A_1916 : vector<16xf32>
        %parallel_loop3A_2027 = arith.index_cast %parallel_loop3A_1986 : i32 to index
        %parallel_loop3A_2028 = arith.constant 160 : index
        %parallel_loop3A_2029 = tpu.vector_load %arg7[%parallel_loop3A_2027, %parallel_loop3A_2028] {strides = array<i32>} : memref<128x256xf32, #tpu.memory_space<vmem>>, vector<16xf32>,
        %parallel_loop3A_2030 = arith.mulf %parallel_loop3A_2029, %get3A_1918 : vector<16xf32>
        %parallel_loop3A_2031 = arith.index_cast %parallel_loop3A_1986 : i32 to index
        %parallel_loop3A_2032 = arith.constant 176 : index
        %parallel_loop3A_2033 = tpu.vector_load %arg7[%parallel_loop3A_2031, %parallel_loop3A_2032] {strides = array<i32>} : memref<128x256xf32, #tpu.memory_space<vmem>>, vector<16xf32>,
        %parallel_loop3A_2034 = arith.mulf %parallel_loop3A_2033, %get3A_1920 : vector<16xf32>
        %parallel_loop3A_2035 = arith.index_cast %parallel_loop3A_1986 : i32 to index
        %parallel_loop3A_2036 = arith.constant 192 : index
        %parallel_loop3A_2037 = tpu.vector_load %arg7[%parallel_loop3A_2035, %parallel_loop3A_2036] {strides = array<i32>} : memref<128x256xf32, #tpu.memory_space<vmem>>, vector<16xf32>,
        %parallel_loop3A_2038 = arith.mulf %parallel_loop3A_2037, %get3A_1922 : vector<16xf32>
        %parallel_loop3A_2039 = arith.index_cast %parallel_loop3A_1986 : i32 to index
        %parallel_loop3A_2040 = arith.constant 208 : index
        %parallel_loop3A_2041 = tpu.vector_load %arg7[%parallel_loop3A_2039, %parallel_loop3A_2040] {strides = array<i32>} : memref<128x256xf32, #tpu.memory_space<vmem>>, vector<16xf32>,
        %parallel_loop3A_2042 = arith.mulf %parallel_loop3A_2041, %get3A_1924 : vector<16xf32>
        %parallel_loop3A_2043 = arith.index_cast %parallel_loop3A_1986 : i32 to index
        %parallel_loop3A_2044 = arith.constant 224 : index
        %parallel_loop3A_2045 = tpu.vector_load %arg7[%parallel_loop3A_2043, %parallel_loop3A_2044] {strides = array<i32>} : memref<128x256xf32, #tpu.memory_space<vmem>>, vector<16xf32>,
        %parallel_loop3A_2046 = arith.mulf %parallel_loop3A_2045, %get3A_1926 : vector<16xf32>
        %parallel_loop3A_2047 = arith.index_cast %parallel_loop3A_1986 : i32 to index
        %parallel_loop3A_2048 = arith.constant 240 : index
        %parallel_loop3A_2049 = tpu.vector_load %arg7[%parallel_loop3A_2047, %parallel_loop3A_2048] {strides = array<i32>} : memref<128x256xf32, #tpu.memory_space<vmem>>, vector<16xf32>,
        %parallel_loop3A_2050 = arith.mulf %parallel_loop3A_2049, %get3A_1928 : vector<16xf32>
        %parallel_loop3A_2051 = arith.addf %parallel_loop3A_1990, %parallel_loop3A_1994 : vector<16xf32>
        %parallel_loop3A_2052 = arith.addf %parallel_loop3A_1998, %parallel_loop3A_2002 : vector<16xf32>
        %parallel_loop3A_2053 = arith.addf %parallel_loop3A_2006, %parallel_loop3A_2010 : vector<16xf32>
        %parallel_loop3A_2054 = arith.addf %parallel_loop3A_2014, %parallel_loop3A_2018 : vector<16xf32>
        %parallel_loop3A_2055 = arith.addf %parallel_loop3A_2022, %parallel_loop3A_2026 : vector<16xf32>
        %parallel_loop3A_2056 = arith.addf %parallel_loop3A_2030, %parallel_loop3A_2034 : vector<16xf32>
        %parallel_loop3A_2057 = arith.addf %parallel_loop3A_2038, %parallel_loop3A_2042 : vector<16xf32>
        %parallel_loop3A_2058 = arith.addf %parallel_loop3A_2046, %parallel_loop3A_2050 : vector<16xf32>
        %parallel_loop3A_2059 = arith.addf %parallel_loop3A_2051, %parallel_loop3A_2052 : vector<16xf32>
        %parallel_loop3A_2060 = arith.addf %parallel_loop3A_2053, %parallel_loop3A_2054 : vector<16xf32>
        %parallel_loop3A_2061 = arith.addf %parallel_loop3A_2055, %parallel_loop3A_2056 : vector<16xf32>
        %parallel_loop3A_2062 = arith.addf %parallel_loop3A_2057, %parallel_loop3A_2058 : vector<16xf32>
        %parallel_loop3A_2063 = arith.addf %parallel_loop3A_2059, %parallel_loop3A_2060 : vector<16xf32>
        %parallel_loop3A_2064 = arith.addf %parallel_loop3A_2061, %parallel_loop3A_2062 : vector<16xf32>
        %parallel_loop3A_2065 = arith.addf %parallel_loop3A_2063, %parallel_loop3A_2064 : vector<16xf32>
        %parallel_loop3A_2066 = arith.constant 128 : i32
        %parallel_loop3A_2067 = arith.muli %parallel_loop3A_1982, %parallel_loop3A_2066 : i32
        %parallel_loop3A_2068 = arith.constant 0 : i32
        %parallel_loop3A_2069 = arith.addi %parallel_loop3A_2067, %parallel_loop3A_2068 : i32
        %parallel_loop3A_2070 = arith.index_cast %parallel_loop3A_2069 : i32 to index
        %parallel_loop3A_2071 = tpu.vector_load %arg15[%parallel_loop3A_2070] {strides = array<i32>} : memref<2048xf32, #tpu.memory_space<vmem>>, vector<16xf32>,
        tpu.vector_store %arg15[%parallel_loop3A_2070], %parallel_loop3A_2065 {strides = array<i32>} : memref<2048xf32, #tpu.memory_space<vmem>>, vector<16xf32>,
        %parallel_loop3A_2072 = arith.constant 8 : i32
        %parallel_loop3A_2073 = arith.muli %parallel_loop3A_1982, %parallel_loop3A_2072 : i32
        %parallel_loop3A_2074 = arith.constant 1 : i32
        %parallel_loop3A_2075 = arith.addi %parallel_loop3A_2073, %parallel_loop3A_2074 : i32
        %parallel_loop3A_2076 = arith.index_cast %parallel_loop3A_2075 : i32 to index
        %parallel_loop3A_2077 = arith.constant 0 : index
        %parallel_loop3A_2078 = tpu.vector_load %arg7[%parallel_loop3A_2076, %parallel_loop3A_2077] {strides = array<i32>} : memref<128x256xf32, #tpu.memory_space<vmem>>, vector<16xf32>,
        %parallel_loop3A_2079 = arith.mulf %parallel_loop3A_2078, %get3A_1898 : vector<16xf32>
        %parallel_loop3A_2080 = arith.index_cast %parallel_loop3A_2075 : i32 to index
        %parallel_loop3A_2081 = arith.constant 16 : index
        %parallel_loop3A_2082 = tpu.vector_load %arg7[%parallel_loop3A_2080, %parallel_loop3A_2081] {strides = array<i32>} : memref<128x256xf32, #tpu.memory_space<vmem>>, vector<16xf32>,
        %parallel_loop3A_2083 = arith.mulf %parallel_loop3A_2082, %get3A_1900 : vector<16xf32>
        %parallel_loop3A_2084 = arith.index_cast %parallel_loop3A_2075 : i32 to index
        %parallel_loop3A_2085 = arith.constant 32 : index
        %parallel_loop3A_2086 = tpu.vector_load %arg7[%parallel_loop3A_2084, %parallel_loop3A_2085] {strides = array<i32>} : memref<128x256xf32, #tpu.memory_space<vmem>>, vector<16xf32>,
        %parallel_loop3A_2087 = arith.mulf %parallel_loop3A_2086, %get3A_1902 : vector<16xf32>
        %parallel_loop3A_2088 = arith.index_cast %parallel_loop3A_2075 : i32 to index
        %parallel_loop3A_2089 = arith.constant 48 : index
        %parallel_loop3A_2090 = tpu.vector_load %arg7[%parallel_loop3A_2088, %parallel_loop3A_2089] {strides = array<i32>} : memref<128x256xf32, #tpu.memory_space<vmem>>, vector<16xf32>,
        %parallel_loop3A_2091 = arith.mulf %parallel_loop3A_2090, %get3A_1904 : vector<16xf32>
        %parallel_loop3A_2092 = arith.index_cast %parallel_loop3A_2075 : i32 to index
        %parallel_loop3A_2093 = arith.constant 64 : index
        %parallel_loop3A_2094 = tpu.vector_load %arg7[%parallel_loop3A_2092, %parallel_loop3A_2093] {strides = array<i32>} : memref<128x256xf32, #tpu.memory_space<vmem>>, vector<16xf32>,
        %parallel_loop3A_2095 = arith.mulf %parallel_loop3A_2094, %get3A_1906 : vector<16xf32>
        %parallel_loop3A_2096 = arith.index_cast %parallel_loop3A_2075 : i32 to index
        %parallel_loop3A_2097 = arith.constant 80 : index
        %parallel_loop3A_2098 = tpu.vector_load %arg7[%parallel_loop3A_2096, %parallel_loop3A_2097] {strides = array<i32>} : memref<128x256xf32, #tpu.memory_space<vmem>>, vector<16xf32>,
        %parallel_loop3A_2099 = arith.mulf %parallel_loop3A_2098, %get3A_1908 : vector<16xf32>
        %parallel_loop3A_2100 = arith.index_cast %parallel_loop3A_2075 : i32 to index
        %parallel_loop3A_2101 = arith.constant 96 : index
        %parallel_loop3A_2102 = tpu.vector_load %arg7[%parallel_loop3A_2100, %parallel_loop3A_2101] {strides = array<i32>} : memref<128x256xf32, #tpu.memory_space<vmem>>, vector<16xf32>,
        %parallel_loop3A_2103 = arith.mulf %parallel_loop3A_2102, %get3A_1910 : vector<16xf32>
        %parallel_loop3A_2104 = arith.index_cast %parallel_loop3A_2075 : i32 to index
        %parallel_loop3A_2105 = arith.constant 112 : index
        %parallel_loop3A_2106 = tpu.vector_load %arg7[%parallel_loop3A_2104, %parallel_loop3A_2105] {strides = array<i32>} : memref<128x256xf32, #tpu.memory_space<vmem>>, vector<16xf32>,
        %parallel_loop3A_2107 = arith.mulf %parallel_loop3A_2106, %get3A_1912 : vector<16xf32>
        %parallel_loop3A_2108 = arith.index_cast %parallel_loop3A_2075 : i32 to index
        %parallel_loop3A_2109 = arith.constant 128 : index
        %parallel_loop3A_2110 = tpu.vector_load %arg7[%parallel_loop3A_2108, %parallel_loop3A_2109] {strides = array<i32>} : memref<128x256xf32, #tpu.memory_space<vmem>>, vector<16xf32>,
        %parallel_loop3A_2111 = arith.mulf %parallel_loop3A_2110, %get3A_1914 : vector<16xf32>
        %parallel_loop3A_2112 = arith.index_cast %parallel_loop3A_2075 : i32 to index
        %parallel_loop3A_2113 = arith.constant 144 : index
        %parallel_loop3A_2114 = tpu.vector_load %arg7[%parallel_loop3A_2112, %parallel_loop3A_2113] {strides = array<i32>} : memref<128x256xf32, #tpu.memory_space<vmem>>, vector<16xf32>,
        %parallel_loop3A_2115 = arith.mulf %parallel_loop3A_2114, %get3A_1916 : vector<16xf32>
        %parallel_loop3A_2116 = arith.index_cast %parallel_loop3A_2075 : i32 to index
        %parallel_loop3A_2117 = arith.constant 160 : index
        %parallel_loop3A_2118 = tpu.vector_load %arg7[%parallel_loop3A_2116, %parallel_loop3A_2117] {strides = array<i32>} : memref<128x256xf32, #tpu.memory_space<vmem>>, vector<16xf32>,
        %parallel_loop3A_2119 = arith.mulf %parallel_loop3A_2118, %get3A_1918 : vector<16xf32>
        %parallel_loop3A_2120 = arith.index_cast %parallel_loop3A_2075 : i32 to index
        %parallel_loop3A_2121 = arith.constant 176 : index
        %parallel_loop3A_2122 = tpu.vector_load %arg7[%parallel_loop3A_2120, %parallel_loop3A_2121] {strides = array<i32>} : memref<128x256xf32, #tpu.memory_space<vmem>>, vector<16xf32>,
        %parallel_loop3A_2123 = arith.mulf %parallel_loop3A_2122, %get3A_1920 : vector<16xf32>
        %parallel_loop3A_2124 = arith.index_cast %parallel_loop3A_2075 : i32 to index
        %parallel_loop3A_2125 = arith.constant 192 : index
        %parallel_loop3A_2126 = tpu.vector_load %arg7[%parallel_loop3A_2124, %parallel_loop3A_2125] {strides = array<i32>} : memref<128x256xf32, #tpu.memory_space<vmem>>, vector<16xf32>,
        %parallel_loop3A_2127 = arith.mulf %parallel_loop3A_2126, %get3A_1922 : vector<16xf32>
        %parallel_loop3A_2128 = arith.index_cast %parallel_loop3A_2075 : i32 to index
        %parallel_loop3A_2129 = arith.constant 208 : index
        %parallel_loop3A_2130 = tpu.vector_load %arg7[%parallel_loop3A_2128, %parallel_loop3A_2129] {strides = array<i32>} : memref<128x256xf32, #tpu.memory_space<vmem>>, vector<16xf32>,
        %parallel_loop3A_2131 = arith.mulf %parallel_loop3A_2130, %get3A_1924 : vector<16xf32>
        %parallel_loop3A_2132 = arith.index_cast %parallel_loop3A_2075 : i32 to index
        %parallel_loop3A_2133 = arith.constant 224 : index
        %parallel_loop3A_2134 = tpu.vector_load %arg7[%parallel_loop3A_2132, %parallel_loop3A_2133] {strides = array<i32>} : memref<128x256xf32, #tpu.memory_space<vmem>>, vector<16xf32>,
        %parallel_loop3A_2135 = arith.mulf %parallel_loop3A_2134, %get3A_1926 : vector<16xf32>
        %parallel_loop3A_2136 = arith.index_cast %parallel_loop3A_2075 : i32 to index
        %parallel_loop3A_2137 = arith.constant 240 : index
        %parallel_loop3A_2138 = tpu.vector_load %arg7[%parallel_loop3A_2136, %parallel_loop3A_2137] {strides = array<i32>} : memref<128x256xf32, #tpu.memory_space<vmem>>, vector<16xf32>,
        %parallel_loop3A_2139 = arith.mulf %parallel_loop3A_2138, %get3A_1928 : vector<16xf32>
        %parallel_loop3A_2140 = arith.addf %parallel_loop3A_2079, %parallel_loop3A_2083 : vector<16xf32>
        %parallel_loop3A_2141 = arith.addf %parallel_loop3A_2087, %parallel_loop3A_2091 : vector<16xf32>
        %parallel_loop3A_2142 = arith.addf %parallel_loop3A_2095, %parallel_loop3A_2099 : vector<16xf32>
        %parallel_loop3A_2143 = arith.addf %parallel_loop3A_2103, %parallel_loop3A_2107 : vector<16xf32>
        %parallel_loop3A_2144 = arith.addf %parallel_loop3A_2111, %parallel_loop3A_2115 : vector<16xf32>
        %parallel_loop3A_2145 = arith.addf %parallel_loop3A_2119, %parallel_loop3A_2123 : vector<16xf32>
        %parallel_loop3A_2146 = arith.addf %parallel_loop3A_2127, %parallel_loop3A_2131 : vector<16xf32>
        %parallel_loop3A_2147 = arith.addf %parallel_loop3A_2135, %parallel_loop3A_2139 : vector<16xf32>
        %parallel_loop3A_2148 = arith.addf %parallel_loop3A_2140, %parallel_loop3A_2141 : vector<16xf32>
        %parallel_loop3A_2149 = arith.addf %parallel_loop3A_2142, %parallel_loop3A_2143 : vector<16xf32>
        %parallel_loop3A_2150 = arith.addf %parallel_loop3A_2144, %parallel_loop3A_2145 : vector<16xf32>
        %parallel_loop3A_2151 = arith.addf %parallel_loop3A_2146, %parallel_loop3A_2147 : vector<16xf32>
        %parallel_loop3A_2152 = arith.addf %parallel_loop3A_2148, %parallel_loop3A_2149 : vector<16xf32>
        %parallel_loop3A_2153 = arith.addf %parallel_loop3A_2150, %parallel_loop3A_2151 : vector<16xf32>
        %parallel_loop3A_2154 = arith.addf %parallel_loop3A_2152, %parallel_loop3A_2153 : vector<16xf32>
        %parallel_loop3A_2155 = arith.constant 128 : i32
        %parallel_loop3A_2156 = arith.muli %parallel_loop3A_1982, %parallel_loop3A_2155 : i32
        %parallel_loop3A_2157 = arith.constant 16 : i32
        %parallel_loop3A_2158 = arith.addi %parallel_loop3A_2156, %parallel_loop3A_2157 : i32
        %parallel_loop3A_2159 = arith.index_cast %parallel_loop3A_2158 : i32 to index
        %parallel_loop3A_2160 = tpu.vector_load %arg15[%parallel_loop3A_2159] {strides = array<i32>} : memref<2048xf32, #tpu.memory_space<vmem>>, vector<16xf32>,
        tpu.vector_store %arg15[%parallel_loop3A_2159], %parallel_loop3A_2154 {strides = array<i32>} : memref<2048xf32, #tpu.memory_space<vmem>>, vector<16xf32>,
        %parallel_loop3A_2161 = arith.constant 8 : i32
        %parallel_loop3A_2162 = arith.muli %parallel_loop3A_1982, %parallel_loop3A_2161 : i32
        %parallel_loop3A_2163 = arith.constant 2 : i32
        %parallel_loop3A_2164 = arith.addi %parallel_loop3A_2162, %parallel_loop3A_2163 : i32
        %parallel_loop3A_2165 = arith.index_cast %parallel_loop3A_2164 : i32 to index
        %parallel_loop3A_2166 = arith.constant 0 : index
        %parallel_loop3A_2167 = tpu.vector_load %arg7[%parallel_loop3A_2165, %parallel_loop3A_2166] {strides = array<i32>} : memref<128x256xf32, #tpu.memory_space<vmem>>, vector<16xf32>,
        %parallel_loop3A_2168 = arith.mulf %parallel_loop3A_2167, %get3A_1898 : vector<16xf32>
        %parallel_loop3A_2169 = arith.index_cast %parallel_loop3A_2164 : i32 to index
        %parallel_loop3A_2170 = arith.constant 16 : index
        %parallel_loop3A_2171 = tpu.vector_load %arg7[%parallel_loop3A_2169, %parallel_loop3A_2170] {strides = array<i32>} : memref<128x256xf32, #tpu.memory_space<vmem>>, vector<16xf32>,
        %parallel_loop3A_2172 = arith.mulf %parallel_loop3A_2171, %get3A_1900 : vector<16xf32>
        %parallel_loop3A_2173 = arith.index_cast %parallel_loop3A_2164 : i32 to index
        %parallel_loop3A_2174 = arith.constant 32 : index
        %parallel_loop3A_2175 = tpu.vector_load %arg7[%parallel_loop3A_2173, %parallel_loop3A_2174] {strides = array<i32>} : memref<128x256xf32, #tpu.memory_space<vmem>>, vector<16xf32>,
        %parallel_loop3A_2176 = arith.mulf %parallel_loop3A_2175, %get3A_1902 : vector<16xf32>
        %parallel_loop3A_2177 = arith.index_cast %parallel_loop3A_2164 : i32 to index
        %parallel_loop3A_2178 = arith.constant 48 : index
        %parallel_loop3A_2179 = tpu.vector_load %arg7[%parallel_loop3A_2177, %parallel_loop3A_2178] {strides = array<i32>} : memref<128x256xf32, #tpu.memory_space<vmem>>, vector<16xf32>,
        %parallel_loop3A_2180 = arith.mulf %parallel_loop3A_2179, %get3A_1904 : vector<16xf32>
        %parallel_loop3A_2181 = arith.index_cast %parallel_loop3A_2164 : i32 to index
        %parallel_loop3A_2182 = arith.constant 64 : index
        %parallel_loop3A_2183 = tpu.vector_load %arg7[%parallel_loop3A_2181, %parallel_loop3A_2182] {strides = array<i32>} : memref<128x256xf32, #tpu.memory_space<vmem>>, vector<16xf32>,
        %parallel_loop3A_2184 = arith.mulf %parallel_loop3A_2183, %get3A_1906 : vector<16xf32>
        %parallel_loop3A_2185 = arith.index_cast %parallel_loop3A_2164 : i32 to index
        %parallel_loop3A_2186 = arith.constant 80 : index
        %parallel_loop3A_2187 = tpu.vector_load %arg7[%parallel_loop3A_2185, %parallel_loop3A_2186] {strides = array<i32>} : memref<128x256xf32, #tpu.memory_space<vmem>>, vector<16xf32>,
        %parallel_loop3A_2188 = arith.mulf %parallel_loop3A_2187, %get3A_1908 : vector<16xf32>
        %parallel_loop3A_2189 = arith.index_cast %parallel_loop3A_2164 : i32 to index
        %parallel_loop3A_2190 = arith.constant 96 : index
        %parallel_loop3A_2191 = tpu.vector_load %arg7[%parallel_loop3A_2189, %parallel_loop3A_2190] {strides = array<i32>} : memref<128x256xf32, #tpu.memory_space<vmem>>, vector<16xf32>,
        %parallel_loop3A_2192 = arith.mulf %parallel_loop3A_2191, %get3A_1910 : vector<16xf32>
        %parallel_loop3A_2193 = arith.index_cast %parallel_loop3A_2164 : i32 to index
        %parallel_loop3A_2194 = arith.constant 112 : index
        %parallel_loop3A_2195 = tpu.vector_load %arg7[%parallel_loop3A_2193, %parallel_loop3A_2194] {strides = array<i32>} : memref<128x256xf32, #tpu.memory_space<vmem>>, vector<16xf32>,
        %parallel_loop3A_2196 = arith.mulf %parallel_loop3A_2195, %get3A_1912 : vector<16xf32>
        %parallel_loop3A_2197 = arith.index_cast %parallel_loop3A_2164 : i32 to index
        %parallel_loop3A_2198 = arith.constant 128 : index
        %parallel_loop3A_2199 = tpu.vector_load %arg7[%parallel_loop3A_2197, %parallel_loop3A_2198] {strides = array<i32>} : memref<128x256xf32, #tpu.memory_space<vmem>>, vector<16xf32>,
        %parallel_loop3A_2200 = arith.mulf %parallel_loop3A_2199, %get3A_1914 : vector<16xf32>
        %parallel_loop3A_2201 = arith.index_cast %parallel_loop3A_2164 : i32 to index
        %parallel_loop3A_2202 = arith.constant 144 : index
        %parallel_loop3A_2203 = tpu.vector_load %arg7[%parallel_loop3A_2201, %parallel_loop3A_2202] {strides = array<i32>} : memref<128x256xf32, #tpu.memory_space<vmem>>, vector<16xf32>,
        %parallel_loop3A_2204 = arith.mulf %parallel_loop3A_2203, %get3A_1916 : vector<16xf32>
        %parallel_loop3A_2205 = arith.index_cast %parallel_loop3A_2164 : i32 to index
        %parallel_loop3A_2206 = arith.constant 160 : index
        %parallel_loop3A_2207 = tpu.vector_load %arg7[%parallel_loop3A_2205, %parallel_loop3A_2206] {strides = array<i32>} : memref<128x256xf32, #tpu.memory_space<vmem>>, vector<16xf32>,
        %parallel_loop3A_2208 = arith.mulf %parallel_loop3A_2207, %get3A_1918 : vector<16xf32>
        %parallel_loop3A_2209 = arith.index_cast %parallel_loop3A_2164 : i32 to index
        %parallel_loop3A_2210 = arith.constant 176 : index
        %parallel_loop3A_2211 = tpu.vector_load %arg7[%parallel_loop3A_2209, %parallel_loop3A_2210] {strides = array<i32>} : memref<128x256xf32, #tpu.memory_space<vmem>>, vector<16xf32>,
        %parallel_loop3A_2212 = arith.mulf %parallel_loop3A_2211, %get3A_1920 : vector<16xf32>
        %parallel_loop3A_2213 = arith.index_cast %parallel_loop3A_2164 : i32 to index
        %parallel_loop3A_2214 = arith.constant 192 : index
        %parallel_loop3A_2215 = tpu.vector_load %arg7[%parallel_loop3A_2213, %parallel_loop3A_2214] {strides = array<i32>} : memref<128x256xf32, #tpu.memory_space<vmem>>, vector<16xf32>,
        %parallel_loop3A_2216 = arith.mulf %parallel_loop3A_2215, %get3A_1922 : vector<16xf32>
        %parallel_loop3A_2217 = arith.index_cast %parallel_loop3A_2164 : i32 to index
        %parallel_loop3A_2218 = arith.constant 208 : index
        %parallel_loop3A_2219 = tpu.vector_load %arg7[%parallel_loop3A_2217, %parallel_loop3A_2218] {strides = array<i32>} : memref<128x256xf32, #tpu.memory_space<vmem>>, vector<16xf32>,
        %parallel_loop3A_2220 = arith.mulf %parallel_loop3A_2219, %get3A_1924 : vector<16xf32>
        %parallel_loop3A_2221 = arith.index_cast %parallel_loop3A_2164 : i32 to index
        %parallel_loop3A_2222 = arith.constant 224 : index
        %parallel_loop3A_2223 = tpu.vector_load %arg7[%parallel_loop3A_2221, %parallel_loop3A_2222] {strides = array<i32>} : memref<128x256xf32, #tpu.memory_space<vmem>>, vector<16xf32>,
        %parallel_loop3A_2224 = arith.mulf %parallel_loop3A_2223, %get3A_1926 : vector<16xf32>
        %parallel_loop3A_2225 = arith.index_cast %parallel_loop3A_2164 : i32 to index
        %parallel_loop3A_2226 = arith.constant 240 : index
        %parallel_loop3A_2227 = tpu.vector_load %arg7[%parallel_loop3A_2225, %parallel_loop3A_2226] {strides = array<i32>} : memref<128x256xf32, #tpu.memory_space<vmem>>, vector<16xf32>,
        %parallel_loop3A_2228 = arith.mulf %parallel_loop3A_2227, %get3A_1928 : vector<16xf32>
        %parallel_loop3A_2229 = arith.addf %parallel_loop3A_2168, %parallel_loop3A_2172 : vector<16xf32>
        %parallel_loop3A_2230 = arith.addf %parallel_loop3A_2176, %parallel_loop3A_2180 : vector<16xf32>
        %parallel_loop3A_2231 = arith.addf %parallel_loop3A_2184, %parallel_loop3A_2188 : vector<16xf32>
        %parallel_loop3A_2232 = arith.addf %parallel_loop3A_2192, %parallel_loop3A_2196 : vector<16xf32>
        %parallel_loop3A_2233 = arith.addf %parallel_loop3A_2200, %parallel_loop3A_2204 : vector<16xf32>
        %parallel_loop3A_2234 = arith.addf %parallel_loop3A_2208, %parallel_loop3A_2212 : vector<16xf32>
        %parallel_loop3A_2235 = arith.addf %parallel_loop3A_2216, %parallel_loop3A_2220 : vector<16xf32>
        %parallel_loop3A_2236 = arith.addf %parallel_loop3A_2224, %parallel_loop3A_2228 : vector<16xf32>
        %parallel_loop3A_2237 = arith.addf %parallel_loop3A_2229, %parallel_loop3A_2230 : vector<16xf32>
        %parallel_loop3A_2238 = arith.addf %parallel_loop3A_2231, %parallel_loop3A_2232 : vector<16xf32>
        %parallel_loop3A_2239 = arith.addf %parallel_loop3A_2233, %parallel_loop3A_2234 : vector<16xf32>
        %parallel_loop3A_2240 = arith.addf %parallel_loop3A_2235, %parallel_loop3A_2236 : vector<16xf32>
        %parallel_loop3A_2241 = arith.addf %parallel_loop3A_2237, %parallel_loop3A_2238 : vector<16xf32>
        %parallel_loop3A_2242 = arith.addf %parallel_loop3A_2239, %parallel_loop3A_2240 : vector<16xf32>
        %parallel_loop3A_2243 = arith.addf %parallel_loop3A_2241, %parallel_loop3A_2242 : vector<16xf32>
        %parallel_loop3A_2244 = arith.constant 128 : i32
        %parallel_loop3A_2245 = arith.muli %parallel_loop3A_1982, %parallel_loop3A_2244 : i32
        %parallel_loop3A_2246 = arith.constant 32 : i32
        %parallel_loop3A_2247 = arith.addi %parallel_loop3A_2245, %parallel_loop3A_2246 : i32
        %parallel_loop3A_2248 = arith.index_cast %parallel_loop3A_2247 : i32 to index
        %parallel_loop3A_2249 = tpu.vector_load %arg15[%parallel_loop3A_2248] {strides = array<i32>} : memref<2048xf32, #tpu.memory_space<vmem>>, vector<16xf32>,
        tpu.vector_store %arg15[%parallel_loop3A_2248], %parallel_loop3A_2243 {strides = array<i32>} : memref<2048xf32, #tpu.memory_space<vmem>>, vector<16xf32>,
        %parallel_loop3A_2250 = arith.constant 8 : i32
        %parallel_loop3A_2251 = arith.muli %parallel_loop3A_1982, %parallel_loop3A_2250 : i32
        %parallel_loop3A_2252 = arith.constant 3 : i32
        %parallel_loop3A_2253 = arith.addi %parallel_loop3A_2251, %parallel_loop3A_2252 : i32
        %parallel_loop3A_2254 = arith.index_cast %parallel_loop3A_2253 : i32 to index
        %parallel_loop3A_2255 = arith.constant 0 : index
        %parallel_loop3A_2256 = tpu.vector_load %arg7[%parallel_loop3A_2254, %parallel_loop3A_2255] {strides = array<i32>} : memref<128x256xf32, #tpu.memory_space<vmem>>, vector<16xf32>,
        %parallel_loop3A_2257 = arith.mulf %parallel_loop3A_2256, %get3A_1898 : vector<16xf32>
        %parallel_loop3A_2258 = arith.index_cast %parallel_loop3A_2253 : i32 to index
        %parallel_loop3A_2259 = arith.constant 16 : index
        %parallel_loop3A_2260 = tpu.vector_load %arg7[%parallel_loop3A_2258, %parallel_loop3A_2259] {strides = array<i32>} : memref<128x256xf32, #tpu.memory_space<vmem>>, vector<16xf32>,
        %parallel_loop3A_2261 = arith.mulf %parallel_loop3A_2260, %get3A_1900 : vector<16xf32>
        %parallel_loop3A_2262 = arith.index_cast %parallel_loop3A_2253 : i32 to index
        %parallel_loop3A_2263 = arith.constant 32 : index
        %parallel_loop3A_2264 = tpu.vector_load %arg7[%parallel_loop3A_2262, %parallel_loop3A_2263] {strides = array<i32>} : memref<128x256xf32, #tpu.memory_space<vmem>>, vector<16xf32>,
        %parallel_loop3A_2265 = arith.mulf %parallel_loop3A_2264, %get3A_1902 : vector<16xf32>
        %parallel_loop3A_2266 = arith.index_cast %parallel_loop3A_2253 : i32 to index
        %parallel_loop3A_2267 = arith.constant 48 : index
        %parallel_loop3A_2268 = tpu.vector_load %arg7[%parallel_loop3A_2266, %parallel_loop3A_2267] {strides = array<i32>} : memref<128x256xf32, #tpu.memory_space<vmem>>, vector<16xf32>,
        %parallel_loop3A_2269 = arith.mulf %parallel_loop3A_2268, %get3A_1904 : vector<16xf32>
        %parallel_loop3A_2270 = arith.index_cast %parallel_loop3A_2253 : i32 to index
        %parallel_loop3A_2271 = arith.constant 64 : index
        %parallel_loop3A_2272 = tpu.vector_load %arg7[%parallel_loop3A_2270, %parallel_loop3A_2271] {strides = array<i32>} : memref<128x256xf32, #tpu.memory_space<vmem>>, vector<16xf32>,
        %parallel_loop3A_2273 = arith.mulf %parallel_loop3A_2272, %get3A_1906 : vector<16xf32>
        %parallel_loop3A_2274 = arith.index_cast %parallel_loop3A_2253 : i32 to index
        %parallel_loop3A_2275 = arith.constant 80 : index
        %parallel_loop3A_2276 = tpu.vector_load %arg7[%parallel_loop3A_2274, %parallel_loop3A_2275] {strides = array<i32>} : memref<128x256xf32, #tpu.memory_space<vmem>>, vector<16xf32>,
        %parallel_loop3A_2277 = arith.mulf %parallel_loop3A_2276, %get3A_1908 : vector<16xf32>
        %parallel_loop3A_2278 = arith.index_cast %parallel_loop3A_2253 : i32 to index
        %parallel_loop3A_2279 = arith.constant 96 : index
        %parallel_loop3A_2280 = tpu.vector_load %arg7[%parallel_loop3A_2278, %parallel_loop3A_2279] {strides = array<i32>} : memref<128x256xf32, #tpu.memory_space<vmem>>, vector<16xf32>,
        %parallel_loop3A_2281 = arith.mulf %parallel_loop3A_2280, %get3A_1910 : vector<16xf32>
        %parallel_loop3A_2282 = arith.index_cast %parallel_loop3A_2253 : i32 to index
        %parallel_loop3A_2283 = arith.constant 112 : index
        %parallel_loop3A_2284 = tpu.vector_load %arg7[%parallel_loop3A_2282, %parallel_loop3A_2283] {strides = array<i32>} : memref<128x256xf32, #tpu.memory_space<vmem>>, vector<16xf32>,
        %parallel_loop3A_2285 = arith.mulf %parallel_loop3A_2284, %get3A_1912 : vector<16xf32>
        %parallel_loop3A_2286 = arith.index_cast %parallel_loop3A_2253 : i32 to index
        %parallel_loop3A_2287 = arith.constant 128 : index
        %parallel_loop3A_2288 = tpu.vector_load %arg7[%parallel_loop3A_2286, %parallel_loop3A_2287] {strides = array<i32>} : memref<128x256xf32, #tpu.memory_space<vmem>>, vector<16xf32>,
        %parallel_loop3A_2289 = arith.mulf %parallel_loop3A_2288, %get3A_1914 : vector<16xf32>
        %parallel_loop3A_2290 = arith.index_cast %parallel_loop3A_2253 : i32 to index
        %parallel_loop3A_2291 = arith.constant 144 : index
        %parallel_loop3A_2292 = tpu.vector_load %arg7[%parallel_loop3A_2290, %parallel_loop3A_2291] {strides = array<i32>} : memref<128x256xf32, #tpu.memory_space<vmem>>, vector<16xf32>,
        %parallel_loop3A_2293 = arith.mulf %parallel_loop3A_2292, %get3A_1916 : vector<16xf32>
        %parallel_loop3A_2294 = arith.index_cast %parallel_loop3A_2253 : i32 to index
        %parallel_loop3A_2295 = arith.constant 160 : index
        %parallel_loop3A_2296 = tpu.vector_load %arg7[%parallel_loop3A_2294, %parallel_loop3A_2295] {strides = array<i32>} : memref<128x256xf32, #tpu.memory_space<vmem>>, vector<16xf32>,
        %parallel_loop3A_2297 = arith.mulf %parallel_loop3A_2296, %get3A_1918 : vector<16xf32>
        %parallel_loop3A_2298 = arith.index_cast %parallel_loop3A_2253 : i32 to index
        %parallel_loop3A_2299 = arith.constant 176 : index
        %parallel_loop3A_2300 = tpu.vector_load %arg7[%parallel_loop3A_2298, %parallel_loop3A_2299] {strides = array<i32>} : memref<128x256xf32, #tpu.memory_space<vmem>>, vector<16xf32>,
        %parallel_loop3A_2301 = arith.mulf %parallel_loop3A_2300, %get3A_1920 : vector<16xf32>
        %parallel_loop3A_2302 = arith.index_cast %parallel_loop3A_2253 : i32 to index
        %parallel_loop3A_2303 = arith.constant 192 : index
        %parallel_loop3A_2304 = tpu.vector_load %arg7[%parallel_loop3A_2302, %parallel_loop3A_2303] {strides = array<i32>} : memref<128x256xf32, #tpu.memory_space<vmem>>, vector<16xf32>,
        %parallel_loop3A_2305 = arith.mulf %parallel_loop3A_2304, %get3A_1922 : vector<16xf32>
        %parallel_loop3A_2306 = arith.index_cast %parallel_loop3A_2253 : i32 to index
        %parallel_loop3A_2307 = arith.constant 208 : index
        %parallel_loop3A_2308 = tpu.vector_load %arg7[%parallel_loop3A_2306, %parallel_loop3A_2307] {strides = array<i32>} : memref<128x256xf32, #tpu.memory_space<vmem>>, vector<16xf32>,
        %parallel_loop3A_2309 = arith.mulf %parallel_loop3A_2308, %get3A_1924 : vector<16xf32>
        %parallel_loop3A_2310 = arith.index_cast %parallel_loop3A_2253 : i32 to index
        %parallel_loop3A_2311 = arith.constant 224 : index
        %parallel_loop3A_2312 = tpu.vector_load %arg7[%parallel_loop3A_2310, %parallel_loop3A_2311] {strides = array<i32>} : memref<128x256xf32, #tpu.memory_space<vmem>>, vector<16xf32>,
        %parallel_loop3A_2313 = arith.mulf %parallel_loop3A_2312, %get3A_1926 : vector<16xf32>
        %parallel_loop3A_2314 = arith.index_cast %parallel_loop3A_2253 : i32 to index
        %parallel_loop3A_2315 = arith.constant 240 : index
        %parallel_loop3A_2316 = tpu.vector_load %arg7[%parallel_loop3A_2314, %parallel_loop3A_2315] {strides = array<i32>} : memref<128x256xf32, #tpu.memory_space<vmem>>, vector<16xf32>,
        %parallel_loop3A_2317 = arith.mulf %parallel_loop3A_2316, %get3A_1928 : vector<16xf32>
        %parallel_loop3A_2318 = arith.addf %parallel_loop3A_2257, %parallel_loop3A_2261 : vector<16xf32>
        %parallel_loop3A_2319 = arith.addf %parallel_loop3A_2265, %parallel_loop3A_2269 : vector<16xf32>
        %parallel_loop3A_2320 = arith.addf %parallel_loop3A_2273, %parallel_loop3A_2277 : vector<16xf32>
        %parallel_loop3A_2321 = arith.addf %parallel_loop3A_2281, %parallel_loop3A_2285 : vector<16xf32>
        %parallel_loop3A_2322 = arith.addf %parallel_loop3A_2289, %parallel_loop3A_2293 : vector<16xf32>
        %parallel_loop3A_2323 = arith.addf %parallel_loop3A_2297, %parallel_loop3A_2301 : vector<16xf32>
        %parallel_loop3A_2324 = arith.addf %parallel_loop3A_2305, %parallel_loop3A_2309 : vector<16xf32>
        %parallel_loop3A_2325 = arith.addf %parallel_loop3A_2313, %parallel_loop3A_2317 : vector<16xf32>
        %parallel_loop3A_2326 = arith.addf %parallel_loop3A_2318, %parallel_loop3A_2319 : vector<16xf32>
        %parallel_loop3A_2327 = arith.addf %parallel_loop3A_2320, %parallel_loop3A_2321 : vector<16xf32>
        %parallel_loop3A_2328 = arith.addf %parallel_loop3A_2322, %parallel_loop3A_2323 : vector<16xf32>
        %parallel_loop3A_2329 = arith.addf %parallel_loop3A_2324, %parallel_loop3A_2325 : vector<16xf32>
        %parallel_loop3A_2330 = arith.addf %parallel_loop3A_2326, %parallel_loop3A_2327 : vector<16xf32>
        %parallel_loop3A_2331 = arith.addf %parallel_loop3A_2328, %parallel_loop3A_2329 : vector<16xf32>
        %parallel_loop3A_2332 = arith.addf %parallel_loop3A_2330, %parallel_loop3A_2331 : vector<16xf32>
        %parallel_loop3A_2333 = arith.constant 128 : i32
        %parallel_loop3A_2334 = arith.muli %parallel_loop3A_1982, %parallel_loop3A_2333 : i32
        %parallel_loop3A_2335 = arith.constant 48 : i32
        %parallel_loop3A_2336 = arith.addi %parallel_loop3A_2334, %parallel_loop3A_2335 : i32
        %parallel_loop3A_2337 = arith.index_cast %parallel_loop3A_2336 : i32 to index
        %parallel_loop3A_2338 = tpu.vector_load %arg15[%parallel_loop3A_2337] {strides = array<i32>} : memref<2048xf32, #tpu.memory_space<vmem>>, vector<16xf32>,
        tpu.vector_store %arg15[%parallel_loop3A_2337], %parallel_loop3A_2332 {strides = array<i32>} : memref<2048xf32, #tpu.memory_space<vmem>>, vector<16xf32>,
        %parallel_loop3A_2339 = arith.constant 8 : i32
        %parallel_loop3A_2340 = arith.muli %parallel_loop3A_1982, %parallel_loop3A_2339 : i32
        %parallel_loop3A_2341 = arith.constant 4 : i32
        %parallel_loop3A_2342 = arith.addi %parallel_loop3A_2340, %parallel_loop3A_2341 : i32
        %parallel_loop3A_2343 = arith.index_cast %parallel_loop3A_2342 : i32 to index
        %parallel_loop3A_2344 = arith.constant 0 : index
        %parallel_loop3A_2345 = tpu.vector_load %arg7[%parallel_loop3A_2343, %parallel_loop3A_2344] {strides = array<i32>} : memref<128x256xf32, #tpu.memory_space<vmem>>, vector<16xf32>,
        %parallel_loop3A_2346 = arith.mulf %parallel_loop3A_2345, %get3A_1898 : vector<16xf32>
        %parallel_loop3A_2347 = arith.index_cast %parallel_loop3A_2342 : i32 to index
        %parallel_loop3A_2348 = arith.constant 16 : index
        %parallel_loop3A_2349 = tpu.vector_load %arg7[%parallel_loop3A_2347, %parallel_loop3A_2348] {strides = array<i32>} : memref<128x256xf32, #tpu.memory_space<vmem>>, vector<16xf32>,
        %parallel_loop3A_2350 = arith.mulf %parallel_loop3A_2349, %get3A_1900 : vector<16xf32>
        %parallel_loop3A_2351 = arith.index_cast %parallel_loop3A_2342 : i32 to index
        %parallel_loop3A_2352 = arith.constant 32 : index
        %parallel_loop3A_2353 = tpu.vector_load %arg7[%parallel_loop3A_2351, %parallel_loop3A_2352] {strides = array<i32>} : memref<128x256xf32, #tpu.memory_space<vmem>>, vector<16xf32>,
        %parallel_loop3A_2354 = arith.mulf %parallel_loop3A_2353, %get3A_1902 : vector<16xf32>
        %parallel_loop3A_2355 = arith.index_cast %parallel_loop3A_2342 : i32 to index
        %parallel_loop3A_2356 = arith.constant 48 : index
        %parallel_loop3A_2357 = tpu.vector_load %arg7[%parallel_loop3A_2355, %parallel_loop3A_2356] {strides = array<i32>} : memref<128x256xf32, #tpu.memory_space<vmem>>, vector<16xf32>,
        %parallel_loop3A_2358 = arith.mulf %parallel_loop3A_2357, %get3A_1904 : vector<16xf32>
        %parallel_loop3A_2359 = arith.index_cast %parallel_loop3A_2342 : i32 to index
        %parallel_loop3A_2360 = arith.constant 64 : index
        %parallel_loop3A_2361 = tpu.vector_load %arg7[%parallel_loop3A_2359, %parallel_loop3A_2360] {strides = array<i32>} : memref<128x256xf32, #tpu.memory_space<vmem>>, vector<16xf32>,
        %parallel_loop3A_2362 = arith.mulf %parallel_loop3A_2361, %get3A_1906 : vector<16xf32>
        %parallel_loop3A_2363 = arith.index_cast %parallel_loop3A_2342 : i32 to index
        %parallel_loop3A_2364 = arith.constant 80 : index
        %parallel_loop3A_2365 = tpu.vector_load %arg7[%parallel_loop3A_2363, %parallel_loop3A_2364] {strides = array<i32>} : memref<128x256xf32, #tpu.memory_space<vmem>>, vector<16xf32>,
        %parallel_loop3A_2366 = arith.mulf %parallel_loop3A_2365, %get3A_1908 : vector<16xf32>
        %parallel_loop3A_2367 = arith.index_cast %parallel_loop3A_2342 : i32 to index
        %parallel_loop3A_2368 = arith.constant 96 : index
        %parallel_loop3A_2369 = tpu.vector_load %arg7[%parallel_loop3A_2367, %parallel_loop3A_2368] {strides = array<i32>} : memref<128x256xf32, #tpu.memory_space<vmem>>, vector<16xf32>,
        %parallel_loop3A_2370 = arith.mulf %parallel_loop3A_2369, %get3A_1910 : vector<16xf32>
        %parallel_loop3A_2371 = arith.index_cast %parallel_loop3A_2342 : i32 to index
        %parallel_loop3A_2372 = arith.constant 112 : index
        %parallel_loop3A_2373 = tpu.vector_load %arg7[%parallel_loop3A_2371, %parallel_loop3A_2372] {strides = array<i32>} : memref<128x256xf32, #tpu.memory_space<vmem>>, vector<16xf32>,
        %parallel_loop3A_2374 = arith.mulf %parallel_loop3A_2373, %get3A_1912 : vector<16xf32>
        %parallel_loop3A_2375 = arith.index_cast %parallel_loop3A_2342 : i32 to index
        %parallel_loop3A_2376 = arith.constant 128 : index
        %parallel_loop3A_2377 = tpu.vector_load %arg7[%parallel_loop3A_2375, %parallel_loop3A_2376] {strides = array<i32>} : memref<128x256xf32, #tpu.memory_space<vmem>>, vector<16xf32>,
        %parallel_loop3A_2378 = arith.mulf %parallel_loop3A_2377, %get3A_1914 : vector<16xf32>
        %parallel_loop3A_2379 = arith.index_cast %parallel_loop3A_2342 : i32 to index
        %parallel_loop3A_2380 = arith.constant 144 : index
        %parallel_loop3A_2381 = tpu.vector_load %arg7[%parallel_loop3A_2379, %parallel_loop3A_2380] {strides = array<i32>} : memref<128x256xf32, #tpu.memory_space<vmem>>, vector<16xf32>,
        %parallel_loop3A_2382 = arith.mulf %parallel_loop3A_2381, %get3A_1916 : vector<16xf32>
        %parallel_loop3A_2383 = arith.index_cast %parallel_loop3A_2342 : i32 to index
        %parallel_loop3A_2384 = arith.constant 160 : index
        %parallel_loop3A_2385 = tpu.vector_load %arg7[%parallel_loop3A_2383, %parallel_loop3A_2384] {strides = array<i32>} : memref<128x256xf32, #tpu.memory_space<vmem>>, vector<16xf32>,
        %parallel_loop3A_2386 = arith.mulf %parallel_loop3A_2385, %get3A_1918 : vector<16xf32>
        %parallel_loop3A_2387 = arith.index_cast %parallel_loop3A_2342 : i32 to index
        %parallel_loop3A_2388 = arith.constant 176 : index
        %parallel_loop3A_2389 = tpu.vector_load %arg7[%parallel_loop3A_2387, %parallel_loop3A_2388] {strides = array<i32>} : memref<128x256xf32, #tpu.memory_space<vmem>>, vector<16xf32>,
        %parallel_loop3A_2390 = arith.mulf %parallel_loop3A_2389, %get3A_1920 : vector<16xf32>
        %parallel_loop3A_2391 = arith.index_cast %parallel_loop3A_2342 : i32 to index
        %parallel_loop3A_2392 = arith.constant 192 : index
        %parallel_loop3A_2393 = tpu.vector_load %arg7[%parallel_loop3A_2391, %parallel_loop3A_2392] {strides = array<i32>} : memref<128x256xf32, #tpu.memory_space<vmem>>, vector<16xf32>,
        %parallel_loop3A_2394 = arith.mulf %parallel_loop3A_2393, %get3A_1922 : vector<16xf32>
        %parallel_loop3A_2395 = arith.index_cast %parallel_loop3A_2342 : i32 to index
        %parallel_loop3A_2396 = arith.constant 208 : index
        %parallel_loop3A_2397 = tpu.vector_load %arg7[%parallel_loop3A_2395, %parallel_loop3A_2396] {strides = array<i32>} : memref<128x256xf32, #tpu.memory_space<vmem>>, vector<16xf32>,
        %parallel_loop3A_2398 = arith.mulf %parallel_loop3A_2397, %get3A_1924 : vector<16xf32>
        %parallel_loop3A_2399 = arith.index_cast %parallel_loop3A_2342 : i32 to index
        %parallel_loop3A_2400 = arith.constant 224 : index
        %parallel_loop3A_2401 = tpu.vector_load %arg7[%parallel_loop3A_2399, %parallel_loop3A_2400] {strides = array<i32>} : memref<128x256xf32, #tpu.memory_space<vmem>>, vector<16xf32>,
        %parallel_loop3A_2402 = arith.mulf %parallel_loop3A_2401, %get3A_1926 : vector<16xf32>
        %parallel_loop3A_2403 = arith.index_cast %parallel_loop3A_2342 : i32 to index
        %parallel_loop3A_2404 = arith.constant 240 : index
        %parallel_loop3A_2405 = tpu.vector_load %arg7[%parallel_loop3A_2403, %parallel_loop3A_2404] {strides = array<i32>} : memref<128x256xf32, #tpu.memory_space<vmem>>, vector<16xf32>,
        %parallel_loop3A_2406 = arith.mulf %parallel_loop3A_2405, %get3A_1928 : vector<16xf32>
        %parallel_loop3A_2407 = arith.addf %parallel_loop3A_2346, %parallel_loop3A_2350 : vector<16xf32>
        %parallel_loop3A_2408 = arith.addf %parallel_loop3A_2354, %parallel_loop3A_2358 : vector<16xf32>
        %parallel_loop3A_2409 = arith.addf %parallel_loop3A_2362, %parallel_loop3A_2366 : vector<16xf32>
        %parallel_loop3A_2410 = arith.addf %parallel_loop3A_2370, %parallel_loop3A_2374 : vector<16xf32>
        %parallel_loop3A_2411 = arith.addf %parallel_loop3A_2378, %parallel_loop3A_2382 : vector<16xf32>
        %parallel_loop3A_2412 = arith.addf %parallel_loop3A_2386, %parallel_loop3A_2390 : vector<16xf32>
        %parallel_loop3A_2413 = arith.addf %parallel_loop3A_2394, %parallel_loop3A_2398 : vector<16xf32>
        %parallel_loop3A_2414 = arith.addf %parallel_loop3A_2402, %parallel_loop3A_2406 : vector<16xf32>
        %parallel_loop3A_2415 = arith.addf %parallel_loop3A_2407, %parallel_loop3A_2408 : vector<16xf32>
        %parallel_loop3A_2416 = arith.addf %parallel_loop3A_2409, %parallel_loop3A_2410 : vector<16xf32>
        %parallel_loop3A_2417 = arith.addf %parallel_loop3A_2411, %parallel_loop3A_2412 : vector<16xf32>
        %parallel_loop3A_2418 = arith.addf %parallel_loop3A_2413, %parallel_loop3A_2414 : vector<16xf32>
        %parallel_loop3A_2419 = arith.addf %parallel_loop3A_2415, %parallel_loop3A_2416 : vector<16xf32>
        %parallel_loop3A_2420 = arith.addf %parallel_loop3A_2417, %parallel_loop3A_2418 : vector<16xf32>
        %parallel_loop3A_2421 = arith.addf %parallel_loop3A_2419, %parallel_loop3A_2420 : vector<16xf32>
        %parallel_loop3A_2422 = arith.constant 128 : i32
        %parallel_loop3A_2423 = arith.muli %parallel_loop3A_1982, %parallel_loop3A_2422 : i32
        %parallel_loop3A_2424 = arith.constant 64 : i32
        %parallel_loop3A_2425 = arith.addi %parallel_loop3A_2423, %parallel_loop3A_2424 : i32
        %parallel_loop3A_2426 = arith.index_cast %parallel_loop3A_2425 : i32 to index
        %parallel_loop3A_2427 = tpu.vector_load %arg15[%parallel_loop3A_2426] {strides = array<i32>} : memref<2048xf32, #tpu.memory_space<vmem>>, vector<16xf32>,
        tpu.vector_store %arg15[%parallel_loop3A_2426], %parallel_loop3A_2421 {strides = array<i32>} : memref<2048xf32, #tpu.memory_space<vmem>>, vector<16xf32>,
        %parallel_loop3A_2428 = arith.constant 8 : i32
        %parallel_loop3A_2429 = arith.muli %parallel_loop3A_1982, %parallel_loop3A_2428 : i32
        %parallel_loop3A_2430 = arith.constant 5 : i32
        %parallel_loop3A_2431 = arith.addi %parallel_loop3A_2429, %parallel_loop3A_2430 : i32
        %parallel_loop3A_2432 = arith.index_cast %parallel_loop3A_2431 : i32 to index
        %parallel_loop3A_2433 = arith.constant 0 : index
        %parallel_loop3A_2434 = tpu.vector_load %arg7[%parallel_loop3A_2432, %parallel_loop3A_2433] {strides = array<i32>} : memref<128x256xf32, #tpu.memory_space<vmem>>, vector<16xf32>,
        %parallel_loop3A_2435 = arith.mulf %parallel_loop3A_2434, %get3A_1898 : vector<16xf32>
        %parallel_loop3A_2436 = arith.index_cast %parallel_loop3A_2431 : i32 to index
        %parallel_loop3A_2437 = arith.constant 16 : index
        %parallel_loop3A_2438 = tpu.vector_load %arg7[%parallel_loop3A_2436, %parallel_loop3A_2437] {strides = array<i32>} : memref<128x256xf32, #tpu.memory_space<vmem>>, vector<16xf32>,
        %parallel_loop3A_2439 = arith.mulf %parallel_loop3A_2438, %get3A_1900 : vector<16xf32>
        %parallel_loop3A_2440 = arith.index_cast %parallel_loop3A_2431 : i32 to index
        %parallel_loop3A_2441 = arith.constant 32 : index
        %parallel_loop3A_2442 = tpu.vector_load %arg7[%parallel_loop3A_2440, %parallel_loop3A_2441] {strides = array<i32>} : memref<128x256xf32, #tpu.memory_space<vmem>>, vector<16xf32>,
        %parallel_loop3A_2443 = arith.mulf %parallel_loop3A_2442, %get3A_1902 : vector<16xf32>
        %parallel_loop3A_2444 = arith.index_cast %parallel_loop3A_2431 : i32 to index
        %parallel_loop3A_2445 = arith.constant 48 : index
        %parallel_loop3A_2446 = tpu.vector_load %arg7[%parallel_loop3A_2444, %parallel_loop3A_2445] {strides = array<i32>} : memref<128x256xf32, #tpu.memory_space<vmem>>, vector<16xf32>,
        %parallel_loop3A_2447 = arith.mulf %parallel_loop3A_2446, %get3A_1904 : vector<16xf32>
        %parallel_loop3A_2448 = arith.index_cast %parallel_loop3A_2431 : i32 to index
        %parallel_loop3A_2449 = arith.constant 64 : index
        %parallel_loop3A_2450 = tpu.vector_load %arg7[%parallel_loop3A_2448, %parallel_loop3A_2449] {strides = array<i32>} : memref<128x256xf32, #tpu.memory_space<vmem>>, vector<16xf32>,
        %parallel_loop3A_2451 = arith.mulf %parallel_loop3A_2450, %get3A_1906 : vector<16xf32>
        %parallel_loop3A_2452 = arith.index_cast %parallel_loop3A_2431 : i32 to index
        %parallel_loop3A_2453 = arith.constant 80 : index
        %parallel_loop3A_2454 = tpu.vector_load %arg7[%parallel_loop3A_2452, %parallel_loop3A_2453] {strides = array<i32>} : memref<128x256xf32, #tpu.memory_space<vmem>>, vector<16xf32>,
        %parallel_loop3A_2455 = arith.mulf %parallel_loop3A_2454, %get3A_1908 : vector<16xf32>
        %parallel_loop3A_2456 = arith.index_cast %parallel_loop3A_2431 : i32 to index
        %parallel_loop3A_2457 = arith.constant 96 : index
        %parallel_loop3A_2458 = tpu.vector_load %arg7[%parallel_loop3A_2456, %parallel_loop3A_2457] {strides = array<i32>} : memref<128x256xf32, #tpu.memory_space<vmem>>, vector<16xf32>,
        %parallel_loop3A_2459 = arith.mulf %parallel_loop3A_2458, %get3A_1910 : vector<16xf32>
        %parallel_loop3A_2460 = arith.index_cast %parallel_loop3A_2431 : i32 to index
        %parallel_loop3A_2461 = arith.constant 112 : index
        %parallel_loop3A_2462 = tpu.vector_load %arg7[%parallel_loop3A_2460, %parallel_loop3A_2461] {strides = array<i32>} : memref<128x256xf32, #tpu.memory_space<vmem>>, vector<16xf32>,
        %parallel_loop3A_2463 = arith.mulf %parallel_loop3A_2462, %get3A_1912 : vector<16xf32>
        %parallel_loop3A_2464 = arith.index_cast %parallel_loop3A_2431 : i32 to index
        %parallel_loop3A_2465 = arith.constant 128 : index
        %parallel_loop3A_2466 = tpu.vector_load %arg7[%parallel_loop3A_2464, %parallel_loop3A_2465] {strides = array<i32>} : memref<128x256xf32, #tpu.memory_space<vmem>>, vector<16xf32>,
        %parallel_loop3A_2467 = arith.mulf %parallel_loop3A_2466, %get3A_1914 : vector<16xf32>
        %parallel_loop3A_2468 = arith.index_cast %parallel_loop3A_2431 : i32 to index
        %parallel_loop3A_2469 = arith.constant 144 : index
        %parallel_loop3A_2470 = tpu.vector_load %arg7[%parallel_loop3A_2468, %parallel_loop3A_2469] {strides = array<i32>} : memref<128x256xf32, #tpu.memory_space<vmem>>, vector<16xf32>,
        %parallel_loop3A_2471 = arith.mulf %parallel_loop3A_2470, %get3A_1916 : vector<16xf32>
        %parallel_loop3A_2472 = arith.index_cast %parallel_loop3A_2431 : i32 to index
        %parallel_loop3A_2473 = arith.constant 160 : index
        %parallel_loop3A_2474 = tpu.vector_load %arg7[%parallel_loop3A_2472, %parallel_loop3A_2473] {strides = array<i32>} : memref<128x256xf32, #tpu.memory_space<vmem>>, vector<16xf32>,
        %parallel_loop3A_2475 = arith.mulf %parallel_loop3A_2474, %get3A_1918 : vector<16xf32>
        %parallel_loop3A_2476 = arith.index_cast %parallel_loop3A_2431 : i32 to index
        %parallel_loop3A_2477 = arith.constant 176 : index
        %parallel_loop3A_2478 = tpu.vector_load %arg7[%parallel_loop3A_2476, %parallel_loop3A_2477] {strides = array<i32>} : memref<128x256xf32, #tpu.memory_space<vmem>>, vector<16xf32>,
        %parallel_loop3A_2479 = arith.mulf %parallel_loop3A_2478, %get3A_1920 : vector<16xf32>
        %parallel_loop3A_2480 = arith.index_cast %parallel_loop3A_2431 : i32 to index
        %parallel_loop3A_2481 = arith.constant 192 : index
        %parallel_loop3A_2482 = tpu.vector_load %arg7[%parallel_loop3A_2480, %parallel_loop3A_2481] {strides = array<i32>} : memref<128x256xf32, #tpu.memory_space<vmem>>, vector<16xf32>,
        %parallel_loop3A_2483 = arith.mulf %parallel_loop3A_2482, %get3A_1922 : vector<16xf32>
        %parallel_loop3A_2484 = arith.index_cast %parallel_loop3A_2431 : i32 to index
        %parallel_loop3A_2485 = arith.constant 208 : index
        %parallel_loop3A_2486 = tpu.vector_load %arg7[%parallel_loop3A_2484, %parallel_loop3A_2485] {strides = array<i32>} : memref<128x256xf32, #tpu.memory_space<vmem>>, vector<16xf32>,
        %parallel_loop3A_2487 = arith.mulf %parallel_loop3A_2486, %get3A_1924 : vector<16xf32>
        %parallel_loop3A_2488 = arith.index_cast %parallel_loop3A_2431 : i32 to index
        %parallel_loop3A_2489 = arith.constant 224 : index
        %parallel_loop3A_2490 = tpu.vector_load %arg7[%parallel_loop3A_2488, %parallel_loop3A_2489] {strides = array<i32>} : memref<128x256xf32, #tpu.memory_space<vmem>>, vector<16xf32>,
        %parallel_loop3A_2491 = arith.mulf %parallel_loop3A_2490, %get3A_1926 : vector<16xf32>
        %parallel_loop3A_2492 = arith.index_cast %parallel_loop3A_2431 : i32 to index
        %parallel_loop3A_2493 = arith.constant 240 : index
        %parallel_loop3A_2494 = tpu.vector_load %arg7[%parallel_loop3A_2492, %parallel_loop3A_2493] {strides = array<i32>} : memref<128x256xf32, #tpu.memory_space<vmem>>, vector<16xf32>,
        %parallel_loop3A_2495 = arith.mulf %parallel_loop3A_2494, %get3A_1928 : vector<16xf32>
        %parallel_loop3A_2496 = arith.addf %parallel_loop3A_2435, %parallel_loop3A_2439 : vector<16xf32>
        %parallel_loop3A_2497 = arith.addf %parallel_loop3A_2443, %parallel_loop3A_2447 : vector<16xf32>
        %parallel_loop3A_2498 = arith.addf %parallel_loop3A_2451, %parallel_loop3A_2455 : vector<16xf32>
        %parallel_loop3A_2499 = arith.addf %parallel_loop3A_2459, %parallel_loop3A_2463 : vector<16xf32>
        %parallel_loop3A_2500 = arith.addf %parallel_loop3A_2467, %parallel_loop3A_2471 : vector<16xf32>
        %parallel_loop3A_2501 = arith.addf %parallel_loop3A_2475, %parallel_loop3A_2479 : vector<16xf32>
        %parallel_loop3A_2502 = arith.addf %parallel_loop3A_2483, %parallel_loop3A_2487 : vector<16xf32>
        %parallel_loop3A_2503 = arith.addf %parallel_loop3A_2491, %parallel_loop3A_2495 : vector<16xf32>
        %parallel_loop3A_2504 = arith.addf %parallel_loop3A_2496, %parallel_loop3A_2497 : vector<16xf32>
        %parallel_loop3A_2505 = arith.addf %parallel_loop3A_2498, %parallel_loop3A_2499 : vector<16xf32>
        %parallel_loop3A_2506 = arith.addf %parallel_loop3A_2500, %parallel_loop3A_2501 : vector<16xf32>
        %parallel_loop3A_2507 = arith.addf %parallel_loop3A_2502, %parallel_loop3A_2503 : vector<16xf32>
        %parallel_loop3A_2508 = arith.addf %parallel_loop3A_2504, %parallel_loop3A_2505 : vector<16xf32>
        %parallel_loop3A_2509 = arith.addf %parallel_loop3A_2506, %parallel_loop3A_2507 : vector<16xf32>
        %parallel_loop3A_2510 = arith.addf %parallel_loop3A_2508, %parallel_loop3A_2509 : vector<16xf32>
        %parallel_loop3A_2511 = arith.constant 128 : i32
        %parallel_loop3A_2512 = arith.muli %parallel_loop3A_1982, %parallel_loop3A_2511 : i32
        %parallel_loop3A_2513 = arith.constant 80 : i32
        %parallel_loop3A_2514 = arith.addi %parallel_loop3A_2512, %parallel_loop3A_2513 : i32
        %parallel_loop3A_2515 = arith.index_cast %parallel_loop3A_2514 : i32 to index
        %parallel_loop3A_2516 = tpu.vector_load %arg15[%parallel_loop3A_2515] {strides = array<i32>} : memref<2048xf32, #tpu.memory_space<vmem>>, vector<16xf32>,
        tpu.vector_store %arg15[%parallel_loop3A_2515], %parallel_loop3A_2510 {strides = array<i32>} : memref<2048xf32, #tpu.memory_space<vmem>>, vector<16xf32>,
        %parallel_loop3A_2517 = arith.constant 8 : i32
        %parallel_loop3A_2518 = arith.muli %parallel_loop3A_1982, %parallel_loop3A_2517 : i32
        %parallel_loop3A_2519 = arith.constant 6 : i32
        %parallel_loop3A_2520 = arith.addi %parallel_loop3A_2518, %parallel_loop3A_2519 : i32
        %parallel_loop3A_2521 = arith.index_cast %parallel_loop3A_2520 : i32 to index
        %parallel_loop3A_2522 = arith.constant 0 : index
        %parallel_loop3A_2523 = tpu.vector_load %arg7[%parallel_loop3A_2521, %parallel_loop3A_2522] {strides = array<i32>} : memref<128x256xf32, #tpu.memory_space<vmem>>, vector<16xf32>,
        %parallel_loop3A_2524 = arith.mulf %parallel_loop3A_2523, %get3A_1898 : vector<16xf32>
        %parallel_loop3A_2525 = arith.index_cast %parallel_loop3A_2520 : i32 to index
        %parallel_loop3A_2526 = arith.constant 16 : index
        %parallel_loop3A_2527 = tpu.vector_load %arg7[%parallel_loop3A_2525, %parallel_loop3A_2526] {strides = array<i32>} : memref<128x256xf32, #tpu.memory_space<vmem>>, vector<16xf32>,
        %parallel_loop3A_2528 = arith.mulf %parallel_loop3A_2527, %get3A_1900 : vector<16xf32>
        %parallel_loop3A_2529 = arith.index_cast %parallel_loop3A_2520 : i32 to index
        %parallel_loop3A_2530 = arith.constant 32 : index
        %parallel_loop3A_2531 = tpu.vector_load %arg7[%parallel_loop3A_2529, %parallel_loop3A_2530] {strides = array<i32>} : memref<128x256xf32, #tpu.memory_space<vmem>>, vector<16xf32>,
        %parallel_loop3A_2532 = arith.mulf %parallel_loop3A_2531, %get3A_1902 : vector<16xf32>
        %parallel_loop3A_2533 = arith.index_cast %parallel_loop3A_2520 : i32 to index
        %parallel_loop3A_2534 = arith.constant 48 : index
        %parallel_loop3A_2535 = tpu.vector_load %arg7[%parallel_loop3A_2533, %parallel_loop3A_2534] {strides = array<i32>} : memref<128x256xf32, #tpu.memory_space<vmem>>, vector<16xf32>,
        %parallel_loop3A_2536 = arith.mulf %parallel_loop3A_2535, %get3A_1904 : vector<16xf32>
        %parallel_loop3A_2537 = arith.index_cast %parallel_loop3A_2520 : i32 to index
        %parallel_loop3A_2538 = arith.constant 64 : index
        %parallel_loop3A_2539 = tpu.vector_load %arg7[%parallel_loop3A_2537, %parallel_loop3A_2538] {strides = array<i32>} : memref<128x256xf32, #tpu.memory_space<vmem>>, vector<16xf32>,
        %parallel_loop3A_2540 = arith.mulf %parallel_loop3A_2539, %get3A_1906 : vector<16xf32>
        %parallel_loop3A_2541 = arith.index_cast %parallel_loop3A_2520 : i32 to index
        %parallel_loop3A_2542 = arith.constant 80 : index
        %parallel_loop3A_2543 = tpu.vector_load %arg7[%parallel_loop3A_2541, %parallel_loop3A_2542] {strides = array<i32>} : memref<128x256xf32, #tpu.memory_space<vmem>>, vector<16xf32>,
        %parallel_loop3A_2544 = arith.mulf %parallel_loop3A_2543, %get3A_1908 : vector<16xf32>
        %parallel_loop3A_2545 = arith.index_cast %parallel_loop3A_2520 : i32 to index
        %parallel_loop3A_2546 = arith.constant 96 : index
        %parallel_loop3A_2547 = tpu.vector_load %arg7[%parallel_loop3A_2545, %parallel_loop3A_2546] {strides = array<i32>} : memref<128x256xf32, #tpu.memory_space<vmem>>, vector<16xf32>,
        %parallel_loop3A_2548 = arith.mulf %parallel_loop3A_2547, %get3A_1910 : vector<16xf32>
        %parallel_loop3A_2549 = arith.index_cast %parallel_loop3A_2520 : i32 to index
        %parallel_loop3A_2550 = arith.constant 112 : index
        %parallel_loop3A_2551 = tpu.vector_load %arg7[%parallel_loop3A_2549, %parallel_loop3A_2550] {strides = array<i32>} : memref<128x256xf32, #tpu.memory_space<vmem>>, vector<16xf32>,
        %parallel_loop3A_2552 = arith.mulf %parallel_loop3A_2551, %get3A_1912 : vector<16xf32>
        %parallel_loop3A_2553 = arith.index_cast %parallel_loop3A_2520 : i32 to index
        %parallel_loop3A_2554 = arith.constant 128 : index
        %parallel_loop3A_2555 = tpu.vector_load %arg7[%parallel_loop3A_2553, %parallel_loop3A_2554] {strides = array<i32>} : memref<128x256xf32, #tpu.memory_space<vmem>>, vector<16xf32>,
        %parallel_loop3A_2556 = arith.mulf %parallel_loop3A_2555, %get3A_1914 : vector<16xf32>
        %parallel_loop3A_2557 = arith.index_cast %parallel_loop3A_2520 : i32 to index
        %parallel_loop3A_2558 = arith.constant 144 : index
        %parallel_loop3A_2559 = tpu.vector_load %arg7[%parallel_loop3A_2557, %parallel_loop3A_2558] {strides = array<i32>} : memref<128x256xf32, #tpu.memory_space<vmem>>, vector<16xf32>,
        %parallel_loop3A_2560 = arith.mulf %parallel_loop3A_2559, %get3A_1916 : vector<16xf32>
        %parallel_loop3A_2561 = arith.index_cast %parallel_loop3A_2520 : i32 to index
        %parallel_loop3A_2562 = arith.constant 160 : index
        %parallel_loop3A_2563 = tpu.vector_load %arg7[%parallel_loop3A_2561, %parallel_loop3A_2562] {strides = array<i32>} : memref<128x256xf32, #tpu.memory_space<vmem>>, vector<16xf32>,
        %parallel_loop3A_2564 = arith.mulf %parallel_loop3A_2563, %get3A_1918 : vector<16xf32>
        %parallel_loop3A_2565 = arith.index_cast %parallel_loop3A_2520 : i32 to index
        %parallel_loop3A_2566 = arith.constant 176 : index
        %parallel_loop3A_2567 = tpu.vector_load %arg7[%parallel_loop3A_2565, %parallel_loop3A_2566] {strides = array<i32>} : memref<128x256xf32, #tpu.memory_space<vmem>>, vector<16xf32>,
        %parallel_loop3A_2568 = arith.mulf %parallel_loop3A_2567, %get3A_1920 : vector<16xf32>
        %parallel_loop3A_2569 = arith.index_cast %parallel_loop3A_2520 : i32 to index
        %parallel_loop3A_2570 = arith.constant 192 : index
        %parallel_loop3A_2571 = tpu.vector_load %arg7[%parallel_loop3A_2569, %parallel_loop3A_2570] {strides = array<i32>} : memref<128x256xf32, #tpu.memory_space<vmem>>, vector<16xf32>,
        %parallel_loop3A_2572 = arith.mulf %parallel_loop3A_2571, %get3A_1922 : vector<16xf32>
        %parallel_loop3A_2573 = arith.index_cast %parallel_loop3A_2520 : i32 to index
        %parallel_loop3A_2574 = arith.constant 208 : index
        %parallel_loop3A_2575 = tpu.vector_load %arg7[%parallel_loop3A_2573, %parallel_loop3A_2574] {strides = array<i32>} : memref<128x256xf32, #tpu.memory_space<vmem>>, vector<16xf32>,
        %parallel_loop3A_2576 = arith.mulf %parallel_loop3A_2575, %get3A_1924 : vector<16xf32>
        %parallel_loop3A_2577 = arith.index_cast %parallel_loop3A_2520 : i32 to index
        %parallel_loop3A_2578 = arith.constant 224 : index
        %parallel_loop3A_2579 = tpu.vector_load %arg7[%parallel_loop3A_2577, %parallel_loop3A_2578] {strides = array<i32>} : memref<128x256xf32, #tpu.memory_space<vmem>>, vector<16xf32>,
        %parallel_loop3A_2580 = arith.mulf %parallel_loop3A_2579, %get3A_1926 : vector<16xf32>
        %parallel_loop3A_2581 = arith.index_cast %parallel_loop3A_2520 : i32 to index
        %parallel_loop3A_2582 = arith.constant 240 : index
        %parallel_loop3A_2583 = tpu.vector_load %arg7[%parallel_loop3A_2581, %parallel_loop3A_2582] {strides = array<i32>} : memref<128x256xf32, #tpu.memory_space<vmem>>, vector<16xf32>,
        %parallel_loop3A_2584 = arith.mulf %parallel_loop3A_2583, %get3A_1928 : vector<16xf32>
        %parallel_loop3A_2585 = arith.addf %parallel_loop3A_2524, %parallel_loop3A_2528 : vector<16xf32>
        %parallel_loop3A_2586 = arith.addf %parallel_loop3A_2532, %parallel_loop3A_2536 : vector<16xf32>
        %parallel_loop3A_2587 = arith.addf %parallel_loop3A_2540, %parallel_loop3A_2544 : vector<16xf32>
        %parallel_loop3A_2588 = arith.addf %parallel_loop3A_2548, %parallel_loop3A_2552 : vector<16xf32>
        %parallel_loop3A_2589 = arith.addf %parallel_loop3A_2556, %parallel_loop3A_2560 : vector<16xf32>
        %parallel_loop3A_2590 = arith.addf %parallel_loop3A_2564, %parallel_loop3A_2568 : vector<16xf32>
        %parallel_loop3A_2591 = arith.addf %parallel_loop3A_2572, %parallel_loop3A_2576 : vector<16xf32>
        %parallel_loop3A_2592 = arith.addf %parallel_loop3A_2580, %parallel_loop3A_2584 : vector<16xf32>
        %parallel_loop3A_2593 = arith.addf %parallel_loop3A_2585, %parallel_loop3A_2586 : vector<16xf32>
        %parallel_loop3A_2594 = arith.addf %parallel_loop3A_2587, %parallel_loop3A_2588 : vector<16xf32>
        %parallel_loop3A_2595 = arith.addf %parallel_loop3A_2589, %parallel_loop3A_2590 : vector<16xf32>
        %parallel_loop3A_2596 = arith.addf %parallel_loop3A_2591, %parallel_loop3A_2592 : vector<16xf32>
        %parallel_loop3A_2597 = arith.addf %parallel_loop3A_2593, %parallel_loop3A_2594 : vector<16xf32>
        %parallel_loop3A_2598 = arith.addf %parallel_loop3A_2595, %parallel_loop3A_2596 : vector<16xf32>
        %parallel_loop3A_2599 = arith.addf %parallel_loop3A_2597, %parallel_loop3A_2598 : vector<16xf32>
        %parallel_loop3A_2600 = arith.constant 128 : i32
        %parallel_loop3A_2601 = arith.muli %parallel_loop3A_1982, %parallel_loop3A_2600 : i32
        %parallel_loop3A_2602 = arith.constant 96 : i32
        %parallel_loop3A_2603 = arith.addi %parallel_loop3A_2601, %parallel_loop3A_2602 : i32
        %parallel_loop3A_2604 = arith.index_cast %parallel_loop3A_2603 : i32 to index
        %parallel_loop3A_2605 = tpu.vector_load %arg15[%parallel_loop3A_2604] {strides = array<i32>} : memref<2048xf32, #tpu.memory_space<vmem>>, vector<16xf32>,
        tpu.vector_store %arg15[%parallel_loop3A_2604], %parallel_loop3A_2599 {strides = array<i32>} : memref<2048xf32, #tpu.memory_space<vmem>>, vector<16xf32>,
        %parallel_loop3A_2606 = arith.constant 8 : i32
        %parallel_loop3A_2607 = arith.muli %parallel_loop3A_1982, %parallel_loop3A_2606 : i32
        %parallel_loop3A_2608 = arith.constant 7 : i32
        %parallel_loop3A_2609 = arith.addi %parallel_loop3A_2607, %parallel_loop3A_2608 : i32
        %parallel_loop3A_2610 = arith.index_cast %parallel_loop3A_2609 : i32 to index
        %parallel_loop3A_2611 = arith.constant 0 : index
        %parallel_loop3A_2612 = tpu.vector_load %arg7[%parallel_loop3A_2610, %parallel_loop3A_2611] {strides = array<i32>} : memref<128x256xf32, #tpu.memory_space<vmem>>, vector<16xf32>,
        %parallel_loop3A_2613 = arith.mulf %parallel_loop3A_2612, %get3A_1898 : vector<16xf32>
        %parallel_loop3A_2614 = arith.index_cast %parallel_loop3A_2609 : i32 to index
        %parallel_loop3A_2615 = arith.constant 16 : index
        %parallel_loop3A_2616 = tpu.vector_load %arg7[%parallel_loop3A_2614, %parallel_loop3A_2615] {strides = array<i32>} : memref<128x256xf32, #tpu.memory_space<vmem>>, vector<16xf32>,
        %parallel_loop3A_2617 = arith.mulf %parallel_loop3A_2616, %get3A_1900 : vector<16xf32>
        %parallel_loop3A_2618 = arith.index_cast %parallel_loop3A_2609 : i32 to index
        %parallel_loop3A_2619 = arith.constant 32 : index
        %parallel_loop3A_2620 = tpu.vector_load %arg7[%parallel_loop3A_2618, %parallel_loop3A_2619] {strides = array<i32>} : memref<128x256xf32, #tpu.memory_space<vmem>>, vector<16xf32>,
        %parallel_loop3A_2621 = arith.mulf %parallel_loop3A_2620, %get3A_1902 : vector<16xf32>
        %parallel_loop3A_2622 = arith.index_cast %parallel_loop3A_2609 : i32 to index
        %parallel_loop3A_2623 = arith.constant 48 : index
        %parallel_loop3A_2624 = tpu.vector_load %arg7[%parallel_loop3A_2622, %parallel_loop3A_2623] {strides = array<i32>} : memref<128x256xf32, #tpu.memory_space<vmem>>, vector<16xf32>,
        %parallel_loop3A_2625 = arith.mulf %parallel_loop3A_2624, %get3A_1904 : vector<16xf32>
        %parallel_loop3A_2626 = arith.index_cast %parallel_loop3A_2609 : i32 to index
        %parallel_loop3A_2627 = arith.constant 64 : index
        %parallel_loop3A_2628 = tpu.vector_load %arg7[%parallel_loop3A_2626, %parallel_loop3A_2627] {strides = array<i32>} : memref<128x256xf32, #tpu.memory_space<vmem>>, vector<16xf32>,
        %parallel_loop3A_2629 = arith.mulf %parallel_loop3A_2628, %get3A_1906 : vector<16xf32>
        %parallel_loop3A_2630 = arith.index_cast %parallel_loop3A_2609 : i32 to index
        %parallel_loop3A_2631 = arith.constant 80 : index
        %parallel_loop3A_2632 = tpu.vector_load %arg7[%parallel_loop3A_2630, %parallel_loop3A_2631] {strides = array<i32>} : memref<128x256xf32, #tpu.memory_space<vmem>>, vector<16xf32>,
        %parallel_loop3A_2633 = arith.mulf %parallel_loop3A_2632, %get3A_1908 : vector<16xf32>
        %parallel_loop3A_2634 = arith.index_cast %parallel_loop3A_2609 : i32 to index
        %parallel_loop3A_2635 = arith.constant 96 : index
        %parallel_loop3A_2636 = tpu.vector_load %arg7[%parallel_loop3A_2634, %parallel_loop3A_2635] {strides = array<i32>} : memref<128x256xf32, #tpu.memory_space<vmem>>, vector<16xf32>,
        %parallel_loop3A_2637 = arith.mulf %parallel_loop3A_2636, %get3A_1910 : vector<16xf32>
        %parallel_loop3A_2638 = arith.index_cast %parallel_loop3A_2609 : i32 to index
        %parallel_loop3A_2639 = arith.constant 112 : index
        %parallel_loop3A_2640 = tpu.vector_load %arg7[%parallel_loop3A_2638, %parallel_loop3A_2639] {strides = array<i32>} : memref<128x256xf32, #tpu.memory_space<vmem>>, vector<16xf32>,
        %parallel_loop3A_2641 = arith.mulf %parallel_loop3A_2640, %get3A_1912 : vector<16xf32>
        %parallel_loop3A_2642 = arith.index_cast %parallel_loop3A_2609 : i32 to index
        %parallel_loop3A_2643 = arith.constant 128 : index
        %parallel_loop3A_2644 = tpu.vector_load %arg7[%parallel_loop3A_2642, %parallel_loop3A_2643] {strides = array<i32>} : memref<128x256xf32, #tpu.memory_space<vmem>>, vector<16xf32>,
        %parallel_loop3A_2645 = arith.mulf %parallel_loop3A_2644, %get3A_1914 : vector<16xf32>
        %parallel_loop3A_2646 = arith.index_cast %parallel_loop3A_2609 : i32 to index
        %parallel_loop3A_2647 = arith.constant 144 : index
        %parallel_loop3A_2648 = tpu.vector_load %arg7[%parallel_loop3A_2646, %parallel_loop3A_2647] {strides = array<i32>} : memref<128x256xf32, #tpu.memory_space<vmem>>, vector<16xf32>,
        %parallel_loop3A_2649 = arith.mulf %parallel_loop3A_2648, %get3A_1916 : vector<16xf32>
        %parallel_loop3A_2650 = arith.index_cast %parallel_loop3A_2609 : i32 to index
        %parallel_loop3A_2651 = arith.constant 160 : index
        %parallel_loop3A_2652 = tpu.vector_load %arg7[%parallel_loop3A_2650, %parallel_loop3A_2651] {strides = array<i32>} : memref<128x256xf32, #tpu.memory_space<vmem>>, vector<16xf32>,
        %parallel_loop3A_2653 = arith.mulf %parallel_loop3A_2652, %get3A_1918 : vector<16xf32>
        %parallel_loop3A_2654 = arith.index_cast %parallel_loop3A_2609 : i32 to index
        %parallel_loop3A_2655 = arith.constant 176 : index
        %parallel_loop3A_2656 = tpu.vector_load %arg7[%parallel_loop3A_2654, %parallel_loop3A_2655] {strides = array<i32>} : memref<128x256xf32, #tpu.memory_space<vmem>>, vector<16xf32>,
        %parallel_loop3A_2657 = arith.mulf %parallel_loop3A_2656, %get3A_1920 : vector<16xf32>
        %parallel_loop3A_2658 = arith.index_cast %parallel_loop3A_2609 : i32 to index
        %parallel_loop3A_2659 = arith.constant 192 : index
        %parallel_loop3A_2660 = tpu.vector_load %arg7[%parallel_loop3A_2658, %parallel_loop3A_2659] {strides = array<i32>} : memref<128x256xf32, #tpu.memory_space<vmem>>, vector<16xf32>,
        %parallel_loop3A_2661 = arith.mulf %parallel_loop3A_2660, %get3A_1922 : vector<16xf32>
        %parallel_loop3A_2662 = arith.index_cast %parallel_loop3A_2609 : i32 to index
        %parallel_loop3A_2663 = arith.constant 208 : index
        %parallel_loop3A_2664 = tpu.vector_load %arg7[%parallel_loop3A_2662, %parallel_loop3A_2663] {strides = array<i32>} : memref<128x256xf32, #tpu.memory_space<vmem>>, vector<16xf32>,
        %parallel_loop3A_2665 = arith.mulf %parallel_loop3A_2664, %get3A_1924 : vector<16xf32>
        %parallel_loop3A_2666 = arith.index_cast %parallel_loop3A_2609 : i32 to index
        %parallel_loop3A_2667 = arith.constant 224 : index
        %parallel_loop3A_2668 = tpu.vector_load %arg7[%parallel_loop3A_2666, %parallel_loop3A_2667] {strides = array<i32>} : memref<128x256xf32, #tpu.memory_space<vmem>>, vector<16xf32>,
        %parallel_loop3A_2669 = arith.mulf %parallel_loop3A_2668, %get3A_1926 : vector<16xf32>
        %parallel_loop3A_2670 = arith.index_cast %parallel_loop3A_2609 : i32 to index
        %parallel_loop3A_2671 = arith.constant 240 : index
        %parallel_loop3A_2672 = tpu.vector_load %arg7[%parallel_loop3A_2670, %parallel_loop3A_2671] {strides = array<i32>} : memref<128x256xf32, #tpu.memory_space<vmem>>, vector<16xf32>,
        %parallel_loop3A_2673 = arith.mulf %parallel_loop3A_2672, %get3A_1928 : vector<16xf32>
        %parallel_loop3A_2674 = arith.addf %parallel_loop3A_2613, %parallel_loop3A_2617 : vector<16xf32>
        %parallel_loop3A_2675 = arith.addf %parallel_loop3A_2621, %parallel_loop3A_2625 : vector<16xf32>
        %parallel_loop3A_2676 = arith.addf %parallel_loop3A_2629, %parallel_loop3A_2633 : vector<16xf32>
        %parallel_loop3A_2677 = arith.addf %parallel_loop3A_2637, %parallel_loop3A_2641 : vector<16xf32>
        %parallel_loop3A_2678 = arith.addf %parallel_loop3A_2645, %parallel_loop3A_2649 : vector<16xf32>
        %parallel_loop3A_2679 = arith.addf %parallel_loop3A_2653, %parallel_loop3A_2657 : vector<16xf32>
        %parallel_loop3A_2680 = arith.addf %parallel_loop3A_2661, %parallel_loop3A_2665 : vector<16xf32>
        %parallel_loop3A_2681 = arith.addf %parallel_loop3A_2669, %parallel_loop3A_2673 : vector<16xf32>
        %parallel_loop3A_2682 = arith.addf %parallel_loop3A_2674, %parallel_loop3A_2675 : vector<16xf32>
        %parallel_loop3A_2683 = arith.addf %parallel_loop3A_2676, %parallel_loop3A_2677 : vector<16xf32>
        %parallel_loop3A_2684 = arith.addf %parallel_loop3A_2678, %parallel_loop3A_2679 : vector<16xf32>
        %parallel_loop3A_2685 = arith.addf %parallel_loop3A_2680, %parallel_loop3A_2681 : vector<16xf32>
        %parallel_loop3A_2686 = arith.addf %parallel_loop3A_2682, %parallel_loop3A_2683 : vector<16xf32>
        %parallel_loop3A_2687 = arith.addf %parallel_loop3A_2684, %parallel_loop3A_2685 : vector<16xf32>
        %parallel_loop3A_2688 = arith.addf %parallel_loop3A_2686, %parallel_loop3A_2687 : vector<16xf32>
        %parallel_loop3A_2689 = arith.constant 128 : i32
        %parallel_loop3A_2690 = arith.muli %parallel_loop3A_1982, %parallel_loop3A_2689 : i32
        %parallel_loop3A_2691 = arith.constant 112 : i32
        %parallel_loop3A_2692 = arith.addi %parallel_loop3A_2690, %parallel_loop3A_2691 : i32
        %parallel_loop3A_2693 = arith.index_cast %parallel_loop3A_2692 : i32 to index
        %parallel_loop3A_2694 = tpu.vector_load %arg15[%parallel_loop3A_2693] {strides = array<i32>} : memref<2048xf32, #tpu.memory_space<vmem>>, vector<16xf32>,
        tpu.vector_store %arg15[%parallel_loop3A_2693], %parallel_loop3A_2688 {strides = array<i32>} : memref<2048xf32, #tpu.memory_space<vmem>>, vector<16xf32>,
      } {sc.loop_unroll_factor = 2 : i64, sc.parallel_access}
      %parallel_loop3A_1953 = arith.constant 0 : i32
      %parallel_loop3A_1954 = arith.constant 8 : i32
      %parallel_loop3A_1955 = arith.constant 1 : i32
      scf.for %parallel_loop3A_1982 = %parallel_loop3A_1953 to %parallel_loop3A_1954 step %parallel_loop3A_1955  : i32 {
        %parallel_loop3A_1983 = arith.constant 256 : i32
        %parallel_loop3A_1984 = arith.muli %parallel_loop3A_1982, %parallel_loop3A_1983 : i32
        %parallel_loop3A_1985 = arith.constant 0 : index
        %parallel_loop3A_1986 = tpu.vector_load %arg14[%parallel_loop3A_1985] {strides = array<i32>} : memref<256xi32, #tpu.memory_space<vmem>>, vector<16xi32>,
        %parallel_loop3A_1987 = vector.broadcast %parallel_loop3A_1984 : i32 to vector<16xi32>
        %parallel_loop3A_1988 = arith.addi %parallel_loop3A_1987, %parallel_loop3A_1986 : vector<16xi32>
        %parallel_loop3A_1989 = tpu.vector_load_idx %arg15[%parallel_loop3A_1988] : memref<2048xf32, #tpu.memory_space<vmem>>[vector<16xi32>], vector<16xf32>,
        %parallel_loop3A_1990 = arith.constant 16 : index
        %parallel_loop3A_1991 = tpu.vector_load %arg14[%parallel_loop3A_1990] {strides = array<i32>} : memref<256xi32, #tpu.memory_space<vmem>>, vector<16xi32>,
        %parallel_loop3A_1992 = vector.broadcast %parallel_loop3A_1984 : i32 to vector<16xi32>
        %parallel_loop3A_1993 = arith.addi %parallel_loop3A_1992, %parallel_loop3A_1991 : vector<16xi32>
        %parallel_loop3A_1994 = tpu.vector_load_idx %arg15[%parallel_loop3A_1993] : memref<2048xf32, #tpu.memory_space<vmem>>[vector<16xi32>], vector<16xf32>,
        %parallel_loop3A_1995 = arith.constant 32 : index
        %parallel_loop3A_1996 = tpu.vector_load %arg14[%parallel_loop3A_1995] {strides = array<i32>} : memref<256xi32, #tpu.memory_space<vmem>>, vector<16xi32>,
        %parallel_loop3A_1997 = vector.broadcast %parallel_loop3A_1984 : i32 to vector<16xi32>
        %parallel_loop3A_1998 = arith.addi %parallel_loop3A_1997, %parallel_loop3A_1996 : vector<16xi32>
        %parallel_loop3A_1999 = tpu.vector_load_idx %arg15[%parallel_loop3A_1998] : memref<2048xf32, #tpu.memory_space<vmem>>[vector<16xi32>], vector<16xf32>,
        %parallel_loop3A_2000 = arith.constant 48 : index
        %parallel_loop3A_2001 = tpu.vector_load %arg14[%parallel_loop3A_2000] {strides = array<i32>} : memref<256xi32, #tpu.memory_space<vmem>>, vector<16xi32>,
        %parallel_loop3A_2002 = vector.broadcast %parallel_loop3A_1984 : i32 to vector<16xi32>
        %parallel_loop3A_2003 = arith.addi %parallel_loop3A_2002, %parallel_loop3A_2001 : vector<16xi32>
        %parallel_loop3A_2004 = tpu.vector_load_idx %arg15[%parallel_loop3A_2003] : memref<2048xf32, #tpu.memory_space<vmem>>[vector<16xi32>], vector<16xf32>,
        %parallel_loop3A_2005 = arith.constant 64 : index
        %parallel_loop3A_2006 = tpu.vector_load %arg14[%parallel_loop3A_2005] {strides = array<i32>} : memref<256xi32, #tpu.memory_space<vmem>>, vector<16xi32>,
        %parallel_loop3A_2007 = vector.broadcast %parallel_loop3A_1984 : i32 to vector<16xi32>
        %parallel_loop3A_2008 = arith.addi %parallel_loop3A_2007, %parallel_loop3A_2006 : vector<16xi32>
        %parallel_loop3A_2009 = tpu.vector_load_idx %arg15[%parallel_loop3A_2008] : memref<2048xf32, #tpu.memory_space<vmem>>[vector<16xi32>], vector<16xf32>,
        %parallel_loop3A_2010 = arith.constant 80 : index
        %parallel_loop3A_2011 = tpu.vector_load %arg14[%parallel_loop3A_2010] {strides = array<i32>} : memref<256xi32, #tpu.memory_space<vmem>>, vector<16xi32>,
        %parallel_loop3A_2012 = vector.broadcast %parallel_loop3A_1984 : i32 to vector<16xi32>
        %parallel_loop3A_2013 = arith.addi %parallel_loop3A_2012, %parallel_loop3A_2011 : vector<16xi32>
        %parallel_loop3A_2014 = tpu.vector_load_idx %arg15[%parallel_loop3A_2013] : memref<2048xf32, #tpu.memory_space<vmem>>[vector<16xi32>], vector<16xf32>,
        %parallel_loop3A_2015 = arith.constant 96 : index
        %parallel_loop3A_2016 = tpu.vector_load %arg14[%parallel_loop3A_2015] {strides = array<i32>} : memref<256xi32, #tpu.memory_space<vmem>>, vector<16xi32>,
        %parallel_loop3A_2017 = vector.broadcast %parallel_loop3A_1984 : i32 to vector<16xi32>
        %parallel_loop3A_2018 = arith.addi %parallel_loop3A_2017, %parallel_loop3A_2016 : vector<16xi32>
        %parallel_loop3A_2019 = tpu.vector_load_idx %arg15[%parallel_loop3A_2018] : memref<2048xf32, #tpu.memory_space<vmem>>[vector<16xi32>], vector<16xf32>,
        %parallel_loop3A_2020 = arith.constant 112 : index
        %parallel_loop3A_2021 = tpu.vector_load %arg14[%parallel_loop3A_2020] {strides = array<i32>} : memref<256xi32, #tpu.memory_space<vmem>>, vector<16xi32>,
        %parallel_loop3A_2022 = vector.broadcast %parallel_loop3A_1984 : i32 to vector<16xi32>
        %parallel_loop3A_2023 = arith.addi %parallel_loop3A_2022, %parallel_loop3A_2021 : vector<16xi32>
        %parallel_loop3A_2024 = tpu.vector_load_idx %arg15[%parallel_loop3A_2023] : memref<2048xf32, #tpu.memory_space<vmem>>[vector<16xi32>], vector<16xf32>,
        %parallel_loop3A_2025 = arith.constant 128 : index
        %parallel_loop3A_2026 = tpu.vector_load %arg14[%parallel_loop3A_2025] {strides = array<i32>} : memref<256xi32, #tpu.memory_space<vmem>>, vector<16xi32>,
        %parallel_loop3A_2027 = vector.broadcast %parallel_loop3A_1984 : i32 to vector<16xi32>
        %parallel_loop3A_2028 = arith.addi %parallel_loop3A_2027, %parallel_loop3A_2026 : vector<16xi32>
        %parallel_loop3A_2029 = tpu.vector_load_idx %arg15[%parallel_loop3A_2028] : memref<2048xf32, #tpu.memory_space<vmem>>[vector<16xi32>], vector<16xf32>,
        %parallel_loop3A_2030 = arith.constant 144 : index
        %parallel_loop3A_2031 = tpu.vector_load %arg14[%parallel_loop3A_2030] {strides = array<i32>} : memref<256xi32, #tpu.memory_space<vmem>>, vector<16xi32>,
        %parallel_loop3A_2032 = vector.broadcast %parallel_loop3A_1984 : i32 to vector<16xi32>
        %parallel_loop3A_2033 = arith.addi %parallel_loop3A_2032, %parallel_loop3A_2031 : vector<16xi32>
        %parallel_loop3A_2034 = tpu.vector_load_idx %arg15[%parallel_loop3A_2033] : memref<2048xf32, #tpu.memory_space<vmem>>[vector<16xi32>], vector<16xf32>,
        %parallel_loop3A_2035 = arith.constant 160 : index
        %parallel_loop3A_2036 = tpu.vector_load %arg14[%parallel_loop3A_2035] {strides = array<i32>} : memref<256xi32, #tpu.memory_space<vmem>>, vector<16xi32>,
        %parallel_loop3A_2037 = vector.broadcast %parallel_loop3A_1984 : i32 to vector<16xi32>
        %parallel_loop3A_2038 = arith.addi %parallel_loop3A_2037, %parallel_loop3A_2036 : vector<16xi32>
        %parallel_loop3A_2039 = tpu.vector_load_idx %arg15[%parallel_loop3A_2038] : memref<2048xf32, #tpu.memory_space<vmem>>[vector<16xi32>], vector<16xf32>,
        %parallel_loop3A_2040 = arith.constant 176 : index
        %parallel_loop3A_2041 = tpu.vector_load %arg14[%parallel_loop3A_2040] {strides = array<i32>} : memref<256xi32, #tpu.memory_space<vmem>>, vector<16xi32>,
        %parallel_loop3A_2042 = vector.broadcast %parallel_loop3A_1984 : i32 to vector<16xi32>
        %parallel_loop3A_2043 = arith.addi %parallel_loop3A_2042, %parallel_loop3A_2041 : vector<16xi32>
        %parallel_loop3A_2044 = tpu.vector_load_idx %arg15[%parallel_loop3A_2043] : memref<2048xf32, #tpu.memory_space<vmem>>[vector<16xi32>], vector<16xf32>,
        %parallel_loop3A_2045 = arith.constant 192 : index
        %parallel_loop3A_2046 = tpu.vector_load %arg14[%parallel_loop3A_2045] {strides = array<i32>} : memref<256xi32, #tpu.memory_space<vmem>>, vector<16xi32>,
        %parallel_loop3A_2047 = vector.broadcast %parallel_loop3A_1984 : i32 to vector<16xi32>
        %parallel_loop3A_2048 = arith.addi %parallel_loop3A_2047, %parallel_loop3A_2046 : vector<16xi32>
        %parallel_loop3A_2049 = tpu.vector_load_idx %arg15[%parallel_loop3A_2048] : memref<2048xf32, #tpu.memory_space<vmem>>[vector<16xi32>], vector<16xf32>,
        %parallel_loop3A_2050 = arith.constant 208 : index
        %parallel_loop3A_2051 = tpu.vector_load %arg14[%parallel_loop3A_2050] {strides = array<i32>} : memref<256xi32, #tpu.memory_space<vmem>>, vector<16xi32>,
        %parallel_loop3A_2052 = vector.broadcast %parallel_loop3A_1984 : i32 to vector<16xi32>
        %parallel_loop3A_2053 = arith.addi %parallel_loop3A_2052, %parallel_loop3A_2051 : vector<16xi32>
        %parallel_loop3A_2054 = tpu.vector_load_idx %arg15[%parallel_loop3A_2053] : memref<2048xf32, #tpu.memory_space<vmem>>[vector<16xi32>], vector<16xf32>,
        %parallel_loop3A_2055 = arith.constant 224 : index
        %parallel_loop3A_2056 = tpu.vector_load %arg14[%parallel_loop3A_2055] {strides = array<i32>} : memref<256xi32, #tpu.memory_space<vmem>>, vector<16xi32>,
        %parallel_loop3A_2057 = vector.broadcast %parallel_loop3A_1984 : i32 to vector<16xi32>
        %parallel_loop3A_2058 = arith.addi %parallel_loop3A_2057, %parallel_loop3A_2056 : vector<16xi32>
        %parallel_loop3A_2059 = tpu.vector_load_idx %arg15[%parallel_loop3A_2058] : memref<2048xf32, #tpu.memory_space<vmem>>[vector<16xi32>], vector<16xf32>,
        %parallel_loop3A_2060 = arith.constant 240 : index
        %parallel_loop3A_2061 = tpu.vector_load %arg14[%parallel_loop3A_2060] {strides = array<i32>} : memref<256xi32, #tpu.memory_space<vmem>>, vector<16xi32>,
        %parallel_loop3A_2062 = vector.broadcast %parallel_loop3A_1984 : i32 to vector<16xi32>
        %parallel_loop3A_2063 = arith.addi %parallel_loop3A_2062, %parallel_loop3A_2061 : vector<16xi32>
        %parallel_loop3A_2064 = tpu.vector_load_idx %arg15[%parallel_loop3A_2063] : memref<2048xf32, #tpu.memory_space<vmem>>[vector<16xi32>], vector<16xf32>,
        %parallel_loop3A_2065 = arith.addf %parallel_loop3A_1989, %parallel_loop3A_1994 : vector<16xf32>
        %parallel_loop3A_2066 = arith.addf %parallel_loop3A_1999, %parallel_loop3A_2004 : vector<16xf32>
        %parallel_loop3A_2067 = arith.addf %parallel_loop3A_2009, %parallel_loop3A_2014 : vector<16xf32>
        %parallel_loop3A_2068 = arith.addf %parallel_loop3A_2019, %parallel_loop3A_2024 : vector<16xf32>
        %parallel_loop3A_2069 = arith.addf %parallel_loop3A_2029, %parallel_loop3A_2034 : vector<16xf32>
        %parallel_loop3A_2070 = arith.addf %parallel_loop3A_2039, %parallel_loop3A_2044 : vector<16xf32>
        %parallel_loop3A_2071 = arith.addf %parallel_loop3A_2049, %parallel_loop3A_2054 : vector<16xf32>
        %parallel_loop3A_2072 = arith.addf %parallel_loop3A_2059, %parallel_loop3A_2064 : vector<16xf32>
        %parallel_loop3A_2073 = arith.addf %parallel_loop3A_2065, %parallel_loop3A_2066 : vector<16xf32>
        %parallel_loop3A_2074 = arith.addf %parallel_loop3A_2067, %parallel_loop3A_2068 : vector<16xf32>
        %parallel_loop3A_2075 = arith.addf %parallel_loop3A_2069, %parallel_loop3A_2070 : vector<16xf32>
        %parallel_loop3A_2076 = arith.addf %parallel_loop3A_2071, %parallel_loop3A_2072 : vector<16xf32>
        %parallel_loop3A_2077 = arith.addf %parallel_loop3A_2073, %parallel_loop3A_2074 : vector<16xf32>
        %parallel_loop3A_2078 = arith.addf %parallel_loop3A_2075, %parallel_loop3A_2076 : vector<16xf32>
        %parallel_loop3A_2079 = arith.addf %parallel_loop3A_2077, %parallel_loop3A_2078 : vector<16xf32>
        %parallel_loop3A_2080 = arith.constant 128 : i32
        %parallel_loop3A_2081 = arith.muli %add3A_1946, %parallel_loop3A_2080 : i32
        %parallel_loop3A_2082 = arith.constant 16 : i32
        %parallel_loop3A_2083 = arith.muli %parallel_loop3A_1982, %parallel_loop3A_2082 : i32
        %parallel_loop3A_2084 = arith.addi %parallel_loop3A_2081, %parallel_loop3A_2083 : i32
        %parallel_loop3A_2085 = arith.index_cast %parallel_loop3A_2084 : i32 to index
        %parallel_loop3A_2086 = tpu.vector_load %arg12[%parallel_loop3A_2085] {strides = array<i32>} : memref<1024xi32, #tpu.memory_space<vmem>>, vector<16xi32>,
        %parallel_loop3A_2087 = tpu.vector_load_idx %arg11[%parallel_loop3A_2086] : memref<16xf32, #tpu.memory_space<vmem>>[vector<16xi32>], vector<16xf32>,
        %parallel_loop3A_2088 = arith.addf %parallel_loop3A_2079, %parallel_loop3A_2087 : vector<16xf32>
        %parallel_loop3A_2089 = arith.constant 0.000000e+00 : f32
        %parallel_loop3A_2090 = vector.broadcast %parallel_loop3A_2089 : f32 to vector<16xf32>
        %parallel_loop3A_2091 = arith.subf %parallel_loop3A_2090, %parallel_loop3A_2088 : vector<16xf32>
        %parallel_loop3A_2092 = math.exp %parallel_loop3A_2091 : vector<16xf32>
        %parallel_loop3A_2093 = arith.constant 1.000000e+00 : f32
        %parallel_loop3A_2094 = vector.broadcast %parallel_loop3A_2093 : f32 to vector<16xf32>
        %parallel_loop3A_2095 = arith.addf %parallel_loop3A_2094, %parallel_loop3A_2092 : vector<16xf32>
        %parallel_loop3A_2096 = arith.constant 1.000000e+00 : f32
        %parallel_loop3A_2097 = vector.broadcast %parallel_loop3A_2096 : f32 to vector<16xf32>
        %parallel_loop3A_2098 = arith.divf %parallel_loop3A_2097, %parallel_loop3A_2095 : vector<16xf32>
        %parallel_loop3A_2099 = arith.index_cast %parallel_loop3A_2084 : i32 to index
        %parallel_loop3A_2100 = tpu.vector_load %arg13[%parallel_loop3A_2099] {strides = array<i32>} : memref<1024xf32, #tpu.memory_space<vmem>>, vector<16xf32>,
        tpu.vector_store %arg13[%parallel_loop3A_2099], %parallel_loop3A_2098 {strides = array<i32>} : memref<1024xf32, #tpu.memory_space<vmem>>, vector<16xf32>,
      } {sc.loop_unroll_factor = 1 : i64, sc.parallel_access}
      %add3A_1956 = arith.constant 2 : i32
      %add3A_1957 = arith.addi %add3A_1946, %add3A_1956 : i32
      %lt3A = arith.constant 8 : i32
      %lt3A_1958 = arith.cmpi slt, %add3A_1957, %lt3A : i32
      %convert_element_type3A = arith.extui %lt3A_1958 : i1 to i32
      %cond3A = arith.constant 0 : i32
      %cond3A_1959 = arith.cmpi ne, %convert_element_type3A, %cond3A : i32
      scf.if %cond3A_1959 {
        %mul3A_1982 = arith.constant 128 : i32
        %mul3A_1983 = arith.muli %add3A_1957, %mul3A_1982 : i32
        %add3A_1984 = arith.addi %mul3A_2, %mul3A_1983 : i32
        %dma_start3A_1985 = arith.constant 0 : i32
        %dma_start3A_1986 = tpu.memref_slice %arg2[%add3A_1984, %dma_start3A_1985] : memref<32768x256xf32, #tpu.memory_space<hbm>> -> memref<128x256xf32, #tpu.memory_space<hbm>>
        %dma_start3A_1987 = arith.constant 0 : i32
        %dma_start3A_1988 = tpu.memref_slice %arg2[%add3A_1984, %dma_start3A_1987] : memref<32768x256xf32, #tpu.memory_space<hbm>> -> memref<128x256xf32, #tpu.memory_space<hbm>>
        tpu.enqueue_dma source(%dma_start3A_1988 : memref<128x256xf32, #tpu.memory_space<hbm>>) target(%arg7 : memref<128x256xf32, #tpu.memory_space<vmem>>) target_semaphore(%arg16 : memref<!tpu.dma_semaphore, #tpu.memory_space<semaphore_mem>>)
      } else {
      }
      %mul3A_1960 = arith.constant 2 : i32
      %mul3A_1961 = arith.muli %scan3A_1941, %mul3A_1960 : i32
      %add3A_1962 = arith.constant 1 : i32
      %add3A_1963 = arith.addi %mul3A_1961, %add3A_1962 : i32
      %dma_wait3A_1964 = arith.constant 0 : i32
      %dma_wait3A_1965 = tpu.memref_slice %arg2[%mul3A_2, %dma_wait3A_1964] : memref<32768x256xf32, #tpu.memory_space<hbm>> -> memref<128x256xf32, #tpu.memory_space<hbm>>
      %dma_wait3A_1966 = arith.constant 0 : i32
      %dma_wait3A_1967 = tpu.memref_slice %arg2[%mul3A_2, %dma_wait3A_1966] : memref<32768x256xf32, #tpu.memory_space<hbm>> -> memref<128x256xf32, #tpu.memory_space<hbm>>
      tpu.wait_dma2 semaphore(%arg17 : memref<!tpu.dma_semaphore, #tpu.memory_space<semaphore_mem>>) src(%dma_wait3A_1967 : memref<128x256xf32, #tpu.memory_space<hbm>>) dst(%arg8 : memref<128x256xf32, #tpu.memory_space<vmem>>)
      %parallel_loop3A_1968 = arith.constant 0 : i32
      %parallel_loop3A_1969 = arith.constant 16 : i32
      %parallel_loop3A_1970 = arith.constant 1 : i32
      scf.for %parallel_loop3A_1982 = %parallel_loop3A_1968 to %parallel_loop3A_1969 step %parallel_loop3A_1970  : i32 {
        %parallel_loop3A_1983 = arith.constant 8 : i32
        %parallel_loop3A_1984 = arith.muli %parallel_loop3A_1982, %parallel_loop3A_1983 : i32
        %parallel_loop3A_1985 = arith.constant 0 : i32
        %parallel_loop3A_1986 = arith.addi %parallel_loop3A_1984, %parallel_loop3A_1985 : i32
        %parallel_loop3A_1987 = arith.index_cast %parallel_loop3A_1986 : i32 to index
        %parallel_loop3A_1988 = arith.constant 0 : index
        %parallel_loop3A_1989 = tpu.vector_load %arg8[%parallel_loop3A_1987, %parallel_loop3A_1988] {strides = array<i32>} : memref<128x256xf32, #tpu.memory_space<vmem>>, vector<16xf32>,
        %parallel_loop3A_1990 = arith.mulf %parallel_loop3A_1989, %get3A_1898 : vector<16xf32>
        %parallel_loop3A_1991 = arith.index_cast %parallel_loop3A_1986 : i32 to index
        %parallel_loop3A_1992 = arith.constant 16 : index
        %parallel_loop3A_1993 = tpu.vector_load %arg8[%parallel_loop3A_1991, %parallel_loop3A_1992] {strides = array<i32>} : memref<128x256xf32, #tpu.memory_space<vmem>>, vector<16xf32>,
        %parallel_loop3A_1994 = arith.mulf %parallel_loop3A_1993, %get3A_1900 : vector<16xf32>
        %parallel_loop3A_1995 = arith.index_cast %parallel_loop3A_1986 : i32 to index
        %parallel_loop3A_1996 = arith.constant 32 : index
        %parallel_loop3A_1997 = tpu.vector_load %arg8[%parallel_loop3A_1995, %parallel_loop3A_1996] {strides = array<i32>} : memref<128x256xf32, #tpu.memory_space<vmem>>, vector<16xf32>,
        %parallel_loop3A_1998 = arith.mulf %parallel_loop3A_1997, %get3A_1902 : vector<16xf32>
        %parallel_loop3A_1999 = arith.index_cast %parallel_loop3A_1986 : i32 to index
        %parallel_loop3A_2000 = arith.constant 48 : index
        %parallel_loop3A_2001 = tpu.vector_load %arg8[%parallel_loop3A_1999, %parallel_loop3A_2000] {strides = array<i32>} : memref<128x256xf32, #tpu.memory_space<vmem>>, vector<16xf32>,
        %parallel_loop3A_2002 = arith.mulf %parallel_loop3A_2001, %get3A_1904 : vector<16xf32>
        %parallel_loop3A_2003 = arith.index_cast %parallel_loop3A_1986 : i32 to index
        %parallel_loop3A_2004 = arith.constant 64 : index
        %parallel_loop3A_2005 = tpu.vector_load %arg8[%parallel_loop3A_2003, %parallel_loop3A_2004] {strides = array<i32>} : memref<128x256xf32, #tpu.memory_space<vmem>>, vector<16xf32>,
        %parallel_loop3A_2006 = arith.mulf %parallel_loop3A_2005, %get3A_1906 : vector<16xf32>
        %parallel_loop3A_2007 = arith.index_cast %parallel_loop3A_1986 : i32 to index
        %parallel_loop3A_2008 = arith.constant 80 : index
        %parallel_loop3A_2009 = tpu.vector_load %arg8[%parallel_loop3A_2007, %parallel_loop3A_2008] {strides = array<i32>} : memref<128x256xf32, #tpu.memory_space<vmem>>, vector<16xf32>,
        %parallel_loop3A_2010 = arith.mulf %parallel_loop3A_2009, %get3A_1908 : vector<16xf32>
        %parallel_loop3A_2011 = arith.index_cast %parallel_loop3A_1986 : i32 to index
        %parallel_loop3A_2012 = arith.constant 96 : index
        %parallel_loop3A_2013 = tpu.vector_load %arg8[%parallel_loop3A_2011, %parallel_loop3A_2012] {strides = array<i32>} : memref<128x256xf32, #tpu.memory_space<vmem>>, vector<16xf32>,
        %parallel_loop3A_2014 = arith.mulf %parallel_loop3A_2013, %get3A_1910 : vector<16xf32>
        %parallel_loop3A_2015 = arith.index_cast %parallel_loop3A_1986 : i32 to index
        %parallel_loop3A_2016 = arith.constant 112 : index
        %parallel_loop3A_2017 = tpu.vector_load %arg8[%parallel_loop3A_2015, %parallel_loop3A_2016] {strides = array<i32>} : memref<128x256xf32, #tpu.memory_space<vmem>>, vector<16xf32>,
        %parallel_loop3A_2018 = arith.mulf %parallel_loop3A_2017, %get3A_1912 : vector<16xf32>
        %parallel_loop3A_2019 = arith.index_cast %parallel_loop3A_1986 : i32 to index
        %parallel_loop3A_2020 = arith.constant 128 : index
        %parallel_loop3A_2021 = tpu.vector_load %arg8[%parallel_loop3A_2019, %parallel_loop3A_2020] {strides = array<i32>} : memref<128x256xf32, #tpu.memory_space<vmem>>, vector<16xf32>,
        %parallel_loop3A_2022 = arith.mulf %parallel_loop3A_2021, %get3A_1914 : vector<16xf32>
        %parallel_loop3A_2023 = arith.index_cast %parallel_loop3A_1986 : i32 to index
        %parallel_loop3A_2024 = arith.constant 144 : index
        %parallel_loop3A_2025 = tpu.vector_load %arg8[%parallel_loop3A_2023, %parallel_loop3A_2024] {strides = array<i32>} : memref<128x256xf32, #tpu.memory_space<vmem>>, vector<16xf32>,
        %parallel_loop3A_2026 = arith.mulf %parallel_loop3A_2025, %get3A_1916 : vector<16xf32>
        %parallel_loop3A_2027 = arith.index_cast %parallel_loop3A_1986 : i32 to index
        %parallel_loop3A_2028 = arith.constant 160 : index
        %parallel_loop3A_2029 = tpu.vector_load %arg8[%parallel_loop3A_2027, %parallel_loop3A_2028] {strides = array<i32>} : memref<128x256xf32, #tpu.memory_space<vmem>>, vector<16xf32>,
        %parallel_loop3A_2030 = arith.mulf %parallel_loop3A_2029, %get3A_1918 : vector<16xf32>
        %parallel_loop3A_2031 = arith.index_cast %parallel_loop3A_1986 : i32 to index
        %parallel_loop3A_2032 = arith.constant 176 : index
        %parallel_loop3A_2033 = tpu.vector_load %arg8[%parallel_loop3A_2031, %parallel_loop3A_2032] {strides = array<i32>} : memref<128x256xf32, #tpu.memory_space<vmem>>, vector<16xf32>,
        %parallel_loop3A_2034 = arith.mulf %parallel_loop3A_2033, %get3A_1920 : vector<16xf32>
        %parallel_loop3A_2035 = arith.index_cast %parallel_loop3A_1986 : i32 to index
        %parallel_loop3A_2036 = arith.constant 192 : index
        %parallel_loop3A_2037 = tpu.vector_load %arg8[%parallel_loop3A_2035, %parallel_loop3A_2036] {strides = array<i32>} : memref<128x256xf32, #tpu.memory_space<vmem>>, vector<16xf32>,
        %parallel_loop3A_2038 = arith.mulf %parallel_loop3A_2037, %get3A_1922 : vector<16xf32>
        %parallel_loop3A_2039 = arith.index_cast %parallel_loop3A_1986 : i32 to index
        %parallel_loop3A_2040 = arith.constant 208 : index
        %parallel_loop3A_2041 = tpu.vector_load %arg8[%parallel_loop3A_2039, %parallel_loop3A_2040] {strides = array<i32>} : memref<128x256xf32, #tpu.memory_space<vmem>>, vector<16xf32>,
        %parallel_loop3A_2042 = arith.mulf %parallel_loop3A_2041, %get3A_1924 : vector<16xf32>
        %parallel_loop3A_2043 = arith.index_cast %parallel_loop3A_1986 : i32 to index
        %parallel_loop3A_2044 = arith.constant 224 : index
        %parallel_loop3A_2045 = tpu.vector_load %arg8[%parallel_loop3A_2043, %parallel_loop3A_2044] {strides = array<i32>} : memref<128x256xf32, #tpu.memory_space<vmem>>, vector<16xf32>,
        %parallel_loop3A_2046 = arith.mulf %parallel_loop3A_2045, %get3A_1926 : vector<16xf32>
        %parallel_loop3A_2047 = arith.index_cast %parallel_loop3A_1986 : i32 to index
        %parallel_loop3A_2048 = arith.constant 240 : index
        %parallel_loop3A_2049 = tpu.vector_load %arg8[%parallel_loop3A_2047, %parallel_loop3A_2048] {strides = array<i32>} : memref<128x256xf32, #tpu.memory_space<vmem>>, vector<16xf32>,
        %parallel_loop3A_2050 = arith.mulf %parallel_loop3A_2049, %get3A_1928 : vector<16xf32>
        %parallel_loop3A_2051 = arith.addf %parallel_loop3A_1990, %parallel_loop3A_1994 : vector<16xf32>
        %parallel_loop3A_2052 = arith.addf %parallel_loop3A_1998, %parallel_loop3A_2002 : vector<16xf32>
        %parallel_loop3A_2053 = arith.addf %parallel_loop3A_2006, %parallel_loop3A_2010 : vector<16xf32>
        %parallel_loop3A_2054 = arith.addf %parallel_loop3A_2014, %parallel_loop3A_2018 : vector<16xf32>
        %parallel_loop3A_2055 = arith.addf %parallel_loop3A_2022, %parallel_loop3A_2026 : vector<16xf32>
        %parallel_loop3A_2056 = arith.addf %parallel_loop3A_2030, %parallel_loop3A_2034 : vector<16xf32>
        %parallel_loop3A_2057 = arith.addf %parallel_loop3A_2038, %parallel_loop3A_2042 : vector<16xf32>
        %parallel_loop3A_2058 = arith.addf %parallel_loop3A_2046, %parallel_loop3A_2050 : vector<16xf32>
        %parallel_loop3A_2059 = arith.addf %parallel_loop3A_2051, %parallel_loop3A_2052 : vector<16xf32>
        %parallel_loop3A_2060 = arith.addf %parallel_loop3A_2053, %parallel_loop3A_2054 : vector<16xf32>
        %parallel_loop3A_2061 = arith.addf %parallel_loop3A_2055, %parallel_loop3A_2056 : vector<16xf32>
        %parallel_loop3A_2062 = arith.addf %parallel_loop3A_2057, %parallel_loop3A_2058 : vector<16xf32>
        %parallel_loop3A_2063 = arith.addf %parallel_loop3A_2059, %parallel_loop3A_2060 : vector<16xf32>
        %parallel_loop3A_2064 = arith.addf %parallel_loop3A_2061, %parallel_loop3A_2062 : vector<16xf32>
        %parallel_loop3A_2065 = arith.addf %parallel_loop3A_2063, %parallel_loop3A_2064 : vector<16xf32>
        %parallel_loop3A_2066 = arith.constant 128 : i32
        %parallel_loop3A_2067 = arith.muli %parallel_loop3A_1982, %parallel_loop3A_2066 : i32
        %parallel_loop3A_2068 = arith.constant 0 : i32
        %parallel_loop3A_2069 = arith.addi %parallel_loop3A_2067, %parallel_loop3A_2068 : i32
        %parallel_loop3A_2070 = arith.index_cast %parallel_loop3A_2069 : i32 to index
        %parallel_loop3A_2071 = tpu.vector_load %arg15[%parallel_loop3A_2070] {strides = array<i32>} : memref<2048xf32, #tpu.memory_space<vmem>>, vector<16xf32>,
        tpu.vector_store %arg15[%parallel_loop3A_2070], %parallel_loop3A_2065 {strides = array<i32>} : memref<2048xf32, #tpu.memory_space<vmem>>, vector<16xf32>,
        %parallel_loop3A_2072 = arith.constant 8 : i32
        %parallel_loop3A_2073 = arith.muli %parallel_loop3A_1982, %parallel_loop3A_2072 : i32
        %parallel_loop3A_2074 = arith.constant 1 : i32
        %parallel_loop3A_2075 = arith.addi %parallel_loop3A_2073, %parallel_loop3A_2074 : i32
        %parallel_loop3A_2076 = arith.index_cast %parallel_loop3A_2075 : i32 to index
        %parallel_loop3A_2077 = arith.constant 0 : index
        %parallel_loop3A_2078 = tpu.vector_load %arg8[%parallel_loop3A_2076, %parallel_loop3A_2077] {strides = array<i32>} : memref<128x256xf32, #tpu.memory_space<vmem>>, vector<16xf32>,
        %parallel_loop3A_2079 = arith.mulf %parallel_loop3A_2078, %get3A_1898 : vector<16xf32>
        %parallel_loop3A_2080 = arith.index_cast %parallel_loop3A_2075 : i32 to index
        %parallel_loop3A_2081 = arith.constant 16 : index
        %parallel_loop3A_2082 = tpu.vector_load %arg8[%parallel_loop3A_2080, %parallel_loop3A_2081] {strides = array<i32>} : memref<128x256xf32, #tpu.memory_space<vmem>>, vector<16xf32>,
        %parallel_loop3A_2083 = arith.mulf %parallel_loop3A_2082, %get3A_1900 : vector<16xf32>
        %parallel_loop3A_2084 = arith.index_cast %parallel_loop3A_2075 : i32 to index
        %parallel_loop3A_2085 = arith.constant 32 : index
        %parallel_loop3A_2086 = tpu.vector_load %arg8[%parallel_loop3A_2084, %parallel_loop3A_2085] {strides = array<i32>} : memref<128x256xf32, #tpu.memory_space<vmem>>, vector<16xf32>,
        %parallel_loop3A_2087 = arith.mulf %parallel_loop3A_2086, %get3A_1902 : vector<16xf32>
        %parallel_loop3A_2088 = arith.index_cast %parallel_loop3A_2075 : i32 to index
        %parallel_loop3A_2089 = arith.constant 48 : index
        %parallel_loop3A_2090 = tpu.vector_load %arg8[%parallel_loop3A_2088, %parallel_loop3A_2089] {strides = array<i32>} : memref<128x256xf32, #tpu.memory_space<vmem>>, vector<16xf32>,
        %parallel_loop3A_2091 = arith.mulf %parallel_loop3A_2090, %get3A_1904 : vector<16xf32>
        %parallel_loop3A_2092 = arith.index_cast %parallel_loop3A_2075 : i32 to index
        %parallel_loop3A_2093 = arith.constant 64 : index
        %parallel_loop3A_2094 = tpu.vector_load %arg8[%parallel_loop3A_2092, %parallel_loop3A_2093] {strides = array<i32>} : memref<128x256xf32, #tpu.memory_space<vmem>>, vector<16xf32>,
        %parallel_loop3A_2095 = arith.mulf %parallel_loop3A_2094, %get3A_1906 : vector<16xf32>
        %parallel_loop3A_2096 = arith.index_cast %parallel_loop3A_2075 : i32 to index
        %parallel_loop3A_2097 = arith.constant 80 : index
        %parallel_loop3A_2098 = tpu.vector_load %arg8[%parallel_loop3A_2096, %parallel_loop3A_2097] {strides = array<i32>} : memref<128x256xf32, #tpu.memory_space<vmem>>, vector<16xf32>,
        %parallel_loop3A_2099 = arith.mulf %parallel_loop3A_2098, %get3A_1908 : vector<16xf32>
        %parallel_loop3A_2100 = arith.index_cast %parallel_loop3A_2075 : i32 to index
        %parallel_loop3A_2101 = arith.constant 96 : index
        %parallel_loop3A_2102 = tpu.vector_load %arg8[%parallel_loop3A_2100, %parallel_loop3A_2101] {strides = array<i32>} : memref<128x256xf32, #tpu.memory_space<vmem>>, vector<16xf32>,
        %parallel_loop3A_2103 = arith.mulf %parallel_loop3A_2102, %get3A_1910 : vector<16xf32>
        %parallel_loop3A_2104 = arith.index_cast %parallel_loop3A_2075 : i32 to index
        %parallel_loop3A_2105 = arith.constant 112 : index
        %parallel_loop3A_2106 = tpu.vector_load %arg8[%parallel_loop3A_2104, %parallel_loop3A_2105] {strides = array<i32>} : memref<128x256xf32, #tpu.memory_space<vmem>>, vector<16xf32>,
        %parallel_loop3A_2107 = arith.mulf %parallel_loop3A_2106, %get3A_1912 : vector<16xf32>
        %parallel_loop3A_2108 = arith.index_cast %parallel_loop3A_2075 : i32 to index
        %parallel_loop3A_2109 = arith.constant 128 : index
        %parallel_loop3A_2110 = tpu.vector_load %arg8[%parallel_loop3A_2108, %parallel_loop3A_2109] {strides = array<i32>} : memref<128x256xf32, #tpu.memory_space<vmem>>, vector<16xf32>,
        %parallel_loop3A_2111 = arith.mulf %parallel_loop3A_2110, %get3A_1914 : vector<16xf32>
        %parallel_loop3A_2112 = arith.index_cast %parallel_loop3A_2075 : i32 to index
        %parallel_loop3A_2113 = arith.constant 144 : index
        %parallel_loop3A_2114 = tpu.vector_load %arg8[%parallel_loop3A_2112, %parallel_loop3A_2113] {strides = array<i32>} : memref<128x256xf32, #tpu.memory_space<vmem>>, vector<16xf32>,
        %parallel_loop3A_2115 = arith.mulf %parallel_loop3A_2114, %get3A_1916 : vector<16xf32>
        %parallel_loop3A_2116 = arith.index_cast %parallel_loop3A_2075 : i32 to index
        %parallel_loop3A_2117 = arith.constant 160 : index
        %parallel_loop3A_2118 = tpu.vector_load %arg8[%parallel_loop3A_2116, %parallel_loop3A_2117] {strides = array<i32>} : memref<128x256xf32, #tpu.memory_space<vmem>>, vector<16xf32>,
        %parallel_loop3A_2119 = arith.mulf %parallel_loop3A_2118, %get3A_1918 : vector<16xf32>
        %parallel_loop3A_2120 = arith.index_cast %parallel_loop3A_2075 : i32 to index
        %parallel_loop3A_2121 = arith.constant 176 : index
        %parallel_loop3A_2122 = tpu.vector_load %arg8[%parallel_loop3A_2120, %parallel_loop3A_2121] {strides = array<i32>} : memref<128x256xf32, #tpu.memory_space<vmem>>, vector<16xf32>,
        %parallel_loop3A_2123 = arith.mulf %parallel_loop3A_2122, %get3A_1920 : vector<16xf32>
        %parallel_loop3A_2124 = arith.index_cast %parallel_loop3A_2075 : i32 to index
        %parallel_loop3A_2125 = arith.constant 192 : index
        %parallel_loop3A_2126 = tpu.vector_load %arg8[%parallel_loop3A_2124, %parallel_loop3A_2125] {strides = array<i32>} : memref<128x256xf32, #tpu.memory_space<vmem>>, vector<16xf32>,
        %parallel_loop3A_2127 = arith.mulf %parallel_loop3A_2126, %get3A_1922 : vector<16xf32>
        %parallel_loop3A_2128 = arith.index_cast %parallel_loop3A_2075 : i32 to index
        %parallel_loop3A_2129 = arith.constant 208 : index
        %parallel_loop3A_2130 = tpu.vector_load %arg8[%parallel_loop3A_2128, %parallel_loop3A_2129] {strides = array<i32>} : memref<128x256xf32, #tpu.memory_space<vmem>>, vector<16xf32>,
        %parallel_loop3A_2131 = arith.mulf %parallel_loop3A_2130, %get3A_1924 : vector<16xf32>
        %parallel_loop3A_2132 = arith.index_cast %parallel_loop3A_2075 : i32 to index
        %parallel_loop3A_2133 = arith.constant 224 : index
        %parallel_loop3A_2134 = tpu.vector_load %arg8[%parallel_loop3A_2132, %parallel_loop3A_2133] {strides = array<i32>} : memref<128x256xf32, #tpu.memory_space<vmem>>, vector<16xf32>,
        %parallel_loop3A_2135 = arith.mulf %parallel_loop3A_2134, %get3A_1926 : vector<16xf32>
        %parallel_loop3A_2136 = arith.index_cast %parallel_loop3A_2075 : i32 to index
        %parallel_loop3A_2137 = arith.constant 240 : index
        %parallel_loop3A_2138 = tpu.vector_load %arg8[%parallel_loop3A_2136, %parallel_loop3A_2137] {strides = array<i32>} : memref<128x256xf32, #tpu.memory_space<vmem>>, vector<16xf32>,
        %parallel_loop3A_2139 = arith.mulf %parallel_loop3A_2138, %get3A_1928 : vector<16xf32>
        %parallel_loop3A_2140 = arith.addf %parallel_loop3A_2079, %parallel_loop3A_2083 : vector<16xf32>
        %parallel_loop3A_2141 = arith.addf %parallel_loop3A_2087, %parallel_loop3A_2091 : vector<16xf32>
        %parallel_loop3A_2142 = arith.addf %parallel_loop3A_2095, %parallel_loop3A_2099 : vector<16xf32>
        %parallel_loop3A_2143 = arith.addf %parallel_loop3A_2103, %parallel_loop3A_2107 : vector<16xf32>
        %parallel_loop3A_2144 = arith.addf %parallel_loop3A_2111, %parallel_loop3A_2115 : vector<16xf32>
        %parallel_loop3A_2145 = arith.addf %parallel_loop3A_2119, %parallel_loop3A_2123 : vector<16xf32>
        %parallel_loop3A_2146 = arith.addf %parallel_loop3A_2127, %parallel_loop3A_2131 : vector<16xf32>
        %parallel_loop3A_2147 = arith.addf %parallel_loop3A_2135, %parallel_loop3A_2139 : vector<16xf32>
        %parallel_loop3A_2148 = arith.addf %parallel_loop3A_2140, %parallel_loop3A_2141 : vector<16xf32>
        %parallel_loop3A_2149 = arith.addf %parallel_loop3A_2142, %parallel_loop3A_2143 : vector<16xf32>
        %parallel_loop3A_2150 = arith.addf %parallel_loop3A_2144, %parallel_loop3A_2145 : vector<16xf32>
        %parallel_loop3A_2151 = arith.addf %parallel_loop3A_2146, %parallel_loop3A_2147 : vector<16xf32>
        %parallel_loop3A_2152 = arith.addf %parallel_loop3A_2148, %parallel_loop3A_2149 : vector<16xf32>
        %parallel_loop3A_2153 = arith.addf %parallel_loop3A_2150, %parallel_loop3A_2151 : vector<16xf32>
        %parallel_loop3A_2154 = arith.addf %parallel_loop3A_2152, %parallel_loop3A_2153 : vector<16xf32>
        %parallel_loop3A_2155 = arith.constant 128 : i32
        %parallel_loop3A_2156 = arith.muli %parallel_loop3A_1982, %parallel_loop3A_2155 : i32
        %parallel_loop3A_2157 = arith.constant 16 : i32
        %parallel_loop3A_2158 = arith.addi %parallel_loop3A_2156, %parallel_loop3A_2157 : i32
        %parallel_loop3A_2159 = arith.index_cast %parallel_loop3A_2158 : i32 to index
        %parallel_loop3A_2160 = tpu.vector_load %arg15[%parallel_loop3A_2159] {strides = array<i32>} : memref<2048xf32, #tpu.memory_space<vmem>>, vector<16xf32>,
        tpu.vector_store %arg15[%parallel_loop3A_2159], %parallel_loop3A_2154 {strides = array<i32>} : memref<2048xf32, #tpu.memory_space<vmem>>, vector<16xf32>,
        %parallel_loop3A_2161 = arith.constant 8 : i32
        %parallel_loop3A_2162 = arith.muli %parallel_loop3A_1982, %parallel_loop3A_2161 : i32
        %parallel_loop3A_2163 = arith.constant 2 : i32
        %parallel_loop3A_2164 = arith.addi %parallel_loop3A_2162, %parallel_loop3A_2163 : i32
        %parallel_loop3A_2165 = arith.index_cast %parallel_loop3A_2164 : i32 to index
        %parallel_loop3A_2166 = arith.constant 0 : index
        %parallel_loop3A_2167 = tpu.vector_load %arg8[%parallel_loop3A_2165, %parallel_loop3A_2166] {strides = array<i32>} : memref<128x256xf32, #tpu.memory_space<vmem>>, vector<16xf32>,
        %parallel_loop3A_2168 = arith.mulf %parallel_loop3A_2167, %get3A_1898 : vector<16xf32>
        %parallel_loop3A_2169 = arith.index_cast %parallel_loop3A_2164 : i32 to index
        %parallel_loop3A_2170 = arith.constant 16 : index
        %parallel_loop3A_2171 = tpu.vector_load %arg8[%parallel_loop3A_2169, %parallel_loop3A_2170] {strides = array<i32>} : memref<128x256xf32, #tpu.memory_space<vmem>>, vector<16xf32>,
        %parallel_loop3A_2172 = arith.mulf %parallel_loop3A_2171, %get3A_1900 : vector<16xf32>
        %parallel_loop3A_2173 = arith.index_cast %parallel_loop3A_2164 : i32 to index
        %parallel_loop3A_2174 = arith.constant 32 : index
        %parallel_loop3A_2175 = tpu.vector_load %arg8[%parallel_loop3A_2173, %parallel_loop3A_2174] {strides = array<i32>} : memref<128x256xf32, #tpu.memory_space<vmem>>, vector<16xf32>,
        %parallel_loop3A_2176 = arith.mulf %parallel_loop3A_2175, %get3A_1902 : vector<16xf32>
        %parallel_loop3A_2177 = arith.index_cast %parallel_loop3A_2164 : i32 to index
        %parallel_loop3A_2178 = arith.constant 48 : index
        %parallel_loop3A_2179 = tpu.vector_load %arg8[%parallel_loop3A_2177, %parallel_loop3A_2178] {strides = array<i32>} : memref<128x256xf32, #tpu.memory_space<vmem>>, vector<16xf32>,
        %parallel_loop3A_2180 = arith.mulf %parallel_loop3A_2179, %get3A_1904 : vector<16xf32>
        %parallel_loop3A_2181 = arith.index_cast %parallel_loop3A_2164 : i32 to index
        %parallel_loop3A_2182 = arith.constant 64 : index
        %parallel_loop3A_2183 = tpu.vector_load %arg8[%parallel_loop3A_2181, %parallel_loop3A_2182] {strides = array<i32>} : memref<128x256xf32, #tpu.memory_space<vmem>>, vector<16xf32>,
        %parallel_loop3A_2184 = arith.mulf %parallel_loop3A_2183, %get3A_1906 : vector<16xf32>
        %parallel_loop3A_2185 = arith.index_cast %parallel_loop3A_2164 : i32 to index
        %parallel_loop3A_2186 = arith.constant 80 : index
        %parallel_loop3A_2187 = tpu.vector_load %arg8[%parallel_loop3A_2185, %parallel_loop3A_2186] {strides = array<i32>} : memref<128x256xf32, #tpu.memory_space<vmem>>, vector<16xf32>,
        %parallel_loop3A_2188 = arith.mulf %parallel_loop3A_2187, %get3A_1908 : vector<16xf32>
        %parallel_loop3A_2189 = arith.index_cast %parallel_loop3A_2164 : i32 to index
        %parallel_loop3A_2190 = arith.constant 96 : index
        %parallel_loop3A_2191 = tpu.vector_load %arg8[%parallel_loop3A_2189, %parallel_loop3A_2190] {strides = array<i32>} : memref<128x256xf32, #tpu.memory_space<vmem>>, vector<16xf32>,
        %parallel_loop3A_2192 = arith.mulf %parallel_loop3A_2191, %get3A_1910 : vector<16xf32>
        %parallel_loop3A_2193 = arith.index_cast %parallel_loop3A_2164 : i32 to index
        %parallel_loop3A_2194 = arith.constant 112 : index
        %parallel_loop3A_2195 = tpu.vector_load %arg8[%parallel_loop3A_2193, %parallel_loop3A_2194] {strides = array<i32>} : memref<128x256xf32, #tpu.memory_space<vmem>>, vector<16xf32>,
        %parallel_loop3A_2196 = arith.mulf %parallel_loop3A_2195, %get3A_1912 : vector<16xf32>
        %parallel_loop3A_2197 = arith.index_cast %parallel_loop3A_2164 : i32 to index
        %parallel_loop3A_2198 = arith.constant 128 : index
        %parallel_loop3A_2199 = tpu.vector_load %arg8[%parallel_loop3A_2197, %parallel_loop3A_2198] {strides = array<i32>} : memref<128x256xf32, #tpu.memory_space<vmem>>, vector<16xf32>,
        %parallel_loop3A_2200 = arith.mulf %parallel_loop3A_2199, %get3A_1914 : vector<16xf32>
        %parallel_loop3A_2201 = arith.index_cast %parallel_loop3A_2164 : i32 to index
        %parallel_loop3A_2202 = arith.constant 144 : index
        %parallel_loop3A_2203 = tpu.vector_load %arg8[%parallel_loop3A_2201, %parallel_loop3A_2202] {strides = array<i32>} : memref<128x256xf32, #tpu.memory_space<vmem>>, vector<16xf32>,
        %parallel_loop3A_2204 = arith.mulf %parallel_loop3A_2203, %get3A_1916 : vector<16xf32>
        %parallel_loop3A_2205 = arith.index_cast %parallel_loop3A_2164 : i32 to index
        %parallel_loop3A_2206 = arith.constant 160 : index
        %parallel_loop3A_2207 = tpu.vector_load %arg8[%parallel_loop3A_2205, %parallel_loop3A_2206] {strides = array<i32>} : memref<128x256xf32, #tpu.memory_space<vmem>>, vector<16xf32>,
        %parallel_loop3A_2208 = arith.mulf %parallel_loop3A_2207, %get3A_1918 : vector<16xf32>
        %parallel_loop3A_2209 = arith.index_cast %parallel_loop3A_2164 : i32 to index
        %parallel_loop3A_2210 = arith.constant 176 : index
        %parallel_loop3A_2211 = tpu.vector_load %arg8[%parallel_loop3A_2209, %parallel_loop3A_2210] {strides = array<i32>} : memref<128x256xf32, #tpu.memory_space<vmem>>, vector<16xf32>,
        %parallel_loop3A_2212 = arith.mulf %parallel_loop3A_2211, %get3A_1920 : vector<16xf32>
        %parallel_loop3A_2213 = arith.index_cast %parallel_loop3A_2164 : i32 to index
        %parallel_loop3A_2214 = arith.constant 192 : index
        %parallel_loop3A_2215 = tpu.vector_load %arg8[%parallel_loop3A_2213, %parallel_loop3A_2214] {strides = array<i32>} : memref<128x256xf32, #tpu.memory_space<vmem>>, vector<16xf32>,
        %parallel_loop3A_2216 = arith.mulf %parallel_loop3A_2215, %get3A_1922 : vector<16xf32>
        %parallel_loop3A_2217 = arith.index_cast %parallel_loop3A_2164 : i32 to index
        %parallel_loop3A_2218 = arith.constant 208 : index
        %parallel_loop3A_2219 = tpu.vector_load %arg8[%parallel_loop3A_2217, %parallel_loop3A_2218] {strides = array<i32>} : memref<128x256xf32, #tpu.memory_space<vmem>>, vector<16xf32>,
        %parallel_loop3A_2220 = arith.mulf %parallel_loop3A_2219, %get3A_1924 : vector<16xf32>
        %parallel_loop3A_2221 = arith.index_cast %parallel_loop3A_2164 : i32 to index
        %parallel_loop3A_2222 = arith.constant 224 : index
        %parallel_loop3A_2223 = tpu.vector_load %arg8[%parallel_loop3A_2221, %parallel_loop3A_2222] {strides = array<i32>} : memref<128x256xf32, #tpu.memory_space<vmem>>, vector<16xf32>,
        %parallel_loop3A_2224 = arith.mulf %parallel_loop3A_2223, %get3A_1926 : vector<16xf32>
        %parallel_loop3A_2225 = arith.index_cast %parallel_loop3A_2164 : i32 to index
        %parallel_loop3A_2226 = arith.constant 240 : index
        %parallel_loop3A_2227 = tpu.vector_load %arg8[%parallel_loop3A_2225, %parallel_loop3A_2226] {strides = array<i32>} : memref<128x256xf32, #tpu.memory_space<vmem>>, vector<16xf32>,
        %parallel_loop3A_2228 = arith.mulf %parallel_loop3A_2227, %get3A_1928 : vector<16xf32>
        %parallel_loop3A_2229 = arith.addf %parallel_loop3A_2168, %parallel_loop3A_2172 : vector<16xf32>
        %parallel_loop3A_2230 = arith.addf %parallel_loop3A_2176, %parallel_loop3A_2180 : vector<16xf32>
        %parallel_loop3A_2231 = arith.addf %parallel_loop3A_2184, %parallel_loop3A_2188 : vector<16xf32>
        %parallel_loop3A_2232 = arith.addf %parallel_loop3A_2192, %parallel_loop3A_2196 : vector<16xf32>
        %parallel_loop3A_2233 = arith.addf %parallel_loop3A_2200, %parallel_loop3A_2204 : vector<16xf32>
        %parallel_loop3A_2234 = arith.addf %parallel_loop3A_2208, %parallel_loop3A_2212 : vector<16xf32>
        %parallel_loop3A_2235 = arith.addf %parallel_loop3A_2216, %parallel_loop3A_2220 : vector<16xf32>
        %parallel_loop3A_2236 = arith.addf %parallel_loop3A_2224, %parallel_loop3A_2228 : vector<16xf32>
        %parallel_loop3A_2237 = arith.addf %parallel_loop3A_2229, %parallel_loop3A_2230 : vector<16xf32>
        %parallel_loop3A_2238 = arith.addf %parallel_loop3A_2231, %parallel_loop3A_2232 : vector<16xf32>
        %parallel_loop3A_2239 = arith.addf %parallel_loop3A_2233, %parallel_loop3A_2234 : vector<16xf32>
        %parallel_loop3A_2240 = arith.addf %parallel_loop3A_2235, %parallel_loop3A_2236 : vector<16xf32>
        %parallel_loop3A_2241 = arith.addf %parallel_loop3A_2237, %parallel_loop3A_2238 : vector<16xf32>
        %parallel_loop3A_2242 = arith.addf %parallel_loop3A_2239, %parallel_loop3A_2240 : vector<16xf32>
        %parallel_loop3A_2243 = arith.addf %parallel_loop3A_2241, %parallel_loop3A_2242 : vector<16xf32>
        %parallel_loop3A_2244 = arith.constant 128 : i32
        %parallel_loop3A_2245 = arith.muli %parallel_loop3A_1982, %parallel_loop3A_2244 : i32
        %parallel_loop3A_2246 = arith.constant 32 : i32
        %parallel_loop3A_2247 = arith.addi %parallel_loop3A_2245, %parallel_loop3A_2246 : i32
        %parallel_loop3A_2248 = arith.index_cast %parallel_loop3A_2247 : i32 to index
        %parallel_loop3A_2249 = tpu.vector_load %arg15[%parallel_loop3A_2248] {strides = array<i32>} : memref<2048xf32, #tpu.memory_space<vmem>>, vector<16xf32>,
        tpu.vector_store %arg15[%parallel_loop3A_2248], %parallel_loop3A_2243 {strides = array<i32>} : memref<2048xf32, #tpu.memory_space<vmem>>, vector<16xf32>,
        %parallel_loop3A_2250 = arith.constant 8 : i32
        %parallel_loop3A_2251 = arith.muli %parallel_loop3A_1982, %parallel_loop3A_2250 : i32
        %parallel_loop3A_2252 = arith.constant 3 : i32
        %parallel_loop3A_2253 = arith.addi %parallel_loop3A_2251, %parallel_loop3A_2252 : i32
        %parallel_loop3A_2254 = arith.index_cast %parallel_loop3A_2253 : i32 to index
        %parallel_loop3A_2255 = arith.constant 0 : index
        %parallel_loop3A_2256 = tpu.vector_load %arg8[%parallel_loop3A_2254, %parallel_loop3A_2255] {strides = array<i32>} : memref<128x256xf32, #tpu.memory_space<vmem>>, vector<16xf32>,
        %parallel_loop3A_2257 = arith.mulf %parallel_loop3A_2256, %get3A_1898 : vector<16xf32>
        %parallel_loop3A_2258 = arith.index_cast %parallel_loop3A_2253 : i32 to index
        %parallel_loop3A_2259 = arith.constant 16 : index
        %parallel_loop3A_2260 = tpu.vector_load %arg8[%parallel_loop3A_2258, %parallel_loop3A_2259] {strides = array<i32>} : memref<128x256xf32, #tpu.memory_space<vmem>>, vector<16xf32>,
        %parallel_loop3A_2261 = arith.mulf %parallel_loop3A_2260, %get3A_1900 : vector<16xf32>
        %parallel_loop3A_2262 = arith.index_cast %parallel_loop3A_2253 : i32 to index
        %parallel_loop3A_2263 = arith.constant 32 : index
        %parallel_loop3A_2264 = tpu.vector_load %arg8[%parallel_loop3A_2262, %parallel_loop3A_2263] {strides = array<i32>} : memref<128x256xf32, #tpu.memory_space<vmem>>, vector<16xf32>,
        %parallel_loop3A_2265 = arith.mulf %parallel_loop3A_2264, %get3A_1902 : vector<16xf32>
        %parallel_loop3A_2266 = arith.index_cast %parallel_loop3A_2253 : i32 to index
        %parallel_loop3A_2267 = arith.constant 48 : index
        %parallel_loop3A_2268 = tpu.vector_load %arg8[%parallel_loop3A_2266, %parallel_loop3A_2267] {strides = array<i32>} : memref<128x256xf32, #tpu.memory_space<vmem>>, vector<16xf32>,
        %parallel_loop3A_2269 = arith.mulf %parallel_loop3A_2268, %get3A_1904 : vector<16xf32>
        %parallel_loop3A_2270 = arith.index_cast %parallel_loop3A_2253 : i32 to index
        %parallel_loop3A_2271 = arith.constant 64 : index
        %parallel_loop3A_2272 = tpu.vector_load %arg8[%parallel_loop3A_2270, %parallel_loop3A_2271] {strides = array<i32>} : memref<128x256xf32, #tpu.memory_space<vmem>>, vector<16xf32>,
        %parallel_loop3A_2273 = arith.mulf %parallel_loop3A_2272, %get3A_1906 : vector<16xf32>
        %parallel_loop3A_2274 = arith.index_cast %parallel_loop3A_2253 : i32 to index
        %parallel_loop3A_2275 = arith.constant 80 : index
        %parallel_loop3A_2276 = tpu.vector_load %arg8[%parallel_loop3A_2274, %parallel_loop3A_2275] {strides = array<i32>} : memref<128x256xf32, #tpu.memory_space<vmem>>, vector<16xf32>,
        %parallel_loop3A_2277 = arith.mulf %parallel_loop3A_2276, %get3A_1908 : vector<16xf32>
        %parallel_loop3A_2278 = arith.index_cast %parallel_loop3A_2253 : i32 to index
        %parallel_loop3A_2279 = arith.constant 96 : index
        %parallel_loop3A_2280 = tpu.vector_load %arg8[%parallel_loop3A_2278, %parallel_loop3A_2279] {strides = array<i32>} : memref<128x256xf32, #tpu.memory_space<vmem>>, vector<16xf32>,
        %parallel_loop3A_2281 = arith.mulf %parallel_loop3A_2280, %get3A_1910 : vector<16xf32>
        %parallel_loop3A_2282 = arith.index_cast %parallel_loop3A_2253 : i32 to index
        %parallel_loop3A_2283 = arith.constant 112 : index
        %parallel_loop3A_2284 = tpu.vector_load %arg8[%parallel_loop3A_2282, %parallel_loop3A_2283] {strides = array<i32>} : memref<128x256xf32, #tpu.memory_space<vmem>>, vector<16xf32>,
        %parallel_loop3A_2285 = arith.mulf %parallel_loop3A_2284, %get3A_1912 : vector<16xf32>
        %parallel_loop3A_2286 = arith.index_cast %parallel_loop3A_2253 : i32 to index
        %parallel_loop3A_2287 = arith.constant 128 : index
        %parallel_loop3A_2288 = tpu.vector_load %arg8[%parallel_loop3A_2286, %parallel_loop3A_2287] {strides = array<i32>} : memref<128x256xf32, #tpu.memory_space<vmem>>, vector<16xf32>,
        %parallel_loop3A_2289 = arith.mulf %parallel_loop3A_2288, %get3A_1914 : vector<16xf32>
        %parallel_loop3A_2290 = arith.index_cast %parallel_loop3A_2253 : i32 to index
        %parallel_loop3A_2291 = arith.constant 144 : index
        %parallel_loop3A_2292 = tpu.vector_load %arg8[%parallel_loop3A_2290, %parallel_loop3A_2291] {strides = array<i32>} : memref<128x256xf32, #tpu.memory_space<vmem>>, vector<16xf32>,
        %parallel_loop3A_2293 = arith.mulf %parallel_loop3A_2292, %get3A_1916 : vector<16xf32>
        %parallel_loop3A_2294 = arith.index_cast %parallel_loop3A_2253 : i32 to index
        %parallel_loop3A_2295 = arith.constant 160 : index
        %parallel_loop3A_2296 = tpu.vector_load %arg8[%parallel_loop3A_2294, %parallel_loop3A_2295] {strides = array<i32>} : memref<128x256xf32, #tpu.memory_space<vmem>>, vector<16xf32>,
        %parallel_loop3A_2297 = arith.mulf %parallel_loop3A_2296, %get3A_1918 : vector<16xf32>
        %parallel_loop3A_2298 = arith.index_cast %parallel_loop3A_2253 : i32 to index
        %parallel_loop3A_2299 = arith.constant 176 : index
        %parallel_loop3A_2300 = tpu.vector_load %arg8[%parallel_loop3A_2298, %parallel_loop3A_2299] {strides = array<i32>} : memref<128x256xf32, #tpu.memory_space<vmem>>, vector<16xf32>,
        %parallel_loop3A_2301 = arith.mulf %parallel_loop3A_2300, %get3A_1920 : vector<16xf32>
        %parallel_loop3A_2302 = arith.index_cast %parallel_loop3A_2253 : i32 to index
        %parallel_loop3A_2303 = arith.constant 192 : index
        %parallel_loop3A_2304 = tpu.vector_load %arg8[%parallel_loop3A_2302, %parallel_loop3A_2303] {strides = array<i32>} : memref<128x256xf32, #tpu.memory_space<vmem>>, vector<16xf32>,
        %parallel_loop3A_2305 = arith.mulf %parallel_loop3A_2304, %get3A_1922 : vector<16xf32>
        %parallel_loop3A_2306 = arith.index_cast %parallel_loop3A_2253 : i32 to index
        %parallel_loop3A_2307 = arith.constant 208 : index
        %parallel_loop3A_2308 = tpu.vector_load %arg8[%parallel_loop3A_2306, %parallel_loop3A_2307] {strides = array<i32>} : memref<128x256xf32, #tpu.memory_space<vmem>>, vector<16xf32>,
        %parallel_loop3A_2309 = arith.mulf %parallel_loop3A_2308, %get3A_1924 : vector<16xf32>
        %parallel_loop3A_2310 = arith.index_cast %parallel_loop3A_2253 : i32 to index
        %parallel_loop3A_2311 = arith.constant 224 : index
        %parallel_loop3A_2312 = tpu.vector_load %arg8[%parallel_loop3A_2310, %parallel_loop3A_2311] {strides = array<i32>} : memref<128x256xf32, #tpu.memory_space<vmem>>, vector<16xf32>,
        %parallel_loop3A_2313 = arith.mulf %parallel_loop3A_2312, %get3A_1926 : vector<16xf32>
        %parallel_loop3A_2314 = arith.index_cast %parallel_loop3A_2253 : i32 to index
        %parallel_loop3A_2315 = arith.constant 240 : index
        %parallel_loop3A_2316 = tpu.vector_load %arg8[%parallel_loop3A_2314, %parallel_loop3A_2315] {strides = array<i32>} : memref<128x256xf32, #tpu.memory_space<vmem>>, vector<16xf32>,
        %parallel_loop3A_2317 = arith.mulf %parallel_loop3A_2316, %get3A_1928 : vector<16xf32>
        %parallel_loop3A_2318 = arith.addf %parallel_loop3A_2257, %parallel_loop3A_2261 : vector<16xf32>
        %parallel_loop3A_2319 = arith.addf %parallel_loop3A_2265, %parallel_loop3A_2269 : vector<16xf32>
        %parallel_loop3A_2320 = arith.addf %parallel_loop3A_2273, %parallel_loop3A_2277 : vector<16xf32>
        %parallel_loop3A_2321 = arith.addf %parallel_loop3A_2281, %parallel_loop3A_2285 : vector<16xf32>
        %parallel_loop3A_2322 = arith.addf %parallel_loop3A_2289, %parallel_loop3A_2293 : vector<16xf32>
        %parallel_loop3A_2323 = arith.addf %parallel_loop3A_2297, %parallel_loop3A_2301 : vector<16xf32>
        %parallel_loop3A_2324 = arith.addf %parallel_loop3A_2305, %parallel_loop3A_2309 : vector<16xf32>
        %parallel_loop3A_2325 = arith.addf %parallel_loop3A_2313, %parallel_loop3A_2317 : vector<16xf32>
        %parallel_loop3A_2326 = arith.addf %parallel_loop3A_2318, %parallel_loop3A_2319 : vector<16xf32>
        %parallel_loop3A_2327 = arith.addf %parallel_loop3A_2320, %parallel_loop3A_2321 : vector<16xf32>
        %parallel_loop3A_2328 = arith.addf %parallel_loop3A_2322, %parallel_loop3A_2323 : vector<16xf32>
        %parallel_loop3A_2329 = arith.addf %parallel_loop3A_2324, %parallel_loop3A_2325 : vector<16xf32>
        %parallel_loop3A_2330 = arith.addf %parallel_loop3A_2326, %parallel_loop3A_2327 : vector<16xf32>
        %parallel_loop3A_2331 = arith.addf %parallel_loop3A_2328, %parallel_loop3A_2329 : vector<16xf32>
        %parallel_loop3A_2332 = arith.addf %parallel_loop3A_2330, %parallel_loop3A_2331 : vector<16xf32>
        %parallel_loop3A_2333 = arith.constant 128 : i32
        %parallel_loop3A_2334 = arith.muli %parallel_loop3A_1982, %parallel_loop3A_2333 : i32
        %parallel_loop3A_2335 = arith.constant 48 : i32
        %parallel_loop3A_2336 = arith.addi %parallel_loop3A_2334, %parallel_loop3A_2335 : i32
        %parallel_loop3A_2337 = arith.index_cast %parallel_loop3A_2336 : i32 to index
        %parallel_loop3A_2338 = tpu.vector_load %arg15[%parallel_loop3A_2337] {strides = array<i32>} : memref<2048xf32, #tpu.memory_space<vmem>>, vector<16xf32>,
        tpu.vector_store %arg15[%parallel_loop3A_2337], %parallel_loop3A_2332 {strides = array<i32>} : memref<2048xf32, #tpu.memory_space<vmem>>, vector<16xf32>,
        %parallel_loop3A_2339 = arith.constant 8 : i32
        %parallel_loop3A_2340 = arith.muli %parallel_loop3A_1982, %parallel_loop3A_2339 : i32
        %parallel_loop3A_2341 = arith.constant 4 : i32
        %parallel_loop3A_2342 = arith.addi %parallel_loop3A_2340, %parallel_loop3A_2341 : i32
        %parallel_loop3A_2343 = arith.index_cast %parallel_loop3A_2342 : i32 to index
        %parallel_loop3A_2344 = arith.constant 0 : index
        %parallel_loop3A_2345 = tpu.vector_load %arg8[%parallel_loop3A_2343, %parallel_loop3A_2344] {strides = array<i32>} : memref<128x256xf32, #tpu.memory_space<vmem>>, vector<16xf32>,
        %parallel_loop3A_2346 = arith.mulf %parallel_loop3A_2345, %get3A_1898 : vector<16xf32>
        %parallel_loop3A_2347 = arith.index_cast %parallel_loop3A_2342 : i32 to index
        %parallel_loop3A_2348 = arith.constant 16 : index
        %parallel_loop3A_2349 = tpu.vector_load %arg8[%parallel_loop3A_2347, %parallel_loop3A_2348] {strides = array<i32>} : memref<128x256xf32, #tpu.memory_space<vmem>>, vector<16xf32>,
        %parallel_loop3A_2350 = arith.mulf %parallel_loop3A_2349, %get3A_1900 : vector<16xf32>
        %parallel_loop3A_2351 = arith.index_cast %parallel_loop3A_2342 : i32 to index
        %parallel_loop3A_2352 = arith.constant 32 : index
        %parallel_loop3A_2353 = tpu.vector_load %arg8[%parallel_loop3A_2351, %parallel_loop3A_2352] {strides = array<i32>} : memref<128x256xf32, #tpu.memory_space<vmem>>, vector<16xf32>,
        %parallel_loop3A_2354 = arith.mulf %parallel_loop3A_2353, %get3A_1902 : vector<16xf32>
        %parallel_loop3A_2355 = arith.index_cast %parallel_loop3A_2342 : i32 to index
        %parallel_loop3A_2356 = arith.constant 48 : index
        %parallel_loop3A_2357 = tpu.vector_load %arg8[%parallel_loop3A_2355, %parallel_loop3A_2356] {strides = array<i32>} : memref<128x256xf32, #tpu.memory_space<vmem>>, vector<16xf32>,
        %parallel_loop3A_2358 = arith.mulf %parallel_loop3A_2357, %get3A_1904 : vector<16xf32>
        %parallel_loop3A_2359 = arith.index_cast %parallel_loop3A_2342 : i32 to index
        %parallel_loop3A_2360 = arith.constant 64 : index
        %parallel_loop3A_2361 = tpu.vector_load %arg8[%parallel_loop3A_2359, %parallel_loop3A_2360] {strides = array<i32>} : memref<128x256xf32, #tpu.memory_space<vmem>>, vector<16xf32>,
        %parallel_loop3A_2362 = arith.mulf %parallel_loop3A_2361, %get3A_1906 : vector<16xf32>
        %parallel_loop3A_2363 = arith.index_cast %parallel_loop3A_2342 : i32 to index
        %parallel_loop3A_2364 = arith.constant 80 : index
        %parallel_loop3A_2365 = tpu.vector_load %arg8[%parallel_loop3A_2363, %parallel_loop3A_2364] {strides = array<i32>} : memref<128x256xf32, #tpu.memory_space<vmem>>, vector<16xf32>,
        %parallel_loop3A_2366 = arith.mulf %parallel_loop3A_2365, %get3A_1908 : vector<16xf32>
        %parallel_loop3A_2367 = arith.index_cast %parallel_loop3A_2342 : i32 to index
        %parallel_loop3A_2368 = arith.constant 96 : index
        %parallel_loop3A_2369 = tpu.vector_load %arg8[%parallel_loop3A_2367, %parallel_loop3A_2368] {strides = array<i32>} : memref<128x256xf32, #tpu.memory_space<vmem>>, vector<16xf32>,
        %parallel_loop3A_2370 = arith.mulf %parallel_loop3A_2369, %get3A_1910 : vector<16xf32>
        %parallel_loop3A_2371 = arith.index_cast %parallel_loop3A_2342 : i32 to index
        %parallel_loop3A_2372 = arith.constant 112 : index
        %parallel_loop3A_2373 = tpu.vector_load %arg8[%parallel_loop3A_2371, %parallel_loop3A_2372] {strides = array<i32>} : memref<128x256xf32, #tpu.memory_space<vmem>>, vector<16xf32>,
        %parallel_loop3A_2374 = arith.mulf %parallel_loop3A_2373, %get3A_1912 : vector<16xf32>
        %parallel_loop3A_2375 = arith.index_cast %parallel_loop3A_2342 : i32 to index
        %parallel_loop3A_2376 = arith.constant 128 : index
        %parallel_loop3A_2377 = tpu.vector_load %arg8[%parallel_loop3A_2375, %parallel_loop3A_2376] {strides = array<i32>} : memref<128x256xf32, #tpu.memory_space<vmem>>, vector<16xf32>,
        %parallel_loop3A_2378 = arith.mulf %parallel_loop3A_2377, %get3A_1914 : vector<16xf32>
        %parallel_loop3A_2379 = arith.index_cast %parallel_loop3A_2342 : i32 to index
        %parallel_loop3A_2380 = arith.constant 144 : index
        %parallel_loop3A_2381 = tpu.vector_load %arg8[%parallel_loop3A_2379, %parallel_loop3A_2380] {strides = array<i32>} : memref<128x256xf32, #tpu.memory_space<vmem>>, vector<16xf32>,
        %parallel_loop3A_2382 = arith.mulf %parallel_loop3A_2381, %get3A_1916 : vector<16xf32>
        %parallel_loop3A_2383 = arith.index_cast %parallel_loop3A_2342 : i32 to index
        %parallel_loop3A_2384 = arith.constant 160 : index
        %parallel_loop3A_2385 = tpu.vector_load %arg8[%parallel_loop3A_2383, %parallel_loop3A_2384] {strides = array<i32>} : memref<128x256xf32, #tpu.memory_space<vmem>>, vector<16xf32>,
        %parallel_loop3A_2386 = arith.mulf %parallel_loop3A_2385, %get3A_1918 : vector<16xf32>
        %parallel_loop3A_2387 = arith.index_cast %parallel_loop3A_2342 : i32 to index
        %parallel_loop3A_2388 = arith.constant 176 : index
        %parallel_loop3A_2389 = tpu.vector_load %arg8[%parallel_loop3A_2387, %parallel_loop3A_2388] {strides = array<i32>} : memref<128x256xf32, #tpu.memory_space<vmem>>, vector<16xf32>,
        %parallel_loop3A_2390 = arith.mulf %parallel_loop3A_2389, %get3A_1920 : vector<16xf32>
        %parallel_loop3A_2391 = arith.index_cast %parallel_loop3A_2342 : i32 to index
        %parallel_loop3A_2392 = arith.constant 192 : index
        %parallel_loop3A_2393 = tpu.vector_load %arg8[%parallel_loop3A_2391, %parallel_loop3A_2392] {strides = array<i32>} : memref<128x256xf32, #tpu.memory_space<vmem>>, vector<16xf32>,
        %parallel_loop3A_2394 = arith.mulf %parallel_loop3A_2393, %get3A_1922 : vector<16xf32>
        %parallel_loop3A_2395 = arith.index_cast %parallel_loop3A_2342 : i32 to index
        %parallel_loop3A_2396 = arith.constant 208 : index
        %parallel_loop3A_2397 = tpu.vector_load %arg8[%parallel_loop3A_2395, %parallel_loop3A_2396] {strides = array<i32>} : memref<128x256xf32, #tpu.memory_space<vmem>>, vector<16xf32>,
        %parallel_loop3A_2398 = arith.mulf %parallel_loop3A_2397, %get3A_1924 : vector<16xf32>
        %parallel_loop3A_2399 = arith.index_cast %parallel_loop3A_2342 : i32 to index
        %parallel_loop3A_2400 = arith.constant 224 : index
        %parallel_loop3A_2401 = tpu.vector_load %arg8[%parallel_loop3A_2399, %parallel_loop3A_2400] {strides = array<i32>} : memref<128x256xf32, #tpu.memory_space<vmem>>, vector<16xf32>,
        %parallel_loop3A_2402 = arith.mulf %parallel_loop3A_2401, %get3A_1926 : vector<16xf32>
        %parallel_loop3A_2403 = arith.index_cast %parallel_loop3A_2342 : i32 to index
        %parallel_loop3A_2404 = arith.constant 240 : index
        %parallel_loop3A_2405 = tpu.vector_load %arg8[%parallel_loop3A_2403, %parallel_loop3A_2404] {strides = array<i32>} : memref<128x256xf32, #tpu.memory_space<vmem>>, vector<16xf32>,
        %parallel_loop3A_2406 = arith.mulf %parallel_loop3A_2405, %get3A_1928 : vector<16xf32>
        %parallel_loop3A_2407 = arith.addf %parallel_loop3A_2346, %parallel_loop3A_2350 : vector<16xf32>
        %parallel_loop3A_2408 = arith.addf %parallel_loop3A_2354, %parallel_loop3A_2358 : vector<16xf32>
        %parallel_loop3A_2409 = arith.addf %parallel_loop3A_2362, %parallel_loop3A_2366 : vector<16xf32>
        %parallel_loop3A_2410 = arith.addf %parallel_loop3A_2370, %parallel_loop3A_2374 : vector<16xf32>
        %parallel_loop3A_2411 = arith.addf %parallel_loop3A_2378, %parallel_loop3A_2382 : vector<16xf32>
        %parallel_loop3A_2412 = arith.addf %parallel_loop3A_2386, %parallel_loop3A_2390 : vector<16xf32>
        %parallel_loop3A_2413 = arith.addf %parallel_loop3A_2394, %parallel_loop3A_2398 : vector<16xf32>
        %parallel_loop3A_2414 = arith.addf %parallel_loop3A_2402, %parallel_loop3A_2406 : vector<16xf32>
        %parallel_loop3A_2415 = arith.addf %parallel_loop3A_2407, %parallel_loop3A_2408 : vector<16xf32>
        %parallel_loop3A_2416 = arith.addf %parallel_loop3A_2409, %parallel_loop3A_2410 : vector<16xf32>
        %parallel_loop3A_2417 = arith.addf %parallel_loop3A_2411, %parallel_loop3A_2412 : vector<16xf32>
        %parallel_loop3A_2418 = arith.addf %parallel_loop3A_2413, %parallel_loop3A_2414 : vector<16xf32>
        %parallel_loop3A_2419 = arith.addf %parallel_loop3A_2415, %parallel_loop3A_2416 : vector<16xf32>
        %parallel_loop3A_2420 = arith.addf %parallel_loop3A_2417, %parallel_loop3A_2418 : vector<16xf32>
        %parallel_loop3A_2421 = arith.addf %parallel_loop3A_2419, %parallel_loop3A_2420 : vector<16xf32>
        %parallel_loop3A_2422 = arith.constant 128 : i32
        %parallel_loop3A_2423 = arith.muli %parallel_loop3A_1982, %parallel_loop3A_2422 : i32
        %parallel_loop3A_2424 = arith.constant 64 : i32
        %parallel_loop3A_2425 = arith.addi %parallel_loop3A_2423, %parallel_loop3A_2424 : i32
        %parallel_loop3A_2426 = arith.index_cast %parallel_loop3A_2425 : i32 to index
        %parallel_loop3A_2427 = tpu.vector_load %arg15[%parallel_loop3A_2426] {strides = array<i32>} : memref<2048xf32, #tpu.memory_space<vmem>>, vector<16xf32>,
        tpu.vector_store %arg15[%parallel_loop3A_2426], %parallel_loop3A_2421 {strides = array<i32>} : memref<2048xf32, #tpu.memory_space<vmem>>, vector<16xf32>,
        %parallel_loop3A_2428 = arith.constant 8 : i32
        %parallel_loop3A_2429 = arith.muli %parallel_loop3A_1982, %parallel_loop3A_2428 : i32
        %parallel_loop3A_2430 = arith.constant 5 : i32
        %parallel_loop3A_2431 = arith.addi %parallel_loop3A_2429, %parallel_loop3A_2430 : i32
        %parallel_loop3A_2432 = arith.index_cast %parallel_loop3A_2431 : i32 to index
        %parallel_loop3A_2433 = arith.constant 0 : index
        %parallel_loop3A_2434 = tpu.vector_load %arg8[%parallel_loop3A_2432, %parallel_loop3A_2433] {strides = array<i32>} : memref<128x256xf32, #tpu.memory_space<vmem>>, vector<16xf32>,
        %parallel_loop3A_2435 = arith.mulf %parallel_loop3A_2434, %get3A_1898 : vector<16xf32>
        %parallel_loop3A_2436 = arith.index_cast %parallel_loop3A_2431 : i32 to index
        %parallel_loop3A_2437 = arith.constant 16 : index
        %parallel_loop3A_2438 = tpu.vector_load %arg8[%parallel_loop3A_2436, %parallel_loop3A_2437] {strides = array<i32>} : memref<128x256xf32, #tpu.memory_space<vmem>>, vector<16xf32>,
        %parallel_loop3A_2439 = arith.mulf %parallel_loop3A_2438, %get3A_1900 : vector<16xf32>
        %parallel_loop3A_2440 = arith.index_cast %parallel_loop3A_2431 : i32 to index
        %parallel_loop3A_2441 = arith.constant 32 : index
        %parallel_loop3A_2442 = tpu.vector_load %arg8[%parallel_loop3A_2440, %parallel_loop3A_2441] {strides = array<i32>} : memref<128x256xf32, #tpu.memory_space<vmem>>, vector<16xf32>,
        %parallel_loop3A_2443 = arith.mulf %parallel_loop3A_2442, %get3A_1902 : vector<16xf32>
        %parallel_loop3A_2444 = arith.index_cast %parallel_loop3A_2431 : i32 to index
        %parallel_loop3A_2445 = arith.constant 48 : index
        %parallel_loop3A_2446 = tpu.vector_load %arg8[%parallel_loop3A_2444, %parallel_loop3A_2445] {strides = array<i32>} : memref<128x256xf32, #tpu.memory_space<vmem>>, vector<16xf32>,
        %parallel_loop3A_2447 = arith.mulf %parallel_loop3A_2446, %get3A_1904 : vector<16xf32>
        %parallel_loop3A_2448 = arith.index_cast %parallel_loop3A_2431 : i32 to index
        %parallel_loop3A_2449 = arith.constant 64 : index
        %parallel_loop3A_2450 = tpu.vector_load %arg8[%parallel_loop3A_2448, %parallel_loop3A_2449] {strides = array<i32>} : memref<128x256xf32, #tpu.memory_space<vmem>>, vector<16xf32>,
        %parallel_loop3A_2451 = arith.mulf %parallel_loop3A_2450, %get3A_1906 : vector<16xf32>
        %parallel_loop3A_2452 = arith.index_cast %parallel_loop3A_2431 : i32 to index
        %parallel_loop3A_2453 = arith.constant 80 : index
        %parallel_loop3A_2454 = tpu.vector_load %arg8[%parallel_loop3A_2452, %parallel_loop3A_2453] {strides = array<i32>} : memref<128x256xf32, #tpu.memory_space<vmem>>, vector<16xf32>,
        %parallel_loop3A_2455 = arith.mulf %parallel_loop3A_2454, %get3A_1908 : vector<16xf32>
        %parallel_loop3A_2456 = arith.index_cast %parallel_loop3A_2431 : i32 to index
        %parallel_loop3A_2457 = arith.constant 96 : index
        %parallel_loop3A_2458 = tpu.vector_load %arg8[%parallel_loop3A_2456, %parallel_loop3A_2457] {strides = array<i32>} : memref<128x256xf32, #tpu.memory_space<vmem>>, vector<16xf32>,
        %parallel_loop3A_2459 = arith.mulf %parallel_loop3A_2458, %get3A_1910 : vector<16xf32>
        %parallel_loop3A_2460 = arith.index_cast %parallel_loop3A_2431 : i32 to index
        %parallel_loop3A_2461 = arith.constant 112 : index
        %parallel_loop3A_2462 = tpu.vector_load %arg8[%parallel_loop3A_2460, %parallel_loop3A_2461] {strides = array<i32>} : memref<128x256xf32, #tpu.memory_space<vmem>>, vector<16xf32>,
        %parallel_loop3A_2463 = arith.mulf %parallel_loop3A_2462, %get3A_1912 : vector<16xf32>
        %parallel_loop3A_2464 = arith.index_cast %parallel_loop3A_2431 : i32 to index
        %parallel_loop3A_2465 = arith.constant 128 : index
        %parallel_loop3A_2466 = tpu.vector_load %arg8[%parallel_loop3A_2464, %parallel_loop3A_2465] {strides = array<i32>} : memref<128x256xf32, #tpu.memory_space<vmem>>, vector<16xf32>,
        %parallel_loop3A_2467 = arith.mulf %parallel_loop3A_2466, %get3A_1914 : vector<16xf32>
        %parallel_loop3A_2468 = arith.index_cast %parallel_loop3A_2431 : i32 to index
        %parallel_loop3A_2469 = arith.constant 144 : index
        %parallel_loop3A_2470 = tpu.vector_load %arg8[%parallel_loop3A_2468, %parallel_loop3A_2469] {strides = array<i32>} : memref<128x256xf32, #tpu.memory_space<vmem>>, vector<16xf32>,
        %parallel_loop3A_2471 = arith.mulf %parallel_loop3A_2470, %get3A_1916 : vector<16xf32>
        %parallel_loop3A_2472 = arith.index_cast %parallel_loop3A_2431 : i32 to index
        %parallel_loop3A_2473 = arith.constant 160 : index
        %parallel_loop3A_2474 = tpu.vector_load %arg8[%parallel_loop3A_2472, %parallel_loop3A_2473] {strides = array<i32>} : memref<128x256xf32, #tpu.memory_space<vmem>>, vector<16xf32>,
        %parallel_loop3A_2475 = arith.mulf %parallel_loop3A_2474, %get3A_1918 : vector<16xf32>
        %parallel_loop3A_2476 = arith.index_cast %parallel_loop3A_2431 : i32 to index
        %parallel_loop3A_2477 = arith.constant 176 : index
        %parallel_loop3A_2478 = tpu.vector_load %arg8[%parallel_loop3A_2476, %parallel_loop3A_2477] {strides = array<i32>} : memref<128x256xf32, #tpu.memory_space<vmem>>, vector<16xf32>,
        %parallel_loop3A_2479 = arith.mulf %parallel_loop3A_2478, %get3A_1920 : vector<16xf32>
        %parallel_loop3A_2480 = arith.index_cast %parallel_loop3A_2431 : i32 to index
        %parallel_loop3A_2481 = arith.constant 192 : index
        %parallel_loop3A_2482 = tpu.vector_load %arg8[%parallel_loop3A_2480, %parallel_loop3A_2481] {strides = array<i32>} : memref<128x256xf32, #tpu.memory_space<vmem>>, vector<16xf32>,
        %parallel_loop3A_2483 = arith.mulf %parallel_loop3A_2482, %get3A_1922 : vector<16xf32>
        %parallel_loop3A_2484 = arith.index_cast %parallel_loop3A_2431 : i32 to index
        %parallel_loop3A_2485 = arith.constant 208 : index
        %parallel_loop3A_2486 = tpu.vector_load %arg8[%parallel_loop3A_2484, %parallel_loop3A_2485] {strides = array<i32>} : memref<128x256xf32, #tpu.memory_space<vmem>>, vector<16xf32>,
        %parallel_loop3A_2487 = arith.mulf %parallel_loop3A_2486, %get3A_1924 : vector<16xf32>
        %parallel_loop3A_2488 = arith.index_cast %parallel_loop3A_2431 : i32 to index
        %parallel_loop3A_2489 = arith.constant 224 : index
        %parallel_loop3A_2490 = tpu.vector_load %arg8[%parallel_loop3A_2488, %parallel_loop3A_2489] {strides = array<i32>} : memref<128x256xf32, #tpu.memory_space<vmem>>, vector<16xf32>,
        %parallel_loop3A_2491 = arith.mulf %parallel_loop3A_2490, %get3A_1926 : vector<16xf32>
        %parallel_loop3A_2492 = arith.index_cast %parallel_loop3A_2431 : i32 to index
        %parallel_loop3A_2493 = arith.constant 240 : index
        %parallel_loop3A_2494 = tpu.vector_load %arg8[%parallel_loop3A_2492, %parallel_loop3A_2493] {strides = array<i32>} : memref<128x256xf32, #tpu.memory_space<vmem>>, vector<16xf32>,
        %parallel_loop3A_2495 = arith.mulf %parallel_loop3A_2494, %get3A_1928 : vector<16xf32>
        %parallel_loop3A_2496 = arith.addf %parallel_loop3A_2435, %parallel_loop3A_2439 : vector<16xf32>
        %parallel_loop3A_2497 = arith.addf %parallel_loop3A_2443, %parallel_loop3A_2447 : vector<16xf32>
        %parallel_loop3A_2498 = arith.addf %parallel_loop3A_2451, %parallel_loop3A_2455 : vector<16xf32>
        %parallel_loop3A_2499 = arith.addf %parallel_loop3A_2459, %parallel_loop3A_2463 : vector<16xf32>
        %parallel_loop3A_2500 = arith.addf %parallel_loop3A_2467, %parallel_loop3A_2471 : vector<16xf32>
        %parallel_loop3A_2501 = arith.addf %parallel_loop3A_2475, %parallel_loop3A_2479 : vector<16xf32>
        %parallel_loop3A_2502 = arith.addf %parallel_loop3A_2483, %parallel_loop3A_2487 : vector<16xf32>
        %parallel_loop3A_2503 = arith.addf %parallel_loop3A_2491, %parallel_loop3A_2495 : vector<16xf32>
        %parallel_loop3A_2504 = arith.addf %parallel_loop3A_2496, %parallel_loop3A_2497 : vector<16xf32>
        %parallel_loop3A_2505 = arith.addf %parallel_loop3A_2498, %parallel_loop3A_2499 : vector<16xf32>
        %parallel_loop3A_2506 = arith.addf %parallel_loop3A_2500, %parallel_loop3A_2501 : vector<16xf32>
        %parallel_loop3A_2507 = arith.addf %parallel_loop3A_2502, %parallel_loop3A_2503 : vector<16xf32>
        %parallel_loop3A_2508 = arith.addf %parallel_loop3A_2504, %parallel_loop3A_2505 : vector<16xf32>
        %parallel_loop3A_2509 = arith.addf %parallel_loop3A_2506, %parallel_loop3A_2507 : vector<16xf32>
        %parallel_loop3A_2510 = arith.addf %parallel_loop3A_2508, %parallel_loop3A_2509 : vector<16xf32>
        %parallel_loop3A_2511 = arith.constant 128 : i32
        %parallel_loop3A_2512 = arith.muli %parallel_loop3A_1982, %parallel_loop3A_2511 : i32
        %parallel_loop3A_2513 = arith.constant 80 : i32
        %parallel_loop3A_2514 = arith.addi %parallel_loop3A_2512, %parallel_loop3A_2513 : i32
        %parallel_loop3A_2515 = arith.index_cast %parallel_loop3A_2514 : i32 to index
        %parallel_loop3A_2516 = tpu.vector_load %arg15[%parallel_loop3A_2515] {strides = array<i32>} : memref<2048xf32, #tpu.memory_space<vmem>>, vector<16xf32>,
        tpu.vector_store %arg15[%parallel_loop3A_2515], %parallel_loop3A_2510 {strides = array<i32>} : memref<2048xf32, #tpu.memory_space<vmem>>, vector<16xf32>,
        %parallel_loop3A_2517 = arith.constant 8 : i32
        %parallel_loop3A_2518 = arith.muli %parallel_loop3A_1982, %parallel_loop3A_2517 : i32
        %parallel_loop3A_2519 = arith.constant 6 : i32
        %parallel_loop3A_2520 = arith.addi %parallel_loop3A_2518, %parallel_loop3A_2519 : i32
        %parallel_loop3A_2521 = arith.index_cast %parallel_loop3A_2520 : i32 to index
        %parallel_loop3A_2522 = arith.constant 0 : index
        %parallel_loop3A_2523 = tpu.vector_load %arg8[%parallel_loop3A_2521, %parallel_loop3A_2522] {strides = array<i32>} : memref<128x256xf32, #tpu.memory_space<vmem>>, vector<16xf32>,
        %parallel_loop3A_2524 = arith.mulf %parallel_loop3A_2523, %get3A_1898 : vector<16xf32>
        %parallel_loop3A_2525 = arith.index_cast %parallel_loop3A_2520 : i32 to index
        %parallel_loop3A_2526 = arith.constant 16 : index
        %parallel_loop3A_2527 = tpu.vector_load %arg8[%parallel_loop3A_2525, %parallel_loop3A_2526] {strides = array<i32>} : memref<128x256xf32, #tpu.memory_space<vmem>>, vector<16xf32>,
        %parallel_loop3A_2528 = arith.mulf %parallel_loop3A_2527, %get3A_1900 : vector<16xf32>
        %parallel_loop3A_2529 = arith.index_cast %parallel_loop3A_2520 : i32 to index
        %parallel_loop3A_2530 = arith.constant 32 : index
        %parallel_loop3A_2531 = tpu.vector_load %arg8[%parallel_loop3A_2529, %parallel_loop3A_2530] {strides = array<i32>} : memref<128x256xf32, #tpu.memory_space<vmem>>, vector<16xf32>,
        %parallel_loop3A_2532 = arith.mulf %parallel_loop3A_2531, %get3A_1902 : vector<16xf32>
        %parallel_loop3A_2533 = arith.index_cast %parallel_loop3A_2520 : i32 to index
        %parallel_loop3A_2534 = arith.constant 48 : index
        %parallel_loop3A_2535 = tpu.vector_load %arg8[%parallel_loop3A_2533, %parallel_loop3A_2534] {strides = array<i32>} : memref<128x256xf32, #tpu.memory_space<vmem>>, vector<16xf32>,
        %parallel_loop3A_2536 = arith.mulf %parallel_loop3A_2535, %get3A_1904 : vector<16xf32>
        %parallel_loop3A_2537 = arith.index_cast %parallel_loop3A_2520 : i32 to index
        %parallel_loop3A_2538 = arith.constant 64 : index
        %parallel_loop3A_2539 = tpu.vector_load %arg8[%parallel_loop3A_2537, %parallel_loop3A_2538] {strides = array<i32>} : memref<128x256xf32, #tpu.memory_space<vmem>>, vector<16xf32>,
        %parallel_loop3A_2540 = arith.mulf %parallel_loop3A_2539, %get3A_1906 : vector<16xf32>
        %parallel_loop3A_2541 = arith.index_cast %parallel_loop3A_2520 : i32 to index
        %parallel_loop3A_2542 = arith.constant 80 : index
        %parallel_loop3A_2543 = tpu.vector_load %arg8[%parallel_loop3A_2541, %parallel_loop3A_2542] {strides = array<i32>} : memref<128x256xf32, #tpu.memory_space<vmem>>, vector<16xf32>,
        %parallel_loop3A_2544 = arith.mulf %parallel_loop3A_2543, %get3A_1908 : vector<16xf32>
        %parallel_loop3A_2545 = arith.index_cast %parallel_loop3A_2520 : i32 to index
        %parallel_loop3A_2546 = arith.constant 96 : index
        %parallel_loop3A_2547 = tpu.vector_load %arg8[%parallel_loop3A_2545, %parallel_loop3A_2546] {strides = array<i32>} : memref<128x256xf32, #tpu.memory_space<vmem>>, vector<16xf32>,
        %parallel_loop3A_2548 = arith.mulf %parallel_loop3A_2547, %get3A_1910 : vector<16xf32>
        %parallel_loop3A_2549 = arith.index_cast %parallel_loop3A_2520 : i32 to index
        %parallel_loop3A_2550 = arith.constant 112 : index
        %parallel_loop3A_2551 = tpu.vector_load %arg8[%parallel_loop3A_2549, %parallel_loop3A_2550] {strides = array<i32>} : memref<128x256xf32, #tpu.memory_space<vmem>>, vector<16xf32>,
        %parallel_loop3A_2552 = arith.mulf %parallel_loop3A_2551, %get3A_1912 : vector<16xf32>
        %parallel_loop3A_2553 = arith.index_cast %parallel_loop3A_2520 : i32 to index
        %parallel_loop3A_2554 = arith.constant 128 : index
        %parallel_loop3A_2555 = tpu.vector_load %arg8[%parallel_loop3A_2553, %parallel_loop3A_2554] {strides = array<i32>} : memref<128x256xf32, #tpu.memory_space<vmem>>, vector<16xf32>,
        %parallel_loop3A_2556 = arith.mulf %parallel_loop3A_2555, %get3A_1914 : vector<16xf32>
        %parallel_loop3A_2557 = arith.index_cast %parallel_loop3A_2520 : i32 to index
        %parallel_loop3A_2558 = arith.constant 144 : index
        %parallel_loop3A_2559 = tpu.vector_load %arg8[%parallel_loop3A_2557, %parallel_loop3A_2558] {strides = array<i32>} : memref<128x256xf32, #tpu.memory_space<vmem>>, vector<16xf32>,
        %parallel_loop3A_2560 = arith.mulf %parallel_loop3A_2559, %get3A_1916 : vector<16xf32>
        %parallel_loop3A_2561 = arith.index_cast %parallel_loop3A_2520 : i32 to index
        %parallel_loop3A_2562 = arith.constant 160 : index
        %parallel_loop3A_2563 = tpu.vector_load %arg8[%parallel_loop3A_2561, %parallel_loop3A_2562] {strides = array<i32>} : memref<128x256xf32, #tpu.memory_space<vmem>>, vector<16xf32>,
        %parallel_loop3A_2564 = arith.mulf %parallel_loop3A_2563, %get3A_1918 : vector<16xf32>
        %parallel_loop3A_2565 = arith.index_cast %parallel_loop3A_2520 : i32 to index
        %parallel_loop3A_2566 = arith.constant 176 : index
        %parallel_loop3A_2567 = tpu.vector_load %arg8[%parallel_loop3A_2565, %parallel_loop3A_2566] {strides = array<i32>} : memref<128x256xf32, #tpu.memory_space<vmem>>, vector<16xf32>,
        %parallel_loop3A_2568 = arith.mulf %parallel_loop3A_2567, %get3A_1920 : vector<16xf32>
        %parallel_loop3A_2569 = arith.index_cast %parallel_loop3A_2520 : i32 to index
        %parallel_loop3A_2570 = arith.constant 192 : index
        %parallel_loop3A_2571 = tpu.vector_load %arg8[%parallel_loop3A_2569, %parallel_loop3A_2570] {strides = array<i32>} : memref<128x256xf32, #tpu.memory_space<vmem>>, vector<16xf32>,
        %parallel_loop3A_2572 = arith.mulf %parallel_loop3A_2571, %get3A_1922 : vector<16xf32>
        %parallel_loop3A_2573 = arith.index_cast %parallel_loop3A_2520 : i32 to index
        %parallel_loop3A_2574 = arith.constant 208 : index
        %parallel_loop3A_2575 = tpu.vector_load %arg8[%parallel_loop3A_2573, %parallel_loop3A_2574] {strides = array<i32>} : memref<128x256xf32, #tpu.memory_space<vmem>>, vector<16xf32>,
        %parallel_loop3A_2576 = arith.mulf %parallel_loop3A_2575, %get3A_1924 : vector<16xf32>
        %parallel_loop3A_2577 = arith.index_cast %parallel_loop3A_2520 : i32 to index
        %parallel_loop3A_2578 = arith.constant 224 : index
        %parallel_loop3A_2579 = tpu.vector_load %arg8[%parallel_loop3A_2577, %parallel_loop3A_2578] {strides = array<i32>} : memref<128x256xf32, #tpu.memory_space<vmem>>, vector<16xf32>,
        %parallel_loop3A_2580 = arith.mulf %parallel_loop3A_2579, %get3A_1926 : vector<16xf32>
        %parallel_loop3A_2581 = arith.index_cast %parallel_loop3A_2520 : i32 to index
        %parallel_loop3A_2582 = arith.constant 240 : index
        %parallel_loop3A_2583 = tpu.vector_load %arg8[%parallel_loop3A_2581, %parallel_loop3A_2582] {strides = array<i32>} : memref<128x256xf32, #tpu.memory_space<vmem>>, vector<16xf32>,
        %parallel_loop3A_2584 = arith.mulf %parallel_loop3A_2583, %get3A_1928 : vector<16xf32>
        %parallel_loop3A_2585 = arith.addf %parallel_loop3A_2524, %parallel_loop3A_2528 : vector<16xf32>
        %parallel_loop3A_2586 = arith.addf %parallel_loop3A_2532, %parallel_loop3A_2536 : vector<16xf32>
        %parallel_loop3A_2587 = arith.addf %parallel_loop3A_2540, %parallel_loop3A_2544 : vector<16xf32>
        %parallel_loop3A_2588 = arith.addf %parallel_loop3A_2548, %parallel_loop3A_2552 : vector<16xf32>
        %parallel_loop3A_2589 = arith.addf %parallel_loop3A_2556, %parallel_loop3A_2560 : vector<16xf32>
        %parallel_loop3A_2590 = arith.addf %parallel_loop3A_2564, %parallel_loop3A_2568 : vector<16xf32>
        %parallel_loop3A_2591 = arith.addf %parallel_loop3A_2572, %parallel_loop3A_2576 : vector<16xf32>
        %parallel_loop3A_2592 = arith.addf %parallel_loop3A_2580, %parallel_loop3A_2584 : vector<16xf32>
        %parallel_loop3A_2593 = arith.addf %parallel_loop3A_2585, %parallel_loop3A_2586 : vector<16xf32>
        %parallel_loop3A_2594 = arith.addf %parallel_loop3A_2587, %parallel_loop3A_2588 : vector<16xf32>
        %parallel_loop3A_2595 = arith.addf %parallel_loop3A_2589, %parallel_loop3A_2590 : vector<16xf32>
        %parallel_loop3A_2596 = arith.addf %parallel_loop3A_2591, %parallel_loop3A_2592 : vector<16xf32>
        %parallel_loop3A_2597 = arith.addf %parallel_loop3A_2593, %parallel_loop3A_2594 : vector<16xf32>
        %parallel_loop3A_2598 = arith.addf %parallel_loop3A_2595, %parallel_loop3A_2596 : vector<16xf32>
        %parallel_loop3A_2599 = arith.addf %parallel_loop3A_2597, %parallel_loop3A_2598 : vector<16xf32>
        %parallel_loop3A_2600 = arith.constant 128 : i32
        %parallel_loop3A_2601 = arith.muli %parallel_loop3A_1982, %parallel_loop3A_2600 : i32
        %parallel_loop3A_2602 = arith.constant 96 : i32
        %parallel_loop3A_2603 = arith.addi %parallel_loop3A_2601, %parallel_loop3A_2602 : i32
        %parallel_loop3A_2604 = arith.index_cast %parallel_loop3A_2603 : i32 to index
        %parallel_loop3A_2605 = tpu.vector_load %arg15[%parallel_loop3A_2604] {strides = array<i32>} : memref<2048xf32, #tpu.memory_space<vmem>>, vector<16xf32>,
        tpu.vector_store %arg15[%parallel_loop3A_2604], %parallel_loop3A_2599 {strides = array<i32>} : memref<2048xf32, #tpu.memory_space<vmem>>, vector<16xf32>,
        %parallel_loop3A_2606 = arith.constant 8 : i32
        %parallel_loop3A_2607 = arith.muli %parallel_loop3A_1982, %parallel_loop3A_2606 : i32
        %parallel_loop3A_2608 = arith.constant 7 : i32
        %parallel_loop3A_2609 = arith.addi %parallel_loop3A_2607, %parallel_loop3A_2608 : i32
        %parallel_loop3A_2610 = arith.index_cast %parallel_loop3A_2609 : i32 to index
        %parallel_loop3A_2611 = arith.constant 0 : index
        %parallel_loop3A_2612 = tpu.vector_load %arg8[%parallel_loop3A_2610, %parallel_loop3A_2611] {strides = array<i32>} : memref<128x256xf32, #tpu.memory_space<vmem>>, vector<16xf32>,
        %parallel_loop3A_2613 = arith.mulf %parallel_loop3A_2612, %get3A_1898 : vector<16xf32>
        %parallel_loop3A_2614 = arith.index_cast %parallel_loop3A_2609 : i32 to index
        %parallel_loop3A_2615 = arith.constant 16 : index
        %parallel_loop3A_2616 = tpu.vector_load %arg8[%parallel_loop3A_2614, %parallel_loop3A_2615] {strides = array<i32>} : memref<128x256xf32, #tpu.memory_space<vmem>>, vector<16xf32>,
        %parallel_loop3A_2617 = arith.mulf %parallel_loop3A_2616, %get3A_1900 : vector<16xf32>
        %parallel_loop3A_2618 = arith.index_cast %parallel_loop3A_2609 : i32 to index
        %parallel_loop3A_2619 = arith.constant 32 : index
        %parallel_loop3A_2620 = tpu.vector_load %arg8[%parallel_loop3A_2618, %parallel_loop3A_2619] {strides = array<i32>} : memref<128x256xf32, #tpu.memory_space<vmem>>, vector<16xf32>,
        %parallel_loop3A_2621 = arith.mulf %parallel_loop3A_2620, %get3A_1902 : vector<16xf32>
        %parallel_loop3A_2622 = arith.index_cast %parallel_loop3A_2609 : i32 to index
        %parallel_loop3A_2623 = arith.constant 48 : index
        %parallel_loop3A_2624 = tpu.vector_load %arg8[%parallel_loop3A_2622, %parallel_loop3A_2623] {strides = array<i32>} : memref<128x256xf32, #tpu.memory_space<vmem>>, vector<16xf32>,
        %parallel_loop3A_2625 = arith.mulf %parallel_loop3A_2624, %get3A_1904 : vector<16xf32>
        %parallel_loop3A_2626 = arith.index_cast %parallel_loop3A_2609 : i32 to index
        %parallel_loop3A_2627 = arith.constant 64 : index
        %parallel_loop3A_2628 = tpu.vector_load %arg8[%parallel_loop3A_2626, %parallel_loop3A_2627] {strides = array<i32>} : memref<128x256xf32, #tpu.memory_space<vmem>>, vector<16xf32>,
        %parallel_loop3A_2629 = arith.mulf %parallel_loop3A_2628, %get3A_1906 : vector<16xf32>
        %parallel_loop3A_2630 = arith.index_cast %parallel_loop3A_2609 : i32 to index
        %parallel_loop3A_2631 = arith.constant 80 : index
        %parallel_loop3A_2632 = tpu.vector_load %arg8[%parallel_loop3A_2630, %parallel_loop3A_2631] {strides = array<i32>} : memref<128x256xf32, #tpu.memory_space<vmem>>, vector<16xf32>,
        %parallel_loop3A_2633 = arith.mulf %parallel_loop3A_2632, %get3A_1908 : vector<16xf32>
        %parallel_loop3A_2634 = arith.index_cast %parallel_loop3A_2609 : i32 to index
        %parallel_loop3A_2635 = arith.constant 96 : index
        %parallel_loop3A_2636 = tpu.vector_load %arg8[%parallel_loop3A_2634, %parallel_loop3A_2635] {strides = array<i32>} : memref<128x256xf32, #tpu.memory_space<vmem>>, vector<16xf32>,
        %parallel_loop3A_2637 = arith.mulf %parallel_loop3A_2636, %get3A_1910 : vector<16xf32>
        %parallel_loop3A_2638 = arith.index_cast %parallel_loop3A_2609 : i32 to index
        %parallel_loop3A_2639 = arith.constant 112 : index
        %parallel_loop3A_2640 = tpu.vector_load %arg8[%parallel_loop3A_2638, %parallel_loop3A_2639] {strides = array<i32>} : memref<128x256xf32, #tpu.memory_space<vmem>>, vector<16xf32>,
        %parallel_loop3A_2641 = arith.mulf %parallel_loop3A_2640, %get3A_1912 : vector<16xf32>
        %parallel_loop3A_2642 = arith.index_cast %parallel_loop3A_2609 : i32 to index
        %parallel_loop3A_2643 = arith.constant 128 : index
        %parallel_loop3A_2644 = tpu.vector_load %arg8[%parallel_loop3A_2642, %parallel_loop3A_2643] {strides = array<i32>} : memref<128x256xf32, #tpu.memory_space<vmem>>, vector<16xf32>,
        %parallel_loop3A_2645 = arith.mulf %parallel_loop3A_2644, %get3A_1914 : vector<16xf32>
        %parallel_loop3A_2646 = arith.index_cast %parallel_loop3A_2609 : i32 to index
        %parallel_loop3A_2647 = arith.constant 144 : index
        %parallel_loop3A_2648 = tpu.vector_load %arg8[%parallel_loop3A_2646, %parallel_loop3A_2647] {strides = array<i32>} : memref<128x256xf32, #tpu.memory_space<vmem>>, vector<16xf32>,
        %parallel_loop3A_2649 = arith.mulf %parallel_loop3A_2648, %get3A_1916 : vector<16xf32>
        %parallel_loop3A_2650 = arith.index_cast %parallel_loop3A_2609 : i32 to index
        %parallel_loop3A_2651 = arith.constant 160 : index
        %parallel_loop3A_2652 = tpu.vector_load %arg8[%parallel_loop3A_2650, %parallel_loop3A_2651] {strides = array<i32>} : memref<128x256xf32, #tpu.memory_space<vmem>>, vector<16xf32>,
        %parallel_loop3A_2653 = arith.mulf %parallel_loop3A_2652, %get3A_1918 : vector<16xf32>
        %parallel_loop3A_2654 = arith.index_cast %parallel_loop3A_2609 : i32 to index
        %parallel_loop3A_2655 = arith.constant 176 : index
        %parallel_loop3A_2656 = tpu.vector_load %arg8[%parallel_loop3A_2654, %parallel_loop3A_2655] {strides = array<i32>} : memref<128x256xf32, #tpu.memory_space<vmem>>, vector<16xf32>,
        %parallel_loop3A_2657 = arith.mulf %parallel_loop3A_2656, %get3A_1920 : vector<16xf32>
        %parallel_loop3A_2658 = arith.index_cast %parallel_loop3A_2609 : i32 to index
        %parallel_loop3A_2659 = arith.constant 192 : index
        %parallel_loop3A_2660 = tpu.vector_load %arg8[%parallel_loop3A_2658, %parallel_loop3A_2659] {strides = array<i32>} : memref<128x256xf32, #tpu.memory_space<vmem>>, vector<16xf32>,
        %parallel_loop3A_2661 = arith.mulf %parallel_loop3A_2660, %get3A_1922 : vector<16xf32>
        %parallel_loop3A_2662 = arith.index_cast %parallel_loop3A_2609 : i32 to index
        %parallel_loop3A_2663 = arith.constant 208 : index
        %parallel_loop3A_2664 = tpu.vector_load %arg8[%parallel_loop3A_2662, %parallel_loop3A_2663] {strides = array<i32>} : memref<128x256xf32, #tpu.memory_space<vmem>>, vector<16xf32>,
        %parallel_loop3A_2665 = arith.mulf %parallel_loop3A_2664, %get3A_1924 : vector<16xf32>
        %parallel_loop3A_2666 = arith.index_cast %parallel_loop3A_2609 : i32 to index
        %parallel_loop3A_2667 = arith.constant 224 : index
        %parallel_loop3A_2668 = tpu.vector_load %arg8[%parallel_loop3A_2666, %parallel_loop3A_2667] {strides = array<i32>} : memref<128x256xf32, #tpu.memory_space<vmem>>, vector<16xf32>,
        %parallel_loop3A_2669 = arith.mulf %parallel_loop3A_2668, %get3A_1926 : vector<16xf32>
        %parallel_loop3A_2670 = arith.index_cast %parallel_loop3A_2609 : i32 to index
        %parallel_loop3A_2671 = arith.constant 240 : index
        %parallel_loop3A_2672 = tpu.vector_load %arg8[%parallel_loop3A_2670, %parallel_loop3A_2671] {strides = array<i32>} : memref<128x256xf32, #tpu.memory_space<vmem>>, vector<16xf32>,
        %parallel_loop3A_2673 = arith.mulf %parallel_loop3A_2672, %get3A_1928 : vector<16xf32>
        %parallel_loop3A_2674 = arith.addf %parallel_loop3A_2613, %parallel_loop3A_2617 : vector<16xf32>
        %parallel_loop3A_2675 = arith.addf %parallel_loop3A_2621, %parallel_loop3A_2625 : vector<16xf32>
        %parallel_loop3A_2676 = arith.addf %parallel_loop3A_2629, %parallel_loop3A_2633 : vector<16xf32>
        %parallel_loop3A_2677 = arith.addf %parallel_loop3A_2637, %parallel_loop3A_2641 : vector<16xf32>
        %parallel_loop3A_2678 = arith.addf %parallel_loop3A_2645, %parallel_loop3A_2649 : vector<16xf32>
        %parallel_loop3A_2679 = arith.addf %parallel_loop3A_2653, %parallel_loop3A_2657 : vector<16xf32>
        %parallel_loop3A_2680 = arith.addf %parallel_loop3A_2661, %parallel_loop3A_2665 : vector<16xf32>
        %parallel_loop3A_2681 = arith.addf %parallel_loop3A_2669, %parallel_loop3A_2673 : vector<16xf32>
        %parallel_loop3A_2682 = arith.addf %parallel_loop3A_2674, %parallel_loop3A_2675 : vector<16xf32>
        %parallel_loop3A_2683 = arith.addf %parallel_loop3A_2676, %parallel_loop3A_2677 : vector<16xf32>
        %parallel_loop3A_2684 = arith.addf %parallel_loop3A_2678, %parallel_loop3A_2679 : vector<16xf32>
        %parallel_loop3A_2685 = arith.addf %parallel_loop3A_2680, %parallel_loop3A_2681 : vector<16xf32>
        %parallel_loop3A_2686 = arith.addf %parallel_loop3A_2682, %parallel_loop3A_2683 : vector<16xf32>
        %parallel_loop3A_2687 = arith.addf %parallel_loop3A_2684, %parallel_loop3A_2685 : vector<16xf32>
        %parallel_loop3A_2688 = arith.addf %parallel_loop3A_2686, %parallel_loop3A_2687 : vector<16xf32>
        %parallel_loop3A_2689 = arith.constant 128 : i32
        %parallel_loop3A_2690 = arith.muli %parallel_loop3A_1982, %parallel_loop3A_2689 : i32
        %parallel_loop3A_2691 = arith.constant 112 : i32
        %parallel_loop3A_2692 = arith.addi %parallel_loop3A_2690, %parallel_loop3A_2691 : i32
        %parallel_loop3A_2693 = arith.index_cast %parallel_loop3A_2692 : i32 to index
        %parallel_loop3A_2694 = tpu.vector_load %arg15[%parallel_loop3A_2693] {strides = array<i32>} : memref<2048xf32, #tpu.memory_space<vmem>>, vector<16xf32>,
        tpu.vector_store %arg15[%parallel_loop3A_2693], %parallel_loop3A_2688 {strides = array<i32>} : memref<2048xf32, #tpu.memory_space<vmem>>, vector<16xf32>,
      } {sc.loop_unroll_factor = 2 : i64, sc.parallel_access}
      %parallel_loop3A_1971 = arith.constant 0 : i32
      %parallel_loop3A_1972 = arith.constant 8 : i32
      %parallel_loop3A_1973 = arith.constant 1 : i32
      scf.for %parallel_loop3A_1982 = %parallel_loop3A_1971 to %parallel_loop3A_1972 step %parallel_loop3A_1973  : i32 {
        %parallel_loop3A_1983 = arith.constant 256 : i32
        %parallel_loop3A_1984 = arith.muli %parallel_loop3A_1982, %parallel_loop3A_1983 : i32
        %parallel_loop3A_1985 = arith.constant 0 : index
        %parallel_loop3A_1986 = tpu.vector_load %arg14[%parallel_loop3A_1985] {strides = array<i32>} : memref<256xi32, #tpu.memory_space<vmem>>, vector<16xi32>,
        %parallel_loop3A_1987 = vector.broadcast %parallel_loop3A_1984 : i32 to vector<16xi32>
        %parallel_loop3A_1988 = arith.addi %parallel_loop3A_1987, %parallel_loop3A_1986 : vector<16xi32>
        %parallel_loop3A_1989 = tpu.vector_load_idx %arg15[%parallel_loop3A_1988] : memref<2048xf32, #tpu.memory_space<vmem>>[vector<16xi32>], vector<16xf32>,
        %parallel_loop3A_1990 = arith.constant 16 : index
        %parallel_loop3A_1991 = tpu.vector_load %arg14[%parallel_loop3A_1990] {strides = array<i32>} : memref<256xi32, #tpu.memory_space<vmem>>, vector<16xi32>,
        %parallel_loop3A_1992 = vector.broadcast %parallel_loop3A_1984 : i32 to vector<16xi32>
        %parallel_loop3A_1993 = arith.addi %parallel_loop3A_1992, %parallel_loop3A_1991 : vector<16xi32>
        %parallel_loop3A_1994 = tpu.vector_load_idx %arg15[%parallel_loop3A_1993] : memref<2048xf32, #tpu.memory_space<vmem>>[vector<16xi32>], vector<16xf32>,
        %parallel_loop3A_1995 = arith.constant 32 : index
        %parallel_loop3A_1996 = tpu.vector_load %arg14[%parallel_loop3A_1995] {strides = array<i32>} : memref<256xi32, #tpu.memory_space<vmem>>, vector<16xi32>,
        %parallel_loop3A_1997 = vector.broadcast %parallel_loop3A_1984 : i32 to vector<16xi32>
        %parallel_loop3A_1998 = arith.addi %parallel_loop3A_1997, %parallel_loop3A_1996 : vector<16xi32>
        %parallel_loop3A_1999 = tpu.vector_load_idx %arg15[%parallel_loop3A_1998] : memref<2048xf32, #tpu.memory_space<vmem>>[vector<16xi32>], vector<16xf32>,
        %parallel_loop3A_2000 = arith.constant 48 : index
        %parallel_loop3A_2001 = tpu.vector_load %arg14[%parallel_loop3A_2000] {strides = array<i32>} : memref<256xi32, #tpu.memory_space<vmem>>, vector<16xi32>,
        %parallel_loop3A_2002 = vector.broadcast %parallel_loop3A_1984 : i32 to vector<16xi32>
        %parallel_loop3A_2003 = arith.addi %parallel_loop3A_2002, %parallel_loop3A_2001 : vector<16xi32>
        %parallel_loop3A_2004 = tpu.vector_load_idx %arg15[%parallel_loop3A_2003] : memref<2048xf32, #tpu.memory_space<vmem>>[vector<16xi32>], vector<16xf32>,
        %parallel_loop3A_2005 = arith.constant 64 : index
        %parallel_loop3A_2006 = tpu.vector_load %arg14[%parallel_loop3A_2005] {strides = array<i32>} : memref<256xi32, #tpu.memory_space<vmem>>, vector<16xi32>,
        %parallel_loop3A_2007 = vector.broadcast %parallel_loop3A_1984 : i32 to vector<16xi32>
        %parallel_loop3A_2008 = arith.addi %parallel_loop3A_2007, %parallel_loop3A_2006 : vector<16xi32>
        %parallel_loop3A_2009 = tpu.vector_load_idx %arg15[%parallel_loop3A_2008] : memref<2048xf32, #tpu.memory_space<vmem>>[vector<16xi32>], vector<16xf32>,
        %parallel_loop3A_2010 = arith.constant 80 : index
        %parallel_loop3A_2011 = tpu.vector_load %arg14[%parallel_loop3A_2010] {strides = array<i32>} : memref<256xi32, #tpu.memory_space<vmem>>, vector<16xi32>,
        %parallel_loop3A_2012 = vector.broadcast %parallel_loop3A_1984 : i32 to vector<16xi32>
        %parallel_loop3A_2013 = arith.addi %parallel_loop3A_2012, %parallel_loop3A_2011 : vector<16xi32>
        %parallel_loop3A_2014 = tpu.vector_load_idx %arg15[%parallel_loop3A_2013] : memref<2048xf32, #tpu.memory_space<vmem>>[vector<16xi32>], vector<16xf32>,
        %parallel_loop3A_2015 = arith.constant 96 : index
        %parallel_loop3A_2016 = tpu.vector_load %arg14[%parallel_loop3A_2015] {strides = array<i32>} : memref<256xi32, #tpu.memory_space<vmem>>, vector<16xi32>,
        %parallel_loop3A_2017 = vector.broadcast %parallel_loop3A_1984 : i32 to vector<16xi32>
        %parallel_loop3A_2018 = arith.addi %parallel_loop3A_2017, %parallel_loop3A_2016 : vector<16xi32>
        %parallel_loop3A_2019 = tpu.vector_load_idx %arg15[%parallel_loop3A_2018] : memref<2048xf32, #tpu.memory_space<vmem>>[vector<16xi32>], vector<16xf32>,
        %parallel_loop3A_2020 = arith.constant 112 : index
        %parallel_loop3A_2021 = tpu.vector_load %arg14[%parallel_loop3A_2020] {strides = array<i32>} : memref<256xi32, #tpu.memory_space<vmem>>, vector<16xi32>,
        %parallel_loop3A_2022 = vector.broadcast %parallel_loop3A_1984 : i32 to vector<16xi32>
        %parallel_loop3A_2023 = arith.addi %parallel_loop3A_2022, %parallel_loop3A_2021 : vector<16xi32>
        %parallel_loop3A_2024 = tpu.vector_load_idx %arg15[%parallel_loop3A_2023] : memref<2048xf32, #tpu.memory_space<vmem>>[vector<16xi32>], vector<16xf32>,
        %parallel_loop3A_2025 = arith.constant 128 : index
        %parallel_loop3A_2026 = tpu.vector_load %arg14[%parallel_loop3A_2025] {strides = array<i32>} : memref<256xi32, #tpu.memory_space<vmem>>, vector<16xi32>,
        %parallel_loop3A_2027 = vector.broadcast %parallel_loop3A_1984 : i32 to vector<16xi32>
        %parallel_loop3A_2028 = arith.addi %parallel_loop3A_2027, %parallel_loop3A_2026 : vector<16xi32>
        %parallel_loop3A_2029 = tpu.vector_load_idx %arg15[%parallel_loop3A_2028] : memref<2048xf32, #tpu.memory_space<vmem>>[vector<16xi32>], vector<16xf32>,
        %parallel_loop3A_2030 = arith.constant 144 : index
        %parallel_loop3A_2031 = tpu.vector_load %arg14[%parallel_loop3A_2030] {strides = array<i32>} : memref<256xi32, #tpu.memory_space<vmem>>, vector<16xi32>,
        %parallel_loop3A_2032 = vector.broadcast %parallel_loop3A_1984 : i32 to vector<16xi32>
        %parallel_loop3A_2033 = arith.addi %parallel_loop3A_2032, %parallel_loop3A_2031 : vector<16xi32>
        %parallel_loop3A_2034 = tpu.vector_load_idx %arg15[%parallel_loop3A_2033] : memref<2048xf32, #tpu.memory_space<vmem>>[vector<16xi32>], vector<16xf32>,
        %parallel_loop3A_2035 = arith.constant 160 : index
        %parallel_loop3A_2036 = tpu.vector_load %arg14[%parallel_loop3A_2035] {strides = array<i32>} : memref<256xi32, #tpu.memory_space<vmem>>, vector<16xi32>,
        %parallel_loop3A_2037 = vector.broadcast %parallel_loop3A_1984 : i32 to vector<16xi32>
        %parallel_loop3A_2038 = arith.addi %parallel_loop3A_2037, %parallel_loop3A_2036 : vector<16xi32>
        %parallel_loop3A_2039 = tpu.vector_load_idx %arg15[%parallel_loop3A_2038] : memref<2048xf32, #tpu.memory_space<vmem>>[vector<16xi32>], vector<16xf32>,
        %parallel_loop3A_2040 = arith.constant 176 : index
        %parallel_loop3A_2041 = tpu.vector_load %arg14[%parallel_loop3A_2040] {strides = array<i32>} : memref<256xi32, #tpu.memory_space<vmem>>, vector<16xi32>,
        %parallel_loop3A_2042 = vector.broadcast %parallel_loop3A_1984 : i32 to vector<16xi32>
        %parallel_loop3A_2043 = arith.addi %parallel_loop3A_2042, %parallel_loop3A_2041 : vector<16xi32>
        %parallel_loop3A_2044 = tpu.vector_load_idx %arg15[%parallel_loop3A_2043] : memref<2048xf32, #tpu.memory_space<vmem>>[vector<16xi32>], vector<16xf32>,
        %parallel_loop3A_2045 = arith.constant 192 : index
        %parallel_loop3A_2046 = tpu.vector_load %arg14[%parallel_loop3A_2045] {strides = array<i32>} : memref<256xi32, #tpu.memory_space<vmem>>, vector<16xi32>,
        %parallel_loop3A_2047 = vector.broadcast %parallel_loop3A_1984 : i32 to vector<16xi32>
        %parallel_loop3A_2048 = arith.addi %parallel_loop3A_2047, %parallel_loop3A_2046 : vector<16xi32>
        %parallel_loop3A_2049 = tpu.vector_load_idx %arg15[%parallel_loop3A_2048] : memref<2048xf32, #tpu.memory_space<vmem>>[vector<16xi32>], vector<16xf32>,
        %parallel_loop3A_2050 = arith.constant 208 : index
        %parallel_loop3A_2051 = tpu.vector_load %arg14[%parallel_loop3A_2050] {strides = array<i32>} : memref<256xi32, #tpu.memory_space<vmem>>, vector<16xi32>,
        %parallel_loop3A_2052 = vector.broadcast %parallel_loop3A_1984 : i32 to vector<16xi32>
        %parallel_loop3A_2053 = arith.addi %parallel_loop3A_2052, %parallel_loop3A_2051 : vector<16xi32>
        %parallel_loop3A_2054 = tpu.vector_load_idx %arg15[%parallel_loop3A_2053] : memref<2048xf32, #tpu.memory_space<vmem>>[vector<16xi32>], vector<16xf32>,
        %parallel_loop3A_2055 = arith.constant 224 : index
        %parallel_loop3A_2056 = tpu.vector_load %arg14[%parallel_loop3A_2055] {strides = array<i32>} : memref<256xi32, #tpu.memory_space<vmem>>, vector<16xi32>,
        %parallel_loop3A_2057 = vector.broadcast %parallel_loop3A_1984 : i32 to vector<16xi32>
        %parallel_loop3A_2058 = arith.addi %parallel_loop3A_2057, %parallel_loop3A_2056 : vector<16xi32>
        %parallel_loop3A_2059 = tpu.vector_load_idx %arg15[%parallel_loop3A_2058] : memref<2048xf32, #tpu.memory_space<vmem>>[vector<16xi32>], vector<16xf32>,
        %parallel_loop3A_2060 = arith.constant 240 : index
        %parallel_loop3A_2061 = tpu.vector_load %arg14[%parallel_loop3A_2060] {strides = array<i32>} : memref<256xi32, #tpu.memory_space<vmem>>, vector<16xi32>,
        %parallel_loop3A_2062 = vector.broadcast %parallel_loop3A_1984 : i32 to vector<16xi32>
        %parallel_loop3A_2063 = arith.addi %parallel_loop3A_2062, %parallel_loop3A_2061 : vector<16xi32>
        %parallel_loop3A_2064 = tpu.vector_load_idx %arg15[%parallel_loop3A_2063] : memref<2048xf32, #tpu.memory_space<vmem>>[vector<16xi32>], vector<16xf32>,
        %parallel_loop3A_2065 = arith.addf %parallel_loop3A_1989, %parallel_loop3A_1994 : vector<16xf32>
        %parallel_loop3A_2066 = arith.addf %parallel_loop3A_1999, %parallel_loop3A_2004 : vector<16xf32>
        %parallel_loop3A_2067 = arith.addf %parallel_loop3A_2009, %parallel_loop3A_2014 : vector<16xf32>
        %parallel_loop3A_2068 = arith.addf %parallel_loop3A_2019, %parallel_loop3A_2024 : vector<16xf32>
        %parallel_loop3A_2069 = arith.addf %parallel_loop3A_2029, %parallel_loop3A_2034 : vector<16xf32>
        %parallel_loop3A_2070 = arith.addf %parallel_loop3A_2039, %parallel_loop3A_2044 : vector<16xf32>
        %parallel_loop3A_2071 = arith.addf %parallel_loop3A_2049, %parallel_loop3A_2054 : vector<16xf32>
        %parallel_loop3A_2072 = arith.addf %parallel_loop3A_2059, %parallel_loop3A_2064 : vector<16xf32>
        %parallel_loop3A_2073 = arith.addf %parallel_loop3A_2065, %parallel_loop3A_2066 : vector<16xf32>
        %parallel_loop3A_2074 = arith.addf %parallel_loop3A_2067, %parallel_loop3A_2068 : vector<16xf32>
        %parallel_loop3A_2075 = arith.addf %parallel_loop3A_2069, %parallel_loop3A_2070 : vector<16xf32>
        %parallel_loop3A_2076 = arith.addf %parallel_loop3A_2071, %parallel_loop3A_2072 : vector<16xf32>
        %parallel_loop3A_2077 = arith.addf %parallel_loop3A_2073, %parallel_loop3A_2074 : vector<16xf32>
        %parallel_loop3A_2078 = arith.addf %parallel_loop3A_2075, %parallel_loop3A_2076 : vector<16xf32>
        %parallel_loop3A_2079 = arith.addf %parallel_loop3A_2077, %parallel_loop3A_2078 : vector<16xf32>
        %parallel_loop3A_2080 = arith.constant 128 : i32
        %parallel_loop3A_2081 = arith.muli %add3A_1963, %parallel_loop3A_2080 : i32
        %parallel_loop3A_2082 = arith.constant 16 : i32
        %parallel_loop3A_2083 = arith.muli %parallel_loop3A_1982, %parallel_loop3A_2082 : i32
        %parallel_loop3A_2084 = arith.addi %parallel_loop3A_2081, %parallel_loop3A_2083 : i32
        %parallel_loop3A_2085 = arith.index_cast %parallel_loop3A_2084 : i32 to index
        %parallel_loop3A_2086 = tpu.vector_load %arg12[%parallel_loop3A_2085] {strides = array<i32>} : memref<1024xi32, #tpu.memory_space<vmem>>, vector<16xi32>,
        %parallel_loop3A_2087 = tpu.vector_load_idx %arg11[%parallel_loop3A_2086] : memref<16xf32, #tpu.memory_space<vmem>>[vector<16xi32>], vector<16xf32>,
        %parallel_loop3A_2088 = arith.addf %parallel_loop3A_2079, %parallel_loop3A_2087 : vector<16xf32>
        %parallel_loop3A_2089 = arith.constant 0.000000e+00 : f32
        %parallel_loop3A_2090 = vector.broadcast %parallel_loop3A_2089 : f32 to vector<16xf32>
        %parallel_loop3A_2091 = arith.subf %parallel_loop3A_2090, %parallel_loop3A_2088 : vector<16xf32>
        %parallel_loop3A_2092 = math.exp %parallel_loop3A_2091 : vector<16xf32>
        %parallel_loop3A_2093 = arith.constant 1.000000e+00 : f32
        %parallel_loop3A_2094 = vector.broadcast %parallel_loop3A_2093 : f32 to vector<16xf32>
        %parallel_loop3A_2095 = arith.addf %parallel_loop3A_2094, %parallel_loop3A_2092 : vector<16xf32>
        %parallel_loop3A_2096 = arith.constant 1.000000e+00 : f32
        %parallel_loop3A_2097 = vector.broadcast %parallel_loop3A_2096 : f32 to vector<16xf32>
        %parallel_loop3A_2098 = arith.divf %parallel_loop3A_2097, %parallel_loop3A_2095 : vector<16xf32>
        %parallel_loop3A_2099 = arith.index_cast %parallel_loop3A_2084 : i32 to index
        %parallel_loop3A_2100 = tpu.vector_load %arg13[%parallel_loop3A_2099] {strides = array<i32>} : memref<1024xf32, #tpu.memory_space<vmem>>, vector<16xf32>,
        tpu.vector_store %arg13[%parallel_loop3A_2099], %parallel_loop3A_2098 {strides = array<i32>} : memref<1024xf32, #tpu.memory_space<vmem>>, vector<16xf32>,
      } {sc.loop_unroll_factor = 1 : i64, sc.parallel_access}
      %add3A_1974 = arith.constant 2 : i32
      %add3A_1975 = arith.addi %add3A_1963, %add3A_1974 : i32
      %lt3A_1976 = arith.constant 8 : i32
      %lt3A_1977 = arith.cmpi slt, %add3A_1975, %lt3A_1976 : i32
      %convert_element_type3A_1978 = arith.extui %lt3A_1977 : i1 to i32
      %cond3A_1979 = arith.constant 0 : i32
      %cond3A_1980 = arith.cmpi ne, %convert_element_type3A_1978, %cond3A_1979 : i32
      scf.if %cond3A_1980 {
        %mul3A_1982 = arith.constant 128 : i32
        %mul3A_1983 = arith.muli %add3A_1975, %mul3A_1982 : i32
        %add3A_1984 = arith.addi %mul3A_2, %mul3A_1983 : i32
        %dma_start3A_1985 = arith.constant 0 : i32
        %dma_start3A_1986 = tpu.memref_slice %arg2[%add3A_1984, %dma_start3A_1985] : memref<32768x256xf32, #tpu.memory_space<hbm>> -> memref<128x256xf32, #tpu.memory_space<hbm>>
        %dma_start3A_1987 = arith.constant 0 : i32
        %dma_start3A_1988 = tpu.memref_slice %arg2[%add3A_1984, %dma_start3A_1987] : memref<32768x256xf32, #tpu.memory_space<hbm>> -> memref<128x256xf32, #tpu.memory_space<hbm>>
        tpu.enqueue_dma source(%dma_start3A_1988 : memref<128x256xf32, #tpu.memory_space<hbm>>) target(%arg8 : memref<128x256xf32, #tpu.memory_space<vmem>>) target_semaphore(%arg17 : memref<!tpu.dma_semaphore, #tpu.memory_space<semaphore_mem>>)
      } else {
      }
      %scan3A_1981 = arith.constant 0 : i32
      scf.yield %scan3A_1981 : i32
    }
    %scan3A_1940 = arith.constant 4 : i32
    "tpu.region"() ({
      %run_scoped3A = tpu.sem_alloc : memref<!tpu.dma_semaphore, #tpu.memory_space<semaphore_mem>>
      %dma_start3A_1941 = tpu.memref_slice %arg6[%mul3A_2] : memref<32768xf32, #tpu.memory_space<hbm>> -> memref<1024xf32, #tpu.memory_space<hbm>>
      %dma_start3A_1942 = tpu.memref_slice %arg6[%mul3A_2] : memref<32768xf32, #tpu.memory_space<hbm>> -> memref<1024xf32, #tpu.memory_space<hbm>>
      tpu.enqueue_dma source(%arg13 : memref<1024xf32, #tpu.memory_space<vmem>>) target(%dma_start3A_1942 : memref<1024xf32, #tpu.memory_space<hbm>>) target_semaphore(%run_scoped3A : memref<!tpu.dma_semaphore, #tpu.memory_space<semaphore_mem>>)
      %dma_wait3A_1943 = tpu.memref_slice %arg6[%mul3A_2] : memref<32768xf32, #tpu.memory_space<hbm>> -> memref<1024xf32, #tpu.memory_space<hbm>>
      %dma_wait3A_1944 = tpu.memref_slice %arg6[%mul3A_2] : memref<32768xf32, #tpu.memory_space<hbm>> -> memref<1024xf32, #tpu.memory_space<hbm>>
      tpu.wait_dma2 semaphore(%run_scoped3A : memref<!tpu.dma_semaphore, #tpu.memory_space<semaphore_mem>>) src(%arg13 : memref<1024xf32, #tpu.memory_space<vmem>>) dst(%dma_wait3A_1944 : memref<1024xf32, #tpu.memory_space<hbm>>)
      tpu.yield
    }) : () -> ()
    return
  }
}

</mosaic_0001>

<sc_bundles>
// kernel: kernel.3.cloned.1.call-start
scs
__scs_entry_jumppad:
0x0: {  	(pc) =	sbr.rel $0x88, $3  }
0x1: {  	(tag) =	ssettag $0x0;
	lr =	simm.s32 $0x1  }
0x2: {  	[smem:$0x3F9C] =	sst lr;
	_ =	strace $0xD0000000  }
0x3: {  	_ = 	snop  }
0x4: {  	_ = 	snop  }
0x5: {  	_ = 	snop  }
0x6: {  	_ = 	snop  }
0x7: {  	_ = 	snop  }
__scs_overlays_trampoline_lowered:
0x8: {  	[smem:$0x3FAB] =	sst s0  }
0x9: {  	[smem:$0x3FAC] =	sst s1  }
0xa: {  	[smem:$0x3FAD] =	sst s2  }
0xb: {  	[smem:$0x3FAE] =	sst s3  }
0xc: {  	[smem:$0x3FAF] =	sst s4  }
0xd: {  	[smem:$0x3FB0] =	sst s5  }
0xe: {  	[smem:$0x3FB1] =	sst s6  }
0xf: {  	[smem:$0x3FB2] =	sst s7  }
0x10: {  	[smem:$0x3FB3] =	sst s8  }
0x11: {  	[smem:$0x3FB4] =	sst s9;
	s0 =	simm.s32 @!p0 $0x0  }
0x12: {  	s1 =	sld [smem:$0x3F9A];
	s0 =	simm.s32 @p0 $0x1  }
0x13: {  	[smem:$0x3FB5] =	sst s0;
	s0 =	simm.s32 @!p1 $0x0  }
0x14: {  	s2 =	sld [smem:$0x3F99];
	s0 =	simm.s32 @p1 $0x1  }
0x15: {  	[smem:$0x3FB6] =	sst s0;
	s0 =	simm.s32 @!p2 $0x0  }
0x16: {  	s3 =	sld [smem:$0x3FDB];
	s0 =	simm.s32 @p2 $0x1  }
0x17: {  	s4 =	simm.s32 $0x1BF5;
	[smem:$0x3FB8] =	sst s0  }
0x18: {  	s0 =	sld [smem:$0x3F9B];
	_ =	swait.ge [sflag:s4], $0x0  }
0x19: {  	s7 =	sld [smem:$0x3F9C]  }
0x1a: {  	s8 =	sadd.s32 $0xFFFFE003, lr  }
0x1b: {  	s9 =	sadd.s32 $0xFFFFFEF7, lr;
	s5 =	simm.s32 $0xFFFFFFFF;
	p2 =	slt.u32 s8, $0xFFFFF086  }
0x1c: {  	p1 =	slt.u32 s9, $0xF7A;
	s5 =	simm.s32 @!p2 $0x0  }
0x1d: {  	s5 =	simm.s32 @p1 $0x1;
	p0 =	seq.s32 s7, s2  }
0x1e: {  	s7 =	smul.u32 @!p0 $0xF7A, s2;
	p2 =	seq.s32 @!p0 s5, $0x0  }
0x1f: {  	s9 =	smul.u32 $0xF7A, s1;
	s8 =	simm.s32 @!p0 $0x1BF5;
	p2 =	por !p2, p0  }
0x20: {  	[sflag:s8] =	ssyncset.s32 @!p0 $0xFFFFF086;
	s6 =	sadd.s32 @!p0 s3, s7;
	s7 =	simm.s32 @!p0 $0x108  }
0x21: {  	s3 =	sadd.s32 s3, s9;
	s6 =	sadd.s32 @!p0 $0x88, s6;
	s7 =	simm.s32 @p2 $0x1082  }
0x22: {  	[simem:s7], [sflag:s8] =	dma.local @!p0 [hbm:s6], $0xF7A  }
0x23: {  	s9 =	sor.u32 $0xD0000000, s2;
	s6 =	simm.s32 $0x108;
	_ =	swait.ge @!p0 [sflag:s8], $0x0  }
0x24: {  	s3 =	sadd.s32 $0x88, s3;
	s6 =	simm.s32 @!p1 $0x1082;
	[sflag:s4] =	ssyncset.s32 $0xFFFFF086  }
0x25: {  	[simem:s6], [sflag:s4] =	dma.local [hbm:s3], $0xF7A  }
0x26: {  	[smem:$0x3F9C] =	sst s1;
	(tag) =	ssettag s2;
	_ =	strace s9  }
0x27: {  	s1 =	sld [smem:$0x3FAC]  }
0x28: {  	s2 =	sld [smem:$0x3FAD]  }
0x29: {  	s4 =	sld [smem:$0x3FAF]  }
0x2a: {  	p0 =	seq.s32 s5, $0x0;
	s5 =	sld [smem:$0x3FB0]  }
0x2b: {  	s6 =	sld [smem:$0x3FB1]  }
0x2c: {  	s7 =	sld [smem:$0x3FB2]  }
0x2d: {  	s3 =	simm.s32 $0x108;
	s8 =	sld [smem:$0x3FB3]  }
0x2e: {  	s3 =	simm.s32 @!p0 $0x1082;
	s9 =	sld [smem:$0x3FB4]  }
0x2f: {  	lr =	sadd.s32 s0, s3;
	s0 =	sld [smem:$0x3FAB]  }
0x30: {  	s3 =	sld [smem:$0x3FAE]  }
0x31: {  	[smem:$0x3FB7] =	sst s10  }
0x32: {  	s10 =	sld [smem:$0x3FB5];
	_ =	sdelay $0x3  }
0x33: {  	p0 =	seq.s32 s10, $0x1;
	s10 =	sld [smem:$0x3FB7];
	_ =	sdelay $0x3  }
0x34: {  	[smem:$0x3FB7] =	sst s10  }
0x35: {  	s10 =	sld [smem:$0x3FB6];
	_ =	sdelay $0x3  }
0x36: {  	p1 =	seq.s32 s10, $0x1;
	s10 =	sld [smem:$0x3FB7];
	_ =	sdelay $0x3  }
0x37: {  	[smem:$0x3FB7] =	sst s10  }
0x38: {  	s10 =	sld [smem:$0x3FB8]  }
0x39: {  	_ = 	snop;
	(pc) =	sbr.ind lr, $3  }
0x3a: {  	_ = 	snop  }
0x3b: {  	_ = 	snop  }
0x3c: {  	p2 =	seq.s32 s10, $0x1;
	s10 =	sld [smem:$0x3FB7]  }
0x3d: {  	_ =	shalt  }
0x3e: {  	_ =	shalt  }
0x3f: {  	_ =	shalt  }
0x40: {  	_ =	shalt  }
0x41: {  	_ =	shalt  }
0x42: {  	_ =	shalt  }
0x43: {  	_ =	shalt  }
0x44: {  	_ =	shalt  }
0x45: {  	_ =	shalt  }
0x46: {  	_ =	shalt  }
0x47: {  	_ =	shalt  }
0x48: {  	_ =	shalt  }
0x49: {  	_ =	shalt  }
0x4a: {  	_ =	shalt  }
0x4b: {  	_ =	shalt  }
0x4c: {  	_ =	shalt  }
0x4d: {  	_ =	shalt  }
0x4e: {  	_ =	shalt  }
0x4f: {  	_ =	shalt  }
0x50: {  	_ =	shalt  }
0x51: {  	_ =	shalt  }
0x52: {  	_ =	shalt  }
0x53: {  	_ =	shalt  }
0x54: {  	_ =	shalt  }
0x55: {  	_ =	shalt  }
0x56: {  	_ =	shalt  }
0x57: {  	_ =	shalt  }
0x58: {  	_ =	shalt  }
0x59: {  	_ =	shalt  }
0x5a: {  	_ =	shalt  }
0x5b: {  	_ =	shalt  }
0x5c: {  	_ =	shalt  }
0x5d: {  	_ =	shalt  }
0x5e: {  	_ =	shalt  }
0x5f: {  	_ =	shalt  }
0x60: {  	_ =	shalt  }
0x61: {  	_ =	shalt  }
0x62: {  	_ =	shalt  }
0x63: {  	_ =	shalt  }
0x64: {  	_ =	shalt  }
0x65: {  	_ =	shalt  }
0x66: {  	_ =	shalt  }
0x67: {  	_ =	shalt  }
0x68: {  	_ =	shalt  }
0x69: {  	_ =	shalt  }
0x6a: {  	_ =	shalt  }
0x6b: {  	_ =	shalt  }
0x6c: {  	_ =	shalt  }
0x6d: {  	_ =	shalt  }
0x6e: {  	_ =	shalt  }
0x6f: {  	_ =	shalt  }
0x70: {  	_ =	shalt  }
0x71: {  	_ =	shalt  }
0x72: {  	_ =	shalt  }
0x73: {  	_ =	shalt  }
0x74: {  	_ =	shalt  }
0x75: {  	_ =	shalt  }
0x76: {  	_ =	shalt  }
0x77: {  	_ =	shalt  }
0x78: {  	_ =	shalt  }
0x79: {  	_ =	shalt  }
0x7a: {  	_ =	shalt  }
0x7b: {  	_ =	shalt  }
0x7c: {  	_ =	shalt  }
0x7d: {  	_ =	shalt  }
0x7e: {  	_ =	shalt  }
0x7f: {  	_ =	shalt  }
0x80: {  	_ =	shalt  }
0x81: {  	_ =	shalt  }
0x82: {  	_ =	shalt  }
0x83: {  	_ =	shalt  }
0x84: {  	_ =	shalt  }
0x85: {  	_ =	shalt  }
0x86: {  	_ =	shalt  }
0x87: {  	_ =	shalt  }
.Lfunc_end0:
.L_simem_size_0:
called_computation_lowered:
.L_overlay_start_0:
0x88: {  	s2 =	sld [smem:$0x3FD9]  }
0x89: {  	s3 =	sld [smem:$0x3FFE];
	_ =	sdelay $0x1  }
0x8a: {  	s1 =	srdreg.scid  }
0x8b: {  	s0 =	sand.u32 $0x1, s1  }
0x8c: {  	s17 =	sshll.u32 s0, $0xA;
	s2 =	sadd.s32 s3, s2  }
0x8d: {  	s2 =	sadd.s32 s2, s17  }
0x8e: {  	[smem:$0x3FC3] =	sst s2  }
0x8f: {  	_ = 	snop  }
0x90: {  	s2 =	sld [smem:$0x3FC9]  }
0x91: {  	s18 =	sld [smem:$0x3FC8]  }
0x92: {  	s4 =	sld [smem:$0x3FC5]  }
0x93: {  	s5 =	sld [smem:$0x3FD0];
	(tm) =	ssettm $0x1  }
0x94: {  	s6 =	sld [smem:$0x3FFB];
	_ =	sdelay $0x3  }
0x95: {  	_ =	strace s6  }
0x96: {  	s6 =	sld [smem:$0x3FFC];
	_ =	sdelay $0x3  }
0x97: {  	_ =	strace s6  }
0x98: {  	s6 =	sld [smem:$0x3FFD];
	_ =	sdelay $0x3  }
0x99: {  	_ =	strace s6  }
0x9a: {  	_ =	strace $0x8FFFFFFF  }
0x9b: {  	s19 =	sld [smem:$0x3FDB];
	_ =	sdelay $0x1  }
0x9c: {  	s7 =	simm.s32 $_scs_section_size  }
0x9d: {  	s8 =	simm.s32 $_size__tile_overlayer_lowered;
	s9 =	simm.s32 $_tile_overlayer_lowered  }
0x9e: {  	s22 =	simm.s32 $0x1BFF;
	s21 =	sshll.u32 s9, $0x1;
	s6 =	sadd.s32 s7, s19  }
0x9f: {  	s10 =	simm.s32 $0x0;
	s20 =	sshll.u32 s8, $0x1;
	s8 =	sadd.s32 s21, s6  }
0xa0: {  	[timem:s10], [sflag:s22] =	dma.local [hbm:s8], s20  }
0xa1: {  	_ =	swait.ge [sflag:s22], s20  }
0xa2: {  	s7 =	ssub.s32 $0x0, s20;
	[sflag:s22] =	ssyncset.done $0x0  }
0xa3: {  	[sflag:s22] =	ssyncadd.s32 s7;
	_ =	sdelay $0x1  }
0xa4: {  	s23 =	simm.s32 $0x1B8B  }
0xa5: {  	_ =	swait.ge [sflag:s23], $0x1  }
0xa6: {  	[sflag:s23] =	ssyncset.done $0x0  }
0xa7: {  	s25 =	simm.s32 $0x1B8E;
	s24 =	sld [smem:$0x3FFE];
	[sflag:s23] =	ssyncadd.s32 $0xFFFFFFFF  }
0xa8: {  	s26 =	simm.s32 $execute0_lowered;
	[smem:$0x3FD2] =	sst s25  }
0xa9: {  	s8 =	sshll.u32 s26, $0x1;
	_ =	strace $0x80000046;
	[dreg:$0x1] =	wrdreg $0xFFFFFFFF  }
0xaa: {  	s28 =	simm.s32 $_size_execute0_lowered;
	s6 =	sadd.s32 s6, s8;
	[dreg:$0x0] =	wrdreg $0x0  }
0xab: {  	s8 =	sshll.u32 s28, $0x1;
	[dreg:$0x2] =	wrdreg s6  }
0xac: {  	[dreg:$0x3] =	wrdreg s8  }
0xad: {  	[dreg:$0x4] =	wrdreg $0xC0  }
0xae: {  	_ =	task [dreg:s10], $0x5FFFF  }
0xaf: {  	[dreg:$0x1] =	wrdreg $0xFFFFFFFF  }
0xb0: {  	[dreg:$0x0] =	wrdreg $0x60  }
0xb1: {  	[dreg:$0x2] =	wrdreg s2  }
0xb2: {  	[dreg:$0x3] =	wrdreg s18  }
0xb3: {  	[dreg:$0x4] =	wrdreg s24  }
0xb4: {  	[dreg:$0x5] =	wrdreg s4  }
0xb5: {  	[dreg:$0x6] =	wrdreg s5  }
0xb6: {  	[dreg:$0x7] =	wrdreg $0x9  }
0xb7: {  	_ =	task.clear_ibuf [dreg:s10], $0x8FFFF;
	_ =	strace $0x90000046  }
0xb8: {  	s29 =	simm.s32 $0x9;
	_ =	strace $0x80000048  }
0xb9: {  	_ =	swait.ge [sflag:s29], $0x1  }
0xba: {  	[sflag:s29] =	ssyncadd.s32 $0xFFFFFFFF  }
0xbb: {  	_ =	strace $0x90000048  }
0xbc: {  	_ =	sfence  }
0xbd: {  	s30 =	sld [smem:$0x0];
	_ =	sdelay $0x2  }
0xbe: {  	s31 =	sshll.u32 s1, $0xD;
	s1 =	sshrl.u32 s1, $0x2  }
0xbf: {  	s3 =	sand.u32 $0x4000, s31;
	s1 =	sadd.s32 s1, s30  }
0xc0: {  	s0 =	sor.u32 s3, s0;
	s1 =	sshll.u32 s1, $0x11  }
0xc1: {  	s0 =	sor.u32 s1, s0  }
0xc2: {  	s0 =	sadd.s32 $0x8F2B, s0  }
0xc3: {  	[sflag:s0] =	ssyncadd.remote.s32 $0x1  }
0xc4: {  	_ =	sfence.sel $0xFFFF  }
0xc5: {  	[dreg:$0x0] =	wrdreg $0xFFFFFFFF;
	(pc) =	sbr.abs _section_cstart, $3  }
0xc6: {  	[dreg:$0x1] =	wrdreg $0xFFFFFFFF  }
0xc7: {  	_ =	task.clear_ibuf [dreg:s10], $0x2FFFF;
	_ =	strace $0x9FFFFFFF  }
0xc8: {  	(tm) =	ssettm $0x7FFFFFFF  }
0xc9: {  	_ =	shalt  }
tec
execute0_lowered:
.L_overlay_start_1:
0x0: {  	(tag) =	ssettag $0x1  }
0x1: {  	v0 =	vimm.s32 $0xBCAB9A89;
	v1 =	vimm.s32 $0xF0EFDECD  }
0x2: {  	vm0 =	vcmask $0x1F10;
	v26 =	vimm.s32 $0x34231201;
	v2 =	vimm.s32 $0x78675645  }
0x3: {  	v3 =	vimm.s32 $0xBDAC9B8A;
	v4 =	vimm.s32 $0xF1E0DFCE;
	v5 =	vimm.s32 $0x35241302  }
0x4: {  	v6 =	vimm.s32 $0x79685746;
	v7 =	vimm.s32 $0xBEAD9C8B;
	v8 =	vimm.s32 $0xF2E1D0CF  }
0x5: {  	v31 =	vimm.s32 $0x36251403;
	v32 =	vimm.s32 $0x7A695847;
	v33 =	vimm.s32 $0xBFAE9D8C  }
0x6: {  	v34 =	vimm.s32 $0xF3E2D1C0;
	v35 =	vimm.s32 $0x37261504;
	v36 =	vimm.s32 $0x7B6A5948  }
0x7: {  	v39 =	vimm.s32 $0xB0AF9E8D;
	v40 =	vimm.s32 $0xF4E3D2C1;
	v43 =	vimm.s32 $0x38271605  }
0x8: {  	v44 =	vimm.s32 $0x7C6B5A49;
	v45 =	vimm.s32 $0xB1A09F8E;
	v46 =	vimm.s32 $0xF5E4D3C2  }
0x9: {  	v9 =	vimm.s32 $0x39281706;
	v10 =	vimm.s32 $0x7D6C5B4A;
	v11 =	vimm.s32 $0xB2A1908F  }
0xa: {  	v12 =	vimm.s32 $0xF6E5D4C3;
	v51 =	vimm.s32 $0x3A291807;
	v52 =	vimm.s32 $0x7E6D5C4B  }
0xb: {  	v53 =	vimm.s32 $0xB3A29180;
	v54 =	vimm.s32 $0xF7E6D5C4;
	v55 =	vimm.s32 $0x3B2A1908  }
0xc: {  	v56 =	vimm.s32 $0x7F6E5D4C;
	v59 =	vimm.s32 $0xB4A39281;
	v60 =	vimm.s32 $0xF8E7D6C5  }
0xd: {  	v17 =	vimm.s32 $0x3C2B1A09;
	v18 =	vimm.s32 $0x706F5E4D;
	v19 =	vimm.s32 $0xB5A49382  }
0xe: {  	v20 =	vimm.s32 $0xF9E8D7C6;
	v13 =	vimm.s32 $0x3D2C1B0A;
	v14 =	vimm.s32 $0x71605F4E  }
0xf: {  	v15 =	vimm.s32 $0xB6A59483;
	v16 =	vimm.s32 $0xFAE9D8C7;
	v25 =	vimm.s32 $0x3E2D1C0B  }
0x10: {  	v0 =	vunpack.c.0.s8.s32 v0;
	v1 =	vunpack.c.0.s8.s32 v1;
	v2 =	vunpack.c.0.s8.s32 v2  }
0x11: {  	v3 =	vunpack.c.0.s8.s32 v3;
	v4 =	vunpack.c.0.s8.s32 v4;
	v5 =	vunpack.c.0.s8.s32 v5  }
0x12: {  	v6 =	vunpack.c.0.s8.s32 v6;
	v27 =	vunpack.c.0.s8.s32 v7;
	v28 =	vunpack.c.0.s8.s32 v8  }
0x13: {  	v37 =	vunpack.c.0.s8.s32 v35;
	v38 =	vunpack.c.0.s8.s32 v36;
	v41 =	vunpack.c.0.s8.s32 v40  }
0x14: {  	v7 =	vunpack.c.0.s8.s32 v45;
	v8 =	vunpack.c.0.s8.s32 v46;
	v9 =	vunpack.c.0.s8.s32 v9  }
0x15: {  	v10 =	vunpack.c.0.s8.s32 v10;
	v47 =	vunpack.c.0.s8.s32 v11;
	v48 =	vunpack.c.0.s8.s32 v12  }
0x16: {  	v57 =	vunpack.c.0.s8.s32 v55;
	v58 =	vunpack.c.0.s8.s32 v56;
	v61 =	vunpack.c.0.s8.s32 v60  }
0x17: {  	v11 =	vunpack.c.0.s8.s32 v19;
	v12 =	vunpack.c.0.s8.s32 v20;
	v13 =	vunpack.c.0.s8.s32 v13  }
0x18: {  	v14 =	vunpack.c.0.s8.s32 v14;
	v21 =	vunpack.c.0.s8.s32 v15;
	v22 =	vunpack.c.0.s8.s32 v16  }
0x19: {  	v35 =	vimm.s32 $0xFCEBDAC9;
	v36 =	vimm.s32 $0x302F1E0D;
	v19 =	vimm.s32 $0xFEEDDCCB  }
0x1a: {  	v40 =	vimm.s32 $0xB9A89786;
	v20 =	vimm.s32 $0x3221100F;
	v19 =	vunpack.c.0.s8.s32 v19  }
0x1b: {  	v20 =	vunpack.c.0.s8.s32 v20;
	v0 =	vsel vm0, v1, v0;
	v1 =	vunpack.c.0.s8.s32 v26  }
0x1c: {  	v29 =	vsel vm0, v4, v3;
	v30 =	vsel vm0, v6, v5;
	v3 =	vunpack.c.0.s8.s32 v31  }
0x1d: {  	v4 =	vunpack.c.0.s8.s32 v32;
	v5 =	vunpack.c.0.s8.s32 v33;
	v6 =	vunpack.c.0.s8.s32 v34  }
0x1e: {  	v49 =	vsel vm0, v8, v7;
	v50 =	vsel vm0, v10, v9;
	v7 =	vunpack.c.0.s8.s32 v51  }
0x1f: {  	v8 =	vunpack.c.0.s8.s32 v52;
	v9 =	vunpack.c.0.s8.s32 v53;
	v10 =	vunpack.c.0.s8.s32 v54  }
0x20: {  	v23 =	vsel vm0, v12, v11;
	v24 =	vsel vm0, v14, v13;
	v26 =	vimm.s32 $0x7261504F  }
0x21: {  	v11 =	vunpack.c.0.s8.s32 v25;
	v34 =	vimm.s32 $0xB8A79685;
	v12 =	vunpack.c.0.s8.s32 v26  }
0x22: {  	v1 =	vsel vm0, v2, v1;
	v2 =	vsel vm0, v28, v27;
	v3 =	vsel vm0, v4, v3  }
0x23: {  	v5 =	vsel vm0, v6, v5;
	v4 =	vsel vm0, v38, v37;
	v6 =	vunpack.c.0.s8.s32 v39  }
0x24: {  	v7 =	vsel vm0, v8, v7;
	v9 =	vsel vm0, v10, v9;
	v8 =	vsel vm0, v58, v57  }
0x25: {  	v10 =	vunpack.c.0.s8.s32 v59;
	v27 =	vimm.s32 $0xB7A69584;
	v28 =	vimm.s32 $0xFBEAD9C8  }
0x26: {  	v37 =	vimm.s32 $0x74635241;
	v0 =	vcombine.low v1, v0;
	v1 =	vcombine.low v30, v29  }
0x27: {  	v38 =	vunpack.c.0.s8.s32 v36;
	v2 =	vcombine.low v3, v2;
	v3 =	vcombine.low v4, v5  }
0x28: {  	v5 =	vunpack.c.0.s8.s32 v43;
	v4 =	vcombine.low v50, v49;
	v62 =	vcombine.low v8, v9  }
0x29: {  	v9 =	vunpack.c.0.s8.s32 v17;
	v13 =	vunpack.c.0.s8.s32 v27;
	v14 =	vunpack.c.0.s8.s32 v28  }
0x2a: {  	v29 =	vimm.s32 $0x3F2E1D0C;
	v30 =	vimm.s32 $0x73625140;
	v11 =	vsel vm0, v12, v11  }
0x2b: {  	v39 =	vunpack.c.0.s8.s32 v37;
	v43 =	vimm.s32 $0x31201F0E;
	v17 =	vimm.s32 $0x75645342  }
0x2c: {  	v42 =	vsel vm0, v41, v6;
	v6 =	vunpack.c.0.s8.s32 v44;
	v63 =	vsel vm0, v61, v10  }
0x2d: {  	s0 =	rddreg [dreg:$0x0];
	v10 =	vunpack.c.0.s8.s32 v18;
	v31 =	vunpack.c.0.s8.s32 v29;
	v32 =	vunpack.c.0.s8.s32 v30  }
0x2e: {  	s1 =	rddreg [dreg:$0x2];
	v41 =	vimm.s32 $0xFDECDBCA;
	v18 =	vimm.s32 $0xBAA99887;
	v16 =	vunpack.c.0.s8.s32 v43  }
0x2f: {  	s3 =	rddreg [dreg:$0x3];
	s2 =	simm.s32 $0x0;
	v17 =	vunpack.c.0.s8.s32 v17;
	v33 =	vsel vm0, v14, v13;
	v13 =	vunpack.c.0.s8.s32 v34  }
0x30: {  	[smem:$0x7FF] =	sst s2;
	v14 =	vunpack.c.0.s8.s32 v35;
	v18 =	vunpack.c.0.s8.s32 v18;
	v0 =	vand.u32 $0xFF, v0  }
0x31: {  	s10 =	rddreg [dreg:$0x4];
	_ =	strace $0x80000047;
	v49 =	vand.u32 $0xFF, v1;
	v50 =	vand.u32 $0xFF, v2;
	v51 =	vand.u32 $0xFF, v3;
	[tilespmem:$0x1FF10] =	vst v0  }
0x32: {  	v53 =	vand.u32 $0xFF, v4;
	v55 =	vand.u32 $0xFF, v62;
	v5 =	vsel vm0, v6, v5;
	[tilespmem:$0x1FF20] =	vst v49  }
0x33: {  	v6 =	vsel vm0, v48, v47;
	v9 =	vsel vm0, v10, v9;
	v10 =	vsel vm0, v22, v21;
	[tilespmem:$0x1FF30] =	vst v50  }
0x34: {  	v12 =	vsel vm0, v32, v31;
	v45 =	vsel vm0, v17, v16;
	v48 =	vlaneseq.u32;
	[tilespmem:$0x1FF40] =	vst v51  }
0x35: {  	[tilespmem:$0x1FF60] =	vst v53;
	v5 =	vcombine.low v5, v42;
	v6 =	vcombine.low v7, v6;
	v17 =	vmul.u32 $0x11, v48  }
0x36: {  	v21 =	vimm.s32 $0x76655443;
	[tilespmem:$0x1FF80] =	vst v55;
	v8 =	vcombine.low v9, v63;
	v9 =	vcombine.low v24, v23  }
0x37: {  	s4 =	srdreg.scid;
	s6 =	stileid.u32;
	s13 =	simm.s32 $0x10280;
	v10 =	vcombine.low v11, v10;
	v11 =	vcombine.low v12, v33;
	[tilespmem:$0x1FF00] =	vst v17;
	v52 =	vand.u32 $0xFF, v5  }
0x38: {  	s14 =	simm.s32 $0x3;
	s15 =	simm.s32 $0x11C00;
	s16 =	simm.s32 $0x8000;
	v13 =	vsel vm0, v14, v13;
	v12 =	vsel vm0, v39, v38;
	v54 =	vand.u32 $0xFF, v6;
	[tilespmem:$0x1FF50] =	vst v52  }
0x39: {  	s17 =	simm.s32 $0x1;
	s18 =	simm.s32 $0x11280;
	s19 =	simm.s32 $0x2;
	v14 =	vunpack.c.0.s8.s32 v40;
	v42 =	vunpack.c.0.s8.s32 v41;
	v56 =	vand.u32 $0xFF, v8;
	[tilespmem:$0x1FF70] =	vst v54  }
0x3a: {  	s20 =	simm.s32 $0x11700;
	s21 =	simm.s32 $0x4;
	s5 =	sand.u32 $0x1, s4;
	v21 =	vunpack.c.0.s8.s32 v21;
	v46 =	vsel vm0, v19, v18;
	v59 =	vand.u32 $0xFF, v9;
	[tilespmem:$0x1FF90] =	vst v56  }
0x3b: {  	s22 =	simm.s32 $0x0;
	s26 =	sshll.u32 s6, $0xB;
	s28 =	sshll.u32 s5, $0xA;
	v12 =	vcombine.low v12, v13;
	v44 =	vsel vm0, v42, v14;
	v60 =	vand.u32 $0xFF, v10;
	[tilespmem:$0x1FFA0] =	vst v59  }
.Ltmp0:
0x3c: {  	s29 =	ssub.s32 $0x2, s5;
	s6 =	sor.u32 s28, s26;
	v47 =	vsel vm0, v21, v20;
	v61 =	vand.u32 $0xFF, v11;
	v57 =	vcombine.low v45, v44;
	[tilespmem:$0x1FFB0] =	vst v60;
	(pc) =	sbr.rel .LBB2_1-.Ltmp0, $4  }
0x3d: {  	s4 =	sadd.s32 $0x400, s1;
	s7 =	sshrl.u32 s29, $0x1;
	s30 =	sshll.u32 s6, $0x5;
	v58 =	vcombine.low v47, v46;
	[tilespmem:$0x1FFC0] =	vst v61;
	v62 =	vand.u32 $0xFF, v12  }
0x3e: {  	s11 =	sshrl.u32 s6, $0x3;
	s31 =	ssub.s32 s29, s7;
	s5 =	sadd.s32 s0, s30;
	[tilespmem:$0x1FFD0] =	vst v62;
	v0 =	vand.u32 $0xFF, v57  }
0x3f: {  	s6 =	sadd.s32 s3, s11;
	s10 =	sadd.s32 s10, s11;
	s11 =	smax.u32 s31, $0x1;
	v63 =	vand.u32 $0xFF, v58;
	[tilespmem:$0x1FFE0] =	vst v0  }
0x40: {  	s7 =	sadd.s32 $0x1000, s5;
	s8 =	sadd.s32 $0x2000, s5;
	s9 =	sadd.s32 $0x3000, s5;
	[tilespmem:$0x1FFF0] =	vst v63  }
.LBB2_12:
0x41: {  	s22 =	sadd.s32 $0x1, s22  }
0x42: {  	p0 =	sne.s32 s22, s11  }
.Ltmp1:
0x43: {  	_ = 	snop;
	(pc) =	sbr.rel @!p0 .LBB2_13-.Ltmp1, $4  }
0x44: {  	[hbm4b:s10+s2] =	stream.linear.scatter [tilespmem:s20], [sflag:$0x4], $0x400, $0x38;
	[tilespmem:$0x12400] =	vst v63  }
0x45: {  	_ =	swait.ge [sflag:s21], $0x400  }
0x46: {  	[sflag:s21] =	ssyncset.done $0x0  }
0x47: {  	[sflag:s21] =	ssyncadd.s32 $0xFFFFFC00  }
.LBB2_1:
0x48: {  	s0 =	simm.s32 $0x10000  }
0x49: {  	[tilespmem:s0], [sflag:$0x3] =	stream.linear.gather [hbm4b:s4+s2], $0x280, $0x38;
	[tilespmem:$0x12400] =	vst v63  }
0x4a: {  	s31 =	rddreg [dreg:$0x1]  }
0x4b: {  	[tilespmem:s13], [sflag:$0x3] =	stream.linear.gather [hbm4b:s31+s2], $0x1000, $0x38;
	[tilespmem:$0x12400] =	vst v63  }
0x4c: {  	s23 =	simm.s32 $0x11300  }
0x4d: {  	[tilespmem:s23], [sflag:$0x3] =	stream.linear.gather [hbm4b:s6+s2], $0x400, $0x38;
	[tilespmem:$0x12400] =	vst v63  }
0x4e: {  	_ = 	snop  }
0x4f: {  	[tilespmem:s2], [sflag:$0x1] =	stream.linear.gather [hbm4b:s5+s2], $0x8000, $0x38;
	[tilespmem:$0x12400] =	vst v63  }
0x50: {  	_ =	swait.ge [sflag:s14], $0x280  }
0x51: {  	[sflag:s14] =	ssyncset.done $0x0  }
0x52: {  	[sflag:s14] =	ssyncadd.s32 $0xFFFFFD80  }
0x53: {  	_ =	swait.ge [sflag:s14], $0x1000  }
0x54: {  	[sflag:s14] =	ssyncset.done $0x0  }
0x55: {  	[sflag:s14] =	ssyncadd.s32 $0xFFFFF000  }
0x56: {  	_ =	swait.ge [sflag:s14], $0x400  }
0x57: {  	[sflag:s14] =	ssyncset.done $0x0  }
0x58: {  	[sflag:s14] =	ssyncadd.s32 $0xFFFFFC00  }
0x59: {  	v31 =	vld [tilespmem:$0x10100]  }
0x5a: {  	v30 =	vld [tilespmem:$0x10110]  }
0x5b: {  	v29 =	vld [tilespmem:$0x10120]  }
0x5c: {  	v28 =	vld [tilespmem:$0x10130]  }
0x5d: {  	v27 =	vld [tilespmem:$0x10140]  }
0x5e: {  	v26 =	vld [tilespmem:$0x10150]  }
0x5f: {  	v25 =	vld [tilespmem:$0x10160]  }
0x60: {  	v24 =	vld [tilespmem:$0x10170]  }
0x61: {  	v22 =	vld [tilespmem:$0x10180]  }
0x62: {  	v23 =	vld [tilespmem:$0x10190]  }
0x63: {  	v20 =	vld [tilespmem:$0x101A0]  }
0x64: {  	v21 =	vld [tilespmem:$0x101B0]  }
0x65: {  	v18 =	vld [tilespmem:$0x101C0]  }
0x66: {  	v19 =	vld [tilespmem:$0x101D0]  }
0x67: {  	v17 =	vld [tilespmem:$0x101E0]  }
0x68: {  	v16 =	vld [tilespmem:$0x101F0]  }
0x69: {  	v35 =	vld [tilespmem:$0x10280]  }
0x6a: {  	v53 =	vld [tilespmem:$0x10290]  }
0x6b: {  	v54 =	vld [tilespmem:$0x102A0]  }
0x6c: {  	v57 =	vld [tilespmem:$0x102B0]  }
0x6d: {  	v58 =	vld [tilespmem:$0x102C0]  }
0x6e: {  	v61 =	vld [tilespmem:$0x102D0]  }
0x6f: {  	v0 =	vld [tilespmem:$0x102E0]  }
0x70: {  	v1 =	vld [tilespmem:$0x102F0]  }
0x71: {  	v2 =	vld [tilespmem:$0x10680]  }
0x72: {  	v3 =	vld [tilespmem:$0x10690]  }
0x73: {  	v4 =	vld [tilespmem:$0x106A0]  }
0x74: {  	v5 =	vld [tilespmem:$0x106B0]  }
0x75: {  	v6 =	vld [tilespmem:$0x106C0]  }
0x76: {  	v7 =	vld [tilespmem:$0x106D0]  }
0x77: {  	v8 =	vld [tilespmem:$0x106E0]  }
0x78: {  	v9 =	vld [tilespmem:$0x106F0]  }
0x79: {  	v10 =	vld [tilespmem:$0x10300]  }
0x7a: {  	v11 =	vld [tilespmem:$0x10310]  }
0x7b: {  	v12 =	vld [tilespmem:$0x10320]  }
0x7c: {  	v13 =	vld [tilespmem:$0x10330]  }
0x7d: {  	v62 =	vld [tilespmem:$0x107F0];
	_ =	sdelay $0x4  }
0x7e: {  	[tilespmem:$0x1F9E0] =	vst v62;
	v62 =	vld [tilespmem:$0x10400];
	_ =	sdelay $0x4  }
0x7f: {  	[tilespmem:$0x1F9F0] =	vst v62;
	v62 =	vld [tilespmem:$0x10410];
	_ =	sdelay $0x4  }
0x80: {  	[tilespmem:$0x1FA00] =	vst v62;
	v62 =	vld [tilespmem:$0x10420];
	_ =	sdelay $0x4  }
0x81: {  	[tilespmem:$0x1FA10] =	vst v62;
	v62 =	vld [tilespmem:$0x10430];
	_ =	sdelay $0x4  }
0x82: {  	[tilespmem:$0x1FA20] =	vst v62;
	v62 =	vld [tilespmem:$0x10440];
	_ =	sdelay $0x3  }
0x83: {  	v14 =	vld [tilespmem:$0x10340]  }
0x84: {  	[tilespmem:$0x1FA30] =	vst v62;
	v62 =	vld [tilespmem:$0x10450]  }
0x85: {  	v15 =	vld [tilespmem:$0x10350]  }
0x86: {  	v32 =	vld [tilespmem:$0x10360]  }
0x87: {  	v33 =	vld [tilespmem:$0x10370]  }
0x88: {  	v34 =	vld [tilespmem:$0x10700]  }
0x89: {  	[tilespmem:$0x1FA40] =	vst v62;
	v62 =	vld [tilespmem:$0x10460]  }
0x8a: {  	v36 =	vld [tilespmem:$0x10710]  }
0x8b: {  	v37 =	vld [tilespmem:$0x10720]  }
0x8c: {  	v38 =	vld [tilespmem:$0x10730]  }
0x8d: {  	v39 =	vld [tilespmem:$0x10740]  }
0x8e: {  	[tilespmem:$0x1FA50] =	vst v62;
	v62 =	vld [tilespmem:$0x10470]  }
0x8f: {  	v40 =	vld [tilespmem:$0x10750]  }
0x90: {  	v41 =	vld [tilespmem:$0x10760]  }
0x91: {  	v42 =	vld [tilespmem:$0x10770]  }
0x92: {  	v50 =	vld [tilespmem:$0x10380]  }
0x93: {  	[tilespmem:$0x1FA60] =	vst v62;
	v62 =	vld [tilespmem:$0x10800]  }
0x94: {  	v52 =	vld [tilespmem:$0x10390]  }
0x95: {  	v48 =	vld [tilespmem:$0x103A0]  }
0x96: {  	v49 =	vld [tilespmem:$0x103B0]  }
0x97: {  	v44 =	vld [tilespmem:$0x103C0]  }
0x98: {  	[tilespmem:$0x1FA70] =	vst v62;
	v62 =	vld [tilespmem:$0x10810]  }
0x99: {  	v45 =	vld [tilespmem:$0x103D0]  }
0x9a: {  	v46 =	vld [tilespmem:$0x103E0]  }
0x9b: {  	v43 =	vld [tilespmem:$0x103F0]  }
0x9c: {  	v51 =	vld [tilespmem:$0x10780]  }
0x9d: {  	[tilespmem:$0x1FA80] =	vst v62;
	v62 =	vld [tilespmem:$0x10820]  }
0x9e: {  	v47 =	vld [tilespmem:$0x10790];
	v35 =	vmul.f32 v35, v31  }
0x9f: {  	v56 =	vld [tilespmem:$0x107A0];
	v53 =	vmul.f32 v53, v30;
	v54 =	vmul.f32 v54, v29  }
0xa0: {  	v55 =	vld [tilespmem:$0x107B0];
	v57 =	vmul.f32 v57, v28;
	v0 =	vmul.f32 v0, v25  }
0xa1: {  	v60 =	vld [tilespmem:$0x107C0];
	v1 =	vmul.f32 v1, v24;
	v2 =	vmul.f32 v2, v22  }
0xa2: {  	v3 =	vmul.f32 v3, v23;
	v4 =	vmul.f32 v4, v20;
	[tilespmem:$0x1FA90] =	vst v62;
	v62 =	vld [tilespmem:$0x10830]  }
0xa3: {  	v59 =	vld [tilespmem:$0x107D0];
	v5 =	vmul.f32 v5, v21;
	v12 =	vmul.f32 v12, v29  }
0xa4: {  	v63 =	vld [tilespmem:$0x107E0];
	v13 =	vmul.f32 v13, v28;
	v35 =	vadd.f32 v53, v35;
	v0 =	vadd.f32 v1, v0  }
0xa5: {  	v53 =	vld [tilespmem:$0x10560];
	v1 =	vmul.f32 v6, v18;
	v6 =	vmul.f32 v7, v19;
	v2 =	vadd.f32 v3, v2  }
0xa6: {  	v4 =	vadd.f32 v5, v4;
	v7 =	vmul.f32 v11, v30;
	v11 =	vmul.f32 v36, v23;
	v36 =	vld [tilespmem:$0x105A0]  }
0xa7: {  	v58 =	vmul.f32 v58, v27;
	v1 =	vadd.f32 v6, v1;
	v6 =	vmul.f32 v10, v31;
	[tilespmem:$0x1FAA0] =	vst v62;
	v62 =	vld [tilespmem:$0x10840]  }
0xa8: {  	v2 =	vadd.f32 v4, v2;
	v4 =	vadd.f32 v13, v12;
	v12 =	vmul.f32 v38, v21;
	v38 =	vld [tilespmem:$0x105C0]  }
0xa9: {  	v61 =	vmul.f32 v61, v26;
	v6 =	vadd.f32 v7, v6;
	v7 =	vmul.f32 v34, v22;
	v34 =	vld [tilespmem:$0x10590]  }
0xaa: {  	[tilespmem:$0x1FC40] =	vst v53;
	v53 =	vadd.f32 v57, v54;
	v57 =	vld [tilespmem:$0x10570]  }
0xab: {  	v54 =	vadd.f32 v61, v58;
	v61 =	vld [tilespmem:$0x10900]  }
0xac: {  	[tilespmem:$0x1FAB0] =	vst v62;
	v62 =	vld [tilespmem:$0x10850]  }
0xad: {  	v58 =	vmul.f32 v9, v16;
	v9 =	vld [tilespmem:$0x10930]  }
0xae: {  	v7 =	vadd.f32 v11, v7;
	v11 =	vmul.f32 v49, v28;
	v49 =	vmul.f32 v63, v17;
	v63 =	vld [tilespmem:$0x10660]  }
0xaf: {  	v35 =	vadd.f32 v53, v35;
	v53 =	vld [tilespmem:$0x10940]  }
0xb0: {  	v0 =	vadd.f32 v0, v54;
	v54 =	vld [tilespmem:$0x10970]  }
0xb1: {  	[tilespmem:$0x1FAC0] =	vst v62;
	v62 =	vld [tilespmem:$0x10860]  }
0xb2: {  	v0 =	vadd.f32 v0, v35;
	v35 =	vld [tilespmem:$0x10580]  }
0xb3: {  	[tilespmem:$0x1FC60] =	vst v61;
	v61 =	vld [tilespmem:$0x10910]  }
0xb4: {  	[tilespmem:$0x1FD00] =	vst v63;
	v63 =	vld [tilespmem:$0x10A40]  }
0xb5: {  	[tilespmem:$0x1FC50] =	vst v57;
	v57 =	vmul.f32 v8, v17;
	v8 =	vmul.f32 v37, v20;
	v37 =	vld [tilespmem:$0x105B0]  }
0xb6: {  	[tilespmem:$0x1FAD0] =	vst v62;
	v62 =	vld [tilespmem:$0x10870]  }
0xb7: {  	[tilespmem:$0x1FC90] =	vst v9;
	v9 =	vmul.f32 v15, v26;
	v15 =	vld [tilespmem:$0x10630]  }
0xb8: {  	[tilespmem:$0x1FC70] =	vst v61;
	v61 =	vld [tilespmem:$0x10920]  }
0xb9: {  	[tilespmem:$0x1FD60] =	vst v63;
	v63 =	vld [tilespmem:$0x10AB0]  }
0xba: {  	v3 =	vadd.f32 v58, v57;
	v57 =	vld [tilespmem:$0x10960]  }
0xbb: {  	[tilespmem:$0x1FAE0] =	vst v62;
	v62 =	vld [tilespmem:$0x10480]  }
0xbc: {  	v8 =	vadd.f32 v12, v8;
	v12 =	vld [tilespmem:$0x109B0]  }
0xbd: {  	[tilespmem:$0x1FC80] =	vst v61;
	v61 =	vld [tilespmem:$0x10950]  }
0xbe: {  	[tilespmem:$0x1FDB0] =	vst v63;
	v63 =	vld [tilespmem:$0x10E90]  }
0xbf: {  	v58 =	vmul.f32 v32, v25;
	v32 =	vmul.f32 v39, v18;
	v39 =	vld [tilespmem:$0x105D0]  }
0xc0: {  	[tilespmem:$0x1FAF0] =	vst v62;
	v62 =	vld [tilespmem:$0x10490]  }
0xc1: {  	[tilespmem:$0x1FCD0] =	vst v12;
	v12 =	vmul.f32 v47, v23;
	v47 =	vmul.f32 v59, v19;
	v59 =	vld [tilespmem:$0x1FA20]  }
0xc2: {  	[tilespmem:$0x1FCA0] =	vst v61;
	v61 =	vmul.f32 v33, v24;
	v33 =	vmul.f32 v40, v19;
	v40 =	vld [tilespmem:$0x105E0]  }
0xc3: {  	v1 =	vadd.f32 v3, v1;
	[tilespmem:$0x1FE10] =	vst v63;
	v63 =	vld [tilespmem:$0x10ED0]  }
0xc4: {  	v3 =	vmul.f32 v14, v27;
	v5 =	vadd.f32 v61, v58;
	v58 =	vmul.f32 v41, v17;
	v41 =	vld [tilespmem:$0x105F0]  }
0xc5: {  	v61 =	vmul.f32 v42, v16;
	[tilespmem:$0x1FB00] =	vst v62;
	v62 =	vld [tilespmem:$0x104A0]  }
0xc6: {  	v3 =	vadd.f32 v9, v3;
	v9 =	vadd.f32 v33, v32;
	v32 =	vld [tilespmem:$0x10980]  }
0xc7: {  	v42 =	vld [tilespmem:$0x10990];
	v10 =	vadd.f32 v61, v58  }
0xc8: {  	v61 =	vmul.f32 v50, v31;
	v50 =	vld [tilespmem:$0x1F9E0]  }
0xc9: {  	v14 =	vadd.f32 v10, v9;
	v9 =	vmul.f32 v52, v30;
	v52 =	vld [tilespmem:$0x109A0]  }
0xca: {  	[tilespmem:$0x1FB10] =	vst v62;
	v62 =	vld [tilespmem:$0x104B0]  }
0xcb: {  	v10 =	vmul.f32 v48, v29;
	v48 =	vld [tilespmem:$0x109E0]  }
0xcc: {  	v4 =	vadd.f32 v4, v6;
	v3 =	vadd.f32 v5, v3;
	[tilespmem:$0x1FCB0] =	vst v32;
	v32 =	vld [tilespmem:$0x109C0]  }
0xcd: {  	v13 =	vadd.f32 v8, v7;
	v1 =	vadd.f32 v1, v2;
	[tilespmem:$0x1FCC0] =	vst v42;
	v42 =	vld [tilespmem:$0x109F0]  }
0xce: {  	v33 =	vadd.f32 v3, v4;
	v4 =	vadd.f32 v9, v61;
	v61 =	vmul.f32 v51, v22;
	v51 =	vld [tilespmem:$0x1F9F0]  }
0xcf: {  	v0 =	vadd.f32 v1, v0;
	[tilespmem:$0x1FB20] =	vst v62;
	v62 =	vld [tilespmem:$0x104C0]  }
0xd0: {  	v58 =	vadd.f32 v14, v13;
	v14 =	vmul.f32 v45, v26;
	v45 =	vmul.f32 v60, v18;
	v60 =	vld [tilespmem:$0x1FA30]  }
0xd1: {  	[tilespmem:$0x1FE80] =	vst v0;
	v0 =	vadd.f32 v11, v10;
	v11 =	vld [tilespmem:$0x1FA50]  }
0xd2: {  	v2 =	vadd.f32 v58, v33;
	v33 =	vmul.f32 v46, v25;
	v46 =	vld [tilespmem:$0x109D0]  }
0xd3: {  	v58 =	vmul.f32 v43, v24;
	v43 =	vld [tilespmem:$0x10600]  }
0xd4: {  	[tilespmem:$0x1FB30] =	vst v62;
	v62 =	vld [tilespmem:$0x104D0]  }
0xd5: {  	v6 =	vadd.f32 v47, v45;
	v47 =	vld [tilespmem:$0x10620]  }
0xd6: {  	v1 =	vadd.f32 v12, v61;
	v61 =	vld [tilespmem:$0x1FA40]  }
0xd7: {  	v45 =	vld [tilespmem:$0x10A00]  }
0xd8: {  	v13 =	vmul.f32 v44, v27;
	v5 =	vadd.f32 v58, v33;
	v33 =	vld [tilespmem:$0x10610]  }
0xd9: {  	[tilespmem:$0x1FB40] =	vst v62;
	v62 =	vld [tilespmem:$0x104E0]  }
0xda: {  	[tilespmem:$0x1FE90] =	vst v2;
	v2 =	vadd.f32 v14, v13;
	v14 =	vmul.f32 v55, v21;
	v55 =	vld [tilespmem:$0x1FA00]  }
0xdb: {  	v13 =	vmul.f32 v56, v20;
	v56 =	vld [tilespmem:$0x10640]  }
0xdc: {  	v58 =	vld [tilespmem:$0x1FA10]  }
0xdd: {  	[tilespmem:$0x1FCE0] =	vst v32;
	v32 =	vld [tilespmem:$0x10650]  }
0xde: {  	[tilespmem:$0x1FB50] =	vst v62;
	v62 =	vld [tilespmem:$0x104F0]  }
0xdf: {  	v0 =	vadd.f32 v0, v4;
	v4 =	vmul.f32 v51, v31;
	v51 =	vld [tilespmem:$0x10A10];
	v3 =	vadd.f32 v14, v13  }
0xe0: {  	v9 =	vmul.f32 v61, v26;
	v61 =	vld [tilespmem:$0x10A30]  }
0xe1: {  	v1 =	vadd.f32 v3, v1;
	v3 =	vmul.f32 v58, v29;
	v58 =	vld [tilespmem:$0x10A20]  }
0xe2: {  	v14 =	vld [tilespmem:$0x1FA70]  }
0xe3: {  	[tilespmem:$0x1FB60] =	vst v62;
	v62 =	vld [tilespmem:$0x10880]  }
0xe4: {  	v44 =	vld [tilespmem:$0x1FA80]  }
0xe5: {  	v12 =	vld [tilespmem:$0x1FA60]  }
0xe6: {  	v2 =	vadd.f32 v5, v2;
	v13 =	vld [tilespmem:$0x10670]  }
0xe7: {  	v5 =	vmul.f32 v55, v30;
	[tilespmem:$0x1FD50] =	vst v61;
	v61 =	vld [tilespmem:$0x10A50]  }
0xe8: {  	v10 =	vmul.f32 v50, v16;
	v0 =	vadd.f32 v2, v0;
	v2 =	vmul.f32 v11, v25;
	[tilespmem:$0x1FB70] =	vst v62;
	v62 =	vld [tilespmem:$0x10890]  }
0xe9: {  	v4 =	vadd.f32 v5, v4;
	[tilespmem:$0x1FD40] =	vst v58;
	v58 =	vld [tilespmem:$0x10A70];
	v5 =	vmul.f32 v14, v22;
	v11 =	vmul.f32 v44, v23  }
0xea: {  	v7 =	vadd.f32 v10, v49;
	v49 =	vld [tilespmem:$0x1FA90]  }
0xeb: {  	v5 =	vadd.f32 v11, v5;
	v11 =	vld [tilespmem:$0x10A60]  }
0xec: {  	v50 =	vld [tilespmem:$0x1FAA0]  }
0xed: {  	[tilespmem:$0x1FB80] =	vst v62;
	v62 =	vld [tilespmem:$0x108A0]  }
0xee: {  	v8 =	vmul.f32 v59, v28;
	v59 =	vld [tilespmem:$0x1FAD0]  }
0xef: {  	v6 =	vadd.f32 v7, v6;
	v7 =	vmul.f32 v60, v27;
	v60 =	vld [tilespmem:$0x1FAE0]  }
0xf0: {  	[tilespmem:$0x1FD70] =	vst v11;
	v11 =	vld [tilespmem:$0x10AC0]  }
0xf1: {  	v55 =	vld [tilespmem:$0x1FAB0]  }
0xf2: {  	v10 =	vmul.f32 v12, v24;
	[tilespmem:$0x1FB90] =	vst v62;
	v62 =	vld [tilespmem:$0x108B0]  }
0xf3: {  	[tilespmem:$0x1FCF0] =	vst v56;
	v12 =	vmul.f32 v50, v21;
	v56 =	vld [tilespmem:$0x1FAC0]  }
0xf4: {  	v2 =	vadd.f32 v10, v2;
	v50 =	vld [tilespmem:$0x10A90];
	v10 =	vmul.f32 v59, v17;
	v14 =	vmul.f32 v60, v16  }
0xf5: {  	v3 =	vadd.f32 v8, v3;
	v8 =	vmul.f32 v49, v20;
	v49 =	vld [tilespmem:$0x1FB00]  }
0xf6: {  	v10 =	vadd.f32 v14, v10;
	v14 =	vld [tilespmem:$0x10A80]  }
0xf7: {  	[tilespmem:$0x1FBA0] =	vst v62;
	v62 =	vld [tilespmem:$0x108C0]  }
0xf8: {  	[tilespmem:$0x1FD10] =	vst v13;
	v8 =	vadd.f32 v12, v8;
	v13 =	vmul.f32 v56, v19;
	v56 =	vld [tilespmem:$0x10AA0]  }
0xf9: {  	[tilespmem:$0x1FD20] =	vst v45;
	v45 =	vld [tilespmem:$0x1FAF0]  }
0xfa: {  	v12 =	vadd.f32 v8, v5;
	v5 =	vmul.f32 v49, v30;
	v49 =	vld [tilespmem:$0x10AE0]  }
0xfb: {  	[tilespmem:$0x1FD80] =	vst v14;
	v14 =	vld [tilespmem:$0x10AD0]  }
0xfc: {  	[tilespmem:$0x1FBB0] =	vst v62;
	v62 =	vld [tilespmem:$0x108D0]  }
0xfd: {  	[tilespmem:$0x1FD30] =	vst v51;
	v51 =	vld [tilespmem:$0x1FB10]  }
0xfe: {  	v7 =	vadd.f32 v9, v7;
	v9 =	vmul.f32 v55, v18;
	v55 =	vld [tilespmem:$0x1FB20]  }
0xff: {  	[tilespmem:$0x1FDE0] =	vst v49;
	v49 =	vld [tilespmem:$0x10EC0]  }
0x100: {  	v1 =	vadd.f32 v6, v1;
	v60 =	vld [tilespmem:$0x1FB40]  }
0x101: {  	[tilespmem:$0x1FBC0] =	vst v62;
	v62 =	vld [tilespmem:$0x108E0]  }
0x102: {  	v0 =	vadd.f32 v1, v0;
	v3 =	vadd.f32 v3, v4;
	v59 =	vld [tilespmem:$0x1FB30]  }
0x103: {  	v2 =	vadd.f32 v2, v7;
	v9 =	vadd.f32 v13, v9;
	v1 =	vmul.f32 v55, v28;
	v55 =	vld [tilespmem:$0x10AF0]  }
0x104: {  	[tilespmem:$0x1FE40] =	vst v49;
	v49 =	vld [tilespmem:$0x1FC90]  }
0x105: {  	v2 =	vadd.f32 v2, v3;
	v13 =	vadd.f32 v10, v9;
	v3 =	vmul.f32 v60, v26;
	v60 =	vld [tilespmem:$0x10E80]  }
0x106: {  	[tilespmem:$0x1FBD0] =	vst v62;
	v62 =	vld [tilespmem:$0x108F0]  }
0x107: {  	v44 =	vadd.f32 v13, v12;
	v12 =	vld [tilespmem:$0x1FB70]  }
0x108: {  	v13 =	vld [tilespmem:$0x1FB80]  }
0x109: {  	v2 =	vadd.f32 v44, v2;
	v44 =	vld [tilespmem:$0x1FB90]  }
0x10a: {  	v4 =	vmul.f32 v45, v31;
	v45 =	vld [tilespmem:$0x1FBA0]  }
0x10b: {  	[tilespmem:$0x1FBE0] =	vst v62;
	v62 =	vld [tilespmem:$0x10500]  }
0x10c: {  	[tilespmem:$0x1FEA0] =	vst v0;
	v0 =	vmul.f32 v51, v29;
	v9 =	vld [tilespmem:$0x1FB50]  }
0x10d: {  	[tilespmem:$0x1FEB0] =	vst v2;
	v2 =	vmul.f32 v59, v27;
	v10 =	vld [tilespmem:$0x1FB60]  }
0x10e: {  	v0 =	vadd.f32 v1, v0;
	[tilespmem:$0x1FE00] =	vst v60;
	v60 =	vld [tilespmem:$0x1FC50];
	v1 =	vmul.f32 v12, v22;
	v7 =	vmul.f32 v13, v23  }
0x10f: {  	v2 =	vadd.f32 v3, v2;
	v12 =	vld [tilespmem:$0x10EB0];
	v3 =	vmul.f32 v44, v20;
	v8 =	vmul.f32 v45, v21  }
0x110: {  	[tilespmem:$0x1FBF0] =	vst v62;
	v62 =	vld [tilespmem:$0x10510]  }
0x111: {  	[tilespmem:$0x1FD90] =	vst v50;
	v1 =	vadd.f32 v7, v1;
	v50 =	vld [tilespmem:$0x1FBB0];
	v3 =	vadd.f32 v8, v3  }
0x112: {  	v51 =	vld [tilespmem:$0x1FBC0]  }
0x113: {  	[tilespmem:$0x1FDD0] =	vst v14;
	v14 =	vadd.f32 v3, v1;
	v3 =	vmul.f32 v49, v21;
	v49 =	vld [tilespmem:$0x10B10]  }
0x114: {  	[tilespmem:$0x1FDA0] =	vst v56;
	v56 =	vld [tilespmem:$0x1FBD0]  }
0x115: {  	[tilespmem:$0x1FC00] =	vst v62;
	v62 =	vld [tilespmem:$0x10520]  }
0x116: {  	v4 =	vadd.f32 v5, v4;
	v5 =	vmul.f32 v9, v25;
	v59 =	vld [tilespmem:$0x1FBE0]  }
0x117: {  	v6 =	vmul.f32 v10, v24;
	v9 =	vmul.f32 v51, v19;
	v51 =	vld [tilespmem:$0x1FC40]  }
0x118: {  	v8 =	vmul.f32 v41, v24;
	v41 =	vld [tilespmem:$0x10F50]  }
0x119: {  	v5 =	vadd.f32 v6, v5;
	v6 =	vmul.f32 v50, v18;
	[tilespmem:$0x1FE70] =	vst v49;
	v49 =	vld [tilespmem:$0x10F20]  }
0x11a: {  	[tilespmem:$0x1FC10] =	vst v62;
	v62 =	vld [tilespmem:$0x10530]  }
0x11b: {  	v6 =	vadd.f32 v9, v6;
	v9 =	vld [tilespmem:$0x10EA0];
	v7 =	vmul.f32 v56, v17;
	v10 =	vmul.f32 v59, v16  }
0x11c: {  	[tilespmem:$0x1FDF0] =	vst v55;
	v55 =	vmul.f32 v51, v25;
	v51 =	vmul.f32 v53, v18;
	v53 =	vld [tilespmem:$0x10F00]  }
0x11d: {  	v7 =	vadd.f32 v10, v7;
	v10 =	vld [tilespmem:$0x1FBF0]  }
0x11e: {  	[tilespmem:$0x1FDC0] =	vst v11;
	v11 =	vld [tilespmem:$0x1FC00]  }
0x11f: {  	[tilespmem:$0x1FC20] =	vst v62;
	v62 =	vld [tilespmem:$0x10540]  }
0x120: {  	v13 =	vld [tilespmem:$0x1FC10]  }
0x121: {  	v44 =	vld [tilespmem:$0x1FC20]  }
0x122: {  	v59 =	vld [tilespmem:$0x10EF0]  }
0x123: {  	v0 =	vadd.f32 v0, v4;
	v4 =	vmul.f32 v10, v31;
	v10 =	vld [tilespmem:$0x1FC60]  }
0x124: {  	[tilespmem:$0x1FC30] =	vst v62;
	v62 =	vld [tilespmem:$0x10550]  }
0x125: {  	v2 =	vadd.f32 v5, v2;
	v5 =	vmul.f32 v11, v30;
	v50 =	vld [tilespmem:$0x1FC30]  }
0x126: {  	v1 =	vmul.f32 v13, v29;
	v45 =	vmul.f32 v44, v28;
	v44 =	vld [tilespmem:$0x1FC70]  }
0x127: {  	[tilespmem:$0x1FE30] =	vst v12;
	v12 =	vadd.f32 v7, v6;
	v6 =	vld [tilespmem:$0x10EE0]  }
0x128: {  	v11 =	vadd.f32 v5, v4;
	v5 =	vmul.f32 v10, v22;
	v10 =	vadd.f32 v45, v1;
	v45 =	vld [tilespmem:$0x1FC80]  }
0x129: {  	v7 =	vmul.f32 v62, v26;
	v62 =	vmul.f32 v60, v24;
	v60 =	vld [tilespmem:$0x10B40]  }
0x12a: {  	v56 =	vmul.f32 v50, v27;
	v50 =	vld [tilespmem:$0x10B00]  }
0x12b: {  	v4 =	vmul.f32 v44, v23;
	v44 =	vld [tilespmem:$0x1FCA0]  }
0x12c: {  	v13 =	vadd.f32 v2, v0;
	v2 =	vadd.f32 v62, v55;
	v62 =	vld [tilespmem:$0x10B20]  }
0x12d: {  	v36 =	vmul.f32 v36, v29;
	[tilespmem:$0x1FE20] =	vst v9;
	v55 =	vld [tilespmem:$0x10B50]  }
0x12e: {  	v37 =	vmul.f32 v37, v28;
	[tilespmem:$0x1FE50] =	vst v6;
	v6 =	vmul.f32 v45, v20;
	v9 =	vadd.f32 v7, v56;
	v56 =	vld [tilespmem:$0x10B60]  }
0x12f: {  	v7 =	vmul.f32 v35, v31;
	v35 =	vmul.f32 v34, v30;
	v34 =	vld [tilespmem:$0x1FCB0]  }
0x130: {  	v4 =	vadd.f32 v4, v5;
	v5 =	vld [tilespmem:$0x1FCD0];
	v3 =	vadd.f32 v3, v6  }
0x131: {  	v6 =	vadd.f32 v12, v14;
	v12 =	vadd.f32 v37, v36;
	v36 =	vmul.f32 v43, v31;
	v43 =	vld [tilespmem:$0x10BD0]  }
0x132: {  	v2 =	vadd.f32 v2, v9;
	v9 =	vadd.f32 v35, v7;
	v7 =	vmul.f32 v40, v25;
	v40 =	vld [tilespmem:$0x10BE0]  }
0x133: {  	v37 =	vmul.f32 v33, v30;
	v33 =	vmul.f32 v15, v28;
	v15 =	vld [tilespmem:$0x10FE0]  }
0x134: {  	[tilespmem:$0x1FE60] =	vst v50;
	v50 =	vmul.f32 v57, v17;
	v57 =	vld [tilespmem:$0x10B30]  }
0x135: {  	v45 =	vmul.f32 v44, v19;
	v44 =	vld [tilespmem:$0x10F40]  }
0x136: {  	v9 =	vadd.f32 v12, v9;
	v12 =	vadd.f32 v37, v36;
	v37 =	vld [tilespmem:$0x10F80]  }
0x137: {  	v54 =	vmul.f32 v54, v16;
	v36 =	vld [tilespmem:$0x1FD70]  }
0x138: {  	v3 =	vadd.f32 v3, v4;
	v4 =	vadd.f32 v8, v7;
	v8 =	vld [tilespmem:$0x1FDB0]  }
0x139: {  	v0 =	vadd.f32 v54, v50;
	v54 =	vld [tilespmem:$0x10B70]  }
0x13a: {  	v50 =	vld [tilespmem:$0x10F10]  }
0x13b: {  	v1 =	vadd.f32 v45, v51;
	v45 =	vld [tilespmem:$0x10F30]  }
0x13c: {  	v51 =	vadd.f32 v10, v11;
	v35 =	vmul.f32 v34, v22;
	v34 =	vmul.f32 v48, v17;
	v48 =	vld [tilespmem:$0x10BA0]  }
0x13d: {  	v38 =	vmul.f32 v38, v27;
	v11 =	vmul.f32 v46, v19;
	v46 =	vld [tilespmem:$0x10BC0];
	v0 =	vadd.f32 v0, v1  }
0x13e: {  	v2 =	vadd.f32 v2, v51;
	v1 =	vadd.f32 v6, v13;
	v6 =	vmul.f32 v39, v26;
	v51 =	vld [tilespmem:$0x1FCC0]  }
0x13f: {  	v39 =	vld [tilespmem:$0x10F60]  }
0x140: {  	v13 =	vadd.f32 v6, v38;
	v6 =	vld [tilespmem:$0x1FCE0]  }
0x141: {  	v0 =	vadd.f32 v0, v3;
	v38 =	vmul.f32 v47, v29;
	v47 =	vld [tilespmem:$0x10BB0]  }
0x142: {  	v4 =	vadd.f32 v4, v13;
	v13 =	vld [tilespmem:$0x1FD20]  }
0x143: {  	v0 =	vadd.f32 v0, v2;
	v2 =	vmul.f32 v5, v21;
	v5 =	vadd.f32 v33, v38;
	v33 =	vld [tilespmem:$0x1FD40]  }
0x144: {  	v49 =	vmul.f32 v49, v20;
	v45 =	vmul.f32 v45, v21;
	v38 =	vld [tilespmem:$0x10BF0]  }
0x145: {  	v52 =	vmul.f32 v52, v20;
	[tilespmem:$0x1FEC0] =	vst v1;
	v1 =	vmul.f32 v51, v23;
	v51 =	vld [tilespmem:$0x10B90]  }
0x146: {  	v45 =	vadd.f32 v45, v49;
	v49 =	vld [tilespmem:$0x10C90]  }
0x147: {  	v53 =	vmul.f32 v53, v22;
	v50 =	vmul.f32 v50, v23;
	v2 =	vadd.f32 v2, v52;
	v52 =	vld [tilespmem:$0x10B80]  }
0x148: {  	v4 =	vadd.f32 v4, v9;
	v9 =	vld [tilespmem:$0x1FD00]  }
0x149: {  	v50 =	vadd.f32 v50, v53;
	v5 =	vadd.f32 v5, v12;
	v12 =	vld [tilespmem:$0x10FF0]  }
0x14a: {  	v1 =	vadd.f32 v1, v35;
	v35 =	vmul.f32 v42, v16;
	v42 =	vld [tilespmem:$0x10F70]  }
0x14b: {  	v7 =	vmul.f32 v6, v18;
	v50 =	vadd.f32 v45, v50;
	v45 =	vld [tilespmem:$0x11090]  }
0x14c: {  	v41 =	vmul.f32 v41, v19;
	v3 =	vadd.f32 v35, v34;
	v34 =	vld [tilespmem:$0x1FCF0]  }
0x14d: {  	v40 =	vmul.f32 v40, v25;
	v44 =	vmul.f32 v44, v18;
	v10 =	vadd.f32 v11, v7;
	v11 =	vld [tilespmem:$0x1FD10]  }
0x14e: {  	v35 =	vmul.f32 v32, v26;
	v32 =	vld [tilespmem:$0x1FD30];
	v14 =	vmul.f32 v33, v20  }
0x14f: {  	v33 =	vld [tilespmem:$0x10FC0];
	v38 =	vmul.f32 v38, v24;
	v53 =	vmul.f32 v51, v30  }
0x150: {  	v51 =	vmul.f32 v46, v27;
	v46 =	vld [tilespmem:$0x11080];
	v52 =	vmul.f32 v52, v31  }
0x151: {  	v15 =	vmul.f32 v15, v17;
	v38 =	vadd.f32 v38, v40;
	v40 =	vld [tilespmem:$0x110C0];
	v12 =	vmul.f32 v12, v16  }
0x152: {  	v41 =	vadd.f32 v41, v44;
	v44 =	vadd.f32 v53, v52;
	v52 =	vmul.f32 v37, v22;
	v37 =	vld [tilespmem:$0x110A0]  }
0x153: {  	v39 =	vmul.f32 v39, v17;
	v12 =	vadd.f32 v12, v15;
	v15 =	vld [tilespmem:$0x110F0]  }
0x154: {  	v6 =	vadd.f32 v3, v10;
	v42 =	vmul.f32 v42, v16;
	v10 =	vmul.f32 v34, v27;
	v34 =	vld [tilespmem:$0x1FD50]  }
0x155: {  	v7 =	vadd.f32 v2, v1;
	v2 =	vmul.f32 v32, v23;
	v32 =	vld [tilespmem:$0x10FD0]  }
0x156: {  	v9 =	vmul.f32 v9, v25;
	v1 =	vmul.f32 v11, v24;
	v39 =	vadd.f32 v42, v39;
	v42 =	vld [tilespmem:$0x10CA0]  }
0x157: {  	v11 =	vadd.f32 v6, v7;
	v3 =	vadd.f32 v35, v10;
	v35 =	vld [tilespmem:$0x1FD60]  }
0x158: {  	v13 =	vmul.f32 v13, v22;
	v1 =	vadd.f32 v1, v9;
	v9 =	vmul.f32 v36, v17;
	v36 =	vld [tilespmem:$0x10FA0]  }
0x159: {  	v4 =	vadd.f32 v11, v4;
	v11 =	vld [tilespmem:$0x1FDD0]  }
0x15a: {  	v45 =	vmul.f32 v45, v23;
	v46 =	vmul.f32 v46, v22;
	v2 =	vadd.f32 v2, v13;
	v13 =	vld [tilespmem:$0x1FDE0]  }
0x15b: {  	v58 =	vmul.f32 v58, v16;
	v39 =	vadd.f32 v39, v41;
	v41 =	vld [tilespmem:$0x10CC0]  }
0x15c: {  	v45 =	vadd.f32 v45, v46;
	v46 =	vld [tilespmem:$0x10DC0]  }
0x15d: {  	v9 =	vadd.f32 v58, v9;
	v58 =	vld [tilespmem:$0x1FD80]  }
0x15e: {  	v1 =	vadd.f32 v1, v3;
	v39 =	vadd.f32 v39, v50;
	v50 =	vld [tilespmem:$0x10CE0]  }
0x15f: {  	[tilespmem:$0x1FED0] =	vst v0;
	v0 =	vmul.f32 v34, v21;
	v34 =	vld [tilespmem:$0x10FB0]  }
0x160: {  	v33 =	vmul.f32 v33, v18;
	v1 =	vadd.f32 v1, v5;
	v5 =	vld [tilespmem:$0x1FDA0]  }
0x161: {  	v32 =	vmul.f32 v32, v19;
	v10 =	vmul.f32 v35, v18;
	v35 =	vld [tilespmem:$0x10F90]  }
0x162: {  	v61 =	vmul.f32 v61, v19;
	v0 =	vadd.f32 v0, v14;
	v14 =	vld [tilespmem:$0x10C10]  }
0x163: {  	v32 =	vadd.f32 v32, v33;
	v33 =	vld [tilespmem:$0x110E0]  }
0x164: {  	v10 =	vadd.f32 v61, v10;
	v61 =	vld [tilespmem:$0x1FD90]  }
0x165: {  	v36 =	vmul.f32 v36, v20;
	v0 =	vadd.f32 v0, v2;
	v12 =	vadd.f32 v12, v32;
	v32 =	vld [tilespmem:$0x10D20]  }
0x166: {  	[tilespmem:$0x1FEE0] =	vst v4;
	v34 =	vmul.f32 v34, v21;
	v10 =	vadd.f32 v9, v10;
	v4 =	vmul.f32 v5, v29;
	v5 =	vld [tilespmem:$0x1FDF0]  }
0x167: {  	v9 =	vmul.f32 v8, v28;
	v8 =	vld [tilespmem:$0x1FE00]  }
0x168: {  	v34 =	vadd.f32 v34, v36;
	v36 =	vld [tilespmem:$0x10D30];
	v0 =	vadd.f32 v10, v0  }
0x169: {  	v10 =	vld [tilespmem:$0x1FDC0]  }
0x16a: {  	v7 =	vmul.f32 v61, v30;
	v61 =	vld [tilespmem:$0x10C00];
	v0 =	vadd.f32 v0, v1  }
0x16b: {  	v1 =	vmul.f32 v11, v26;
	v11 =	vld [tilespmem:$0x10C30]  }
0x16c: {  	v6 =	vmul.f32 v58, v31;
	[tilespmem:$0x1FEF0] =	vst v0;
	v0 =	vmul.f32 v5, v24;
	v5 =	vadd.f32 v9, v4;
	v9 =	vld [tilespmem:$0x1FE10]  }
0x16d: {  	v58 =	vmul.f32 v8, v22;
	v8 =	vld [tilespmem:$0x1FE30]  }
0x16e: {  	v6 =	vadd.f32 v7, v6;
	v3 =	vmul.f32 v10, v27;
	v10 =	vld [tilespmem:$0x1FE20]  }
0x16f: {  	v7 =	vmul.f32 v13, v25;
	v13 =	vld [tilespmem:$0x10C20]  }
0x170: {  	v32 =	vmul.f32 v32, v29;
	v36 =	vmul.f32 v36, v28;
	v5 =	vadd.f32 v5, v6;
	v6 =	vld [tilespmem:$0x11000]  }
0x171: {  	v2 =	vmul.f32 v9, v23;
	v9 =	vld [tilespmem:$0x1FE40]  }
0x172: {  	v32 =	vadd.f32 v36, v32;
	v36 =	vld [tilespmem:$0x111C0]  }
0x173: {  	v4 =	vadd.f32 v1, v3;
	v1 =	vmul.f32 v8, v21;
	v8 =	vld [tilespmem:$0x10C60];
	v3 =	vmul.f32 v10, v20  }
0x174: {  	v2 =	vadd.f32 v2, v58;
	v58 =	vld [tilespmem:$0x1FE50]  }
0x175: {  	v10 =	vld [tilespmem:$0x10C40];
	v1 =	vadd.f32 v1, v3  }
0x176: {  	v63 =	vmul.f32 v63, v19;
	v0 =	vadd.f32 v0, v7;
	v7 =	vmul.f32 v9, v18;
	v9 =	vld [tilespmem:$0x10C50]  }
0x177: {  	v1 =	vadd.f32 v1, v2;
	v2 =	vmul.f32 v62, v29;
	v62 =	vld [tilespmem:$0x11020]  }
0x178: {  	v59 =	vmul.f32 v59, v16;
	v57 =	vmul.f32 v57, v28;
	v3 =	vadd.f32 v63, v7;
	v7 =	vld [tilespmem:$0x10C70]  }
0x179: {  	v54 =	vmul.f32 v54, v24;
	v0 =	vadd.f32 v0, v4;
	v58 =	vmul.f32 v58, v17;
	v63 =	vld [tilespmem:$0x1FE70]  }
0x17a: {  	v11 =	vmul.f32 v11, v28;
	v13 =	vmul.f32 v13, v29;
	v2 =	vadd.f32 v57, v2;
	v57 =	vld [tilespmem:$0x11060]  }
0x17b: {  	v0 =	vadd.f32 v0, v5;
	v5 =	vmul.f32 v56, v25;
	v58 =	vadd.f32 v59, v58;
	v59 =	vld [tilespmem:$0x1FE60]  }
0x17c: {  	v55 =	vmul.f32 v55, v26;
	v11 =	vadd.f32 v11, v13;
	v56 =	vld [tilespmem:$0x11040];
	v8 =	vmul.f32 v8, v25  }
0x17d: {  	v5 =	vadd.f32 v54, v5;
	v54 =	vld [tilespmem:$0x10C80];
	v10 =	vmul.f32 v10, v27;
	v9 =	vmul.f32 v9, v26  }
0x17e: {  	v13 =	vmul.f32 v62, v20;
	v3 =	vadd.f32 v58, v3;
	v58 =	vmul.f32 v60, v27;
	v60 =	vld [tilespmem:$0x11030]  }
0x17f: {  	v7 =	vmul.f32 v7, v24;
	v62 =	vmul.f32 v57, v17;
	v57 =	vld [tilespmem:$0x10D80]  }
0x180: {  	v55 =	vadd.f32 v55, v58;
	v58 =	vld [tilespmem:$0x11070];
	v4 =	vmul.f32 v59, v31;
	v59 =	vmul.f32 v63, v30  }
0x181: {  	v9 =	vadd.f32 v9, v10;
	v63 =	vld [tilespmem:$0x11010];
	v7 =	vadd.f32 v7, v8  }
0x182: {  	v55 =	vadd.f32 v5, v55;
	v5 =	vld [tilespmem:$0x10CB0];
	v4 =	vadd.f32 v59, v4  }
0x183: {  	v59 =	vld [tilespmem:$0x11050]  }
0x184: {  	v7 =	vadd.f32 v7, v9;
	v9 =	vld [tilespmem:$0x11120];
	v2 =	vadd.f32 v2, v4  }
0x185: {  	v43 =	vmul.f32 v43, v26;
	v35 =	vmul.f32 v35, v23;
	v1 =	vadd.f32 v3, v1;
	v4 =	vld [tilespmem:$0x10CD0]  }
0x186: {  	v3 =	vadd.f32 v55, v2;
	v55 =	vmul.f32 v48, v29;
	v48 =	vmul.f32 v47, v28;
	v47 =	vld [tilespmem:$0x10CF0]  }
0x187: {  	v2 =	vadd.f32 v1, v0;
	v1 =	vadd.f32 v35, v52;
	v35 =	vld [tilespmem:$0x110D0]  }
0x188: {  	v3 =	vadd.f32 v39, v3;
	v39 =	vadd.f32 v43, v51;
	v43 =	vld [tilespmem:$0x110B0]  }
0x189: {  	v1 =	vadd.f32 v34, v1;
	v34 =	vld [tilespmem:$0x10D10]  }
0x18a: {  	v51 =	vld [tilespmem:$0x10D50]  }
0x18b: {  	v0 =	vadd.f32 v48, v55;
	v48 =	vmul.f32 v60, v21;
	v60 =	vmul.f32 v56, v18;
	v56 =	vld [tilespmem:$0x10D70]  }
0x18c: {  	v53 =	vadd.f32 v38, v39;
	v39 =	vld [tilespmem:$0x10D00]  }
0x18d: {  	v55 =	vmul.f32 v61, v31;
	v61 =	vmul.f32 v59, v19;
	v0 =	vadd.f32 v0, v44;
	v44 =	vld [tilespmem:$0x10D40]  }
0x18e: {  	v14 =	vmul.f32 v14, v30;
	v13 =	vadd.f32 v48, v13;
	v48 =	vld [tilespmem:$0x11110]  }
0x18f: {  	v52 =	vmul.f32 v41, v27;
	v10 =	vadd.f32 v61, v60;
	v60 =	vmul.f32 v54, v31;
	v54 =	vld [tilespmem:$0x11170]  }
0x190: {  	v4 =	vmul.f32 v4, v26;
	v61 =	vmul.f32 v49, v30;
	v49 =	vld [tilespmem:$0x111A0]  }
0x191: {  	v14 =	vadd.f32 v14, v55;
	v55 =	vmul.f32 v50, v25;
	v50 =	vld [tilespmem:$0x10E70]  }
0x192: {  	v6 =	vmul.f32 v6, v22;
	v38 =	vmul.f32 v63, v23;
	v4 =	vadd.f32 v4, v52;
	v52 =	vld [tilespmem:$0x1FE90]  }
0x193: {  	v63 =	vmul.f32 v58, v16;
	v0 =	vadd.f32 v53, v0;
	v53 =	vld [tilespmem:$0x10D60]  }
0x194: {  	v6 =	vadd.f32 v38, v6;
	v38 =	vld [tilespmem:$0x11100]  }
0x195: {  	v47 =	vmul.f32 v47, v24;
	v8 =	vadd.f32 v63, v62;
	v63 =	vld [tilespmem:$0x11160]  }
0x196: {  	v40 =	vmul.f32 v40, v18;
	v35 =	vmul.f32 v35, v19;
	v11 =	vadd.f32 v11, v14;
	v14 =	vld [tilespmem:$0x10D90]  }
0x197: {  	v41 =	vadd.f32 v47, v55;
	v47 =	vld [tilespmem:$0x10DB0]  }
0x198: {  	v35 =	vadd.f32 v35, v40;
	v40 =	vld [tilespmem:$0x10DD0]  }
0x199: {  	v55 =	vld [tilespmem:$0x1FF00]  }
0x19a: {  	v8 =	vadd.f32 v8, v10;
	v10 =	vld [tilespmem:$0x11130]  }
0x19b: {  	v5 =	vmul.f32 v5, v28;
	v62 =	vmul.f32 v42, v29;
	v7 =	vadd.f32 v7, v11;
	v11 =	vld [tilespmem:$0x11140]  }
0x19c: {  	v6 =	vadd.f32 v13, v6;
	v13 =	vld [tilespmem:$0x11150]  }
0x19d: {  	v5 =	vadd.f32 v5, v62;
	v62 =	vmul.f32 v56, v24;
	v56 =	vld [tilespmem:$0x1FF10]  }
0x19e: {  	v58 =	vmul.f32 v39, v31;
	v39 =	vld [tilespmem:$0x10DF0]  }
0x19f: {  	v37 =	vmul.f32 v37, v20;
	v43 =	vmul.f32 v43, v21;
	v4 =	vadd.f32 v41, v4;
	v41 =	vld [tilespmem:$0x11180]  }
0x1a0: {  	v15 =	vmul.f32 v15, v16;
	v59 =	vmul.f32 v44, v27;
	v44 =	vld [tilespmem:$0x11190]  }
0x1a1: {  	v33 =	vmul.f32 v33, v17;
	v34 =	vmul.f32 v34, v30;
	v37 =	vadd.f32 v43, v37;
	v43 =	vld [tilespmem:$0x111D0]  }
0x1a2: {  	v6 =	vadd.f32 v8, v6;
	v8 =	vadd.f32 v61, v60;
	v60 =	vmul.f32 v51, v26;
	v51 =	vld [tilespmem:$0x1FF50]  }
0x1a3: {  	v15 =	vadd.f32 v15, v33;
	v33 =	vadd.f32 v34, v58;
	v34 =	vld [tilespmem:$0x111B0]  }
0x1a4: {  	v37 =	vadd.f32 v37, v45;
	v45 =	vld [tilespmem:$0x111E0]  }
0x1a5: {  	v42 =	vmul.f32 v63, v17;
	v63 =	vld [tilespmem:$0x1FE80]  }
0x1a6: {  	v1 =	vadd.f32 v12, v1;
	v61 =	vmul.f32 v53, v25;
	v53 =	vld [tilespmem:$0x1FEA0]  }
0x1a7: {  	v58 =	vmul.f32 v14, v30;
	v14 =	vld [tilespmem:$0x10E40]  }
0x1a8: {  	v0 =	vadd.f32 v1, v0;
	v1 =	vadd.f32 v6, v7;
	v6 =	vld [tilespmem:$0x10DA0]  }
0x1a9: {  	v5 =	vadd.f32 v5, v8;
	v8 =	vld [tilespmem:$0x10DE0]  }
0x1aa: {  	v7 =	vmul.f32 v54, v16;
	v54 =	vld [tilespmem:$0x1FEB0]  }
0x1ab: {  	v15 =	vadd.f32 v15, v35;
	v35 =	vadd.f32 v60, v59;
	v59 =	vld [tilespmem:$0x1FF20]  }
0x1ac: {  	v48 =	vmul.f32 v48, v23;
	v38 =	vmul.f32 v38, v22;
	v60 =	vld [tilespmem:$0x1FF30]  }
0x1ad: {  	v32 =	vadd.f32 v32, v33;
	v33 =	vld [tilespmem:$0x10E10]  }
0x1ae: {  	[tilespmem:$0x11B00] =	vst v55;
	v38 =	vadd.f32 v48, v38;
	v48 =	vld [tilespmem:$0x1FF40]  }
0x1af: {  	v9 =	vmul.f32 v9, v20;
	v12 =	vmul.f32 v50, v24;
	[tilespmem:$0x11B10] =	vst v56;
	v56 =	vld [tilespmem:$0x11210]  }
0x1b0: {  	v10 =	vmul.f32 v10, v21;
	v11 =	vmul.f32 v11, v18;
	v15 =	vadd.f32 v15, v37;
	v37 =	vld [tilespmem:$0x11B00]  }
0x1b1: {  	v13 =	vmul.f32 v13, v19;
	v4 =	vadd.f32 v4, v5;
	v39 =	vmul.f32 v39, v24;
	v24 =	vld [tilespmem:$0x11270]  }
0x1b2: {  	v5 =	vadd.f32 v62, v61;
	v9 =	vadd.f32 v10, v9;
	v10 =	vld [tilespmem:$0x111F0]  }
0x1b3: {  	v11 =	vadd.f32 v13, v11;
	v13 =	vld [tilespmem:$0x10E00]  }
0x1b4: {  	v5 =	vadd.f32 v5, v35;
	v35 =	vld [tilespmem:$0x10E50]  }
0x1b5: {  	v7 =	vadd.f32 v7, v42;
	[tilespmem:$0x11C00] =	vst v63;
	v63 =	vld [tilespmem:$0x10E60]  }
0x1b6: {  	v61 =	vmul.f32 v46, v27;
	v14 =	vmul.f32 v14, v27;
	v27 =	vld [tilespmem:$0x1FFB0]  }
0x1b7: {  	v7 =	vadd.f32 v7, v11;
	v11 =	vld [tilespmem:$0x10E20]  }
0x1b8: {  	[tilespmem:$0x11C30] =	vst v54;
	v54 =	vld [tilespmem:$0x1FF60]  }
0x1b9: {  	v36 =	vmul.f32 v36, v18;
	v43 =	vmul.f32 v43, v19;
	[tilespmem:$0x11B20] =	vst v59;
	v59 =	vld [tilespmem:$0x1FF80]  }
0x1ba: {  	v5 =	vadd.f32 v5, v32;
	v32 =	vld [tilespmem:$0x10E30]  }
0x1bb: {  	v36 =	vadd.f32 v43, v36;
	[tilespmem:$0x11B30] =	vst v60;
	v43 =	vld [tilespmem:$0x11B20]  }
0x1bc: {  	[tilespmem:$0x11B50] =	vst v51;
	v4 =	vadd.f32 v15, v4;
	v15 =	vmul.f32 v47, v28;
	v6 =	vmul.f32 v6, v29;
	v46 =	vld [tilespmem:$0x11B30]  }
0x1bd: {  	v57 =	vmul.f32 v57, v31;
	v9 =	vadd.f32 v9, v38;
	[tilespmem:$0x11B40] =	vst v48;
	v48 =	vld [tilespmem:$0x11B50]  }
0x1be: {  	v6 =	vadd.f32 v15, v6;
	v15 =	vld [tilespmem:$0x11200]  }
0x1bf: {  	v7 =	vadd.f32 v7, v9;
	v9 =	vadd.f32 v58, v57;
	v57 =	vld [tilespmem:$0x1FF70]  }
0x1c0: {  	v58 =	vld [tilespmem:$0x11220]  }
0x1c1: {  	v47 =	vld [tilespmem:$0x11B40]  }
0x1c2: {  	v62 =	vmul.f32 v40, v26;
	v13 =	vmul.f32 v13, v31;
	v31 =	vld [tilespmem:$0x11230]  }
0x1c3: {  	v10 =	vmul.f32 v10, v16;
	v16 =	vmul.f32 v24, v16;
	v24 =	vld [tilespmem:$0x10080]  }
0x1c4: {  	[tilespmem:$0x11C10] =	vst v52;
	v55 =	vmul.f32 v49, v20;
	v5 =	vadd.f32 v7, v5;
	v7 =	vadd.f32 v62, v61;
	v61 =	vld [tilespmem:$0x1FF90]  }
0x1c5: {  	v52 =	vmul.f32 v41, v22;
	[tilespmem:$0x11C20] =	vst v53;
	v53 =	vmul.f32 v44, v23;
	v62 =	vld [tilespmem:$0x11240]  }
0x1c6: {  	[tilespmem:$0x11C80] =	vst v2;
	v11 =	vmul.f32 v11, v29;
	v29 =	vld [tilespmem:$0x1FFA0];
	v28 =	vmul.f32 v32, v28  }
0x1c7: {  	[tilespmem:$0x11C90] =	vst v3;
	v32 =	vmul.f32 v15, v22;
	v15 =	vmul.f32 v56, v23;
	v23 =	vld [tilespmem:$0x1FFE0]  }
0x1c8: {  	v34 =	vmul.f32 v34, v21;
	v8 =	vmul.f32 v8, v25;
	[tilespmem:$0x11BB0] =	vst v27;
	v27 =	vld [tilespmem:$0x11260]  }
0x1c9: {  	[tilespmem:$0x11CA0] =	vst v0;
	v60 =	vmul.f32 v45, v17;
	v63 =	vmul.f32 v63, v25;
	v25 =	vld [tilespmem:$0x1FFC0]  }
0x1ca: {  	[tilespmem:$0x11CB0] =	vst v1;
	v40 =	vadd.f32 v53, v52;
	v34 =	vadd.f32 v34, v55;
	v30 =	vmul.f32 v33, v30;
	v55 =	vld [tilespmem:$0x11BB0]  }
0x1cb: {  	v8 =	vadd.f32 v39, v8;
	v6 =	vadd.f32 v6, v9;
	[tilespmem:$0x11BA0] =	vst v29;
	v29 =	vld [tilespmem:$0x11250]  }
0x1cc: {  	v26 =	vmul.f32 v35, v26;
	v10 =	vadd.f32 v10, v60;
	v13 =	vadd.f32 v30, v13;
	[tilespmem:$0x11BE0] =	vst v23;
	v23 =	vld [tilespmem:$0x1FFF0]  }
0x1cd: {  	[tilespmem:$0x11B60] =	vst v54;
	v7 =	vadd.f32 v8, v7;
	v8 =	vadd.f32 v15, v32;
	v15 =	vld [tilespmem:$0x1FEF0]  }
0x1ce: {  	[tilespmem:$0x11B80] =	vst v59;
	v14 =	vadd.f32 v26, v14;
	v9 =	vadd.f32 v12, v63;
	v22 =	vld [tilespmem:$0x1FFD0];
	v20 =	vmul.f32 v58, v20  }
0x1cf: {  	v49 =	vld [tilespmem:$0x11B60];
	[tilespmem:$0x11B70] =	vst v57;
	v10 =	vadd.f32 v10, v36;
	v21 =	vmul.f32 v31, v21;
	v18 =	vmul.f32 v62, v18  }
0x1d0: {  	v52 =	vld [tilespmem:$0x11B80];
	v11 =	vadd.f32 v28, v11;
	[tilespmem:$0x11B90] =	vst v61;
	v17 =	vmul.f32 v27, v17;
	v19 =	vmul.f32 v29, v19  }
0x1d1: {  	v9 =	vadd.f32 v9, v14;
	v35 =	vadd.f32 v21, v20;
	[tilespmem:$0x11BF0] =	vst v23;
	v23 =	vld [tilespmem:$0x1FEC0]  }
0x1d2: {  	v50 =	vld [tilespmem:$0x11B70];
	v16 =	vadd.f32 v16, v17;
	[tilespmem:$0x11C70] =	vst v15;
	v15 =	vadd.f32 v19, v18  }
0x1d3: {  	v36 =	vadd.f32 v11, v13;
	[tilespmem:$0x11BD0] =	vst v22;
	v22 =	vadd.f32 v34, v40;
	v34 =	vld [tilespmem:$0x1FEE0]  }
0x1d4: {  	[tilespmem:$0x11CC0] =	vst v4;
	v53 =	vld [tilespmem:$0x11B90];
	v38 =	vadd.f32 v35, v8;
	v39 =	vadd.f32 v16, v15  }
0x1d5: {  	v41 =	vadd.f32 v7, v6;
	[tilespmem:$0x11BC0] =	vst v25;
	v40 =	vld [tilespmem:$0x11B10];
	v42 =	vadd.f32 v10, v22  }
0x1d6: {  	v44 =	vadd.f32 v9, v36;
	v45 =	vadd.f32 v39, v38;
	[tilespmem:$0x11C40] =	vst v23;
	v23 =	vld [tilespmem:$0x1FED0]  }
0x1d7: {  	[tilespmem:$0x11CD0] =	vst v5;
	v56 =	vld [tilespmem:$0x11BC0];
	v0 =	vadd.f32 v42, v41  }
0x1d8: {  	v54 =	vld [tilespmem:$0x11BA0];
	[tilespmem:$0x11C60] =	vst v34;
	v1 =	vadd.f32 v45, v44  }
0x1d9: {  	v57 =	vld [tilespmem:$0x11BD0];
	[tilespmem:$0x11CE0] =	vst v0  }
0x1da: {  	v58 =	vld [tilespmem:$0x11BE0];
	[tilespmem:$0x11CF0] =	vst v1  }
0x1db: {  	v15 =	vld [tilespmem:$0x11BF0];
	[tilespmem:$0x11C50] =	vst v23  }
0x1dc: {  	v5 =	vld.idx.msk [tilespmem:v37+s15+$0x0], $0xffff  }
0x1dd: {  	v51 =	vld.idx.msk [tilespmem:v40+s15+$0x0], $0xffff  }
0x1de: {  	v7 =	vld.idx.msk [tilespmem:v43+s15+$0x0], $0xffff  }
0x1df: {  	v3 =	vld.idx.msk [tilespmem:v46+s15+$0x0], $0xffff  }
0x1e0: {  	v4 =	vld.idx.msk [tilespmem:v47+s15+$0x0], $0xffff  }
0x1e1: {  	v2 =	vld.idx.msk [tilespmem:v48+s15+$0x0], $0xffff  }
0x1e2: {  	v0 =	vld.idx.msk [tilespmem:v49+s15+$0x0], $0xffff  }
0x1e3: {  	v1 =	vld.idx.msk [tilespmem:v50+s15+$0x0], $0xffff  }
0x1e4: {  	v8 =	vld.idx.msk [tilespmem:v52+s15+$0x0], $0xffff  }
0x1e5: {  	v9 =	vld.idx.msk [tilespmem:v53+s15+$0x0], $0xffff  }
0x1e6: {  	v10 =	vld.idx.msk [tilespmem:v54+s15+$0x0], $0xffff  }
0x1e7: {  	v11 =	vld.idx.msk [tilespmem:v55+s15+$0x0], $0xffff  }
0x1e8: {  	v12 =	vld.idx.msk [tilespmem:v56+s15+$0x0], $0xffff  }
0x1e9: {  	v13 =	vld.idx.msk [tilespmem:v57+s15+$0x0], $0xffff  }
0x1ea: {  	v14 =	vld.idx.msk [tilespmem:v58+s15+$0x0], $0xffff  }
0x1eb: {  	v15 =	vld.idx.msk [tilespmem:v15+s15+$0x0], $0xffff  }
0x1ec: {  	v30 =	vld [tilespmem:$0x100E0]  }
0x1ed: {  	v26 =	vld [tilespmem:$0x100A0];
	v5 =	vadd.f32 v51, v5;
	v3 =	vadd.f32 v3, v7  }
0x1ee: {  	v28 =	vld [tilespmem:$0x100C0];
	v2 =	vadd.f32 v2, v4;
	v0 =	vadd.f32 v1, v0  }
0x1ef: {  	v31 =	vld [tilespmem:$0x100F0];
	v59 =	vadd.f32 v9, v8;
	v60 =	vadd.f32 v11, v10  }
0x1f0: {  	v25 =	vld [tilespmem:$0x10090];
	v61 =	vadd.f32 v13, v12;
	v62 =	vadd.f32 v15, v14  }
0x1f1: {  	v27 =	vld [tilespmem:$0x100B0];
	v3 =	vadd.f32 v3, v5;
	v0 =	vadd.f32 v0, v2  }
0x1f2: {  	v20 =	vld [tilespmem:$0x10040];
	v1 =	vadd.f32 v60, v59;
	v63 =	vadd.f32 v62, v61  }
0x1f3: {  	v29 =	vld [tilespmem:$0x10200]  }
0x1f4: {  	v21 =	vld [tilespmem:$0x10050];
	v0 =	vadd.f32 v0, v3;
	v1 =	vadd.f32 v63, v1  }
0x1f5: {  	v17 =	vld [tilespmem:$0x10010]  }
0x1f6: {  	v22 =	vld [tilespmem:$0x10060];
	v0 =	vadd.f32 v1, v0  }
0x1f7: {  	v18 =	vld [tilespmem:$0x10020]  }
0x1f8: {  	v19 =	vld [tilespmem:$0x10030];
	v0 =	vadd.f32 v0, v29  }
0x1f9: {  	s24 =	simm.s32 $0x11780;
	v16 =	vld [tilespmem:$0x10000]  }
0x1fa: {  	s25 =	simm.s32 $0x11380;
	s26 =	simm.s32 $0x11700;
	s28 =	simm.s32 $0x0;
	v23 =	vld [tilespmem:$0x10070];
	[tilespmem:$0x11280] =	vst v0  }
0x1fb: {  	v29 =	vld [tilespmem:$0x100D0];
	[tilespmem:s16], [sflag:$0x2] =	stream.linear.gather [hbm4b:s7+s2], $0x8000, $0x38  }
.LBB2_2:
0x1fc: {  	_ =	swait.ge [sflag:s17], $0x8000  }
0x1fd: {  	[sflag:s17] =	ssyncset.done $0x0  }
0x1fe: {  	s29 =	simm.s32 $0x0;
	s30 =	simm.s32 $0x0;
	[sflag:s17] =	ssyncadd.s32 $0xFFFF8000  }
.LBB2_3:
0x1ff: {  	s0 =	sshll.u32 s30, $0xB  }
0x200: {  	s3 =	sand.u32 $0x3FFFF800, s0  }
0x201: {  	v0 =	vld [tilespmem:s3+$0x0]  }
0x202: {  	v1 =	vld [tilespmem:s3+$0x10]  }
0x203: {  	v2 =	vld [tilespmem:s3+$0x20]  }
0x204: {  	v3 =	vld [tilespmem:s3+$0x30]  }
0x205: {  	v4 =	vld [tilespmem:s3+$0x40]  }
0x206: {  	v5 =	vld [tilespmem:s3+$0x50]  }
0x207: {  	v6 =	vld [tilespmem:s3+$0x60]  }
0x208: {  	v7 =	vld [tilespmem:s3+$0x70]  }
0x209: {  	v8 =	vld [tilespmem:s3+$0x400]  }
0x20a: {  	v9 =	vld [tilespmem:s3+$0x410]  }
0x20b: {  	v10 =	vld [tilespmem:s3+$0x420]  }
0x20c: {  	v11 =	vld [tilespmem:s3+$0x430]  }
0x20d: {  	v12 =	vld [tilespmem:s3+$0x440];
	v0 =	vmul.f32 v0, v16;
	v1 =	vmul.f32 v1, v17  }
0x20e: {  	v13 =	vld [tilespmem:s3+$0x450];
	v2 =	vmul.f32 v2, v18;
	v3 =	vmul.f32 v3, v19  }
0x20f: {  	v14 =	vld [tilespmem:s3+$0x460];
	v4 =	vmul.f32 v4, v20;
	v5 =	vmul.f32 v5, v21  }
0x210: {  	v15 =	vld [tilespmem:s3+$0x470];
	v6 =	vmul.f32 v6, v22;
	v7 =	vmul.f32 v7, v23  }
0x211: {  	v8 =	vmul.f32 v8, v24;
	v9 =	vmul.f32 v9, v25  }
0x212: {  	v10 =	vmul.f32 v10, v26;
	v11 =	vmul.f32 v11, v27  }
0x213: {  	v12 =	vmul.f32 v12, v28;
	v13 =	vmul.f32 v13, v29  }
0x214: {  	v14 =	vmul.f32 v14, v30;
	v0 =	vadd.f32 v1, v0;
	v52 =	vadd.f32 v3, v2  }
0x215: {  	v53 =	vmul.f32 v15, v31;
	v54 =	vadd.f32 v5, v4;
	v55 =	vadd.f32 v7, v6  }
0x216: {  	v56 =	vadd.f32 v9, v8;
	v57 =	vadd.f32 v11, v10  }
0x217: {  	v58 =	vadd.f32 v13, v12;
	v2 =	vadd.f32 v53, v14  }
0x218: {  	v0 =	vadd.f32 v52, v0;
	v59 =	vadd.f32 v55, v54  }
0x219: {  	v60 =	vadd.f32 v57, v56;
	v2 =	vadd.f32 v2, v58;
	_ =	sdelay $0x1  }
0x21a: {  	v0 =	vadd.f32 v59, v0;
	v61 =	vadd.f32 v2, v60;
	_ =	sdelay $0x1  }
0x21b: {  	s1 =	sshll.u32 s30, $0x7;
	v0 =	vadd.f32 v61, v0  }
0x21c: {  	s31 =	sand.u32 $0x3FFFFF80, s1  }
0x21d: {  	[tilespmem:s31+$0x11C00] =	vst v0  }
0x21e: {  	v0 =	vld [tilespmem:s3+$0x80]  }
0x21f: {  	v62 =	vld [tilespmem:s3+$0x90]  }
0x220: {  	v63 =	vld [tilespmem:s3+$0xA0]  }
0x221: {  	v32 =	vld [tilespmem:s3+$0xB0]  }
0x222: {  	v33 =	vld [tilespmem:s3+$0xC0]  }
0x223: {  	v34 =	vld [tilespmem:s3+$0xD0]  }
0x224: {  	v35 =	vld [tilespmem:s3+$0xE0]  }
0x225: {  	v36 =	vld [tilespmem:s3+$0xF0]  }
0x226: {  	v37 =	vld [tilespmem:s3+$0x480]  }
0x227: {  	v38 =	vld [tilespmem:s3+$0x490]  }
0x228: {  	v39 =	vld [tilespmem:s3+$0x4A0]  }
0x229: {  	v40 =	vld [tilespmem:s3+$0x4B0]  }
0x22a: {  	v41 =	vld [tilespmem:s3+$0x4C0];
	v0 =	vmul.f32 v0, v16;
	v1 =	vmul.f32 v62, v17  }
0x22b: {  	v42 =	vld [tilespmem:s3+$0x4D0];
	v2 =	vmul.f32 v63, v18;
	v3 =	vmul.f32 v32, v19  }
0x22c: {  	v43 =	vld [tilespmem:s3+$0x4E0];
	v4 =	vmul.f32 v33, v20;
	v5 =	vmul.f32 v34, v21  }
0x22d: {  	v15 =	vld [tilespmem:s3+$0x4F0];
	v6 =	vmul.f32 v35, v22;
	v7 =	vmul.f32 v36, v23  }
0x22e: {  	v8 =	vmul.f32 v37, v24;
	v9 =	vmul.f32 v38, v25  }
0x22f: {  	v10 =	vmul.f32 v39, v26;
	v11 =	vmul.f32 v40, v27  }
0x230: {  	v12 =	vmul.f32 v41, v28;
	v13 =	vmul.f32 v42, v29  }
0x231: {  	v14 =	vmul.f32 v43, v30;
	v0 =	vadd.f32 v1, v0;
	v44 =	vadd.f32 v3, v2  }
0x232: {  	v45 =	vmul.f32 v15, v31;
	v46 =	vadd.f32 v5, v4;
	v47 =	vadd.f32 v7, v6  }
0x233: {  	v48 =	vadd.f32 v9, v8;
	v49 =	vadd.f32 v11, v10  }
0x234: {  	v50 =	vadd.f32 v13, v12;
	v2 =	vadd.f32 v45, v14  }
0x235: {  	v0 =	vadd.f32 v44, v0;
	v51 =	vadd.f32 v47, v46  }
0x236: {  	v52 =	vadd.f32 v49, v48;
	v2 =	vadd.f32 v2, v50;
	_ =	sdelay $0x1  }
0x237: {  	v0 =	vadd.f32 v51, v0;
	v53 =	vadd.f32 v2, v52;
	_ =	sdelay $0x1  }
0x238: {  	v0 =	vadd.f32 v53, v0;
	_ =	sdelay $0x1  }
0x239: {  	[tilespmem:s31+$0x11C10] =	vst v0  }
0x23a: {  	v0 =	vld [tilespmem:s3+$0x100]  }
0x23b: {  	v54 =	vld [tilespmem:s3+$0x110]  }
0x23c: {  	v55 =	vld [tilespmem:s3+$0x120]  }
0x23d: {  	v56 =	vld [tilespmem:s3+$0x130]  }
0x23e: {  	v57 =	vld [tilespmem:s3+$0x140]  }
0x23f: {  	v58 =	vld [tilespmem:s3+$0x150]  }
0x240: {  	v59 =	vld [tilespmem:s3+$0x160]  }
0x241: {  	v60 =	vld [tilespmem:s3+$0x170]  }
0x242: {  	v61 =	vld [tilespmem:s3+$0x500]  }
0x243: {  	v62 =	vld [tilespmem:s3+$0x510]  }
0x244: {  	v63 =	vld [tilespmem:s3+$0x520]  }
0x245: {  	v32 =	vld [tilespmem:s3+$0x530]  }
0x246: {  	v33 =	vld [tilespmem:s3+$0x540];
	v0 =	vmul.f32 v0, v16;
	v1 =	vmul.f32 v54, v17  }
0x247: {  	v34 =	vld [tilespmem:s3+$0x550];
	v2 =	vmul.f32 v55, v18;
	v3 =	vmul.f32 v56, v19  }
0x248: {  	v35 =	vld [tilespmem:s3+$0x560];
	v4 =	vmul.f32 v57, v20;
	v5 =	vmul.f32 v58, v21  }
0x249: {  	v15 =	vld [tilespmem:s3+$0x570];
	v6 =	vmul.f32 v59, v22;
	v7 =	vmul.f32 v60, v23  }
0x24a: {  	v8 =	vmul.f32 v61, v24;
	v9 =	vmul.f32 v62, v25  }
0x24b: {  	v10 =	vmul.f32 v63, v26;
	v11 =	vmul.f32 v32, v27  }
0x24c: {  	v12 =	vmul.f32 v33, v28;
	v13 =	vmul.f32 v34, v29  }
0x24d: {  	v14 =	vmul.f32 v35, v30;
	v0 =	vadd.f32 v1, v0;
	v36 =	vadd.f32 v3, v2  }
0x24e: {  	v37 =	vmul.f32 v15, v31;
	v38 =	vadd.f32 v5, v4;
	v39 =	vadd.f32 v7, v6  }
0x24f: {  	v40 =	vadd.f32 v9, v8;
	v41 =	vadd.f32 v11, v10  }
0x250: {  	v42 =	vadd.f32 v13, v12;
	v2 =	vadd.f32 v37, v14  }
0x251: {  	v0 =	vadd.f32 v36, v0;
	v43 =	vadd.f32 v39, v38  }
0x252: {  	v44 =	vadd.f32 v41, v40;
	v2 =	vadd.f32 v2, v42;
	_ =	sdelay $0x1  }
0x253: {  	v0 =	vadd.f32 v43, v0;
	v45 =	vadd.f32 v2, v44  }
0x254: {  	s12 =	sor.u32 $0x1, s30  }
0x255: {  	s1 =	sshll.u32 s12, $0xB;
	v0 =	vadd.f32 v45, v0  }
0x256: {  	s1 =	sand.u32 $0x3FFFF800, s1  }
0x257: {  	v32 =	vld [tilespmem:s1+$0x0];
	[tilespmem:s31+$0x11C20] =	vst v0  }
0x258: {  	v0 =	vld [tilespmem:s3+$0x180]  }
0x259: {  	v46 =	vld [tilespmem:s3+$0x190]  }
0x25a: {  	v47 =	vld [tilespmem:s3+$0x1A0]  }
0x25b: {  	v48 =	vld [tilespmem:s3+$0x1B0]  }
0x25c: {  	v49 =	vld [tilespmem:s3+$0x1C0]  }
0x25d: {  	v50 =	vld [tilespmem:s3+$0x1D0]  }
0x25e: {  	v51 =	vld [tilespmem:s3+$0x1E0]  }
0x25f: {  	v52 =	vld [tilespmem:s3+$0x1F0]  }
0x260: {  	v53 =	vld [tilespmem:s3+$0x580]  }
0x261: {  	v54 =	vld [tilespmem:s3+$0x590]  }
0x262: {  	v55 =	vld [tilespmem:s3+$0x5A0]  }
0x263: {  	v56 =	vld [tilespmem:s3+$0x5B0]  }
0x264: {  	v57 =	vld [tilespmem:s3+$0x5C0];
	v0 =	vmul.f32 v0, v16;
	v1 =	vmul.f32 v46, v17  }
0x265: {  	v58 =	vld [tilespmem:s3+$0x5D0];
	v2 =	vmul.f32 v47, v18;
	v3 =	vmul.f32 v48, v19  }
0x266: {  	v59 =	vld [tilespmem:s3+$0x5E0];
	v4 =	vmul.f32 v49, v20;
	v5 =	vmul.f32 v50, v21  }
0x267: {  	v15 =	vld [tilespmem:s3+$0x5F0];
	v6 =	vmul.f32 v51, v22;
	v7 =	vmul.f32 v52, v23  }
0x268: {  	v33 =	vld [tilespmem:s1+$0x10];
	v8 =	vmul.f32 v53, v24;
	v9 =	vmul.f32 v54, v25  }
0x269: {  	v34 =	vld [tilespmem:s1+$0x20];
	v10 =	vmul.f32 v55, v26;
	v11 =	vmul.f32 v56, v27  }
0x26a: {  	v35 =	vld [tilespmem:s1+$0x30];
	v12 =	vmul.f32 v57, v28;
	v13 =	vmul.f32 v58, v29  }
0x26b: {  	v37 =	vld [tilespmem:s1+$0x50];
	v14 =	vmul.f32 v59, v30;
	v0 =	vadd.f32 v1, v0;
	v60 =	vadd.f32 v3, v2  }
0x26c: {  	v36 =	vld [tilespmem:s1+$0x40];
	v61 =	vmul.f32 v15, v31;
	v62 =	vadd.f32 v5, v4;
	v63 =	vadd.f32 v7, v6  }
0x26d: {  	v38 =	vld [tilespmem:s1+$0x60];
	v9 =	vadd.f32 v9, v8;
	v10 =	vadd.f32 v11, v10  }
0x26e: {  	v39 =	vld [tilespmem:s1+$0x70];
	v11 =	vadd.f32 v13, v12;
	v2 =	vadd.f32 v61, v14  }
0x26f: {  	v40 =	vld [tilespmem:s1+$0x400];
	v0 =	vadd.f32 v60, v0;
	v12 =	vadd.f32 v63, v62  }
0x270: {  	v41 =	vld [tilespmem:s1+$0x410];
	v13 =	vadd.f32 v10, v9;
	v2 =	vadd.f32 v2, v11  }
0x271: {  	v42 =	vld [tilespmem:s1+$0x420]  }
0x272: {  	v43 =	vld [tilespmem:s1+$0x430];
	v0 =	vadd.f32 v12, v0;
	v14 =	vadd.f32 v2, v13  }
0x273: {  	v44 =	vld [tilespmem:s1+$0x440]  }
0x274: {  	v45 =	vld [tilespmem:s1+$0x450];
	v1 =	vmul.f32 v32, v16;
	v0 =	vadd.f32 v14, v0  }
0x275: {  	v15 =	vld [tilespmem:s1+$0x460];
	v3 =	vmul.f32 v34, v18;
	v4 =	vmul.f32 v35, v19  }
0x276: {  	v5 =	vmul.f32 v36, v20;
	v6 =	vmul.f32 v37, v21;
	v32 =	vld [tilespmem:s1+$0x470];
	[tilespmem:s31+$0x11C30] =	vst v0  }
0x277: {  	v7 =	vmul.f32 v38, v22;
	v8 =	vmul.f32 v39, v23;
	v0 =	vld [tilespmem:s3+$0x200]  }
0x278: {  	v9 =	vmul.f32 v40, v24;
	v2 =	vmul.f32 v33, v17;
	v33 =	vld [tilespmem:s3+$0x210]  }
0x279: {  	v10 =	vmul.f32 v41, v25;
	v11 =	vmul.f32 v42, v26;
	v34 =	vld [tilespmem:s3+$0x220]  }
0x27a: {  	v46 =	vadd.f32 v4, v3;
	v5 =	vadd.f32 v6, v5;
	v15 =	vmul.f32 v15, v30;
	v35 =	vld [tilespmem:s3+$0x230]  }
0x27b: {  	v49 =	vadd.f32 v8, v7;
	v12 =	vmul.f32 v43, v27;
	v13 =	vmul.f32 v44, v28;
	v36 =	vld [tilespmem:s3+$0x240]  }
0x27c: {  	v51 =	vadd.f32 v10, v9;
	v48 =	vmul.f32 v32, v31;
	v14 =	vmul.f32 v45, v29;
	v47 =	vld [tilespmem:s3+$0x250]  }
0x27d: {  	v1 =	vadd.f32 v2, v1;
	v52 =	vadd.f32 v12, v11;
	v50 =	vld [tilespmem:s3+$0x260]  }
0x27e: {  	v4 =	vadd.f32 v48, v15;
	v54 =	vadd.f32 v14, v13;
	v53 =	vld [tilespmem:s3+$0x270]  }
0x27f: {  	v56 =	vadd.f32 v49, v5;
	v1 =	vadd.f32 v46, v1;
	v55 =	vld [tilespmem:s3+$0x600]  }
0x280: {  	v58 =	vadd.f32 v52, v51;
	v57 =	vld [tilespmem:s3+$0x610];
	v4 =	vadd.f32 v4, v54  }
0x281: {  	v59 =	vld [tilespmem:s3+$0x620]  }
0x282: {  	v60 =	vld [tilespmem:s3+$0x630];
	v1 =	vadd.f32 v56, v1;
	v61 =	vadd.f32 v4, v58  }
0x283: {  	v62 =	vld [tilespmem:s3+$0x640]  }
0x284: {  	s0 =	sshll.u32 s12, $0x7;
	v63 =	vld [tilespmem:s3+$0x650];
	v1 =	vadd.f32 v61, v1  }
0x285: {  	s0 =	sand.u32 $0x3FFFFF80, s0;
	v40 =	vld [tilespmem:s3+$0x660]  }
0x286: {  	v41 =	vld [tilespmem:s3+$0x670];
	[tilespmem:s0+$0x11C00] =	vst v1  }
0x287: {  	v1 =	vld [tilespmem:s1+$0x80]  }
0x288: {  	v42 =	vld [tilespmem:s1+$0x90]  }
0x289: {  	v43 =	vld [tilespmem:s1+$0xA0]  }
0x28a: {  	v0 =	vmul.f32 v0, v16;
	v44 =	vmul.f32 v33, v17;
	v15 =	vld [tilespmem:s1+$0xB0]  }
0x28b: {  	v34 =	vmul.f32 v34, v18;
	v35 =	vmul.f32 v35, v19;
	v45 =	vld [tilespmem:s1+$0xC0]  }
0x28c: {  	v36 =	vmul.f32 v36, v20;
	v3 =	vmul.f32 v47, v21;
	v37 =	vld [tilespmem:s1+$0xD0]  }
0x28d: {  	v7 =	vmul.f32 v50, v22;
	v10 =	vmul.f32 v53, v23;
	v38 =	vld [tilespmem:s1+$0xE0]  }
0x28e: {  	v12 =	vmul.f32 v55, v24;
	v5 =	vmul.f32 v57, v25;
	v46 =	vld [tilespmem:s1+$0xF0]  }
0x28f: {  	v8 =	vmul.f32 v59, v26;
	v9 =	vmul.f32 v60, v27;
	v47 =	vld [tilespmem:s1+$0x480]  }
0x290: {  	v4 =	vmul.f32 v62, v28;
	v6 =	vmul.f32 v63, v29;
	v0 =	vadd.f32 v44, v0;
	v48 =	vld [tilespmem:s1+$0x490]  }
0x291: {  	v2 =	vmul.f32 v40, v30;
	v34 =	vadd.f32 v35, v34;
	v3 =	vadd.f32 v3, v36;
	v49 =	vld [tilespmem:s1+$0x4A0]  }
0x292: {  	v11 =	vmul.f32 v41, v31;
	v7 =	vadd.f32 v10, v7;
	v5 =	vadd.f32 v5, v12;
	v50 =	vld [tilespmem:s1+$0x4B0]  }
0x293: {  	v8 =	vadd.f32 v9, v8;
	v52 =	vld [tilespmem:s1+$0x4C0];
	v1 =	vmul.f32 v1, v16;
	v51 =	vmul.f32 v42, v17  }
0x294: {  	v4 =	vadd.f32 v6, v4;
	v57 =	vld [tilespmem:s1+$0x4E0];
	v53 =	vmul.f32 v43, v18;
	v54 =	vmul.f32 v15, v19  }
0x295: {  	v2 =	vadd.f32 v11, v2;
	v59 =	vld [tilespmem:s1+$0x4F0];
	v55 =	vmul.f32 v45, v20;
	v56 =	vmul.f32 v37, v21  }
0x296: {  	v0 =	vadd.f32 v34, v0;
	v15 =	vld [tilespmem:s1+$0x4D0];
	v58 =	vmul.f32 v38, v22;
	v32 =	vmul.f32 v46, v23  }
0x297: {  	v3 =	vadd.f32 v7, v3;
	v60 =	vmul.f32 v47, v24;
	v61 =	vmul.f32 v48, v25  }
0x298: {  	v5 =	vadd.f32 v8, v5;
	v62 =	vmul.f32 v49, v26;
	v63 =	vmul.f32 v50, v27  }
0x299: {  	v2 =	vadd.f32 v2, v4;
	v36 =	vmul.f32 v52, v28;
	v40 =	vmul.f32 v57, v30  }
0x29a: {  	v41 =	vmul.f32 v59, v31;
	v1 =	vadd.f32 v51, v1;
	v6 =	vadd.f32 v54, v53  }
0x29b: {  	v11 =	vadd.f32 v56, v55;
	v42 =	vadd.f32 v32, v58;
	v39 =	vmul.f32 v15, v29  }
0x29c: {  	v7 =	vadd.f32 v61, v60;
	v8 =	vadd.f32 v63, v62  }
0x29d: {  	v9 =	vadd.f32 v41, v40;
	v4 =	vadd.f32 v39, v36  }
0x29e: {  	v1 =	vadd.f32 v6, v1;
	v43 =	vadd.f32 v42, v11  }
0x29f: {  	v7 =	vadd.f32 v8, v7;
	v4 =	vadd.f32 v9, v4  }
0x2a0: {  	v0 =	vadd.f32 v3, v0;
	v2 =	vadd.f32 v2, v5  }
0x2a1: {  	v1 =	vadd.f32 v43, v1;
	v44 =	vadd.f32 v4, v7  }
0x2a2: {  	v0 =	vadd.f32 v2, v0  }
0x2a3: {  	v1 =	vadd.f32 v44, v1  }
0x2a4: {  	[tilespmem:s31+$0x11C40] =	vst v0  }
0x2a5: {  	v0 =	vld [tilespmem:s3+$0x280];
	[tilespmem:s0+$0x11C10] =	vst v1  }
0x2a6: {  	v1 =	vld [tilespmem:s1+$0x100]  }
0x2a7: {  	v45 =	vld [tilespmem:s1+$0x110]  }
0x2a8: {  	v46 =	vld [tilespmem:s1+$0x120]  }
0x2a9: {  	v47 =	vld [tilespmem:s1+$0x130]  }
0x2aa: {  	v48 =	vld [tilespmem:s1+$0x140]  }
0x2ab: {  	v49 =	vld [tilespmem:s1+$0x150]  }
0x2ac: {  	v50 =	vld [tilespmem:s1+$0x160]  }
0x2ad: {  	v51 =	vld [tilespmem:s1+$0x170]  }
0x2ae: {  	v52 =	vld [tilespmem:s1+$0x500]  }
0x2af: {  	v53 =	vld [tilespmem:s1+$0x510]  }
0x2b0: {  	v54 =	vld [tilespmem:s1+$0x520]  }
0x2b1: {  	v55 =	vld [tilespmem:s1+$0x530]  }
0x2b2: {  	v56 =	vld [tilespmem:s1+$0x540];
	v1 =	vmul.f32 v1, v16;
	v2 =	vmul.f32 v45, v17  }
0x2b3: {  	v57 =	vld [tilespmem:s1+$0x550];
	v3 =	vmul.f32 v46, v18;
	v4 =	vmul.f32 v47, v19  }
0x2b4: {  	v15 =	vld [tilespmem:s1+$0x560];
	v5 =	vmul.f32 v48, v20;
	v6 =	vmul.f32 v49, v21  }
0x2b5: {  	v58 =	vld [tilespmem:s1+$0x570];
	v7 =	vmul.f32 v50, v22;
	v8 =	vmul.f32 v51, v23  }
0x2b6: {  	v59 =	vld [tilespmem:s3+$0x290];
	v9 =	vmul.f32 v52, v24;
	v10 =	vmul.f32 v53, v25  }
0x2b7: {  	v34 =	vld [tilespmem:s3+$0x2A0];
	v11 =	vmul.f32 v54, v26;
	v12 =	vmul.f32 v55, v27  }
0x2b8: {  	v60 =	vld [tilespmem:s3+$0x2B0];
	v13 =	vmul.f32 v56, v28;
	v14 =	vmul.f32 v57, v29  }
0x2b9: {  	v61 =	vld [tilespmem:s3+$0x2C0];
	v15 =	vmul.f32 v15, v30;
	v1 =	vadd.f32 v2, v1;
	v62 =	vadd.f32 v4, v3  }
0x2ba: {  	v63 =	vld [tilespmem:s3+$0x2D0];
	v38 =	vmul.f32 v58, v31;
	v5 =	vadd.f32 v6, v5;
	v39 =	vadd.f32 v8, v7  }
0x2bb: {  	v40 =	vld [tilespmem:s3+$0x2E0];
	v41 =	vadd.f32 v10, v9;
	v42 =	vadd.f32 v12, v11  }
0x2bc: {  	v43 =	vld [tilespmem:s3+$0x2F0];
	v44 =	vadd.f32 v14, v13;
	v4 =	vadd.f32 v38, v15  }
0x2bd: {  	v45 =	vld [tilespmem:s3+$0x680];
	v1 =	vadd.f32 v62, v1;
	v46 =	vadd.f32 v39, v5  }
0x2be: {  	v47 =	vld [tilespmem:s3+$0x690];
	v48 =	vadd.f32 v42, v41;
	v4 =	vadd.f32 v4, v44  }
0x2bf: {  	v49 =	vld [tilespmem:s3+$0x6A0]  }
0x2c0: {  	v50 =	vld [tilespmem:s3+$0x6B0];
	v1 =	vadd.f32 v46, v1;
	v51 =	vadd.f32 v4, v48  }
0x2c1: {  	v52 =	vld [tilespmem:s3+$0x6C0]  }
0x2c2: {  	v53 =	vld [tilespmem:s3+$0x6D0];
	v1 =	vadd.f32 v51, v1  }
0x2c3: {  	v54 =	vld [tilespmem:s3+$0x6E0]  }
0x2c4: {  	v55 =	vld [tilespmem:s3+$0x6F0];
	[tilespmem:s0+$0x11C20] =	vst v1  }
0x2c5: {  	v1 =	vld [tilespmem:s1+$0x180]  }
0x2c6: {  	v56 =	vld [tilespmem:s1+$0x190]  }
0x2c7: {  	v57 =	vld [tilespmem:s1+$0x1A0]  }
0x2c8: {  	v15 =	vld [tilespmem:s1+$0x1B0]  }
0x2c9: {  	v0 =	vmul.f32 v0, v16;
	v58 =	vmul.f32 v59, v17;
	v59 =	vld [tilespmem:s1+$0x1C0]  }
0x2ca: {  	v34 =	vmul.f32 v34, v18;
	v35 =	vmul.f32 v60, v19;
	v60 =	vld [tilespmem:s1+$0x1D0]  }
0x2cb: {  	v36 =	vmul.f32 v61, v20;
	v3 =	vmul.f32 v63, v21;
	v61 =	vld [tilespmem:s1+$0x1E0]  }
0x2cc: {  	v34 =	vadd.f32 v35, v34;
	v7 =	vmul.f32 v40, v22;
	v10 =	vmul.f32 v43, v23;
	v62 =	vld [tilespmem:s1+$0x1F0]  }
0x2cd: {  	v0 =	vadd.f32 v58, v0;
	v12 =	vmul.f32 v45, v24;
	v5 =	vmul.f32 v47, v25;
	v63 =	vld [tilespmem:s1+$0x580]  }
0x2ce: {  	v3 =	vadd.f32 v3, v36;
	v8 =	vmul.f32 v49, v26;
	v9 =	vmul.f32 v50, v27;
	v40 =	vld [tilespmem:s1+$0x590]  }
0x2cf: {  	v7 =	vadd.f32 v10, v7;
	v6 =	vmul.f32 v53, v29;
	v2 =	vmul.f32 v54, v30;
	v41 =	vld [tilespmem:s1+$0x5A0]  }
0x2d0: {  	v0 =	vadd.f32 v34, v0;
	v11 =	vmul.f32 v55, v31;
	v4 =	vmul.f32 v52, v28;
	v42 =	vld [tilespmem:s1+$0x5B0]  }
0x2d1: {  	v3 =	vadd.f32 v7, v3;
	v44 =	vld [tilespmem:s1+$0x5C0];
	v1 =	vmul.f32 v1, v16;
	v43 =	vmul.f32 v56, v17  }
0x2d2: {  	v5 =	vadd.f32 v5, v12;
	v49 =	vld [tilespmem:s1+$0x5E0];
	v45 =	vmul.f32 v57, v18;
	v46 =	vmul.f32 v15, v19  }
0x2d3: {  	v8 =	vadd.f32 v9, v8;
	v51 =	vld [tilespmem:s1+$0x5F0];
	v47 =	vmul.f32 v59, v20;
	v48 =	vmul.f32 v60, v21  }
0x2d4: {  	v2 =	vadd.f32 v11, v2;
	v15 =	vld [tilespmem:s1+$0x5D0];
	v50 =	vmul.f32 v61, v22;
	v32 =	vmul.f32 v62, v23  }
0x2d5: {  	v4 =	vadd.f32 v6, v4;
	v52 =	vmul.f32 v63, v24;
	v53 =	vmul.f32 v40, v25  }
0x2d6: {  	v5 =	vadd.f32 v8, v5;
	v54 =	vmul.f32 v41, v26;
	v55 =	vmul.f32 v42, v27  }
0x2d7: {  	v2 =	vadd.f32 v2, v4;
	v56 =	vmul.f32 v44, v28;
	v58 =	vmul.f32 v49, v30  }
0x2d8: {  	v59 =	vmul.f32 v51, v31;
	v1 =	vadd.f32 v43, v1;
	v6 =	vadd.f32 v46, v45  }
0x2d9: {  	v11 =	vadd.f32 v48, v47;
	v60 =	vadd.f32 v32, v50;
	v57 =	vmul.f32 v15, v29  }
0x2da: {  	v7 =	vadd.f32 v53, v52;
	v8 =	vadd.f32 v55, v54  }
0x2db: {  	v9 =	vadd.f32 v59, v58;
	v4 =	vadd.f32 v57, v56  }
0x2dc: {  	v1 =	vadd.f32 v6, v1;
	v61 =	vadd.f32 v60, v11  }
0x2dd: {  	v7 =	vadd.f32 v8, v7;
	v4 =	vadd.f32 v9, v4  }
0x2de: {  	v0 =	vadd.f32 v3, v0;
	v2 =	vadd.f32 v2, v5  }
0x2df: {  	v1 =	vadd.f32 v61, v1;
	v62 =	vadd.f32 v4, v7  }
0x2e0: {  	v0 =	vadd.f32 v2, v0  }
0x2e1: {  	v1 =	vadd.f32 v62, v1  }
0x2e2: {  	[tilespmem:s31+$0x11C50] =	vst v0  }
0x2e3: {  	v0 =	vld [tilespmem:s3+$0x300];
	[tilespmem:s0+$0x11C30] =	vst v1  }
0x2e4: {  	v1 =	vld [tilespmem:s1+$0x200]  }
0x2e5: {  	v63 =	vld [tilespmem:s1+$0x210]  }
0x2e6: {  	v32 =	vld [tilespmem:s1+$0x220]  }
0x2e7: {  	v33 =	vld [tilespmem:s1+$0x230]  }
0x2e8: {  	v34 =	vld [tilespmem:s1+$0x240]  }
0x2e9: {  	v35 =	vld [tilespmem:s1+$0x250]  }
0x2ea: {  	v36 =	vld [tilespmem:s1+$0x260]  }
0x2eb: {  	v37 =	vld [tilespmem:s1+$0x270]  }
0x2ec: {  	v38 =	vld [tilespmem:s1+$0x600]  }
0x2ed: {  	v39 =	vld [tilespmem:s1+$0x610]  }
0x2ee: {  	v40 =	vld [tilespmem:s1+$0x620]  }
0x2ef: {  	v41 =	vld [tilespmem:s1+$0x630]  }
0x2f0: {  	v42 =	vld [tilespmem:s1+$0x640];
	v1 =	vmul.f32 v1, v16;
	v2 =	vmul.f32 v63, v17  }
0x2f1: {  	v43 =	vld [tilespmem:s1+$0x650];
	v3 =	vmul.f32 v32, v18;
	v4 =	vmul.f32 v33, v19  }
0x2f2: {  	v15 =	vld [tilespmem:s1+$0x660];
	v5 =	vmul.f32 v34, v20;
	v6 =	vmul.f32 v35, v21  }
0x2f3: {  	v44 =	vld [tilespmem:s1+$0x670];
	v7 =	vmul.f32 v36, v22;
	v8 =	vmul.f32 v37, v23  }
0x2f4: {  	v45 =	vld [tilespmem:s3+$0x310];
	v9 =	vmul.f32 v38, v24;
	v10 =	vmul.f32 v39, v25  }
0x2f5: {  	v47 =	vld [tilespmem:s3+$0x350];
	v11 =	vmul.f32 v40, v26;
	v12 =	vmul.f32 v41, v27  }
0x2f6: {  	v50 =	vld [tilespmem:s3+$0x360];
	v13 =	vmul.f32 v42, v28;
	v14 =	vmul.f32 v43, v29  }
0x2f7: {  	v53 =	vld [tilespmem:s3+$0x370];
	v15 =	vmul.f32 v15, v30;
	v1 =	vadd.f32 v2, v1;
	v46 =	vadd.f32 v4, v3  }
0x2f8: {  	v55 =	vld [tilespmem:s3+$0x700];
	v48 =	vmul.f32 v44, v31;
	v5 =	vadd.f32 v6, v5;
	v49 =	vadd.f32 v8, v7  }
0x2f9: {  	v59 =	vld [tilespmem:s3+$0x720];
	v51 =	vadd.f32 v10, v9;
	v52 =	vadd.f32 v12, v11  }
0x2fa: {  	v60 =	vld [tilespmem:s3+$0x730];
	v54 =	vadd.f32 v14, v13;
	v4 =	vadd.f32 v48, v15  }
0x2fb: {  	v57 =	vld [tilespmem:s3+$0x710];
	v1 =	vadd.f32 v46, v1;
	v56 =	vadd.f32 v49, v5  }
0x2fc: {  	v62 =	vld [tilespmem:s3+$0x740];
	v58 =	vadd.f32 v52, v51;
	v4 =	vadd.f32 v4, v54  }
0x2fd: {  	v34 =	vld [tilespmem:s3+$0x320]  }
0x2fe: {  	v35 =	vld [tilespmem:s3+$0x330];
	v1 =	vadd.f32 v56, v1;
	v61 =	vadd.f32 v4, v58  }
0x2ff: {  	v36 =	vld [tilespmem:s3+$0x340]  }
0x300: {  	v63 =	vld [tilespmem:s3+$0x750];
	v1 =	vadd.f32 v61, v1  }
0x301: {  	v40 =	vld [tilespmem:s3+$0x760]  }
0x302: {  	v41 =	vld [tilespmem:s3+$0x770];
	[tilespmem:s0+$0x11C40] =	vst v1  }
0x303: {  	v1 =	vld [tilespmem:s1+$0x280]  }
0x304: {  	v42 =	vld [tilespmem:s1+$0x290]  }
0x305: {  	v43 =	vld [tilespmem:s1+$0x2A0]  }
0x306: {  	v0 =	vmul.f32 v0, v16;
	v15 =	vld [tilespmem:s1+$0x2B0]  }
0x307: {  	v44 =	vmul.f32 v45, v17;
	v3 =	vmul.f32 v47, v21;
	v45 =	vld [tilespmem:s1+$0x2C0]  }
0x308: {  	v7 =	vmul.f32 v50, v22;
	v10 =	vmul.f32 v53, v23;
	v46 =	vld [tilespmem:s1+$0x2D0]  }
0x309: {  	v12 =	vmul.f32 v55, v24;
	v8 =	vmul.f32 v59, v26;
	v47 =	vld [tilespmem:s1+$0x2E0]  }
0x30a: {  	v9 =	vmul.f32 v60, v27;
	v5 =	vmul.f32 v57, v25;
	v48 =	vld [tilespmem:s1+$0x2F0]  }
0x30b: {  	v0 =	vadd.f32 v44, v0;
	v34 =	vmul.f32 v34, v18;
	v35 =	vmul.f32 v35, v19;
	v49 =	vld [tilespmem:s1+$0x680]  }
0x30c: {  	v7 =	vadd.f32 v10, v7;
	v36 =	vmul.f32 v36, v20;
	v6 =	vmul.f32 v63, v29;
	v50 =	vld [tilespmem:s1+$0x690]  }
0x30d: {  	v8 =	vadd.f32 v9, v8;
	v2 =	vmul.f32 v40, v30;
	v11 =	vmul.f32 v41, v31;
	v51 =	vld [tilespmem:s1+$0x6A0]  }
0x30e: {  	v4 =	vmul.f32 v62, v28;
	v5 =	vadd.f32 v5, v12;
	v34 =	vadd.f32 v35, v34;
	v52 =	vld [tilespmem:s1+$0x6B0]  }
0x30f: {  	v3 =	vadd.f32 v3, v36;
	v54 =	vld [tilespmem:s1+$0x6C0];
	v1 =	vmul.f32 v1, v16;
	v53 =	vmul.f32 v42, v17  }
0x310: {  	v2 =	vadd.f32 v11, v2;
	v59 =	vld [tilespmem:s1+$0x6E0];
	v55 =	vmul.f32 v43, v18;
	v56 =	vmul.f32 v15, v19  }
0x311: {  	v4 =	vadd.f32 v6, v4;
	v61 =	vld [tilespmem:s1+$0x6F0];
	v57 =	vmul.f32 v45, v20;
	v58 =	vmul.f32 v46, v21  }
0x312: {  	v5 =	vadd.f32 v8, v5;
	v15 =	vld [tilespmem:s1+$0x6D0];
	v60 =	vmul.f32 v47, v22;
	v32 =	vmul.f32 v48, v23  }
0x313: {  	v0 =	vadd.f32 v34, v0;
	v62 =	vmul.f32 v49, v24;
	v63 =	vmul.f32 v50, v25  }
0x314: {  	v3 =	vadd.f32 v7, v3;
	v36 =	vmul.f32 v51, v26;
	v39 =	vmul.f32 v52, v27  }
0x315: {  	v2 =	vadd.f32 v2, v4;
	v40 =	vmul.f32 v54, v28;
	v42 =	vmul.f32 v59, v30  }
0x316: {  	v43 =	vmul.f32 v61, v31;
	v1 =	vadd.f32 v53, v1;
	v6 =	vadd.f32 v56, v55  }
0x317: {  	v11 =	vadd.f32 v58, v57;
	v44 =	vadd.f32 v32, v60;
	v41 =	vmul.f32 v15, v29  }
0x318: {  	v7 =	vadd.f32 v63, v62;
	v8 =	vadd.f32 v39, v36  }
0x319: {  	v9 =	vadd.f32 v43, v42;
	v4 =	vadd.f32 v41, v40  }
0x31a: {  	v1 =	vadd.f32 v6, v1;
	v45 =	vadd.f32 v44, v11  }
0x31b: {  	v7 =	vadd.f32 v8, v7;
	v4 =	vadd.f32 v9, v4  }
0x31c: {  	v0 =	vadd.f32 v3, v0;
	v2 =	vadd.f32 v2, v5  }
0x31d: {  	v1 =	vadd.f32 v45, v1;
	v46 =	vadd.f32 v4, v7  }
0x31e: {  	v0 =	vadd.f32 v2, v0  }
0x31f: {  	v1 =	vadd.f32 v46, v1  }
0x320: {  	[tilespmem:s31+$0x11C60] =	vst v0  }
0x321: {  	v0 =	vld [tilespmem:s3+$0x380];
	[tilespmem:s0+$0x11C50] =	vst v1  }
0x322: {  	v1 =	vld [tilespmem:s1+$0x300]  }
0x323: {  	v47 =	vld [tilespmem:s1+$0x310]  }
0x324: {  	v48 =	vld [tilespmem:s1+$0x320]  }
0x325: {  	v49 =	vld [tilespmem:s1+$0x330]  }
0x326: {  	v50 =	vld [tilespmem:s1+$0x340]  }
0x327: {  	v51 =	vld [tilespmem:s1+$0x350]  }
0x328: {  	v52 =	vld [tilespmem:s1+$0x360]  }
0x329: {  	v53 =	vld [tilespmem:s1+$0x370]  }
0x32a: {  	v54 =	vld [tilespmem:s1+$0x700]  }
0x32b: {  	v55 =	vld [tilespmem:s1+$0x710]  }
0x32c: {  	v56 =	vld [tilespmem:s1+$0x720]  }
0x32d: {  	v57 =	vld [tilespmem:s1+$0x730]  }
0x32e: {  	v58 =	vld [tilespmem:s1+$0x740];
	v1 =	vmul.f32 v1, v16;
	v2 =	vmul.f32 v47, v17  }
0x32f: {  	v59 =	vld [tilespmem:s1+$0x750];
	v3 =	vmul.f32 v48, v18;
	v4 =	vmul.f32 v49, v19  }
0x330: {  	v15 =	vld [tilespmem:s1+$0x760];
	v5 =	vmul.f32 v50, v20;
	v6 =	vmul.f32 v51, v21  }
0x331: {  	v60 =	vld [tilespmem:s1+$0x770];
	v7 =	vmul.f32 v52, v22;
	v8 =	vmul.f32 v53, v23  }
0x332: {  	v61 =	vld [tilespmem:s3+$0x390];
	v9 =	vmul.f32 v54, v24;
	v10 =	vmul.f32 v55, v25  }
0x333: {  	v62 =	vld [tilespmem:s3+$0x3A0];
	v11 =	vmul.f32 v56, v26;
	v12 =	vmul.f32 v57, v27  }
0x334: {  	v63 =	vld [tilespmem:s3+$0x3B0];
	v13 =	vmul.f32 v58, v28;
	v14 =	vmul.f32 v59, v29  }
0x335: {  	v36 =	vld [tilespmem:s3+$0x3C0];
	v15 =	vmul.f32 v15, v30;
	v1 =	vadd.f32 v2, v1;
	v40 =	vadd.f32 v4, v3  }
0x336: {  	v43 =	vld [tilespmem:s3+$0x3E0];
	v41 =	vmul.f32 v60, v31;
	v5 =	vadd.f32 v6, v5;
	v42 =	vadd.f32 v8, v7  }
0x337: {  	v46 =	vld [tilespmem:s3+$0x3F0];
	v44 =	vadd.f32 v10, v9;
	v45 =	vadd.f32 v12, v11  }
0x338: {  	v48 =	vld [tilespmem:s3+$0x780];
	v47 =	vadd.f32 v14, v13;
	v4 =	vadd.f32 v41, v15  }
0x339: {  	v50 =	vld [tilespmem:s3+$0x790];
	v1 =	vadd.f32 v40, v1;
	v49 =	vadd.f32 v42, v5  }
0x33a: {  	v52 =	vld [tilespmem:s3+$0x7A0];
	v51 =	vadd.f32 v45, v44;
	v4 =	vadd.f32 v4, v47  }
0x33b: {  	v53 =	vld [tilespmem:s3+$0x7B0]  }
0x33c: {  	v55 =	vld [tilespmem:s3+$0x7C0];
	v1 =	vadd.f32 v49, v1;
	v54 =	vadd.f32 v4, v51  }
0x33d: {  	v56 =	vld [tilespmem:s3+$0x7D0]  }
0x33e: {  	v57 =	vld [tilespmem:s3+$0x7E0];
	v1 =	vadd.f32 v54, v1  }
0x33f: {  	v58 =	vld [tilespmem:s3+$0x7F0]  }
0x340: {  	v3 =	vld [tilespmem:s3+$0x3D0];
	[tilespmem:s0+$0x11C60] =	vst v1  }
0x341: {  	v1 =	vld [tilespmem:s1+$0x380]  }
0x342: {  	v59 =	vld [tilespmem:s1+$0x390]  }
0x343: {  	v60 =	vld [tilespmem:s1+$0x3A0]  }
0x344: {  	v15 =	vmul.f32 v61, v17;
	v61 =	vld [tilespmem:s1+$0x3B0]  }
0x345: {  	v0 =	vmul.f32 v0, v16;
	v62 =	vmul.f32 v62, v18;
	v40 =	vld [tilespmem:s1+$0x3C0]  }
0x346: {  	v63 =	vmul.f32 v63, v19;
	v36 =	vmul.f32 v36, v20;
	v41 =	vld [tilespmem:s1+$0x3D0]  }
0x347: {  	v7 =	vmul.f32 v43, v22;
	v10 =	vmul.f32 v46, v23;
	v42 =	vld [tilespmem:s1+$0x3E0]  }
0x348: {  	v0 =	vadd.f32 v15, v0;
	v12 =	vmul.f32 v48, v24;
	v5 =	vmul.f32 v50, v25;
	v15 =	vld [tilespmem:s1+$0x3F0]  }
0x349: {  	v8 =	vmul.f32 v52, v26;
	v9 =	vmul.f32 v53, v27;
	v43 =	vld [tilespmem:s1+$0x780]  }
0x34a: {  	v33 =	vadd.f32 v63, v62;
	v6 =	vmul.f32 v56, v29;
	v2 =	vmul.f32 v57, v30;
	v44 =	vld [tilespmem:s1+$0x790]  }
0x34b: {  	v7 =	vadd.f32 v10, v7;
	v11 =	vmul.f32 v58, v31;
	v4 =	vmul.f32 v55, v28;
	v45 =	vld [tilespmem:s1+$0x7A0]  }
0x34c: {  	v0 =	vadd.f32 v33, v0;
	v3 =	vmul.f32 v3, v21;
	v5 =	vadd.f32 v5, v12;
	v46 =	vld [tilespmem:s1+$0x7B0]  }
0x34d: {  	v8 =	vadd.f32 v9, v8;
	v47 =	vld [tilespmem:s1+$0x7C0];
	v1 =	vmul.f32 v1, v16;
	v48 =	vmul.f32 v59, v17  }
0x34e: {  	v2 =	vadd.f32 v11, v2;
	v49 =	vld [tilespmem:s1+$0x7D0];
	v50 =	vmul.f32 v60, v18;
	v51 =	vmul.f32 v61, v19  }
0x34f: {  	v4 =	vadd.f32 v6, v4;
	v52 =	vld [tilespmem:s1+$0x7E0];
	v54 =	vmul.f32 v40, v20;
	v55 =	vmul.f32 v41, v21  }
0x350: {  	v3 =	vadd.f32 v3, v36;
	v53 =	vld [tilespmem:s1+$0x7F0];
	v56 =	vmul.f32 v42, v22;
	v15 =	vmul.f32 v15, v23  }
0x351: {  	v5 =	vadd.f32 v8, v5;
	v57 =	vmul.f32 v43, v24;
	v58 =	vmul.f32 v44, v25  }
0x352: {  	v2 =	vadd.f32 v2, v4;
	v10 =	vmul.f32 v45, v26;
	v9 =	vmul.f32 v46, v27  }
0x353: {  	v3 =	vadd.f32 v7, v3;
	v6 =	vmul.f32 v47, v28;
	v12 =	vmul.f32 v49, v29  }
0x354: {  	v59 =	vmul.f32 v52, v30;
	v1 =	vadd.f32 v48, v1;
	v7 =	vadd.f32 v51, v50  }
0x355: {  	v60 =	vmul.f32 v53, v31;
	v8 =	vadd.f32 v55, v54;
	v4 =	vadd.f32 v15, v56  }
0x356: {  	v11 =	vadd.f32 v58, v57;
	v9 =	vadd.f32 v9, v10  }
0x357: {  	v6 =	vadd.f32 v12, v6;
	v61 =	vadd.f32 v60, v59  }
0x358: {  	v1 =	vadd.f32 v7, v1;
	v4 =	vadd.f32 v4, v8  }
0x359: {  	v62 =	vadd.f32 v9, v11;
	v6 =	vadd.f32 v61, v6  }
0x35a: {  	p0 =	slt.u32 s30, $0xE;
	v2 =	vadd.f32 v2, v5;
	v0 =	vadd.f32 v3, v0  }
.Ltmp2:
0x35b: {  	v1 =	vadd.f32 v4, v1;
	v63 =	vadd.f32 v6, v62;
	(pc) =	sbr.rel @p0 .LBB2_3-.Ltmp2, $4  }
0x35c: {  	v0 =	vadd.f32 v2, v0  }
0x35d: {  	v1 =	vadd.f32 v63, v1  }
0x35e: {  	[tilespmem:s31+$0x11C70] =	vst v0;
	s31 =	sadd.s32 $0x2, s30  }
0x35f: {  	s30 =	smov.u32 s31;
	[tilespmem:s0+$0x11C70] =	vst v1  }
0x360: {  	v0 =	vld [tilespmem:$0x11B00]  }
0x361: {  	v1 =	vld [tilespmem:$0x11B10]  }
0x362: {  	v2 =	vld [tilespmem:$0x11B20]  }
0x363: {  	v3 =	vld [tilespmem:$0x11B30]  }
0x364: {  	v4 =	vld [tilespmem:$0x11B40]  }
0x365: {  	v5 =	vld [tilespmem:$0x11B50]  }
0x366: {  	v6 =	vld [tilespmem:$0x11B60]  }
0x367: {  	v7 =	vld [tilespmem:$0x11B70]  }
0x368: {  	v8 =	vld [tilespmem:$0x11B80]  }
0x369: {  	v9 =	vld [tilespmem:$0x11B90]  }
0x36a: {  	v10 =	vld [tilespmem:$0x11BA0]  }
0x36b: {  	v11 =	vld [tilespmem:$0x11BB0]  }
0x36c: {  	v12 =	vld [tilespmem:$0x11BC0]  }
0x36d: {  	v13 =	vld [tilespmem:$0x11BD0]  }
0x36e: {  	v14 =	vld [tilespmem:$0x11BE0]  }
0x36f: {  	v15 =	vld [tilespmem:$0x11BF0]  }
0x370: {  	v32 =	vld [tilespmem:s23+$0x0]  }
0x371: {  	v33 =	vld [tilespmem:$0x11B00]  }
0x372: {  	v34 =	vld [tilespmem:$0x11B10]  }
0x373: {  	v35 =	vld [tilespmem:$0x11B20]  }
0x374: {  	v36 =	vld [tilespmem:$0x11B30]  }
0x375: {  	v37 =	vld [tilespmem:$0x11B40]  }
0x376: {  	v38 =	vld [tilespmem:$0x11B50]  }
0x377: {  	v39 =	vld [tilespmem:$0x11B60]  }
0x378: {  	v40 =	vld [tilespmem:$0x11B70]  }
0x379: {  	v41 =	vld [tilespmem:$0x11B80]  }
0x37a: {  	v42 =	vld [tilespmem:$0x11B90];
	v0 =	vadd.s32 s29, v0  }
0x37b: {  	v43 =	vld [tilespmem:$0x11BA0];
	v1 =	vadd.s32 s29, v1  }
0x37c: {  	v44 =	vld [tilespmem:$0x11BB0];
	v2 =	vadd.s32 s29, v2  }
0x37d: {  	v45 =	vld [tilespmem:$0x11BC0];
	v3 =	vadd.s32 s29, v3  }
0x37e: {  	v48 =	vld [tilespmem:$0x11BF0];
	v4 =	vadd.s32 s29, v4  }
0x37f: {  	v5 =	vadd.s32 s29, v5;
	v0 =	vld.idx.msk [tilespmem:v0+s15+$0x0], $0xffff  }
0x380: {  	v6 =	vadd.s32 s29, v6;
	v1 =	vld.idx.msk [tilespmem:v1+s15+$0x0], $0xffff  }
0x381: {  	v7 =	vadd.s32 s29, v7;
	v2 =	vld.idx.msk [tilespmem:v2+s15+$0x0], $0xffff  }
0x382: {  	v8 =	vadd.s32 s29, v8;
	v3 =	vld.idx.msk [tilespmem:v3+s15+$0x0], $0xffff  }
0x383: {  	v9 =	vadd.s32 s29, v9;
	v4 =	vld.idx.msk [tilespmem:v4+s15+$0x0], $0xffff  }
0x384: {  	v10 =	vadd.s32 s29, v10;
	v5 =	vld.idx.msk [tilespmem:v5+s15+$0x0], $0xffff  }
0x385: {  	v11 =	vadd.s32 s29, v11;
	v6 =	vld.idx.msk [tilespmem:v6+s15+$0x0], $0xffff  }
0x386: {  	v12 =	vadd.s32 s29, v12;
	v7 =	vld.idx.msk [tilespmem:v7+s15+$0x0], $0xffff  }
0x387: {  	v13 =	vadd.s32 s29, v13;
	v8 =	vld.idx.msk [tilespmem:v8+s15+$0x0], $0xffff  }
0x388: {  	v14 =	vadd.s32 s29, v14;
	v9 =	vld.idx.msk [tilespmem:v9+s15+$0x0], $0xffff  }
0x389: {  	v15 =	vadd.s32 s29, v15;
	v10 =	vld.idx.msk [tilespmem:v10+s15+$0x0], $0xffff  }
0x38a: {  	v11 =	vld.idx.msk [tilespmem:v11+s15+$0x0], $0xffff  }
0x38b: {  	v12 =	vld.idx.msk [tilespmem:v12+s15+$0x0], $0xffff  }
0x38c: {  	v13 =	vld.idx.msk [tilespmem:v13+s15+$0x0], $0xffff  }
0x38d: {  	v14 =	vld.idx.msk [tilespmem:v14+s15+$0x0], $0xffff  }
0x38e: {  	s0 =	simm.s32 $0x100;
	v15 =	vld.idx.msk [tilespmem:v15+s15+$0x0], $0xffff  }
0x38f: {  	v46 =	vld [tilespmem:$0x11BD0];
	v53 =	vadd.s32 s0, v48  }
0x390: {  	v47 =	vld [tilespmem:$0x11BE0];
	v33 =	vadd.s32 s0, v33;
	v0 =	vadd.f32 v1, v0;
	v1 =	vadd.f32 v3, v2  }
0x391: {  	s1 =	sadd.s32 $0x10, s23;
	v55 =	vld [tilespmem:$0x11B00];
	v34 =	vadd.s32 s0, v34;
	v4 =	vadd.f32 v5, v4;
	v5 =	vadd.f32 v7, v6  }
0x392: {  	v49 =	vld [tilespmem:s1+$0x0];
	v35 =	vadd.s32 s0, v35;
	v8 =	vadd.f32 v9, v8;
	v9 =	vadd.f32 v11, v10  }
0x393: {  	v36 =	vadd.s32 s0, v36;
	v32 =	vld.idx.msk [tilespmem:v32+s18+$0x0], $0xffff;
	v12 =	vadd.f32 v13, v12;
	v13 =	vadd.f32 v15, v14  }
0x394: {  	v37 =	vadd.s32 s0, v37;
	v54 =	vld.idx.msk [tilespmem:v53+s15+$0x0], $0xffff;
	v0 =	vadd.f32 v1, v0;
	v1 =	vadd.f32 v5, v4  }
0x395: {  	v2 =	vld.idx.msk [tilespmem:v33+s15+$0x0], $0xffff;
	v3 =	vadd.s32 s0, v38;
	v8 =	vadd.f32 v9, v8;
	v9 =	vadd.f32 v13, v12  }
0x396: {  	v6 =	vld.idx.msk [tilespmem:v34+s15+$0x0], $0xffff;
	v7 =	vadd.s32 s0, v39  }
0x397: {  	v10 =	vld.idx.msk [tilespmem:v35+s15+$0x0], $0xffff;
	v11 =	vadd.s32 s0, v40;
	v0 =	vadd.f32 v1, v0;
	v1 =	vadd.f32 v9, v8  }
0x398: {  	v14 =	vld.idx.msk [tilespmem:v36+s15+$0x0], $0xffff;
	v15 =	vadd.s32 s0, v41  }
0x399: {  	v4 =	vld.idx.msk [tilespmem:v37+s15+$0x0], $0xffff;
	v5 =	vadd.s32 s0, v42;
	v0 =	vadd.f32 v1, v0  }
0x39a: {  	v12 =	vadd.s32 s0, v43;
	v3 =	vld.idx.msk [tilespmem:v3+s15+$0x0], $0xffff  }
0x39b: {  	v13 =	vadd.s32 s0, v44;
	v7 =	vld.idx.msk [tilespmem:v7+s15+$0x0], $0xffff;
	v0 =	vadd.f32 v0, v32  }
0x39c: {  	v9 =	vadd.s32 s0, v45;
	v8 =	vld.idx.msk [tilespmem:v11+s15+$0x0], $0xffff  }
0x39d: {  	v11 =	vld.idx.msk [tilespmem:v15+s15+$0x0], $0xffff;
	v15 =	vadd.s32 s0, v46;
	v0 =	vsub.f32 $0.0e+00, v0  }
0x39e: {  	v1 =	vld.idx.msk [tilespmem:v5+s15+$0x0], $0xffff;
	v5 =	vadd.s32 s0, v47  }
0x39f: {  	v12 =	vld.idx.msk [tilespmem:v12+s15+$0x0], $0xffff;
	v0 =	vmul.f32 $1.442695020e+00, v0  }
0x3a0: {  	v13 =	vld.idx.msk [tilespmem:v13+s15+$0x0], $0xffff  }
0x3a1: {  	v9 =	vld.idx.msk [tilespmem:v9+s15+$0x0], $0xffff;
	(erf) = vpow2.f32 v0  }
0x3a2: {  	v15 =	vld.idx.msk [tilespmem:v15+s15+$0x0], $0xffff  }
0x3a3: {  	v5 =	vld.idx.msk [tilespmem:v5+s15+$0x0], $0xffff  }
0x3a4: {  	v56 =	vld [tilespmem:$0x11B20]  }
0x3a5: {  	v57 =	vld [tilespmem:$0x11B30];
	v2 =	vadd.f32 v6, v2;
	v6 =	vadd.f32 v14, v10  }
0x3a6: {  	v58 =	vld [tilespmem:$0x11B40];
	v3 =	vadd.f32 v3, v4;
	v4 =	vadd.f32 v8, v7  }
0x3a7: {  	v59 =	vld [tilespmem:$0x11B90];
	v1 =	vadd.f32 v1, v11;
	v7 =	vadd.f32 v13, v12  }
0x3a8: {  	v60 =	vld [tilespmem:$0x11BA0];
	v9 =	vadd.f32 v15, v9;
	v5 =	vadd.f32 v54, v5  }
0x3a9: {  	v10 =	vld [tilespmem:$0x11B50];
	v2 =	vadd.f32 v6, v2;
	v3 =	vadd.f32 v4, v3  }
0x3aa: {  	v14 =	vld [tilespmem:$0x11B60];
	v1 =	vadd.f32 v7, v1;
	v5 =	vadd.f32 v5, v9;
	v4 =	vpop (erf)  }
0x3ab: {  	v8 =	vld.idx.msk [tilespmem:v49+s18+$0x0], $0xffff;
	v6 =	vadd.f32 $1.000000000e+00, v4  }
0x3ac: {  	v11 =	vld [tilespmem:$0x11B70];
	v2 =	vadd.f32 v3, v2;
	v1 =	vadd.f32 v5, v1  }
0x3ad: {  	v0 =	vld [tilespmem:$0x11B10];
	(erf) = vrcp.f32 v6  }
0x3ae: {  	v7 =	vld [tilespmem:$0x11BE0];
	v1 =	vadd.f32 v1, v2  }
0x3af: {  	s0 =	simm.s32 $0x200;
	v15 =	vld [tilespmem:$0x11B80]  }
0x3b0: {  	v3 =	vadd.s32 s0, v55;
	v9 =	vld [tilespmem:$0x11BF0];
	v1 =	vadd.f32 v1, v8  }
0x3b1: {  	s3 =	sadd.s32 $0x10, s1;
	v12 =	vadd.s32 s0, v56;
	v5 =	vld [tilespmem:$0x11BC0]  }
0x3b2: {  	v2 =	vadd.s32 s0, v0;
	v0 =	vld [tilespmem:s3+$0x0];
	v13 =	vsub.f32 $0.0e+00, v1  }
0x3b3: {  	v62 =	vadd.s32 s0, v10;
	v4 =	vld [tilespmem:$0x11BB0]  }
0x3b4: {  	v8 =	vadd.s32 s0, v57;
	v6 =	vld [tilespmem:$0x11BD0];
	v10 =	vmul.f32 $1.442695020e+00, v13  }
0x3b5: {  	v61 =	vadd.s32 s0, v58;
	v1 =	vld.idx.msk [tilespmem:v3+s15+$0x0], $0xffff  }
0x3b6: {  	v3 =	vld.idx.msk [tilespmem:v12+s15+$0x0], $0xffff;
	v12 =	vadd.s32 s0, v14;
	v63 =	vpop (erf);
	(erf) = vpow2.f32 v10  }
0x3b7: {  	v2 =	vld.idx.msk [tilespmem:v2+s15+$0x0], $0xffff;
	v13 =	vadd.s32 s0, v11  }
0x3b8: {  	v32 =	vadd.s32 s0, v15;
	v11 =	vld.idx.msk [tilespmem:v62+s15+$0x0], $0xffff  }
0x3b9: {  	v14 =	vadd.s32 s0, v59;
	v8 =	vld.idx.msk [tilespmem:v8+s15+$0x0], $0xffff  }
0x3ba: {  	s12 =	simm.s32 $0x300;
	s1 =	smov.u32 s26;
	v15 =	vadd.s32 s0, v60;
	v10 =	vld.idx.msk [tilespmem:v61+s15+$0x0], $0xffff;
	[tilespmem:s26+$0x0] =	vst v63  }
.LBB2_5:
0x3bb: {  	p0 =	sne.s32 s12, $0x700;
	v12 =	vld.idx.msk [tilespmem:v12+s15+$0x0], $0xffff;
	v4 =	vadd.s32 s0, v4  }
0x3bc: {  	v5 =	vadd.s32 s0, v5;
	v13 =	vld.idx.msk [tilespmem:v13+s15+$0x0], $0xffff  }
0x3bd: {  	v6 =	vadd.s32 s0, v6;
	v32 =	vld.idx.msk [tilespmem:v32+s15+$0x0], $0xffff  }
0x3be: {  	v7 =	vadd.s32 s0, v7;
	v14 =	vld.idx.msk [tilespmem:v14+s15+$0x0], $0xffff  }
0x3bf: {  	v9 =	vadd.s32 s0, v9;
	s0 =	smov.u32 s12;
	v15 =	vld.idx.msk [tilespmem:v15+s15+$0x0], $0xffff;
	v33 =	vpop (erf)  }
0x3c0: {  	v4 =	vld.idx.msk [tilespmem:v4+s15+$0x0], $0xffff;
	v33 =	vadd.f32 $1.000000000e+00, v33  }
0x3c1: {  	v5 =	vld.idx.msk [tilespmem:v5+s15+$0x0], $0xffff  }
0x3c2: {  	v6 =	vld.idx.msk [tilespmem:v6+s15+$0x0], $0xffff;
	(erf) = vrcp.f32 v33  }
0x3c3: {  	v7 =	vld.idx.msk [tilespmem:v7+s15+$0x0], $0xffff  }
0x3c4: {  	v9 =	vld.idx.msk [tilespmem:v9+s15+$0x0], $0xffff  }
0x3c5: {  	v33 =	vld [tilespmem:$0x11B00]  }
0x3c6: {  	v34 =	vld [tilespmem:$0x11B10]  }
0x3c7: {  	v1 =	vadd.f32 v2, v1;
	v2 =	vadd.f32 v8, v3;
	v35 =	vld [tilespmem:$0x11B20]  }
0x3c8: {  	v8 =	vadd.f32 v11, v10;
	v10 =	vadd.f32 v13, v12;
	v3 =	vld [tilespmem:$0x11B30]  }
0x3c9: {  	v12 =	vadd.f32 v14, v32;
	v4 =	vadd.f32 v4, v15;
	v11 =	vld [tilespmem:$0x11B40]  }
0x3ca: {  	v5 =	vadd.f32 v6, v5;
	v6 =	vadd.f32 v9, v7;
	v13 =	vld [tilespmem:$0x11B50]  }
0x3cb: {  	s1 =	sadd.s32 $0x10, s1;
	v1 =	vadd.f32 v2, v1;
	v2 =	vadd.f32 v10, v8;
	v14 =	vld [tilespmem:$0x11B60];
	v7 =	vpop (erf)  }
0x3cc: {  	v4 =	vadd.f32 v4, v12;
	v5 =	vadd.f32 v6, v5;
	v0 =	vld.idx.msk [tilespmem:v0+s18+$0x0], $0xffff;
	[tilespmem:s1+$0x0] =	vst v7  }
0x3cd: {  	v8 =	vld [tilespmem:$0x11B70]  }
0x3ce: {  	v1 =	vadd.f32 v2, v1;
	v2 =	vadd.f32 v5, v4;
	v10 =	vld [tilespmem:$0x11B80]  }
0x3cf: {  	v15 =	vld [tilespmem:$0x11B90]  }
0x3d0: {  	v1 =	vadd.f32 v2, v1;
	v36 =	vld [tilespmem:$0x11BA0]  }
0x3d1: {  	v4 =	vld [tilespmem:$0x11BB0]  }
0x3d2: {  	v2 =	vadd.s32 s12, v33;
	v0 =	vadd.f32 v1, v0;
	v5 =	vld [tilespmem:$0x11BC0]  }
0x3d3: {  	v12 =	vadd.s32 s12, v34;
	v6 =	vld [tilespmem:$0x11BD0]  }
0x3d4: {  	v32 =	vadd.s32 s12, v35;
	v1 =	vsub.f32 $0.0e+00, v0;
	v7 =	vld [tilespmem:$0x11BE0]  }
0x3d5: {  	s3 =	sadd.s32 $0x10, s3;
	v33 =	vadd.s32 s12, v3;
	v9 =	vld [tilespmem:$0x11BF0]  }
0x3d6: {  	v11 =	vadd.s32 s12, v11;
	v3 =	vmul.f32 $1.442695020e+00, v1;
	v0 =	vld [tilespmem:s3+$0x0]  }
0x3d7: {  	v34 =	vadd.s32 s12, v13;
	v1 =	vld.idx.msk [tilespmem:v2+s15+$0x0], $0xffff  }
.Ltmp3:
0x3d8: {  	v2 =	vld.idx.msk [tilespmem:v12+s15+$0x0], $0xffff;
	v12 =	vadd.s32 s12, v14;
	(erf) = vpow2.f32 v3;
	(pc) =	sbr.rel @p0 .LBB2_5-.Ltmp3, $4  }
0x3d9: {  	v13 =	vadd.s32 s12, v8;
	v3 =	vld.idx.msk [tilespmem:v32+s15+$0x0], $0xffff  }
0x3da: {  	v32 =	vadd.s32 s12, v10;
	v8 =	vld.idx.msk [tilespmem:v33+s15+$0x0], $0xffff  }
0x3db: {  	v14 =	vadd.s32 s12, v15;
	v10 =	vld.idx.msk [tilespmem:v11+s15+$0x0], $0xffff  }
0x3dc: {  	v15 =	vadd.s32 s0, v36;
	s12 =	sadd.s32 $0x100, s12;
	v11 =	vld.idx.msk [tilespmem:v34+s15+$0x0], $0xffff  }
0x3dd: {  	_ =	sdelay $0x3  }
0x3de: {  	v12 =	vld.idx.msk [tilespmem:v12+s15+$0x0], $0xffff;
	v4 =	vadd.s32 s0, v4  }
0x3df: {  	v13 =	vld.idx.msk [tilespmem:v13+s15+$0x0], $0xffff;
	v5 =	vadd.s32 s0, v5  }
0x3e0: {  	v32 =	vld.idx.msk [tilespmem:v32+s15+$0x0], $0xffff;
	v6 =	vadd.s32 s0, v6  }
0x3e1: {  	v14 =	vld.idx.msk [tilespmem:v14+s15+$0x0], $0xffff;
	v7 =	vadd.s32 s0, v7  }
0x3e2: {  	v15 =	vld.idx.msk [tilespmem:v15+s15+$0x0], $0xffff;
	v9 =	vadd.s32 s0, v9  }
0x3e3: {  	v4 =	vld.idx.msk [tilespmem:v4+s15+$0x0], $0xffff  }
0x3e4: {  	v5 =	vld.idx.msk [tilespmem:v5+s15+$0x0], $0xffff  }
0x3e5: {  	v6 =	vld.idx.msk [tilespmem:v6+s15+$0x0], $0xffff  }
0x3e6: {  	v7 =	vld.idx.msk [tilespmem:v7+s15+$0x0], $0xffff  }
0x3e7: {  	v9 =	vld.idx.msk [tilespmem:v9+s15+$0x0], $0xffff;
	_ =	sdelay $0x1  }
0x3e8: {  	v1 =	vadd.f32 v2, v1;
	v51 =	vadd.f32 v8, v3  }
0x3e9: {  	v52 =	vadd.f32 v11, v10;
	v53 =	vadd.f32 v13, v12  }
0x3ea: {  	v54 =	vadd.f32 v14, v32;
	v4 =	vadd.f32 v4, v15  }
0x3eb: {  	v5 =	vadd.f32 v6, v5;
	v55 =	vadd.f32 v9, v7  }
0x3ec: {  	v1 =	vadd.f32 v51, v1;
	v56 =	vadd.f32 v53, v52  }
0x3ed: {  	v57 =	vadd.f32 v4, v54;
	v58 =	vadd.f32 v55, v5  }
0x3ee: {  	v0 =	vld.idx.msk [tilespmem:v0+s18+$0x0], $0xffff  }
0x3ef: {  	v1 =	vadd.f32 v56, v1;
	v59 =	vadd.f32 v58, v57;
	_ =	sdelay $0x1  }
0x3f0: {  	v1 =	vadd.f32 v59, v1;
	_ =	sdelay $0x1  }
0x3f1: {  	v0 =	vadd.f32 v1, v0;
	_ =	sdelay $0x1  }
0x3f2: {  	v60 =	vpop (erf);
	v0 =	vsub.f32 $0.0e+00, v0  }
0x3f3: {  	v1 =	vadd.f32 $1.000000000e+00, v60  }
0x3f4: {  	v0 =	vmul.f32 $1.442695020e+00, v0  }
0x3f5: {  	(erf) = vrcp.f32 v1  }
0x3f6: {  	(erf) = vpow2.f32 v0;
	_ =	sdelay $0x7  }
0x3f7: {  	v61 =	vpop (erf)  }
0x3f8: {  	v62 =	vpop (erf)  }
0x3f9: {  	v1 =	vadd.f32 $1.000000000e+00, v62;
	_ =	sdelay $0x1  }
0x3fa: {  	(erf) = vrcp.f32 v1;
	_ =	sdelay $0x7  }
0x3fb: {  	s12 =	sadd.s32 $0x10, s1  }
0x3fc: {  	s29 =	sshll.u32 s28, $0xD;
	p0 =	seq.s32 s28, $0x3;
	s0 =	sadd.s32 $0x10, s12;
	[tilespmem:s12+$0x0] =	vst v61;
	v63 =	vpop (erf)  }
0x3fd: {  	s1 =	simm.s32 @!p0 $0x0;
	[tilespmem:s0+$0x0] =	vst v63;
	s0 =	sadd.s32 @!p0 s29, s8  }
0x3fe: {  	[tilespmem:s1], [sflag:$0x1] =	stream.linear.gather @!p0 [hbm4b:s0+s1], $0x8000, $0x38;
	[tilespmem:$0x12400] =	vst v63  }
0x3ff: {  	_ =	swait.ge [sflag:s19], $0x8000  }
0x400: {  	[sflag:s19] =	ssyncset.done $0x0  }
0x401: {  	s30 =	simm.s32 $0x0;
	s31 =	simm.s32 $0x0;
	[sflag:s19] =	ssyncadd.s32 $0xFFFF8000  }
.LBB2_7:
0x402: {  	s0 =	sshll.u32 s31, $0xB  }
0x403: {  	s1 =	sand.u32 $0x3FFFF800, s0  }
0x404: {  	v0 =	vld [tilespmem:s1+$0x8000]  }
0x405: {  	v1 =	vld [tilespmem:s1+$0x8010]  }
0x406: {  	v2 =	vld [tilespmem:s1+$0x8020]  }
0x407: {  	v3 =	vld [tilespmem:s1+$0x8030]  }
0x408: {  	v4 =	vld [tilespmem:s1+$0x8040]  }
0x409: {  	v5 =	vld [tilespmem:s1+$0x8050]  }
0x40a: {  	v6 =	vld [tilespmem:s1+$0x8060]  }
0x40b: {  	v7 =	vld [tilespmem:s1+$0x8070]  }
0x40c: {  	v8 =	vld [tilespmem:s1+$0x8400]  }
0x40d: {  	v9 =	vld [tilespmem:s1+$0x8410]  }
0x40e: {  	v10 =	vld [tilespmem:s1+$0x8420]  }
0x40f: {  	v11 =	vld [tilespmem:s1+$0x8430]  }
0x410: {  	v12 =	vld [tilespmem:s1+$0x8440];
	v0 =	vmul.f32 v0, v16;
	v1 =	vmul.f32 v1, v17  }
0x411: {  	v13 =	vld [tilespmem:s1+$0x8450];
	v2 =	vmul.f32 v2, v18;
	v3 =	vmul.f32 v3, v19  }
0x412: {  	v14 =	vld [tilespmem:s1+$0x8460];
	v4 =	vmul.f32 v4, v20;
	v5 =	vmul.f32 v5, v21  }
0x413: {  	v15 =	vld [tilespmem:s1+$0x8470];
	v6 =	vmul.f32 v6, v22;
	v7 =	vmul.f32 v7, v23  }
0x414: {  	v8 =	vmul.f32 v8, v24;
	v9 =	vmul.f32 v9, v25  }
0x415: {  	v10 =	vmul.f32 v10, v26;
	v11 =	vmul.f32 v11, v27  }
0x416: {  	v12 =	vmul.f32 v12, v28;
	v13 =	vmul.f32 v13, v29  }
0x417: {  	v14 =	vmul.f32 v14, v30;
	v0 =	vadd.f32 v1, v0;
	v52 =	vadd.f32 v3, v2  }
0x418: {  	v53 =	vmul.f32 v15, v31;
	v54 =	vadd.f32 v5, v4;
	v55 =	vadd.f32 v7, v6  }
0x419: {  	v56 =	vadd.f32 v9, v8;
	v57 =	vadd.f32 v11, v10  }
0x41a: {  	v58 =	vadd.f32 v13, v12;
	v2 =	vadd.f32 v53, v14  }
0x41b: {  	v0 =	vadd.f32 v52, v0;
	v59 =	vadd.f32 v55, v54  }
0x41c: {  	v60 =	vadd.f32 v57, v56;
	v2 =	vadd.f32 v2, v58;
	_ =	sdelay $0x1  }
0x41d: {  	v0 =	vadd.f32 v59, v0;
	v61 =	vadd.f32 v2, v60;
	_ =	sdelay $0x1  }
0x41e: {  	s12 =	sshll.u32 s31, $0x7;
	v0 =	vadd.f32 v61, v0  }
0x41f: {  	s3 =	sand.u32 $0x3FFFFF80, s12  }
0x420: {  	[tilespmem:s3+$0x11C00] =	vst v0  }
0x421: {  	v0 =	vld [tilespmem:s1+$0x8080]  }
0x422: {  	v62 =	vld [tilespmem:s1+$0x8090]  }
0x423: {  	v63 =	vld [tilespmem:s1+$0x80A0]  }
0x424: {  	v32 =	vld [tilespmem:s1+$0x80B0]  }
0x425: {  	v33 =	vld [tilespmem:s1+$0x80C0]  }
0x426: {  	v34 =	vld [tilespmem:s1+$0x80D0]  }
0x427: {  	v35 =	vld [tilespmem:s1+$0x80E0]  }
0x428: {  	v36 =	vld [tilespmem:s1+$0x80F0]  }
0x429: {  	v37 =	vld [tilespmem:s1+$0x8480]  }
0x42a: {  	v38 =	vld [tilespmem:s1+$0x8490]  }
0x42b: {  	v39 =	vld [tilespmem:s1+$0x84A0]  }
0x42c: {  	v40 =	vld [tilespmem:s1+$0x84B0]  }
0x42d: {  	v41 =	vld [tilespmem:s1+$0x84C0];
	v0 =	vmul.f32 v0, v16;
	v1 =	vmul.f32 v62, v17  }
0x42e: {  	v42 =	vld [tilespmem:s1+$0x84D0];
	v2 =	vmul.f32 v63, v18;
	v3 =	vmul.f32 v32, v19  }
0x42f: {  	v43 =	vld [tilespmem:s1+$0x84E0];
	v4 =	vmul.f32 v33, v20;
	v5 =	vmul.f32 v34, v21  }
0x430: {  	v15 =	vld [tilespmem:s1+$0x84F0];
	v6 =	vmul.f32 v35, v22;
	v7 =	vmul.f32 v36, v23  }
0x431: {  	v8 =	vmul.f32 v37, v24;
	v9 =	vmul.f32 v38, v25  }
0x432: {  	v10 =	vmul.f32 v39, v26;
	v11 =	vmul.f32 v40, v27  }
0x433: {  	v12 =	vmul.f32 v41, v28;
	v13 =	vmul.f32 v42, v29  }
0x434: {  	v14 =	vmul.f32 v43, v30;
	v0 =	vadd.f32 v1, v0;
	v44 =	vadd.f32 v3, v2  }
0x435: {  	v45 =	vmul.f32 v15, v31;
	v46 =	vadd.f32 v5, v4;
	v47 =	vadd.f32 v7, v6  }
0x436: {  	v48 =	vadd.f32 v9, v8;
	v49 =	vadd.f32 v11, v10  }
0x437: {  	v50 =	vadd.f32 v13, v12;
	v2 =	vadd.f32 v45, v14  }
0x438: {  	v0 =	vadd.f32 v44, v0;
	v51 =	vadd.f32 v47, v46  }
0x439: {  	v52 =	vadd.f32 v49, v48;
	v2 =	vadd.f32 v2, v50;
	_ =	sdelay $0x1  }
0x43a: {  	v0 =	vadd.f32 v51, v0;
	v53 =	vadd.f32 v2, v52;
	_ =	sdelay $0x1  }
0x43b: {  	v0 =	vadd.f32 v53, v0;
	_ =	sdelay $0x1  }
0x43c: {  	[tilespmem:s3+$0x11C10] =	vst v0  }
0x43d: {  	v0 =	vld [tilespmem:s1+$0x8100]  }
0x43e: {  	v54 =	vld [tilespmem:s1+$0x8110]  }
0x43f: {  	v55 =	vld [tilespmem:s1+$0x8120]  }
0x440: {  	v56 =	vld [tilespmem:s1+$0x8130]  }
0x441: {  	v57 =	vld [tilespmem:s1+$0x8140]  }
0x442: {  	v58 =	vld [tilespmem:s1+$0x8150]  }
0x443: {  	v59 =	vld [tilespmem:s1+$0x8160]  }
0x444: {  	v60 =	vld [tilespmem:s1+$0x8170]  }
0x445: {  	v61 =	vld [tilespmem:s1+$0x8500]  }
0x446: {  	v62 =	vld [tilespmem:s1+$0x8510]  }
0x447: {  	v63 =	vld [tilespmem:s1+$0x8520]  }
0x448: {  	v32 =	vld [tilespmem:s1+$0x8530]  }
0x449: {  	v33 =	vld [tilespmem:s1+$0x8540];
	v0 =	vmul.f32 v0, v16;
	v1 =	vmul.f32 v54, v17  }
0x44a: {  	v34 =	vld [tilespmem:s1+$0x8550];
	v2 =	vmul.f32 v55, v18;
	v3 =	vmul.f32 v56, v19  }
0x44b: {  	v35 =	vld [tilespmem:s1+$0x8560];
	v4 =	vmul.f32 v57, v20;
	v5 =	vmul.f32 v58, v21  }
0x44c: {  	v15 =	vld [tilespmem:s1+$0x8570];
	v6 =	vmul.f32 v59, v22;
	v7 =	vmul.f32 v60, v23  }
0x44d: {  	v8 =	vmul.f32 v61, v24;
	v9 =	vmul.f32 v62, v25  }
0x44e: {  	v10 =	vmul.f32 v63, v26;
	v11 =	vmul.f32 v32, v27  }
0x44f: {  	v12 =	vmul.f32 v33, v28;
	v13 =	vmul.f32 v34, v29  }
0x450: {  	v14 =	vmul.f32 v35, v30;
	v0 =	vadd.f32 v1, v0;
	v36 =	vadd.f32 v3, v2  }
0x451: {  	v37 =	vmul.f32 v15, v31;
	v38 =	vadd.f32 v5, v4;
	v39 =	vadd.f32 v7, v6  }
0x452: {  	v40 =	vadd.f32 v9, v8;
	v41 =	vadd.f32 v11, v10  }
0x453: {  	v42 =	vadd.f32 v13, v12;
	v2 =	vadd.f32 v37, v14  }
0x454: {  	v0 =	vadd.f32 v36, v0;
	v43 =	vadd.f32 v39, v38  }
0x455: {  	v44 =	vadd.f32 v41, v40;
	v2 =	vadd.f32 v2, v42;
	_ =	sdelay $0x1  }
0x456: {  	v0 =	vadd.f32 v43, v0;
	v45 =	vadd.f32 v2, v44  }
0x457: {  	s12 =	sor.u32 $0x1, s31  }
0x458: {  	s0 =	sshll.u32 s12, $0xB;
	v0 =	vadd.f32 v45, v0  }
0x459: {  	s0 =	sand.u32 $0x3FFFF800, s0  }
0x45a: {  	v32 =	vld [tilespmem:s0+$0x8000];
	[tilespmem:s3+$0x11C20] =	vst v0  }
0x45b: {  	v0 =	vld [tilespmem:s1+$0x8180]  }
0x45c: {  	v46 =	vld [tilespmem:s1+$0x8190]  }
0x45d: {  	v47 =	vld [tilespmem:s1+$0x81A0]  }
0x45e: {  	v48 =	vld [tilespmem:s1+$0x81B0]  }
0x45f: {  	v49 =	vld [tilespmem:s1+$0x81C0]  }
0x460: {  	v50 =	vld [tilespmem:s1+$0x81D0]  }
0x461: {  	v51 =	vld [tilespmem:s1+$0x81E0]  }
0x462: {  	v52 =	vld [tilespmem:s1+$0x81F0]  }
0x463: {  	v53 =	vld [tilespmem:s1+$0x8580]  }
0x464: {  	v54 =	vld [tilespmem:s1+$0x8590]  }
0x465: {  	v55 =	vld [tilespmem:s1+$0x85A0]  }
0x466: {  	v56 =	vld [tilespmem:s1+$0x85B0]  }
0x467: {  	v57 =	vld [tilespmem:s1+$0x85C0];
	v0 =	vmul.f32 v0, v16;
	v1 =	vmul.f32 v46, v17  }
0x468: {  	v58 =	vld [tilespmem:s1+$0x85D0];
	v2 =	vmul.f32 v47, v18;
	v3 =	vmul.f32 v48, v19  }
0x469: {  	v59 =	vld [tilespmem:s1+$0x85E0];
	v4 =	vmul.f32 v49, v20;
	v5 =	vmul.f32 v50, v21  }
0x46a: {  	v15 =	vld [tilespmem:s1+$0x85F0];
	v6 =	vmul.f32 v51, v22;
	v7 =	vmul.f32 v52, v23  }
0x46b: {  	v33 =	vld [tilespmem:s0+$0x8010];
	v8 =	vmul.f32 v53, v24;
	v9 =	vmul.f32 v54, v25  }
0x46c: {  	v34 =	vld [tilespmem:s0+$0x8020];
	v10 =	vmul.f32 v55, v26;
	v11 =	vmul.f32 v56, v27  }
0x46d: {  	v35 =	vld [tilespmem:s0+$0x8030];
	v12 =	vmul.f32 v57, v28;
	v13 =	vmul.f32 v58, v29  }
0x46e: {  	v37 =	vld [tilespmem:s0+$0x8050];
	v14 =	vmul.f32 v59, v30;
	v0 =	vadd.f32 v1, v0;
	v60 =	vadd.f32 v3, v2  }
0x46f: {  	v36 =	vld [tilespmem:s0+$0x8040];
	v61 =	vmul.f32 v15, v31;
	v62 =	vadd.f32 v5, v4;
	v63 =	vadd.f32 v7, v6  }
0x470: {  	v38 =	vld [tilespmem:s0+$0x8060];
	v9 =	vadd.f32 v9, v8;
	v10 =	vadd.f32 v11, v10  }
0x471: {  	v39 =	vld [tilespmem:s0+$0x8070];
	v11 =	vadd.f32 v13, v12;
	v2 =	vadd.f32 v61, v14  }
0x472: {  	v40 =	vld [tilespmem:s0+$0x8400];
	v0 =	vadd.f32 v60, v0;
	v12 =	vadd.f32 v63, v62  }
0x473: {  	v41 =	vld [tilespmem:s0+$0x8410];
	v13 =	vadd.f32 v10, v9;
	v2 =	vadd.f32 v2, v11  }
0x474: {  	v42 =	vld [tilespmem:s0+$0x8420]  }
0x475: {  	v43 =	vld [tilespmem:s0+$0x8430];
	v0 =	vadd.f32 v12, v0;
	v14 =	vadd.f32 v2, v13  }
0x476: {  	v44 =	vld [tilespmem:s0+$0x8440]  }
0x477: {  	v45 =	vld [tilespmem:s0+$0x8450];
	v1 =	vmul.f32 v32, v16;
	v0 =	vadd.f32 v14, v0  }
0x478: {  	v15 =	vld [tilespmem:s0+$0x8460];
	v3 =	vmul.f32 v34, v18;
	v4 =	vmul.f32 v35, v19  }
0x479: {  	v5 =	vmul.f32 v36, v20;
	v6 =	vmul.f32 v37, v21;
	v32 =	vld [tilespmem:s0+$0x8470];
	[tilespmem:s3+$0x11C30] =	vst v0  }
0x47a: {  	v7 =	vmul.f32 v38, v22;
	v8 =	vmul.f32 v39, v23;
	v0 =	vld [tilespmem:s1+$0x8200]  }
0x47b: {  	v9 =	vmul.f32 v40, v24;
	v2 =	vmul.f32 v33, v17;
	v33 =	vld [tilespmem:s1+$0x8210]  }
0x47c: {  	v10 =	vmul.f32 v41, v25;
	v11 =	vmul.f32 v42, v26;
	v34 =	vld [tilespmem:s1+$0x8220]  }
0x47d: {  	v46 =	vadd.f32 v4, v3;
	v5 =	vadd.f32 v6, v5;
	v15 =	vmul.f32 v15, v30;
	v35 =	vld [tilespmem:s1+$0x8230]  }
0x47e: {  	v49 =	vadd.f32 v8, v7;
	v12 =	vmul.f32 v43, v27;
	v13 =	vmul.f32 v44, v28;
	v36 =	vld [tilespmem:s1+$0x8240]  }
0x47f: {  	v51 =	vadd.f32 v10, v9;
	v48 =	vmul.f32 v32, v31;
	v14 =	vmul.f32 v45, v29;
	v47 =	vld [tilespmem:s1+$0x8250]  }
0x480: {  	v1 =	vadd.f32 v2, v1;
	v52 =	vadd.f32 v12, v11;
	v50 =	vld [tilespmem:s1+$0x8260]  }
0x481: {  	v4 =	vadd.f32 v48, v15;
	v54 =	vadd.f32 v14, v13;
	v53 =	vld [tilespmem:s1+$0x8270]  }
0x482: {  	v56 =	vadd.f32 v49, v5;
	v1 =	vadd.f32 v46, v1;
	v55 =	vld [tilespmem:s1+$0x8600]  }
0x483: {  	v58 =	vadd.f32 v52, v51;
	v57 =	vld [tilespmem:s1+$0x8610];
	v4 =	vadd.f32 v4, v54  }
0x484: {  	v59 =	vld [tilespmem:s1+$0x8620]  }
0x485: {  	v60 =	vld [tilespmem:s1+$0x8630];
	v1 =	vadd.f32 v56, v1;
	v61 =	vadd.f32 v4, v58  }
0x486: {  	v62 =	vld [tilespmem:s1+$0x8640]  }
0x487: {  	s12 =	sshll.u32 s12, $0x7;
	v63 =	vld [tilespmem:s1+$0x8650];
	v1 =	vadd.f32 v61, v1  }
0x488: {  	s12 =	sand.u32 $0x3FFFFF80, s12;
	v40 =	vld [tilespmem:s1+$0x8660]  }
0x489: {  	v41 =	vld [tilespmem:s1+$0x8670];
	[tilespmem:s12+$0x11C00] =	vst v1  }
0x48a: {  	v1 =	vld [tilespmem:s0+$0x8080]  }
0x48b: {  	v42 =	vld [tilespmem:s0+$0x8090]  }
0x48c: {  	v43 =	vld [tilespmem:s0+$0x80A0]  }
0x48d: {  	v0 =	vmul.f32 v0, v16;
	v44 =	vmul.f32 v33, v17;
	v15 =	vld [tilespmem:s0+$0x80B0]  }
0x48e: {  	v34 =	vmul.f32 v34, v18;
	v35 =	vmul.f32 v35, v19;
	v45 =	vld [tilespmem:s0+$0x80C0]  }
0x48f: {  	v36 =	vmul.f32 v36, v20;
	v3 =	vmul.f32 v47, v21;
	v37 =	vld [tilespmem:s0+$0x80D0]  }
0x490: {  	v7 =	vmul.f32 v50, v22;
	v10 =	vmul.f32 v53, v23;
	v38 =	vld [tilespmem:s0+$0x80E0]  }
0x491: {  	v12 =	vmul.f32 v55, v24;
	v5 =	vmul.f32 v57, v25;
	v46 =	vld [tilespmem:s0+$0x80F0]  }
0x492: {  	v8 =	vmul.f32 v59, v26;
	v9 =	vmul.f32 v60, v27;
	v47 =	vld [tilespmem:s0+$0x8480]  }
0x493: {  	v4 =	vmul.f32 v62, v28;
	v6 =	vmul.f32 v63, v29;
	v0 =	vadd.f32 v44, v0;
	v48 =	vld [tilespmem:s0+$0x8490]  }
0x494: {  	v2 =	vmul.f32 v40, v30;
	v34 =	vadd.f32 v35, v34;
	v3 =	vadd.f32 v3, v36;
	v49 =	vld [tilespmem:s0+$0x84A0]  }
0x495: {  	v11 =	vmul.f32 v41, v31;
	v7 =	vadd.f32 v10, v7;
	v5 =	vadd.f32 v5, v12;
	v50 =	vld [tilespmem:s0+$0x84B0]  }
0x496: {  	v8 =	vadd.f32 v9, v8;
	v52 =	vld [tilespmem:s0+$0x84C0];
	v1 =	vmul.f32 v1, v16;
	v51 =	vmul.f32 v42, v17  }
0x497: {  	v4 =	vadd.f32 v6, v4;
	v57 =	vld [tilespmem:s0+$0x84E0];
	v53 =	vmul.f32 v43, v18;
	v54 =	vmul.f32 v15, v19  }
0x498: {  	v2 =	vadd.f32 v11, v2;
	v59 =	vld [tilespmem:s0+$0x84F0];
	v55 =	vmul.f32 v45, v20;
	v56 =	vmul.f32 v37, v21  }
0x499: {  	v0 =	vadd.f32 v34, v0;
	v15 =	vld [tilespmem:s0+$0x84D0];
	v58 =	vmul.f32 v38, v22;
	v32 =	vmul.f32 v46, v23  }
0x49a: {  	v3 =	vadd.f32 v7, v3;
	v60 =	vmul.f32 v47, v24;
	v61 =	vmul.f32 v48, v25  }
0x49b: {  	v5 =	vadd.f32 v8, v5;
	v62 =	vmul.f32 v49, v26;
	v63 =	vmul.f32 v50, v27  }
0x49c: {  	v2 =	vadd.f32 v2, v4;
	v36 =	vmul.f32 v52, v28;
	v40 =	vmul.f32 v57, v30  }
0x49d: {  	v41 =	vmul.f32 v59, v31;
	v1 =	vadd.f32 v51, v1;
	v6 =	vadd.f32 v54, v53  }
0x49e: {  	v11 =	vadd.f32 v56, v55;
	v42 =	vadd.f32 v32, v58;
	v39 =	vmul.f32 v15, v29  }
0x49f: {  	v7 =	vadd.f32 v61, v60;
	v8 =	vadd.f32 v63, v62  }
0x4a0: {  	v9 =	vadd.f32 v41, v40;
	v4 =	vadd.f32 v39, v36  }
0x4a1: {  	v1 =	vadd.f32 v6, v1;
	v43 =	vadd.f32 v42, v11  }
0x4a2: {  	v7 =	vadd.f32 v8, v7;
	v4 =	vadd.f32 v9, v4  }
0x4a3: {  	v0 =	vadd.f32 v3, v0;
	v2 =	vadd.f32 v2, v5  }
0x4a4: {  	v1 =	vadd.f32 v43, v1;
	v44 =	vadd.f32 v4, v7  }
0x4a5: {  	v0 =	vadd.f32 v2, v0  }
0x4a6: {  	v1 =	vadd.f32 v44, v1  }
0x4a7: {  	[tilespmem:s3+$0x11C40] =	vst v0  }
0x4a8: {  	v0 =	vld [tilespmem:s1+$0x8280];
	[tilespmem:s12+$0x11C10] =	vst v1  }
0x4a9: {  	v1 =	vld [tilespmem:s0+$0x8100]  }
0x4aa: {  	v45 =	vld [tilespmem:s0+$0x8110]  }
0x4ab: {  	v46 =	vld [tilespmem:s0+$0x8120]  }
0x4ac: {  	v47 =	vld [tilespmem:s0+$0x8130]  }
0x4ad: {  	v48 =	vld [tilespmem:s0+$0x8140]  }
0x4ae: {  	v49 =	vld [tilespmem:s0+$0x8150]  }
0x4af: {  	v50 =	vld [tilespmem:s0+$0x8160]  }
0x4b0: {  	v51 =	vld [tilespmem:s0+$0x8170]  }
0x4b1: {  	v52 =	vld [tilespmem:s0+$0x8500]  }
0x4b2: {  	v53 =	vld [tilespmem:s0+$0x8510]  }
0x4b3: {  	v54 =	vld [tilespmem:s0+$0x8520]  }
0x4b4: {  	v55 =	vld [tilespmem:s0+$0x8530]  }
0x4b5: {  	v56 =	vld [tilespmem:s0+$0x8540];
	v1 =	vmul.f32 v1, v16;
	v2 =	vmul.f32 v45, v17  }
0x4b6: {  	v57 =	vld [tilespmem:s0+$0x8550];
	v3 =	vmul.f32 v46, v18;
	v4 =	vmul.f32 v47, v19  }
0x4b7: {  	v15 =	vld [tilespmem:s0+$0x8560];
	v5 =	vmul.f32 v48, v20;
	v6 =	vmul.f32 v49, v21  }
0x4b8: {  	v58 =	vld [tilespmem:s0+$0x8570];
	v7 =	vmul.f32 v50, v22;
	v8 =	vmul.f32 v51, v23  }
0x4b9: {  	v59 =	vld [tilespmem:s1+$0x8290];
	v9 =	vmul.f32 v52, v24;
	v10 =	vmul.f32 v53, v25  }
0x4ba: {  	v34 =	vld [tilespmem:s1+$0x82A0];
	v11 =	vmul.f32 v54, v26;
	v12 =	vmul.f32 v55, v27  }
0x4bb: {  	v60 =	vld [tilespmem:s1+$0x82B0];
	v13 =	vmul.f32 v56, v28;
	v14 =	vmul.f32 v57, v29  }
0x4bc: {  	v61 =	vld [tilespmem:s1+$0x82C0];
	v15 =	vmul.f32 v15, v30;
	v1 =	vadd.f32 v2, v1;
	v62 =	vadd.f32 v4, v3  }
0x4bd: {  	v63 =	vld [tilespmem:s1+$0x82D0];
	v38 =	vmul.f32 v58, v31;
	v5 =	vadd.f32 v6, v5;
	v39 =	vadd.f32 v8, v7  }
0x4be: {  	v40 =	vld [tilespmem:s1+$0x82E0];
	v41 =	vadd.f32 v10, v9;
	v42 =	vadd.f32 v12, v11  }
0x4bf: {  	v43 =	vld [tilespmem:s1+$0x82F0];
	v44 =	vadd.f32 v14, v13;
	v4 =	vadd.f32 v38, v15  }
0x4c0: {  	v45 =	vld [tilespmem:s1+$0x8680];
	v1 =	vadd.f32 v62, v1;
	v46 =	vadd.f32 v39, v5  }
0x4c1: {  	v47 =	vld [tilespmem:s1+$0x8690];
	v48 =	vadd.f32 v42, v41;
	v4 =	vadd.f32 v4, v44  }
0x4c2: {  	v49 =	vld [tilespmem:s1+$0x86A0]  }
0x4c3: {  	v50 =	vld [tilespmem:s1+$0x86B0];
	v1 =	vadd.f32 v46, v1;
	v51 =	vadd.f32 v4, v48  }
0x4c4: {  	v52 =	vld [tilespmem:s1+$0x86C0]  }
0x4c5: {  	v53 =	vld [tilespmem:s1+$0x86D0];
	v1 =	vadd.f32 v51, v1  }
0x4c6: {  	v54 =	vld [tilespmem:s1+$0x86E0]  }
0x4c7: {  	v55 =	vld [tilespmem:s1+$0x86F0];
	[tilespmem:s12+$0x11C20] =	vst v1  }
0x4c8: {  	v1 =	vld [tilespmem:s0+$0x8180]  }
0x4c9: {  	v56 =	vld [tilespmem:s0+$0x8190]  }
0x4ca: {  	v57 =	vld [tilespmem:s0+$0x81A0]  }
0x4cb: {  	v15 =	vld [tilespmem:s0+$0x81B0]  }
0x4cc: {  	v0 =	vmul.f32 v0, v16;
	v58 =	vmul.f32 v59, v17;
	v59 =	vld [tilespmem:s0+$0x81C0]  }
0x4cd: {  	v34 =	vmul.f32 v34, v18;
	v35 =	vmul.f32 v60, v19;
	v60 =	vld [tilespmem:s0+$0x81D0]  }
0x4ce: {  	v36 =	vmul.f32 v61, v20;
	v3 =	vmul.f32 v63, v21;
	v61 =	vld [tilespmem:s0+$0x81E0]  }
0x4cf: {  	v34 =	vadd.f32 v35, v34;
	v7 =	vmul.f32 v40, v22;
	v10 =	vmul.f32 v43, v23;
	v62 =	vld [tilespmem:s0+$0x81F0]  }
0x4d0: {  	v0 =	vadd.f32 v58, v0;
	v12 =	vmul.f32 v45, v24;
	v5 =	vmul.f32 v47, v25;
	v63 =	vld [tilespmem:s0+$0x8580]  }
0x4d1: {  	v3 =	vadd.f32 v3, v36;
	v8 =	vmul.f32 v49, v26;
	v9 =	vmul.f32 v50, v27;
	v40 =	vld [tilespmem:s0+$0x8590]  }
0x4d2: {  	v7 =	vadd.f32 v10, v7;
	v6 =	vmul.f32 v53, v29;
	v2 =	vmul.f32 v54, v30;
	v41 =	vld [tilespmem:s0+$0x85A0]  }
0x4d3: {  	v0 =	vadd.f32 v34, v0;
	v11 =	vmul.f32 v55, v31;
	v4 =	vmul.f32 v52, v28;
	v42 =	vld [tilespmem:s0+$0x85B0]  }
0x4d4: {  	v3 =	vadd.f32 v7, v3;
	v44 =	vld [tilespmem:s0+$0x85C0];
	v1 =	vmul.f32 v1, v16;
	v43 =	vmul.f32 v56, v17  }
0x4d5: {  	v5 =	vadd.f32 v5, v12;
	v49 =	vld [tilespmem:s0+$0x85E0];
	v45 =	vmul.f32 v57, v18;
	v46 =	vmul.f32 v15, v19  }
0x4d6: {  	v8 =	vadd.f32 v9, v8;
	v51 =	vld [tilespmem:s0+$0x85F0];
	v47 =	vmul.f32 v59, v20;
	v48 =	vmul.f32 v60, v21  }
0x4d7: {  	v2 =	vadd.f32 v11, v2;
	v15 =	vld [tilespmem:s0+$0x85D0];
	v50 =	vmul.f32 v61, v22;
	v32 =	vmul.f32 v62, v23  }
0x4d8: {  	v4 =	vadd.f32 v6, v4;
	v52 =	vmul.f32 v63, v24;
	v53 =	vmul.f32 v40, v25  }
0x4d9: {  	v5 =	vadd.f32 v8, v5;
	v54 =	vmul.f32 v41, v26;
	v55 =	vmul.f32 v42, v27  }
0x4da: {  	v2 =	vadd.f32 v2, v4;
	v56 =	vmul.f32 v44, v28;
	v58 =	vmul.f32 v49, v30  }
0x4db: {  	v59 =	vmul.f32 v51, v31;
	v1 =	vadd.f32 v43, v1;
	v6 =	vadd.f32 v46, v45  }
0x4dc: {  	v11 =	vadd.f32 v48, v47;
	v60 =	vadd.f32 v32, v50;
	v57 =	vmul.f32 v15, v29  }
0x4dd: {  	v7 =	vadd.f32 v53, v52;
	v8 =	vadd.f32 v55, v54  }
0x4de: {  	v9 =	vadd.f32 v59, v58;
	v4 =	vadd.f32 v57, v56  }
0x4df: {  	v1 =	vadd.f32 v6, v1;
	v61 =	vadd.f32 v60, v11  }
0x4e0: {  	v7 =	vadd.f32 v8, v7;
	v4 =	vadd.f32 v9, v4  }
0x4e1: {  	v0 =	vadd.f32 v3, v0;
	v2 =	vadd.f32 v2, v5  }
0x4e2: {  	v1 =	vadd.f32 v61, v1;
	v62 =	vadd.f32 v4, v7  }
0x4e3: {  	v0 =	vadd.f32 v2, v0  }
0x4e4: {  	v1 =	vadd.f32 v62, v1  }
0x4e5: {  	[tilespmem:s3+$0x11C50] =	vst v0  }
0x4e6: {  	v0 =	vld [tilespmem:s1+$0x8300];
	[tilespmem:s12+$0x11C30] =	vst v1  }
0x4e7: {  	v1 =	vld [tilespmem:s0+$0x8200]  }
0x4e8: {  	v63 =	vld [tilespmem:s0+$0x8210]  }
0x4e9: {  	v32 =	vld [tilespmem:s0+$0x8220]  }
0x4ea: {  	v33 =	vld [tilespmem:s0+$0x8230]  }
0x4eb: {  	v34 =	vld [tilespmem:s0+$0x8240]  }
0x4ec: {  	v35 =	vld [tilespmem:s0+$0x8250]  }
0x4ed: {  	v36 =	vld [tilespmem:s0+$0x8260]  }
0x4ee: {  	v37 =	vld [tilespmem:s0+$0x8270]  }
0x4ef: {  	v38 =	vld [tilespmem:s0+$0x8600]  }
0x4f0: {  	v39 =	vld [tilespmem:s0+$0x8610]  }
0x4f1: {  	v40 =	vld [tilespmem:s0+$0x8620]  }
0x4f2: {  	v41 =	vld [tilespmem:s0+$0x8630]  }
0x4f3: {  	v42 =	vld [tilespmem:s0+$0x8640];
	v1 =	vmul.f32 v1, v16;
	v2 =	vmul.f32 v63, v17  }
0x4f4: {  	v43 =	vld [tilespmem:s0+$0x8650];
	v3 =	vmul.f32 v32, v18;
	v4 =	vmul.f32 v33, v19  }
0x4f5: {  	v15 =	vld [tilespmem:s0+$0x8660];
	v5 =	vmul.f32 v34, v20;
	v6 =	vmul.f32 v35, v21  }
0x4f6: {  	v44 =	vld [tilespmem:s0+$0x8670];
	v7 =	vmul.f32 v36, v22;
	v8 =	vmul.f32 v37, v23  }
0x4f7: {  	v45 =	vld [tilespmem:s1+$0x8310];
	v9 =	vmul.f32 v38, v24;
	v10 =	vmul.f32 v39, v25  }
0x4f8: {  	v47 =	vld [tilespmem:s1+$0x8350];
	v11 =	vmul.f32 v40, v26;
	v12 =	vmul.f32 v41, v27  }
0x4f9: {  	v50 =	vld [tilespmem:s1+$0x8360];
	v13 =	vmul.f32 v42, v28;
	v14 =	vmul.f32 v43, v29  }
0x4fa: {  	v53 =	vld [tilespmem:s1+$0x8370];
	v15 =	vmul.f32 v15, v30;
	v1 =	vadd.f32 v2, v1;
	v46 =	vadd.f32 v4, v3  }
0x4fb: {  	v55 =	vld [tilespmem:s1+$0x8700];
	v48 =	vmul.f32 v44, v31;
	v5 =	vadd.f32 v6, v5;
	v49 =	vadd.f32 v8, v7  }
0x4fc: {  	v59 =	vld [tilespmem:s1+$0x8720];
	v51 =	vadd.f32 v10, v9;
	v52 =	vadd.f32 v12, v11  }
0x4fd: {  	v60 =	vld [tilespmem:s1+$0x8730];
	v54 =	vadd.f32 v14, v13;
	v4 =	vadd.f32 v48, v15  }
0x4fe: {  	v57 =	vld [tilespmem:s1+$0x8710];
	v1 =	vadd.f32 v46, v1;
	v56 =	vadd.f32 v49, v5  }
0x4ff: {  	v62 =	vld [tilespmem:s1+$0x8740];
	v58 =	vadd.f32 v52, v51;
	v4 =	vadd.f32 v4, v54  }
0x500: {  	v34 =	vld [tilespmem:s1+$0x8320]  }
0x501: {  	v35 =	vld [tilespmem:s1+$0x8330];
	v1 =	vadd.f32 v56, v1;
	v61 =	vadd.f32 v4, v58  }
0x502: {  	v36 =	vld [tilespmem:s1+$0x8340]  }
0x503: {  	v63 =	vld [tilespmem:s1+$0x8750];
	v1 =	vadd.f32 v61, v1  }
0x504: {  	v40 =	vld [tilespmem:s1+$0x8760]  }
0x505: {  	v41 =	vld [tilespmem:s1+$0x8770];
	[tilespmem:s12+$0x11C40] =	vst v1  }
0x506: {  	v1 =	vld [tilespmem:s0+$0x8280]  }
0x507: {  	v42 =	vld [tilespmem:s0+$0x8290]  }
0x508: {  	v43 =	vld [tilespmem:s0+$0x82A0]  }
0x509: {  	v0 =	vmul.f32 v0, v16;
	v15 =	vld [tilespmem:s0+$0x82B0]  }
0x50a: {  	v44 =	vmul.f32 v45, v17;
	v3 =	vmul.f32 v47, v21;
	v45 =	vld [tilespmem:s0+$0x82C0]  }
0x50b: {  	v7 =	vmul.f32 v50, v22;
	v10 =	vmul.f32 v53, v23;
	v46 =	vld [tilespmem:s0+$0x82D0]  }
0x50c: {  	v12 =	vmul.f32 v55, v24;
	v8 =	vmul.f32 v59, v26;
	v47 =	vld [tilespmem:s0+$0x82E0]  }
0x50d: {  	v9 =	vmul.f32 v60, v27;
	v5 =	vmul.f32 v57, v25;
	v48 =	vld [tilespmem:s0+$0x82F0]  }
0x50e: {  	v0 =	vadd.f32 v44, v0;
	v34 =	vmul.f32 v34, v18;
	v35 =	vmul.f32 v35, v19;
	v49 =	vld [tilespmem:s0+$0x8680]  }
0x50f: {  	v7 =	vadd.f32 v10, v7;
	v36 =	vmul.f32 v36, v20;
	v6 =	vmul.f32 v63, v29;
	v50 =	vld [tilespmem:s0+$0x8690]  }
0x510: {  	v8 =	vadd.f32 v9, v8;
	v2 =	vmul.f32 v40, v30;
	v11 =	vmul.f32 v41, v31;
	v51 =	vld [tilespmem:s0+$0x86A0]  }
0x511: {  	v4 =	vmul.f32 v62, v28;
	v5 =	vadd.f32 v5, v12;
	v34 =	vadd.f32 v35, v34;
	v52 =	vld [tilespmem:s0+$0x86B0]  }
0x512: {  	v3 =	vadd.f32 v3, v36;
	v54 =	vld [tilespmem:s0+$0x86C0];
	v1 =	vmul.f32 v1, v16;
	v53 =	vmul.f32 v42, v17  }
0x513: {  	v2 =	vadd.f32 v11, v2;
	v59 =	vld [tilespmem:s0+$0x86E0];
	v55 =	vmul.f32 v43, v18;
	v56 =	vmul.f32 v15, v19  }
0x514: {  	v4 =	vadd.f32 v6, v4;
	v61 =	vld [tilespmem:s0+$0x86F0];
	v57 =	vmul.f32 v45, v20;
	v58 =	vmul.f32 v46, v21  }
0x515: {  	v5 =	vadd.f32 v8, v5;
	v15 =	vld [tilespmem:s0+$0x86D0];
	v60 =	vmul.f32 v47, v22;
	v32 =	vmul.f32 v48, v23  }
0x516: {  	v0 =	vadd.f32 v34, v0;
	v62 =	vmul.f32 v49, v24;
	v63 =	vmul.f32 v50, v25  }
0x517: {  	v3 =	vadd.f32 v7, v3;
	v36 =	vmul.f32 v51, v26;
	v39 =	vmul.f32 v52, v27  }
0x518: {  	v2 =	vadd.f32 v2, v4;
	v40 =	vmul.f32 v54, v28;
	v42 =	vmul.f32 v59, v30  }
0x519: {  	v43 =	vmul.f32 v61, v31;
	v1 =	vadd.f32 v53, v1;
	v6 =	vadd.f32 v56, v55  }
0x51a: {  	v11 =	vadd.f32 v58, v57;
	v44 =	vadd.f32 v32, v60;
	v41 =	vmul.f32 v15, v29  }
0x51b: {  	v7 =	vadd.f32 v63, v62;
	v8 =	vadd.f32 v39, v36  }
0x51c: {  	v9 =	vadd.f32 v43, v42;
	v4 =	vadd.f32 v41, v40  }
0x51d: {  	v1 =	vadd.f32 v6, v1;
	v45 =	vadd.f32 v44, v11  }
0x51e: {  	v7 =	vadd.f32 v8, v7;
	v4 =	vadd.f32 v9, v4  }
0x51f: {  	v0 =	vadd.f32 v3, v0;
	v2 =	vadd.f32 v2, v5  }
0x520: {  	v1 =	vadd.f32 v45, v1;
	v46 =	vadd.f32 v4, v7  }
0x521: {  	v0 =	vadd.f32 v2, v0  }
0x522: {  	v1 =	vadd.f32 v46, v1  }
0x523: {  	[tilespmem:s3+$0x11C60] =	vst v0  }
0x524: {  	v0 =	vld [tilespmem:s1+$0x8380];
	[tilespmem:s12+$0x11C50] =	vst v1  }
0x525: {  	v1 =	vld [tilespmem:s0+$0x8300]  }
0x526: {  	v47 =	vld [tilespmem:s0+$0x8310]  }
0x527: {  	v48 =	vld [tilespmem:s0+$0x8320]  }
0x528: {  	v49 =	vld [tilespmem:s0+$0x8330]  }
0x529: {  	v50 =	vld [tilespmem:s0+$0x8340]  }
0x52a: {  	v51 =	vld [tilespmem:s0+$0x8350]  }
0x52b: {  	v52 =	vld [tilespmem:s0+$0x8360]  }
0x52c: {  	v53 =	vld [tilespmem:s0+$0x8370]  }
0x52d: {  	v54 =	vld [tilespmem:s0+$0x8700]  }
0x52e: {  	v55 =	vld [tilespmem:s0+$0x8710]  }
0x52f: {  	v56 =	vld [tilespmem:s0+$0x8720]  }
0x530: {  	v57 =	vld [tilespmem:s0+$0x8730]  }
0x531: {  	v58 =	vld [tilespmem:s0+$0x8740];
	v1 =	vmul.f32 v1, v16;
	v2 =	vmul.f32 v47, v17  }
0x532: {  	v59 =	vld [tilespmem:s0+$0x8750];
	v3 =	vmul.f32 v48, v18;
	v4 =	vmul.f32 v49, v19  }
0x533: {  	v15 =	vld [tilespmem:s0+$0x8760];
	v5 =	vmul.f32 v50, v20;
	v6 =	vmul.f32 v51, v21  }
0x534: {  	v60 =	vld [tilespmem:s0+$0x8770];
	v7 =	vmul.f32 v52, v22;
	v8 =	vmul.f32 v53, v23  }
0x535: {  	v61 =	vld [tilespmem:s1+$0x8390];
	v9 =	vmul.f32 v54, v24;
	v10 =	vmul.f32 v55, v25  }
0x536: {  	v62 =	vld [tilespmem:s1+$0x83A0];
	v11 =	vmul.f32 v56, v26;
	v12 =	vmul.f32 v57, v27  }
0x537: {  	v63 =	vld [tilespmem:s1+$0x83B0];
	v13 =	vmul.f32 v58, v28;
	v14 =	vmul.f32 v59, v29  }
0x538: {  	v36 =	vld [tilespmem:s1+$0x83C0];
	v15 =	vmul.f32 v15, v30;
	v1 =	vadd.f32 v2, v1;
	v40 =	vadd.f32 v4, v3  }
0x539: {  	v43 =	vld [tilespmem:s1+$0x83E0];
	v41 =	vmul.f32 v60, v31;
	v5 =	vadd.f32 v6, v5;
	v42 =	vadd.f32 v8, v7  }
0x53a: {  	v46 =	vld [tilespmem:s1+$0x83F0];
	v44 =	vadd.f32 v10, v9;
	v45 =	vadd.f32 v12, v11  }
0x53b: {  	v48 =	vld [tilespmem:s1+$0x8780];
	v47 =	vadd.f32 v14, v13;
	v4 =	vadd.f32 v41, v15  }
0x53c: {  	v50 =	vld [tilespmem:s1+$0x8790];
	v1 =	vadd.f32 v40, v1;
	v49 =	vadd.f32 v42, v5  }
0x53d: {  	v52 =	vld [tilespmem:s1+$0x87A0];
	v51 =	vadd.f32 v45, v44;
	v4 =	vadd.f32 v4, v47  }
0x53e: {  	v53 =	vld [tilespmem:s1+$0x87B0]  }
0x53f: {  	v55 =	vld [tilespmem:s1+$0x87C0];
	v1 =	vadd.f32 v49, v1;
	v54 =	vadd.f32 v4, v51  }
0x540: {  	v56 =	vld [tilespmem:s1+$0x87D0]  }
0x541: {  	v57 =	vld [tilespmem:s1+$0x87E0];
	v1 =	vadd.f32 v54, v1  }
0x542: {  	v58 =	vld [tilespmem:s1+$0x87F0]  }
0x543: {  	v3 =	vld [tilespmem:s1+$0x83D0];
	[tilespmem:s12+$0x11C60] =	vst v1  }
0x544: {  	v1 =	vld [tilespmem:s0+$0x8380]  }
0x545: {  	v59 =	vld [tilespmem:s0+$0x8390]  }
0x546: {  	v60 =	vld [tilespmem:s0+$0x83A0]  }
0x547: {  	v15 =	vmul.f32 v61, v17;
	v61 =	vld [tilespmem:s0+$0x83B0]  }
0x548: {  	v0 =	vmul.f32 v0, v16;
	v62 =	vmul.f32 v62, v18;
	v40 =	vld [tilespmem:s0+$0x83C0]  }
0x549: {  	v63 =	vmul.f32 v63, v19;
	v36 =	vmul.f32 v36, v20;
	v41 =	vld [tilespmem:s0+$0x83D0]  }
0x54a: {  	v7 =	vmul.f32 v43, v22;
	v10 =	vmul.f32 v46, v23;
	v42 =	vld [tilespmem:s0+$0x83E0]  }
0x54b: {  	v0 =	vadd.f32 v15, v0;
	v12 =	vmul.f32 v48, v24;
	v5 =	vmul.f32 v50, v25;
	v15 =	vld [tilespmem:s0+$0x83F0]  }
0x54c: {  	v8 =	vmul.f32 v52, v26;
	v9 =	vmul.f32 v53, v27;
	v43 =	vld [tilespmem:s0+$0x8780]  }
0x54d: {  	v33 =	vadd.f32 v63, v62;
	v6 =	vmul.f32 v56, v29;
	v2 =	vmul.f32 v57, v30;
	v44 =	vld [tilespmem:s0+$0x8790]  }
0x54e: {  	v7 =	vadd.f32 v10, v7;
	v11 =	vmul.f32 v58, v31;
	v4 =	vmul.f32 v55, v28;
	v45 =	vld [tilespmem:s0+$0x87A0]  }
0x54f: {  	v0 =	vadd.f32 v33, v0;
	v3 =	vmul.f32 v3, v21;
	v5 =	vadd.f32 v5, v12;
	v46 =	vld [tilespmem:s0+$0x87B0]  }
0x550: {  	v8 =	vadd.f32 v9, v8;
	v47 =	vld [tilespmem:s0+$0x87C0];
	v1 =	vmul.f32 v1, v16;
	v48 =	vmul.f32 v59, v17  }
0x551: {  	v2 =	vadd.f32 v11, v2;
	v49 =	vld [tilespmem:s0+$0x87D0];
	v50 =	vmul.f32 v60, v18;
	v51 =	vmul.f32 v61, v19  }
0x552: {  	v4 =	vadd.f32 v6, v4;
	v52 =	vld [tilespmem:s0+$0x87E0];
	v54 =	vmul.f32 v40, v20;
	v55 =	vmul.f32 v41, v21  }
0x553: {  	v3 =	vadd.f32 v3, v36;
	v53 =	vld [tilespmem:s0+$0x87F0];
	v56 =	vmul.f32 v42, v22;
	v15 =	vmul.f32 v15, v23  }
0x554: {  	v5 =	vadd.f32 v8, v5;
	v57 =	vmul.f32 v43, v24;
	v58 =	vmul.f32 v44, v25  }
0x555: {  	v2 =	vadd.f32 v2, v4;
	v10 =	vmul.f32 v45, v26;
	v9 =	vmul.f32 v46, v27  }
0x556: {  	v3 =	vadd.f32 v7, v3;
	v6 =	vmul.f32 v47, v28;
	v12 =	vmul.f32 v49, v29  }
0x557: {  	v59 =	vmul.f32 v52, v30;
	v1 =	vadd.f32 v48, v1;
	v7 =	vadd.f32 v51, v50  }
0x558: {  	v60 =	vmul.f32 v53, v31;
	v8 =	vadd.f32 v55, v54;
	v4 =	vadd.f32 v15, v56  }
0x559: {  	v11 =	vadd.f32 v58, v57;
	v9 =	vadd.f32 v9, v10  }
0x55a: {  	v6 =	vadd.f32 v12, v6;
	v61 =	vadd.f32 v60, v59  }
0x55b: {  	v1 =	vadd.f32 v7, v1;
	v4 =	vadd.f32 v4, v8  }
0x55c: {  	v62 =	vadd.f32 v9, v11;
	v6 =	vadd.f32 v61, v6  }
0x55d: {  	p1 =	slt.u32 s31, $0xE;
	v2 =	vadd.f32 v2, v5;
	v0 =	vadd.f32 v3, v0  }
.Ltmp4:
0x55e: {  	v1 =	vadd.f32 v4, v1;
	v63 =	vadd.f32 v6, v62;
	(pc) =	sbr.rel @p1 .LBB2_7-.Ltmp4, $4  }
0x55f: {  	v0 =	vadd.f32 v2, v0  }
0x560: {  	v1 =	vadd.f32 v63, v1  }
0x561: {  	[tilespmem:s3+$0x11C70] =	vst v0;
	s3 =	sadd.s32 $0x2, s31  }
0x562: {  	s31 =	smov.u32 s3;
	[tilespmem:s12+$0x11C70] =	vst v1  }
0x563: {  	v0 =	vld [tilespmem:$0x11B00]  }
0x564: {  	v1 =	vld [tilespmem:$0x11B10]  }
0x565: {  	v2 =	vld [tilespmem:$0x11B20]  }
0x566: {  	v3 =	vld [tilespmem:$0x11B30]  }
0x567: {  	v4 =	vld [tilespmem:$0x11B40]  }
0x568: {  	v5 =	vld [tilespmem:$0x11B50]  }
0x569: {  	v6 =	vld [tilespmem:$0x11B60]  }
0x56a: {  	v7 =	vld [tilespmem:$0x11B70]  }
0x56b: {  	v8 =	vld [tilespmem:$0x11B80]  }
0x56c: {  	v9 =	vld [tilespmem:$0x11B90]  }
0x56d: {  	v10 =	vld [tilespmem:$0x11BA0]  }
0x56e: {  	v11 =	vld [tilespmem:$0x11BB0]  }
0x56f: {  	v12 =	vld [tilespmem:$0x11BC0]  }
0x570: {  	v13 =	vld [tilespmem:$0x11BD0]  }
0x571: {  	v14 =	vld [tilespmem:$0x11BE0]  }
0x572: {  	v15 =	vld [tilespmem:$0x11BF0]  }
0x573: {  	v32 =	vld [tilespmem:s25+$0x0]  }
0x574: {  	v33 =	vld [tilespmem:$0x11B00]  }
0x575: {  	v34 =	vld [tilespmem:$0x11B10]  }
0x576: {  	v35 =	vld [tilespmem:$0x11B20]  }
0x577: {  	v36 =	vld [tilespmem:$0x11B30]  }
0x578: {  	v37 =	vld [tilespmem:$0x11B40]  }
0x579: {  	v38 =	vld [tilespmem:$0x11B50]  }
0x57a: {  	v39 =	vld [tilespmem:$0x11B60]  }
0x57b: {  	v40 =	vld [tilespmem:$0x11B70]  }
0x57c: {  	v41 =	vld [tilespmem:$0x11B80]  }
0x57d: {  	v42 =	vld [tilespmem:$0x11B90];
	v0 =	vadd.s32 s30, v0  }
0x57e: {  	v43 =	vld [tilespmem:$0x11BA0];
	v1 =	vadd.s32 s30, v1  }
0x57f: {  	v44 =	vld [tilespmem:$0x11BB0];
	v2 =	vadd.s32 s30, v2  }
0x580: {  	v45 =	vld [tilespmem:$0x11BC0];
	v3 =	vadd.s32 s30, v3  }
0x581: {  	v48 =	vld [tilespmem:$0x11BF0];
	v4 =	vadd.s32 s30, v4  }
0x582: {  	v5 =	vadd.s32 s30, v5;
	v0 =	vld.idx.msk [tilespmem:v0+s15+$0x0], $0xffff  }
0x583: {  	v6 =	vadd.s32 s30, v6;
	v1 =	vld.idx.msk [tilespmem:v1+s15+$0x0], $0xffff  }
0x584: {  	v7 =	vadd.s32 s30, v7;
	v2 =	vld.idx.msk [tilespmem:v2+s15+$0x0], $0xffff  }
0x585: {  	v8 =	vadd.s32 s30, v8;
	v3 =	vld.idx.msk [tilespmem:v3+s15+$0x0], $0xffff  }
0x586: {  	v9 =	vadd.s32 s30, v9;
	v4 =	vld.idx.msk [tilespmem:v4+s15+$0x0], $0xffff  }
0x587: {  	v10 =	vadd.s32 s30, v10;
	v5 =	vld.idx.msk [tilespmem:v5+s15+$0x0], $0xffff  }
0x588: {  	v11 =	vadd.s32 s30, v11;
	v6 =	vld.idx.msk [tilespmem:v6+s15+$0x0], $0xffff  }
0x589: {  	v12 =	vadd.s32 s30, v12;
	v7 =	vld.idx.msk [tilespmem:v7+s15+$0x0], $0xffff  }
0x58a: {  	v13 =	vadd.s32 s30, v13;
	v8 =	vld.idx.msk [tilespmem:v8+s15+$0x0], $0xffff  }
0x58b: {  	v14 =	vadd.s32 s30, v14;
	v9 =	vld.idx.msk [tilespmem:v9+s15+$0x0], $0xffff  }
0x58c: {  	v15 =	vadd.s32 s30, v15;
	v10 =	vld.idx.msk [tilespmem:v10+s15+$0x0], $0xffff  }
0x58d: {  	v11 =	vld.idx.msk [tilespmem:v11+s15+$0x0], $0xffff  }
0x58e: {  	v12 =	vld.idx.msk [tilespmem:v12+s15+$0x0], $0xffff  }
0x58f: {  	v13 =	vld.idx.msk [tilespmem:v13+s15+$0x0], $0xffff  }
0x590: {  	v14 =	vld.idx.msk [tilespmem:v14+s15+$0x0], $0xffff  }
0x591: {  	s0 =	simm.s32 $0x100;
	v15 =	vld.idx.msk [tilespmem:v15+s15+$0x0], $0xffff  }
0x592: {  	v46 =	vld [tilespmem:$0x11BD0];
	v53 =	vadd.s32 s0, v48  }
0x593: {  	v47 =	vld [tilespmem:$0x11BE0];
	v33 =	vadd.s32 s0, v33;
	v0 =	vadd.f32 v1, v0;
	v1 =	vadd.f32 v3, v2  }
0x594: {  	s1 =	sadd.s32 $0x10, s25;
	v55 =	vld [tilespmem:$0x11B00];
	v34 =	vadd.s32 s0, v34;
	v4 =	vadd.f32 v5, v4;
	v5 =	vadd.f32 v7, v6  }
0x595: {  	v49 =	vld [tilespmem:s1+$0x0];
	v35 =	vadd.s32 s0, v35;
	v8 =	vadd.f32 v9, v8;
	v9 =	vadd.f32 v11, v10  }
0x596: {  	v36 =	vadd.s32 s0, v36;
	v32 =	vld.idx.msk [tilespmem:v32+s18+$0x0], $0xffff;
	v12 =	vadd.f32 v13, v12;
	v13 =	vadd.f32 v15, v14  }
0x597: {  	v37 =	vadd.s32 s0, v37;
	v54 =	vld.idx.msk [tilespmem:v53+s15+$0x0], $0xffff;
	v0 =	vadd.f32 v1, v0;
	v1 =	vadd.f32 v5, v4  }
0x598: {  	v2 =	vld.idx.msk [tilespmem:v33+s15+$0x0], $0xffff;
	v3 =	vadd.s32 s0, v38;
	v8 =	vadd.f32 v9, v8;
	v9 =	vadd.f32 v13, v12  }
0x599: {  	v6 =	vld.idx.msk [tilespmem:v34+s15+$0x0], $0xffff;
	v7 =	vadd.s32 s0, v39  }
0x59a: {  	v10 =	vld.idx.msk [tilespmem:v35+s15+$0x0], $0xffff;
	v11 =	vadd.s32 s0, v40;
	v0 =	vadd.f32 v1, v0;
	v1 =	vadd.f32 v9, v8  }
0x59b: {  	v14 =	vld.idx.msk [tilespmem:v36+s15+$0x0], $0xffff;
	v15 =	vadd.s32 s0, v41  }
0x59c: {  	v4 =	vld.idx.msk [tilespmem:v37+s15+$0x0], $0xffff;
	v5 =	vadd.s32 s0, v42;
	v0 =	vadd.f32 v1, v0  }
0x59d: {  	v12 =	vadd.s32 s0, v43;
	v3 =	vld.idx.msk [tilespmem:v3+s15+$0x0], $0xffff  }
0x59e: {  	v13 =	vadd.s32 s0, v44;
	v7 =	vld.idx.msk [tilespmem:v7+s15+$0x0], $0xffff;
	v0 =	vadd.f32 v0, v32  }
0x59f: {  	v9 =	vadd.s32 s0, v45;
	v8 =	vld.idx.msk [tilespmem:v11+s15+$0x0], $0xffff  }
0x5a0: {  	v11 =	vld.idx.msk [tilespmem:v15+s15+$0x0], $0xffff;
	v15 =	vadd.s32 s0, v46;
	v0 =	vsub.f32 $0.0e+00, v0  }
0x5a1: {  	v1 =	vld.idx.msk [tilespmem:v5+s15+$0x0], $0xffff;
	v5 =	vadd.s32 s0, v47  }
0x5a2: {  	v12 =	vld.idx.msk [tilespmem:v12+s15+$0x0], $0xffff;
	v0 =	vmul.f32 $1.442695020e+00, v0  }
0x5a3: {  	v13 =	vld.idx.msk [tilespmem:v13+s15+$0x0], $0xffff  }
0x5a4: {  	v9 =	vld.idx.msk [tilespmem:v9+s15+$0x0], $0xffff;
	(erf) = vpow2.f32 v0  }
0x5a5: {  	v15 =	vld.idx.msk [tilespmem:v15+s15+$0x0], $0xffff  }
0x5a6: {  	v5 =	vld.idx.msk [tilespmem:v5+s15+$0x0], $0xffff  }
0x5a7: {  	v56 =	vld [tilespmem:$0x11B20]  }
0x5a8: {  	v57 =	vld [tilespmem:$0x11B30];
	v2 =	vadd.f32 v6, v2;
	v6 =	vadd.f32 v14, v10  }
0x5a9: {  	v58 =	vld [tilespmem:$0x11B40];
	v3 =	vadd.f32 v3, v4;
	v4 =	vadd.f32 v8, v7  }
0x5aa: {  	v59 =	vld [tilespmem:$0x11B90];
	v1 =	vadd.f32 v1, v11;
	v7 =	vadd.f32 v13, v12  }
0x5ab: {  	v60 =	vld [tilespmem:$0x11BA0];
	v9 =	vadd.f32 v15, v9;
	v5 =	vadd.f32 v54, v5  }
0x5ac: {  	v10 =	vld [tilespmem:$0x11B50];
	v2 =	vadd.f32 v6, v2;
	v3 =	vadd.f32 v4, v3  }
0x5ad: {  	v14 =	vld [tilespmem:$0x11B60];
	v1 =	vadd.f32 v7, v1;
	v5 =	vadd.f32 v5, v9;
	v4 =	vpop (erf)  }
0x5ae: {  	v8 =	vld.idx.msk [tilespmem:v49+s18+$0x0], $0xffff;
	v6 =	vadd.f32 $1.000000000e+00, v4  }
0x5af: {  	v11 =	vld [tilespmem:$0x11B70];
	v2 =	vadd.f32 v3, v2;
	v1 =	vadd.f32 v5, v1  }
0x5b0: {  	v0 =	vld [tilespmem:$0x11B10];
	(erf) = vrcp.f32 v6  }
0x5b1: {  	v7 =	vld [tilespmem:$0x11BE0];
	v1 =	vadd.f32 v1, v2  }
0x5b2: {  	s0 =	simm.s32 $0x200;
	v15 =	vld [tilespmem:$0x11B80]  }
0x5b3: {  	v3 =	vadd.s32 s0, v55;
	v9 =	vld [tilespmem:$0x11BF0];
	v1 =	vadd.f32 v1, v8  }
0x5b4: {  	s3 =	sadd.s32 $0x10, s1;
	v12 =	vadd.s32 s0, v56;
	v5 =	vld [tilespmem:$0x11BC0]  }
0x5b5: {  	v2 =	vadd.s32 s0, v0;
	v0 =	vld [tilespmem:s3+$0x0];
	v13 =	vsub.f32 $0.0e+00, v1  }
0x5b6: {  	v62 =	vadd.s32 s0, v10;
	v4 =	vld [tilespmem:$0x11BB0]  }
0x5b7: {  	v8 =	vadd.s32 s0, v57;
	v6 =	vld [tilespmem:$0x11BD0];
	v10 =	vmul.f32 $1.442695020e+00, v13  }
0x5b8: {  	v61 =	vadd.s32 s0, v58;
	v1 =	vld.idx.msk [tilespmem:v3+s15+$0x0], $0xffff  }
0x5b9: {  	v3 =	vld.idx.msk [tilespmem:v12+s15+$0x0], $0xffff;
	v12 =	vadd.s32 s0, v14;
	v63 =	vpop (erf);
	(erf) = vpow2.f32 v10  }
0x5ba: {  	v2 =	vld.idx.msk [tilespmem:v2+s15+$0x0], $0xffff;
	v13 =	vadd.s32 s0, v11  }
0x5bb: {  	v32 =	vadd.s32 s0, v15;
	v11 =	vld.idx.msk [tilespmem:v62+s15+$0x0], $0xffff  }
0x5bc: {  	v14 =	vadd.s32 s0, v59;
	v8 =	vld.idx.msk [tilespmem:v8+s15+$0x0], $0xffff  }
0x5bd: {  	s12 =	simm.s32 $0x300;
	s1 =	smov.u32 s24;
	v15 =	vadd.s32 s0, v60;
	v10 =	vld.idx.msk [tilespmem:v61+s15+$0x0], $0xffff;
	[tilespmem:s24+$0x0] =	vst v63  }
.LBB2_9:
0x5be: {  	p1 =	sne.s32 s12, $0x700;
	v12 =	vld.idx.msk [tilespmem:v12+s15+$0x0], $0xffff;
	v4 =	vadd.s32 s0, v4  }
0x5bf: {  	v5 =	vadd.s32 s0, v5;
	v13 =	vld.idx.msk [tilespmem:v13+s15+$0x0], $0xffff  }
0x5c0: {  	v6 =	vadd.s32 s0, v6;
	v32 =	vld.idx.msk [tilespmem:v32+s15+$0x0], $0xffff  }
0x5c1: {  	v7 =	vadd.s32 s0, v7;
	v14 =	vld.idx.msk [tilespmem:v14+s15+$0x0], $0xffff  }
0x5c2: {  	v9 =	vadd.s32 s0, v9;
	s0 =	smov.u32 s12;
	v15 =	vld.idx.msk [tilespmem:v15+s15+$0x0], $0xffff;
	v33 =	vpop (erf)  }
0x5c3: {  	v4 =	vld.idx.msk [tilespmem:v4+s15+$0x0], $0xffff;
	v33 =	vadd.f32 $1.000000000e+00, v33  }
0x5c4: {  	v5 =	vld.idx.msk [tilespmem:v5+s15+$0x0], $0xffff  }
0x5c5: {  	v6 =	vld.idx.msk [tilespmem:v6+s15+$0x0], $0xffff;
	(erf) = vrcp.f32 v33  }
0x5c6: {  	v7 =	vld.idx.msk [tilespmem:v7+s15+$0x0], $0xffff  }
0x5c7: {  	v9 =	vld.idx.msk [tilespmem:v9+s15+$0x0], $0xffff  }
0x5c8: {  	v33 =	vld [tilespmem:$0x11B00]  }
0x5c9: {  	v34 =	vld [tilespmem:$0x11B10]  }
0x5ca: {  	v1 =	vadd.f32 v2, v1;
	v2 =	vadd.f32 v8, v3;
	v35 =	vld [tilespmem:$0x11B20]  }
0x5cb: {  	v8 =	vadd.f32 v11, v10;
	v10 =	vadd.f32 v13, v12;
	v3 =	vld [tilespmem:$0x11B30]  }
0x5cc: {  	v12 =	vadd.f32 v14, v32;
	v4 =	vadd.f32 v4, v15;
	v11 =	vld [tilespmem:$0x11B40]  }
0x5cd: {  	v5 =	vadd.f32 v6, v5;
	v6 =	vadd.f32 v9, v7;
	v13 =	vld [tilespmem:$0x11B50]  }
0x5ce: {  	s1 =	sadd.s32 $0x10, s1;
	v1 =	vadd.f32 v2, v1;
	v2 =	vadd.f32 v10, v8;
	v14 =	vld [tilespmem:$0x11B60];
	v7 =	vpop (erf)  }
0x5cf: {  	v4 =	vadd.f32 v4, v12;
	v5 =	vadd.f32 v6, v5;
	v0 =	vld.idx.msk [tilespmem:v0+s18+$0x0], $0xffff;
	[tilespmem:s1+$0x0] =	vst v7  }
0x5d0: {  	v8 =	vld [tilespmem:$0x11B70]  }
0x5d1: {  	v1 =	vadd.f32 v2, v1;
	v2 =	vadd.f32 v5, v4;
	v10 =	vld [tilespmem:$0x11B80]  }
0x5d2: {  	v15 =	vld [tilespmem:$0x11B90]  }
0x5d3: {  	v1 =	vadd.f32 v2, v1;
	v36 =	vld [tilespmem:$0x11BA0]  }
0x5d4: {  	v4 =	vld [tilespmem:$0x11BB0]  }
0x5d5: {  	v2 =	vadd.s32 s12, v33;
	v0 =	vadd.f32 v1, v0;
	v5 =	vld [tilespmem:$0x11BC0]  }
0x5d6: {  	v12 =	vadd.s32 s12, v34;
	v6 =	vld [tilespmem:$0x11BD0]  }
0x5d7: {  	v32 =	vadd.s32 s12, v35;
	v1 =	vsub.f32 $0.0e+00, v0;
	v7 =	vld [tilespmem:$0x11BE0]  }
0x5d8: {  	s3 =	sadd.s32 $0x10, s3;
	v33 =	vadd.s32 s12, v3;
	v9 =	vld [tilespmem:$0x11BF0]  }
0x5d9: {  	v11 =	vadd.s32 s12, v11;
	v3 =	vmul.f32 $1.442695020e+00, v1;
	v0 =	vld [tilespmem:s3+$0x0]  }
0x5da: {  	v34 =	vadd.s32 s12, v13;
	v1 =	vld.idx.msk [tilespmem:v2+s15+$0x0], $0xffff  }
.Ltmp5:
0x5db: {  	v2 =	vld.idx.msk [tilespmem:v12+s15+$0x0], $0xffff;
	v12 =	vadd.s32 s12, v14;
	(erf) = vpow2.f32 v3;
	(pc) =	sbr.rel @p1 .LBB2_9-.Ltmp5, $4  }
0x5dc: {  	v13 =	vadd.s32 s12, v8;
	v3 =	vld.idx.msk [tilespmem:v32+s15+$0x0], $0xffff  }
0x5dd: {  	v32 =	vadd.s32 s12, v10;
	v8 =	vld.idx.msk [tilespmem:v33+s15+$0x0], $0xffff  }
0x5de: {  	v14 =	vadd.s32 s12, v15;
	v10 =	vld.idx.msk [tilespmem:v11+s15+$0x0], $0xffff  }
0x5df: {  	v15 =	vadd.s32 s0, v36;
	s12 =	sadd.s32 $0x100, s12;
	v11 =	vld.idx.msk [tilespmem:v34+s15+$0x0], $0xffff  }
0x5e0: {  	_ =	sdelay $0x3  }
0x5e1: {  	v12 =	vld.idx.msk [tilespmem:v12+s15+$0x0], $0xffff;
	v4 =	vadd.s32 s0, v4  }
0x5e2: {  	v13 =	vld.idx.msk [tilespmem:v13+s15+$0x0], $0xffff;
	v5 =	vadd.s32 s0, v5  }
0x5e3: {  	v32 =	vld.idx.msk [tilespmem:v32+s15+$0x0], $0xffff;
	v6 =	vadd.s32 s0, v6  }
0x5e4: {  	v14 =	vld.idx.msk [tilespmem:v14+s15+$0x0], $0xffff;
	v7 =	vadd.s32 s0, v7  }
0x5e5: {  	v15 =	vld.idx.msk [tilespmem:v15+s15+$0x0], $0xffff;
	v9 =	vadd.s32 s0, v9  }
0x5e6: {  	v4 =	vld.idx.msk [tilespmem:v4+s15+$0x0], $0xffff  }
0x5e7: {  	v5 =	vld.idx.msk [tilespmem:v5+s15+$0x0], $0xffff  }
0x5e8: {  	v6 =	vld.idx.msk [tilespmem:v6+s15+$0x0], $0xffff  }
0x5e9: {  	v7 =	vld.idx.msk [tilespmem:v7+s15+$0x0], $0xffff  }
0x5ea: {  	v9 =	vld.idx.msk [tilespmem:v9+s15+$0x0], $0xffff;
	_ =	sdelay $0x1  }
0x5eb: {  	v1 =	vadd.f32 v2, v1;
	v51 =	vadd.f32 v8, v3  }
0x5ec: {  	v52 =	vadd.f32 v11, v10;
	v53 =	vadd.f32 v13, v12  }
0x5ed: {  	v54 =	vadd.f32 v14, v32;
	v4 =	vadd.f32 v4, v15  }
0x5ee: {  	v5 =	vadd.f32 v6, v5;
	v55 =	vadd.f32 v9, v7  }
0x5ef: {  	v1 =	vadd.f32 v51, v1;
	v56 =	vadd.f32 v53, v52  }
0x5f0: {  	v57 =	vadd.f32 v4, v54;
	v58 =	vadd.f32 v55, v5  }
0x5f1: {  	v0 =	vld.idx.msk [tilespmem:v0+s18+$0x0], $0xffff  }
0x5f2: {  	v1 =	vadd.f32 v56, v1;
	v59 =	vadd.f32 v58, v57;
	_ =	sdelay $0x1  }
0x5f3: {  	v1 =	vadd.f32 v59, v1;
	_ =	sdelay $0x1  }
0x5f4: {  	v0 =	vadd.f32 v1, v0;
	_ =	sdelay $0x1  }
0x5f5: {  	v60 =	vpop (erf);
	v0 =	vsub.f32 $0.0e+00, v0  }
0x5f6: {  	v1 =	vadd.f32 $1.000000000e+00, v60  }
0x5f7: {  	v0 =	vmul.f32 $1.442695020e+00, v0  }
0x5f8: {  	(erf) = vrcp.f32 v1  }
0x5f9: {  	(erf) = vpow2.f32 v0;
	_ =	sdelay $0x7  }
0x5fa: {  	v61 =	vpop (erf)  }
0x5fb: {  	v62 =	vpop (erf)  }
0x5fc: {  	v1 =	vadd.f32 $1.000000000e+00, v62;
	_ =	sdelay $0x1  }
0x5fd: {  	(erf) = vrcp.f32 v1;
	_ =	sdelay $0x5  }
.Ltmp6:
0x5fe: {  	_ = 	snop;
	(pc) =	sbr.rel @p0 .LBB2_12-.Ltmp6, $4  }
0x5ff: {  	_ = 	snop  }
0x600: {  	s31 =	sadd.s32 $0x10, s1  }
0x601: {  	s0 =	sadd.s32 $0x10, s31;
	[tilespmem:s31+$0x0] =	vst v61;
	v63 =	vpop (erf)  }
0x602: {  	[tilespmem:s0+$0x0] =	vst v63  }
.Ltmp7:
0x603: {  	(pc) =	sbr.rel .LBB2_2-.Ltmp7, $4  }
0x604: {  	_ = 	snop  }
0x605: {  	s0 =	sadd.s32 s29, s9;
	s28 =	sadd.s32 $0x1, s28;
	s26 =	sadd.s32 $0x100, s26  }
0x606: {  	s23 =	sadd.s32 $0x100, s23;
	s24 =	sadd.s32 $0x100, s24;
	s25 =	sadd.s32 $0x100, s25  }
0x607: {  	[tilespmem:s16], [sflag:$0x2] =	stream.linear.gather [hbm4b:s0+s2], $0x8000, $0x38;
	[tilespmem:$0x12400] =	vst v63  }
.LBB2_13:
0x608: {  	_ =	sfence.sel $0x180000  }
0x609: {  	[bflag:$0x0] =	sbarrier.arrive $0xFFFF  }
0x60a: {  	_ =	strace $0x90000047  }
0x60b: {  	s0 =	stileid.u32;
	[bflag:$0x2] =	sbarrier.arrive $0xFFFF  }
0x60c: {  	p0 =	sne.s32 s0, $0x0;
	s0 =	rddreg [dreg:$0x5]  }
0x60d: {  	s0 =	sadd.s32 @!p0 $0x100000, s0  }
0x60e: {  	[sflag:s0] =	ssyncadd.tile.s32 @!p0 $0x1;
	_ =	shalt  }
.Lfunc_end2:
_tile_overlayer_lowered:
.L_overlay_start_2:
0x60f: {  	(tag) =	ssettag $0x2  }
0x610: {  	s0 =	rddreg [dreg:$0x0];
	s2 =	stileid.u32  }
0x611: {  	s1 =	rddreg [dreg:$0x1];
	p0 =	sne.s32 s2, $0x0  }
0x612: {  	s3 =	rddreg [dreg:$0x2];
	[bflag:$0x3] =	sbarrier.arrive $0xFFFF;
	s2 =	simm.s32 @!p0 $0x1C04  }
0x613: {  	[timem:s3], [sflag:s2] =	dma.local @!p0 [hbm:s0], s1  }
0x614: {  	s0 =	simm.s32 @!p0 $0x4  }
0x615: {  	_ =	swait.ge @!p0 [sflag:s0], s1  }
0x616: {  	s1 =	ssub.s32 @!p0 $0x0, s1;
	[sflag:s0] =	ssyncset.done @!p0 $0x0  }
0x617: {  	[sflag:s0] =	ssyncadd.s32 @!p0 s1  }
0x618: {  	[bflag:$0x3] =	sbarrier.arrive $0xFFFF  }
0x619: {  	_ =	shalt  }

</sc_bundles>
